<compile_context>
chip_gen: v7x
topology: tpu7x:2x2x1
jax: 0.10.2.dev20260603
libtpu: 0.0.44.dev20260713+nightly
codegen_flags: <defaults>
</compile_context>

<pallas_src>
import functools

import jax
import jax.numpy as jnp
from jax import lax
from jax.experimental import pallas as pl
from jax.experimental.pallas import tpu as pltpu
from jax.experimental.pallas import tpu_sc as plsc

NC = 2
NS = 16
NW = NC * NS
L = 16
CHUNK = 12288
TAIL_PAD = 512
UNROLL = 16


def _sc_partials(vals, rows, cols, tails, x_flat):
    m = x_flat.shape[0]
    nnz = vals.shape[0]
    share = (nnz // (NW * L)) * L
    n_full = share // CHUNK
    tail = share - n_full * CHUNK
    chunks = [(i * CHUNK, CHUNK) for i in range(n_full)]
    if tail:
        chunks.append((n_full * CHUNK, tail))
    nchunks = len(chunks)

    mesh = plsc.VectorSubcoreMesh(core_axis_name="c", subcore_axis_name="s")

    @functools.partial(
        pl.kernel,
        out_type=jax.ShapeDtypeStruct((NW, m), jnp.float32),
        mesh=mesh,
        compiler_params=pltpu.CompilerParams(needs_layout_passes=False),
        scratch_types=[
            pltpu.VMEM((m,), jnp.float32),
            pltpu.VMEM((m,), jnp.float32),
            pltpu.VMEM((CHUNK,), jnp.float32),
            pltpu.VMEM((CHUNK,), jnp.int32),
            pltpu.VMEM((CHUNK,), jnp.int32),
            pltpu.VMEM((CHUNK,), jnp.float32),
            pltpu.VMEM((CHUNK,), jnp.int32),
            pltpu.VMEM((CHUNK,), jnp.int32),
            pltpu.VMEM((TAIL_PAD,), jnp.int32),
            pltpu.SemaphoreType.DMA,
            pltpu.SemaphoreType.DMA,
        ],
    )
    def k(vals_hbm, rows_hbm, cols_hbm, tails_hbm, x_hbm, out_hbm,
          x_v, acc_v, va, ra, ca, vb, rb, cb, tvb, sa, sb):
        wid = lax.axis_index("s") * NC + lax.axis_index("c")
        base = wid * share
        bufs = [(va, ra, ca, sa), (vb, rb, cb, sb)]

        descs = {}

        def start(ci):
            off, sz = chunks[ci]
            vv, rv, cv, sem = bufs[ci % 2]
            s = pl.ds(base + off, sz)
            d = pl.ds(0, sz)
            descs[ci] = (
                pltpu.async_copy(vals_hbm.at[s], vv.at[d], sem),
                pltpu.async_copy(rows_hbm.at[s], rv.at[d], sem),
                pltpu.async_copy(cols_hbm.at[s], cv.at[d], sem),
            )

        start(0)
        if nchunks > 1:
            start(1)

        pltpu.sync_copy(x_hbm, x_v)

        zero = jnp.zeros((L,), jnp.float32)

        def zbody(g, carry):
            for t in range(UNROLL):
                acc_v[pl.ds((g * UNROLL + t) * L, L)] = zero
            return carry

        lax.fori_loop(0, m // (L * UNROLL), zbody, 0)

        def steps(vv, rv, cv, js):
            prods = []
            for j in js:
                s = pl.ds(j * L, L)
                xg = plsc.load_gather(x_v, [cv[s]])
                prods.append((rv[s], vv[s] * xg))
            for rx, px in prods:
                plsc.addupdate_scatter(acc_v, [rx], px)

        def compute(vv, rv, cv, sz, unroll):
            def vbody(g, carry):
                steps(vv, rv, cv, [g * unroll + t for t in range(unroll)])
                return carry

            lax.fori_loop(0, sz // (L * unroll), vbody, 0)
            rem = range(sz // (L * unroll) * unroll, sz // L)
            if len(rem):
                steps(vv, rv, cv, list(rem))

        for ci in range(nchunks):
            for dsc in descs.pop(ci):
                dsc.wait()
            off, sz = chunks[ci]
            vv, rv, cv, _ = bufs[ci % 2]
            compute(vv, rv, cv, sz, UNROLL)
            if ci + 2 < nchunks:
                start(ci + 2)

        @pl.when(wid == 0)
        def _():
            d = pl.ds(0, TAIL_PAD)
            pltpu.sync_copy(tails_hbm.at[pl.ds(0, TAIL_PAD)], tvb)
            pltpu.sync_copy(tails_hbm.at[pl.ds(TAIL_PAD, TAIL_PAD)],
                            ra.at[d])
            pltpu.sync_copy(tails_hbm.at[pl.ds(2 * TAIL_PAD, TAIL_PAD)],
                            ca.at[d])

            def tbody(g, carry):
                prods = []
                for t in range(UNROLL):
                    j = g * UNROLL + t
                    s = pl.ds(j * L, L)
                    xg = plsc.load_gather(x_v, [ca[s]])
                    vv = plsc.bitcast(tvb[s], jnp.float32)
                    prods.append((ra[s], vv * xg))
                for rx, px in prods:
                    plsc.addupdate_scatter(acc_v, [rx], px)
                return carry

            lax.fori_loop(0, TAIL_PAD // (L * UNROLL), tbody, 0)

        pltpu.sync_copy(acc_v, out_hbm.at[wid])

    return k(vals, rows, cols, tails, x_flat)


def _finish(partials, b2, x2, Iy2, il2, iu2, l2, u2):

    def body(p_ref, b_ref, x_ref, iy_ref, il_ref, iu_ref, l_ref, u_ref,
             o_ref):
        ax = jnp.sum(p_ref[...], axis=0, keepdims=True)
        cons = ax - b_ref[...]
        cons = cons + jnp.maximum(-cons, 0.0) * iy_ref[...]
        xv = x_ref[...]
        var = (jnp.maximum(l_ref[...] - xv, 0.0) * il_ref[...]
               + jnp.maximum(xv - u_ref[...], 0.0) * iu_ref[...])
        part2 = jnp.maximum(jnp.max(jnp.abs(cons)), jnp.max(jnp.abs(var)))
        part3 = 1.0 + jnp.max(jnp.abs(b_ref[...]))
        o_ref[0, 0] = part2 / part3

    return pl.pallas_call(
        body,
        out_shape=jax.ShapeDtypeStruct((1, 1), jnp.float32),
        out_specs=pl.BlockSpec(memory_space=pltpu.SMEM),
    )(partials, b2, x2, Iy2, il2, iu2, l2, u2)


def kernel(A_vals, b, c, x, Iy, il, iu, l, u, A_rows, A_cols):
    nnz = A_vals.shape[0]
    n = x.shape[0]
    covered = (nnz // (NW * L)) * L * NW
    rows32 = A_rows.astype(jnp.int32)
    cols32 = A_cols.astype(jnp.int32)
    tails = jnp.pad(
        jnp.stack([
            lax.bitcast_convert_type(A_vals[covered:], jnp.int32),
            rows32[covered:],
            cols32[covered:],
        ]),
        ((0, 0), (0, TAIL_PAD - (nnz - covered))),
    ).reshape(-1)

    partials = _sc_partials(A_vals, rows32, cols32, tails, x[:, 0])

    r = lambda a: a.reshape(1, n)
    out = _finish(partials, b.reshape(1, -1), r(x), r(Iy), r(il), r(iu),
                  r(l), r(u))
    return out[0, 0]

# --- scband reference (transcript-rebuilt; emitter-appended) ---
"""Pipeline reference for scband-r-primal-62002147885373 (READ-ONLY COPY).

The authoritative reference and input builder live on the scoring server;
editing this copy changes nothing except your own understanding.
"""

import jax, jax.numpy as jnp
import numpy as np

M = 16384
N = 16384
NNZ = 2684354

def setup_inputs(seed: int = 0):
    key = jax.random.key(seed)
    ks = jax.random.split(key, 12)
    A_rows = jax.random.randint(ks[0], (NNZ,), 0, M)
    A_cols = jax.random.randint(ks[1], (NNZ,), 0, N)
    A_vals = jax.random.normal(ks[2], (NNZ,), dtype=jnp.float32)
    b = jax.random.normal(ks[3], (M,), dtype=jnp.float32)
    c = jax.random.normal(ks[4], (N,), dtype=jnp.float32)
    x = jax.random.normal(ks[5], (N, 1), dtype=jnp.float32)
    Iy = jnp.round(jax.random.uniform(ks[6], (M, 1), dtype=jnp.float32))
    il = jnp.round(jax.random.uniform(ks[7], (N, 1), dtype=jnp.float32))
    iu = jnp.round(jax.random.uniform(ks[8], (N, 1), dtype=jnp.float32))
    l = jax.random.normal(ks[9], (N, 1), dtype=jnp.float32) - 1.0
    u = jax.random.normal(ks[10], (N, 1), dtype=jnp.float32) + 1.0
    return {"A_vals": A_vals, "b": b, "c": c, "x": x, "Iy": Iy, "il": il,
            "iu": iu, "l": l, "u": u, "A_rows": A_rows, "A_cols": A_cols}

def reference(A_vals, b, c, x, Iy, il, iu, l, u, A_rows, A_cols):
    # sparse.mm(A, x): gather x rows at A_cols, multiply by values, scatter-add to rows
    gathered = A_vals * x[A_cols, 0]
    Ax = jax.ops.segment_sum(gathered, A_rows, num_segments=M)[:, None]
    cons_vio = Ax - b[:, None]
    cons_vio = cons_vio + jax.nn.relu(-cons_vio) * Iy
    var_vio = jax.nn.relu(l - x) * il + jax.nn.relu(x - u) * iu
    part_2 = jnp.max(jnp.abs(jnp.concatenate((var_vio, cons_vio), axis=0)))
    part_3 = 1.0 + jnp.max(jnp.abs(b))
    return part_2 / part_3

if __name__ == "__main__":
    import jax
    _d = setup_inputs()
    print(jax.jit(kernel)(*tuple(_d.values())))

</pallas_src>

<mosaic_0001>
#map = affine_map<(d0, d1) -> (0)>
#map1 = affine_map<(d0, d1) -> (0, 0)>
module attributes {stable_mosaic.version = 14 : i64} {
  func.func @k(%arg0: i32, %arg1: i32, %arg2: memref<2684354xf32, #tpu.memory_space<hbm>>, %arg3: memref<2684354xi32, #tpu.memory_space<hbm>>, %arg4: memref<2684354xi32, #tpu.memory_space<hbm>>, %arg5: memref<1536xi32, #tpu.memory_space<hbm>>, %arg6: memref<16384xf32, #tpu.memory_space<hbm>>, %arg7: memref<32x16384xf32, #tpu.memory_space<hbm>>, %arg8: memref<16384xf32, #tpu.memory_space<vmem>>, %arg9: memref<16384xf32, #tpu.memory_space<vmem>>, %arg10: memref<12288xf32, #tpu.memory_space<vmem>>, %arg11: memref<12288xi32, #tpu.memory_space<vmem>>, %arg12: memref<12288xi32, #tpu.memory_space<vmem>>, %arg13: memref<12288xf32, #tpu.memory_space<vmem>>, %arg14: memref<12288xi32, #tpu.memory_space<vmem>>, %arg15: memref<12288xi32, #tpu.memory_space<vmem>>, %arg16: memref<512xi32, #tpu.memory_space<vmem>>, %arg17: memref<!tpu.dma_semaphore, #tpu.memory_space<semaphore_mem>>, %arg18: memref<!tpu.dma_semaphore, #tpu.memory_space<semaphore_mem>>) attributes {dimension_semantics = [#tpu.dimension_semantics<core_parallel>, #tpu.dimension_semantics<subcore_parallel>], iteration_bounds = array<i64: 2, 16>, scalar_prefetch = 0 : i64, scratch_operands = 11 : i64, tpu.core_type = #tpu.core_type<sc_vector_subcore>, window_params = [{transform_indices = #map}, {transform_indices = #map}, {transform_indices = #map}, {transform_indices = #map}, {transform_indices = #map}, {transform_indices = #map1}]} {
    %mul3A = arith.constant 2 : i32
    %mul3A_0 = arith.muli %arg1, %mul3A : i32
    %add3A = arith.addi %mul3A_0, %arg0 : i32
    %mul3A_1 = arith.constant 83872 : i32
    %mul3A_2 = arith.muli %add3A, %mul3A_1 : i32
    %add3A_3 = arith.constant 0 : i32
    %add3A_4 = arith.addi %mul3A_2, %add3A_3 : i32
    %dma_start3A = arith.constant 0 : i32
    %dma_start3A_5 = tpu.memref_slice %arg10[%dma_start3A] : memref<12288xf32, #tpu.memory_space<vmem>> -> memref<12288xf32, #tpu.memory_space<vmem>>
    %dma_start3A_6 = tpu.memref_slice %arg2[%add3A_4] : memref<2684354xf32, #tpu.memory_space<hbm>> -> memref<12288xf32, #tpu.memory_space<hbm>>
    %dma_start3A_7 = arith.constant 0 : i32
    %dma_start3A_8 = tpu.memref_slice %arg10[%dma_start3A_7] : memref<12288xf32, #tpu.memory_space<vmem>> -> memref<12288xf32, #tpu.memory_space<vmem>>
    %dma_start3A_9 = tpu.memref_slice %arg2[%add3A_4] : memref<2684354xf32, #tpu.memory_space<hbm>> -> memref<12288xf32, #tpu.memory_space<hbm>>
    tpu.enqueue_dma source(%dma_start3A_9 : memref<12288xf32, #tpu.memory_space<hbm>>) target(%dma_start3A_8 : memref<12288xf32, #tpu.memory_space<vmem>>) target_semaphore(%arg17 : memref<!tpu.dma_semaphore, #tpu.memory_space<semaphore_mem>>)
    %dma_start3A_10 = arith.constant 0 : i32
    %dma_start3A_11 = tpu.memref_slice %arg11[%dma_start3A_10] : memref<12288xi32, #tpu.memory_space<vmem>> -> memref<12288xi32, #tpu.memory_space<vmem>>
    %dma_start3A_12 = tpu.memref_slice %arg3[%add3A_4] : memref<2684354xi32, #tpu.memory_space<hbm>> -> memref<12288xi32, #tpu.memory_space<hbm>>
    %dma_start3A_13 = arith.constant 0 : i32
    %dma_start3A_14 = tpu.memref_slice %arg11[%dma_start3A_13] : memref<12288xi32, #tpu.memory_space<vmem>> -> memref<12288xi32, #tpu.memory_space<vmem>>
    %dma_start3A_15 = tpu.memref_slice %arg3[%add3A_4] : memref<2684354xi32, #tpu.memory_space<hbm>> -> memref<12288xi32, #tpu.memory_space<hbm>>
    tpu.enqueue_dma source(%dma_start3A_15 : memref<12288xi32, #tpu.memory_space<hbm>>) target(%dma_start3A_14 : memref<12288xi32, #tpu.memory_space<vmem>>) target_semaphore(%arg17 : memref<!tpu.dma_semaphore, #tpu.memory_space<semaphore_mem>>)
    %dma_start3A_16 = arith.constant 0 : i32
    %dma_start3A_17 = tpu.memref_slice %arg12[%dma_start3A_16] : memref<12288xi32, #tpu.memory_space<vmem>> -> memref<12288xi32, #tpu.memory_space<vmem>>
    %dma_start3A_18 = tpu.memref_slice %arg4[%add3A_4] : memref<2684354xi32, #tpu.memory_space<hbm>> -> memref<12288xi32, #tpu.memory_space<hbm>>
    %dma_start3A_19 = arith.constant 0 : i32
    %dma_start3A_20 = tpu.memref_slice %arg12[%dma_start3A_19] : memref<12288xi32, #tpu.memory_space<vmem>> -> memref<12288xi32, #tpu.memory_space<vmem>>
    %dma_start3A_21 = tpu.memref_slice %arg4[%add3A_4] : memref<2684354xi32, #tpu.memory_space<hbm>> -> memref<12288xi32, #tpu.memory_space<hbm>>
    tpu.enqueue_dma source(%dma_start3A_21 : memref<12288xi32, #tpu.memory_space<hbm>>) target(%dma_start3A_20 : memref<12288xi32, #tpu.memory_space<vmem>>) target_semaphore(%arg17 : memref<!tpu.dma_semaphore, #tpu.memory_space<semaphore_mem>>)
    %add3A_22 = arith.constant 12288 : i32
    %add3A_23 = arith.addi %mul3A_2, %add3A_22 : i32
    %dma_start3A_24 = arith.constant 0 : i32
    %dma_start3A_25 = tpu.memref_slice %arg13[%dma_start3A_24] : memref<12288xf32, #tpu.memory_space<vmem>> -> memref<12288xf32, #tpu.memory_space<vmem>>
    %dma_start3A_26 = tpu.memref_slice %arg2[%add3A_23] : memref<2684354xf32, #tpu.memory_space<hbm>> -> memref<12288xf32, #tpu.memory_space<hbm>>
    %dma_start3A_27 = arith.constant 0 : i32
    %dma_start3A_28 = tpu.memref_slice %arg13[%dma_start3A_27] : memref<12288xf32, #tpu.memory_space<vmem>> -> memref<12288xf32, #tpu.memory_space<vmem>>
    %dma_start3A_29 = tpu.memref_slice %arg2[%add3A_23] : memref<2684354xf32, #tpu.memory_space<hbm>> -> memref<12288xf32, #tpu.memory_space<hbm>>
    tpu.enqueue_dma source(%dma_start3A_29 : memref<12288xf32, #tpu.memory_space<hbm>>) target(%dma_start3A_28 : memref<12288xf32, #tpu.memory_space<vmem>>) target_semaphore(%arg18 : memref<!tpu.dma_semaphore, #tpu.memory_space<semaphore_mem>>)
    %dma_start3A_30 = arith.constant 0 : i32
    %dma_start3A_31 = tpu.memref_slice %arg14[%dma_start3A_30] : memref<12288xi32, #tpu.memory_space<vmem>> -> memref<12288xi32, #tpu.memory_space<vmem>>
    %dma_start3A_32 = tpu.memref_slice %arg3[%add3A_23] : memref<2684354xi32, #tpu.memory_space<hbm>> -> memref<12288xi32, #tpu.memory_space<hbm>>
    %dma_start3A_33 = arith.constant 0 : i32
    %dma_start3A_34 = tpu.memref_slice %arg14[%dma_start3A_33] : memref<12288xi32, #tpu.memory_space<vmem>> -> memref<12288xi32, #tpu.memory_space<vmem>>
    %dma_start3A_35 = tpu.memref_slice %arg3[%add3A_23] : memref<2684354xi32, #tpu.memory_space<hbm>> -> memref<12288xi32, #tpu.memory_space<hbm>>
    tpu.enqueue_dma source(%dma_start3A_35 : memref<12288xi32, #tpu.memory_space<hbm>>) target(%dma_start3A_34 : memref<12288xi32, #tpu.memory_space<vmem>>) target_semaphore(%arg18 : memref<!tpu.dma_semaphore, #tpu.memory_space<semaphore_mem>>)
    %dma_start3A_36 = arith.constant 0 : i32
    %dma_start3A_37 = tpu.memref_slice %arg15[%dma_start3A_36] : memref<12288xi32, #tpu.memory_space<vmem>> -> memref<12288xi32, #tpu.memory_space<vmem>>
    %dma_start3A_38 = tpu.memref_slice %arg4[%add3A_23] : memref<2684354xi32, #tpu.memory_space<hbm>> -> memref<12288xi32, #tpu.memory_space<hbm>>
    %dma_start3A_39 = arith.constant 0 : i32
    %dma_start3A_40 = tpu.memref_slice %arg15[%dma_start3A_39] : memref<12288xi32, #tpu.memory_space<vmem>> -> memref<12288xi32, #tpu.memory_space<vmem>>
    %dma_start3A_41 = tpu.memref_slice %arg4[%add3A_23] : memref<2684354xi32, #tpu.memory_space<hbm>> -> memref<12288xi32, #tpu.memory_space<hbm>>
    tpu.enqueue_dma source(%dma_start3A_41 : memref<12288xi32, #tpu.memory_space<hbm>>) target(%dma_start3A_40 : memref<12288xi32, #tpu.memory_space<vmem>>) target_semaphore(%arg18 : memref<!tpu.dma_semaphore, #tpu.memory_space<semaphore_mem>>)
    "tpu.region"() ({
      %run_scoped3A = tpu.sem_alloc : memref<!tpu.dma_semaphore, #tpu.memory_space<semaphore_mem>>
      tpu.enqueue_dma source(%arg6 : memref<16384xf32, #tpu.memory_space<hbm>>) target(%arg8 : memref<16384xf32, #tpu.memory_space<vmem>>) target_semaphore(%run_scoped3A : memref<!tpu.dma_semaphore, #tpu.memory_space<semaphore_mem>>)
      tpu.wait_dma2 semaphore(%run_scoped3A : memref<!tpu.dma_semaphore, #tpu.memory_space<semaphore_mem>>) src(%arg6 : memref<16384xf32, #tpu.memory_space<hbm>>) dst(%arg8 : memref<16384xf32, #tpu.memory_space<vmem>>)
      tpu.yield
    }) : () -> ()
    %broadcast_in_dim3A = arith.constant 0.000000e+00 : f32
    %broadcast_in_dim3A_42 = vector.broadcast %broadcast_in_dim3A : f32 to vector<16xf32>
    %scan3A = arith.constant 0 : i32
    %scan3A_43 = arith.constant 0 : i32
    %scan3A_44 = arith.constant 64 : i32
    %scan3A_45 = arith.addi %scan3A_43, %scan3A_44 : i32
    %scan3A_46 = arith.constant 1 : i32
    scf.for %scan3A_395 = %scan3A_43 to %scan3A_45 step %scan3A_46  : i32 {
      %mul3A_396 = arith.constant 16 : i32
      %mul3A_397 = arith.muli %scan3A_395, %mul3A_396 : i32
      %add3A_398 = arith.constant 0 : i32
      %add3A_399 = arith.addi %mul3A_397, %add3A_398 : i32
      %mul3A_400 = arith.constant 16 : i32
      %mul3A_401 = arith.muli %add3A_399, %mul3A_400 : i32
      %swap3A = arith.index_cast %mul3A_401 : i32 to index
      %swap3A_402 = tpu.vector_load %arg9[%swap3A] {strides = array<i32>} : memref<16384xf32, #tpu.memory_space<vmem>>, vector<16xf32>,
      tpu.vector_store %arg9[%swap3A], %broadcast_in_dim3A_42 {strides = array<i32>} : memref<16384xf32, #tpu.memory_space<vmem>>, vector<16xf32>,
      %mul3A_403 = arith.constant 16 : i32
      %mul3A_404 = arith.muli %scan3A_395, %mul3A_403 : i32
      %add3A_405 = arith.constant 1 : i32
      %add3A_406 = arith.addi %mul3A_404, %add3A_405 : i32
      %mul3A_407 = arith.constant 16 : i32
      %mul3A_408 = arith.muli %add3A_406, %mul3A_407 : i32
      %swap3A_409 = arith.index_cast %mul3A_408 : i32 to index
      %swap3A_410 = tpu.vector_load %arg9[%swap3A_409] {strides = array<i32>} : memref<16384xf32, #tpu.memory_space<vmem>>, vector<16xf32>,
      tpu.vector_store %arg9[%swap3A_409], %broadcast_in_dim3A_42 {strides = array<i32>} : memref<16384xf32, #tpu.memory_space<vmem>>, vector<16xf32>,
      %mul3A_411 = arith.constant 16 : i32
      %mul3A_412 = arith.muli %scan3A_395, %mul3A_411 : i32
      %add3A_413 = arith.constant 2 : i32
      %add3A_414 = arith.addi %mul3A_412, %add3A_413 : i32
      %mul3A_415 = arith.constant 16 : i32
      %mul3A_416 = arith.muli %add3A_414, %mul3A_415 : i32
      %swap3A_417 = arith.index_cast %mul3A_416 : i32 to index
      %swap3A_418 = tpu.vector_load %arg9[%swap3A_417] {strides = array<i32>} : memref<16384xf32, #tpu.memory_space<vmem>>, vector<16xf32>,
      tpu.vector_store %arg9[%swap3A_417], %broadcast_in_dim3A_42 {strides = array<i32>} : memref<16384xf32, #tpu.memory_space<vmem>>, vector<16xf32>,
      %mul3A_419 = arith.constant 16 : i32
      %mul3A_420 = arith.muli %scan3A_395, %mul3A_419 : i32
      %add3A_421 = arith.constant 3 : i32
      %add3A_422 = arith.addi %mul3A_420, %add3A_421 : i32
      %mul3A_423 = arith.constant 16 : i32
      %mul3A_424 = arith.muli %add3A_422, %mul3A_423 : i32
      %swap3A_425 = arith.index_cast %mul3A_424 : i32 to index
      %swap3A_426 = tpu.vector_load %arg9[%swap3A_425] {strides = array<i32>} : memref<16384xf32, #tpu.memory_space<vmem>>, vector<16xf32>,
      tpu.vector_store %arg9[%swap3A_425], %broadcast_in_dim3A_42 {strides = array<i32>} : memref<16384xf32, #tpu.memory_space<vmem>>, vector<16xf32>,
      %mul3A_427 = arith.constant 16 : i32
      %mul3A_428 = arith.muli %scan3A_395, %mul3A_427 : i32
      %add3A_429 = arith.constant 4 : i32
      %add3A_430 = arith.addi %mul3A_428, %add3A_429 : i32
      %mul3A_431 = arith.constant 16 : i32
      %mul3A_432 = arith.muli %add3A_430, %mul3A_431 : i32
      %swap3A_433 = arith.index_cast %mul3A_432 : i32 to index
      %swap3A_434 = tpu.vector_load %arg9[%swap3A_433] {strides = array<i32>} : memref<16384xf32, #tpu.memory_space<vmem>>, vector<16xf32>,
      tpu.vector_store %arg9[%swap3A_433], %broadcast_in_dim3A_42 {strides = array<i32>} : memref<16384xf32, #tpu.memory_space<vmem>>, vector<16xf32>,
      %mul3A_435 = arith.constant 16 : i32
      %mul3A_436 = arith.muli %scan3A_395, %mul3A_435 : i32
      %add3A_437 = arith.constant 5 : i32
      %add3A_438 = arith.addi %mul3A_436, %add3A_437 : i32
      %mul3A_439 = arith.constant 16 : i32
      %mul3A_440 = arith.muli %add3A_438, %mul3A_439 : i32
      %swap3A_441 = arith.index_cast %mul3A_440 : i32 to index
      %swap3A_442 = tpu.vector_load %arg9[%swap3A_441] {strides = array<i32>} : memref<16384xf32, #tpu.memory_space<vmem>>, vector<16xf32>,
      tpu.vector_store %arg9[%swap3A_441], %broadcast_in_dim3A_42 {strides = array<i32>} : memref<16384xf32, #tpu.memory_space<vmem>>, vector<16xf32>,
      %mul3A_443 = arith.constant 16 : i32
      %mul3A_444 = arith.muli %scan3A_395, %mul3A_443 : i32
      %add3A_445 = arith.constant 6 : i32
      %add3A_446 = arith.addi %mul3A_444, %add3A_445 : i32
      %mul3A_447 = arith.constant 16 : i32
      %mul3A_448 = arith.muli %add3A_446, %mul3A_447 : i32
      %swap3A_449 = arith.index_cast %mul3A_448 : i32 to index
      %swap3A_450 = tpu.vector_load %arg9[%swap3A_449] {strides = array<i32>} : memref<16384xf32, #tpu.memory_space<vmem>>, vector<16xf32>,
      tpu.vector_store %arg9[%swap3A_449], %broadcast_in_dim3A_42 {strides = array<i32>} : memref<16384xf32, #tpu.memory_space<vmem>>, vector<16xf32>,
      %mul3A_451 = arith.constant 16 : i32
      %mul3A_452 = arith.muli %scan3A_395, %mul3A_451 : i32
      %add3A_453 = arith.constant 7 : i32
      %add3A_454 = arith.addi %mul3A_452, %add3A_453 : i32
      %mul3A_455 = arith.constant 16 : i32
      %mul3A_456 = arith.muli %add3A_454, %mul3A_455 : i32
      %swap3A_457 = arith.index_cast %mul3A_456 : i32 to index
      %swap3A_458 = tpu.vector_load %arg9[%swap3A_457] {strides = array<i32>} : memref<16384xf32, #tpu.memory_space<vmem>>, vector<16xf32>,
      tpu.vector_store %arg9[%swap3A_457], %broadcast_in_dim3A_42 {strides = array<i32>} : memref<16384xf32, #tpu.memory_space<vmem>>, vector<16xf32>,
      %mul3A_459 = arith.constant 16 : i32
      %mul3A_460 = arith.muli %scan3A_395, %mul3A_459 : i32
      %add3A_461 = arith.constant 8 : i32
      %add3A_462 = arith.addi %mul3A_460, %add3A_461 : i32
      %mul3A_463 = arith.constant 16 : i32
      %mul3A_464 = arith.muli %add3A_462, %mul3A_463 : i32
      %swap3A_465 = arith.index_cast %mul3A_464 : i32 to index
      %swap3A_466 = tpu.vector_load %arg9[%swap3A_465] {strides = array<i32>} : memref<16384xf32, #tpu.memory_space<vmem>>, vector<16xf32>,
      tpu.vector_store %arg9[%swap3A_465], %broadcast_in_dim3A_42 {strides = array<i32>} : memref<16384xf32, #tpu.memory_space<vmem>>, vector<16xf32>,
      %mul3A_467 = arith.constant 16 : i32
      %mul3A_468 = arith.muli %scan3A_395, %mul3A_467 : i32
      %add3A_469 = arith.constant 9 : i32
      %add3A_470 = arith.addi %mul3A_468, %add3A_469 : i32
      %mul3A_471 = arith.constant 16 : i32
      %mul3A_472 = arith.muli %add3A_470, %mul3A_471 : i32
      %swap3A_473 = arith.index_cast %mul3A_472 : i32 to index
      %swap3A_474 = tpu.vector_load %arg9[%swap3A_473] {strides = array<i32>} : memref<16384xf32, #tpu.memory_space<vmem>>, vector<16xf32>,
      tpu.vector_store %arg9[%swap3A_473], %broadcast_in_dim3A_42 {strides = array<i32>} : memref<16384xf32, #tpu.memory_space<vmem>>, vector<16xf32>,
      %mul3A_475 = arith.constant 16 : i32
      %mul3A_476 = arith.muli %scan3A_395, %mul3A_475 : i32
      %add3A_477 = arith.constant 10 : i32
      %add3A_478 = arith.addi %mul3A_476, %add3A_477 : i32
      %mul3A_479 = arith.constant 16 : i32
      %mul3A_480 = arith.muli %add3A_478, %mul3A_479 : i32
      %swap3A_481 = arith.index_cast %mul3A_480 : i32 to index
      %swap3A_482 = tpu.vector_load %arg9[%swap3A_481] {strides = array<i32>} : memref<16384xf32, #tpu.memory_space<vmem>>, vector<16xf32>,
      tpu.vector_store %arg9[%swap3A_481], %broadcast_in_dim3A_42 {strides = array<i32>} : memref<16384xf32, #tpu.memory_space<vmem>>, vector<16xf32>,
      %mul3A_483 = arith.constant 16 : i32
      %mul3A_484 = arith.muli %scan3A_395, %mul3A_483 : i32
      %add3A_485 = arith.constant 11 : i32
      %add3A_486 = arith.addi %mul3A_484, %add3A_485 : i32
      %mul3A_487 = arith.constant 16 : i32
      %mul3A_488 = arith.muli %add3A_486, %mul3A_487 : i32
      %swap3A_489 = arith.index_cast %mul3A_488 : i32 to index
      %swap3A_490 = tpu.vector_load %arg9[%swap3A_489] {strides = array<i32>} : memref<16384xf32, #tpu.memory_space<vmem>>, vector<16xf32>,
      tpu.vector_store %arg9[%swap3A_489], %broadcast_in_dim3A_42 {strides = array<i32>} : memref<16384xf32, #tpu.memory_space<vmem>>, vector<16xf32>,
      %mul3A_491 = arith.constant 16 : i32
      %mul3A_492 = arith.muli %scan3A_395, %mul3A_491 : i32
      %add3A_493 = arith.constant 12 : i32
      %add3A_494 = arith.addi %mul3A_492, %add3A_493 : i32
      %mul3A_495 = arith.constant 16 : i32
      %mul3A_496 = arith.muli %add3A_494, %mul3A_495 : i32
      %swap3A_497 = arith.index_cast %mul3A_496 : i32 to index
      %swap3A_498 = tpu.vector_load %arg9[%swap3A_497] {strides = array<i32>} : memref<16384xf32, #tpu.memory_space<vmem>>, vector<16xf32>,
      tpu.vector_store %arg9[%swap3A_497], %broadcast_in_dim3A_42 {strides = array<i32>} : memref<16384xf32, #tpu.memory_space<vmem>>, vector<16xf32>,
      %mul3A_499 = arith.constant 16 : i32
      %mul3A_500 = arith.muli %scan3A_395, %mul3A_499 : i32
      %add3A_501 = arith.constant 13 : i32
      %add3A_502 = arith.addi %mul3A_500, %add3A_501 : i32
      %mul3A_503 = arith.constant 16 : i32
      %mul3A_504 = arith.muli %add3A_502, %mul3A_503 : i32
      %swap3A_505 = arith.index_cast %mul3A_504 : i32 to index
      %swap3A_506 = tpu.vector_load %arg9[%swap3A_505] {strides = array<i32>} : memref<16384xf32, #tpu.memory_space<vmem>>, vector<16xf32>,
      tpu.vector_store %arg9[%swap3A_505], %broadcast_in_dim3A_42 {strides = array<i32>} : memref<16384xf32, #tpu.memory_space<vmem>>, vector<16xf32>,
      %mul3A_507 = arith.constant 16 : i32
      %mul3A_508 = arith.muli %scan3A_395, %mul3A_507 : i32
      %add3A_509 = arith.constant 14 : i32
      %add3A_510 = arith.addi %mul3A_508, %add3A_509 : i32
      %mul3A_511 = arith.constant 16 : i32
      %mul3A_512 = arith.muli %add3A_510, %mul3A_511 : i32
      %swap3A_513 = arith.index_cast %mul3A_512 : i32 to index
      %swap3A_514 = tpu.vector_load %arg9[%swap3A_513] {strides = array<i32>} : memref<16384xf32, #tpu.memory_space<vmem>>, vector<16xf32>,
      tpu.vector_store %arg9[%swap3A_513], %broadcast_in_dim3A_42 {strides = array<i32>} : memref<16384xf32, #tpu.memory_space<vmem>>, vector<16xf32>,
      %mul3A_515 = arith.constant 16 : i32
      %mul3A_516 = arith.muli %scan3A_395, %mul3A_515 : i32
      %add3A_517 = arith.constant 15 : i32
      %add3A_518 = arith.addi %mul3A_516, %add3A_517 : i32
      %mul3A_519 = arith.constant 16 : i32
      %mul3A_520 = arith.muli %add3A_518, %mul3A_519 : i32
      %swap3A_521 = arith.index_cast %mul3A_520 : i32 to index
      %swap3A_522 = tpu.vector_load %arg9[%swap3A_521] {strides = array<i32>} : memref<16384xf32, #tpu.memory_space<vmem>>, vector<16xf32>,
      tpu.vector_store %arg9[%swap3A_521], %broadcast_in_dim3A_42 {strides = array<i32>} : memref<16384xf32, #tpu.memory_space<vmem>>, vector<16xf32>,
    }
    %scan3A_47 = arith.constant 64 : i32
    %dma_wait3A = arith.constant 0 : i32
    %dma_wait3A_48 = tpu.memref_slice %arg10[%dma_wait3A] : memref<12288xf32, #tpu.memory_space<vmem>> -> memref<12288xf32, #tpu.memory_space<vmem>>
    %dma_wait3A_49 = tpu.memref_slice %arg2[%add3A_4] : memref<2684354xf32, #tpu.memory_space<hbm>> -> memref<12288xf32, #tpu.memory_space<hbm>>
    %dma_wait3A_50 = arith.constant 0 : i32
    %dma_wait3A_51 = tpu.memref_slice %arg10[%dma_wait3A_50] : memref<12288xf32, #tpu.memory_space<vmem>> -> memref<12288xf32, #tpu.memory_space<vmem>>
    %dma_wait3A_52 = tpu.memref_slice %arg2[%add3A_4] : memref<2684354xf32, #tpu.memory_space<hbm>> -> memref<12288xf32, #tpu.memory_space<hbm>>
    tpu.wait_dma2 semaphore(%arg17 : memref<!tpu.dma_semaphore, #tpu.memory_space<semaphore_mem>>) src(%dma_wait3A_52 : memref<12288xf32, #tpu.memory_space<hbm>>) dst(%dma_wait3A_51 : memref<12288xf32, #tpu.memory_space<vmem>>)
    %dma_wait3A_53 = arith.constant 0 : i32
    %dma_wait3A_54 = tpu.memref_slice %arg11[%dma_wait3A_53] : memref<12288xi32, #tpu.memory_space<vmem>> -> memref<12288xi32, #tpu.memory_space<vmem>>
    %dma_wait3A_55 = tpu.memref_slice %arg3[%add3A_4] : memref<2684354xi32, #tpu.memory_space<hbm>> -> memref<12288xi32, #tpu.memory_space<hbm>>
    %dma_wait3A_56 = arith.constant 0 : i32
    %dma_wait3A_57 = tpu.memref_slice %arg11[%dma_wait3A_56] : memref<12288xi32, #tpu.memory_space<vmem>> -> memref<12288xi32, #tpu.memory_space<vmem>>
    %dma_wait3A_58 = tpu.memref_slice %arg3[%add3A_4] : memref<2684354xi32, #tpu.memory_space<hbm>> -> memref<12288xi32, #tpu.memory_space<hbm>>
    tpu.wait_dma2 semaphore(%arg17 : memref<!tpu.dma_semaphore, #tpu.memory_space<semaphore_mem>>) src(%dma_wait3A_58 : memref<12288xi32, #tpu.memory_space<hbm>>) dst(%dma_wait3A_57 : memref<12288xi32, #tpu.memory_space<vmem>>)
    %dma_wait3A_59 = arith.constant 0 : i32
    %dma_wait3A_60 = tpu.memref_slice %arg12[%dma_wait3A_59] : memref<12288xi32, #tpu.memory_space<vmem>> -> memref<12288xi32, #tpu.memory_space<vmem>>
    %dma_wait3A_61 = tpu.memref_slice %arg4[%add3A_4] : memref<2684354xi32, #tpu.memory_space<hbm>> -> memref<12288xi32, #tpu.memory_space<hbm>>
    %dma_wait3A_62 = arith.constant 0 : i32
    %dma_wait3A_63 = tpu.memref_slice %arg12[%dma_wait3A_62] : memref<12288xi32, #tpu.memory_space<vmem>> -> memref<12288xi32, #tpu.memory_space<vmem>>
    %dma_wait3A_64 = tpu.memref_slice %arg4[%add3A_4] : memref<2684354xi32, #tpu.memory_space<hbm>> -> memref<12288xi32, #tpu.memory_space<hbm>>
    tpu.wait_dma2 semaphore(%arg17 : memref<!tpu.dma_semaphore, #tpu.memory_space<semaphore_mem>>) src(%dma_wait3A_64 : memref<12288xi32, #tpu.memory_space<hbm>>) dst(%dma_wait3A_63 : memref<12288xi32, #tpu.memory_space<vmem>>)
    %scan3A_65 = arith.constant 0 : i32
    %scan3A_66 = arith.constant 0 : i32
    %scan3A_67 = arith.constant 48 : i32
    %scan3A_68 = arith.addi %scan3A_66, %scan3A_67 : i32
    %scan3A_69 = arith.constant 1 : i32
    scf.for %scan3A_395 = %scan3A_66 to %scan3A_68 step %scan3A_69  : i32 {
      %mul3A_396 = arith.constant 16 : i32
      %mul3A_397 = arith.muli %scan3A_395, %mul3A_396 : i32
      %add3A_398 = arith.constant 0 : i32
      %add3A_399 = arith.addi %mul3A_397, %add3A_398 : i32
      %mul3A_400 = arith.constant 16 : i32
      %mul3A_401 = arith.muli %scan3A_395, %mul3A_400 : i32
      %add3A_402 = arith.constant 1 : i32
      %add3A_403 = arith.addi %mul3A_401, %add3A_402 : i32
      %mul3A_404 = arith.constant 16 : i32
      %mul3A_405 = arith.muli %scan3A_395, %mul3A_404 : i32
      %add3A_406 = arith.constant 2 : i32
      %add3A_407 = arith.addi %mul3A_405, %add3A_406 : i32
      %mul3A_408 = arith.constant 16 : i32
      %mul3A_409 = arith.muli %scan3A_395, %mul3A_408 : i32
      %add3A_410 = arith.constant 3 : i32
      %add3A_411 = arith.addi %mul3A_409, %add3A_410 : i32
      %mul3A_412 = arith.constant 16 : i32
      %mul3A_413 = arith.muli %scan3A_395, %mul3A_412 : i32
      %add3A_414 = arith.constant 4 : i32
      %add3A_415 = arith.addi %mul3A_413, %add3A_414 : i32
      %mul3A_416 = arith.constant 16 : i32
      %mul3A_417 = arith.muli %scan3A_395, %mul3A_416 : i32
      %add3A_418 = arith.constant 5 : i32
      %add3A_419 = arith.addi %mul3A_417, %add3A_418 : i32
      %mul3A_420 = arith.constant 16 : i32
      %mul3A_421 = arith.muli %scan3A_395, %mul3A_420 : i32
      %add3A_422 = arith.constant 6 : i32
      %add3A_423 = arith.addi %mul3A_421, %add3A_422 : i32
      %mul3A_424 = arith.constant 16 : i32
      %mul3A_425 = arith.muli %scan3A_395, %mul3A_424 : i32
      %add3A_426 = arith.constant 7 : i32
      %add3A_427 = arith.addi %mul3A_425, %add3A_426 : i32
      %mul3A_428 = arith.constant 16 : i32
      %mul3A_429 = arith.muli %scan3A_395, %mul3A_428 : i32
      %add3A_430 = arith.constant 8 : i32
      %add3A_431 = arith.addi %mul3A_429, %add3A_430 : i32
      %mul3A_432 = arith.constant 16 : i32
      %mul3A_433 = arith.muli %scan3A_395, %mul3A_432 : i32
      %add3A_434 = arith.constant 9 : i32
      %add3A_435 = arith.addi %mul3A_433, %add3A_434 : i32
      %mul3A_436 = arith.constant 16 : i32
      %mul3A_437 = arith.muli %scan3A_395, %mul3A_436 : i32
      %add3A_438 = arith.constant 10 : i32
      %add3A_439 = arith.addi %mul3A_437, %add3A_438 : i32
      %mul3A_440 = arith.constant 16 : i32
      %mul3A_441 = arith.muli %scan3A_395, %mul3A_440 : i32
      %add3A_442 = arith.constant 11 : i32
      %add3A_443 = arith.addi %mul3A_441, %add3A_442 : i32
      %mul3A_444 = arith.constant 16 : i32
      %mul3A_445 = arith.muli %scan3A_395, %mul3A_444 : i32
      %add3A_446 = arith.constant 12 : i32
      %add3A_447 = arith.addi %mul3A_445, %add3A_446 : i32
      %mul3A_448 = arith.constant 16 : i32
      %mul3A_449 = arith.muli %scan3A_395, %mul3A_448 : i32
      %add3A_450 = arith.constant 13 : i32
      %add3A_451 = arith.addi %mul3A_449, %add3A_450 : i32
      %mul3A_452 = arith.constant 16 : i32
      %mul3A_453 = arith.muli %scan3A_395, %mul3A_452 : i32
      %add3A_454 = arith.constant 14 : i32
      %add3A_455 = arith.addi %mul3A_453, %add3A_454 : i32
      %mul3A_456 = arith.constant 16 : i32
      %mul3A_457 = arith.muli %scan3A_395, %mul3A_456 : i32
      %add3A_458 = arith.constant 15 : i32
      %add3A_459 = arith.addi %mul3A_457, %add3A_458 : i32
      %mul3A_460 = arith.constant 16 : i32
      %mul3A_461 = arith.muli %add3A_399, %mul3A_460 : i32
      %get3A_462 = arith.index_cast %mul3A_461 : i32 to index
      %get3A_463 = tpu.vector_load %arg12[%get3A_462] {strides = array<i32>} : memref<12288xi32, #tpu.memory_space<vmem>>, vector<16xi32>,
      %gather3A_464 = tpu.vector_load_idx %arg8[%get3A_463] : memref<16384xf32, #tpu.memory_space<vmem>>[vector<16xi32>], vector<16xf32>,
      %get3A_465 = arith.index_cast %mul3A_461 : i32 to index
      %get3A_466 = tpu.vector_load %arg11[%get3A_465] {strides = array<i32>} : memref<12288xi32, #tpu.memory_space<vmem>>, vector<16xi32>,
      %get3A_467 = arith.index_cast %mul3A_461 : i32 to index
      %get3A_468 = tpu.vector_load %arg10[%get3A_467] {strides = array<i32>} : memref<12288xf32, #tpu.memory_space<vmem>>, vector<16xf32>,
      %mul3A_469 = arith.mulf %get3A_468, %gather3A_464 : vector<16xf32>
      %mul3A_470 = arith.constant 16 : i32
      %mul3A_471 = arith.muli %add3A_403, %mul3A_470 : i32
      %get3A_472 = arith.index_cast %mul3A_471 : i32 to index
      %get3A_473 = tpu.vector_load %arg12[%get3A_472] {strides = array<i32>} : memref<12288xi32, #tpu.memory_space<vmem>>, vector<16xi32>,
      %gather3A_474 = tpu.vector_load_idx %arg8[%get3A_473] : memref<16384xf32, #tpu.memory_space<vmem>>[vector<16xi32>], vector<16xf32>,
      %get3A_475 = arith.index_cast %mul3A_471 : i32 to index
      %get3A_476 = tpu.vector_load %arg11[%get3A_475] {strides = array<i32>} : memref<12288xi32, #tpu.memory_space<vmem>>, vector<16xi32>,
      %get3A_477 = arith.index_cast %mul3A_471 : i32 to index
      %get3A_478 = tpu.vector_load %arg10[%get3A_477] {strides = array<i32>} : memref<12288xf32, #tpu.memory_space<vmem>>, vector<16xf32>,
      %mul3A_479 = arith.mulf %get3A_478, %gather3A_474 : vector<16xf32>
      %mul3A_480 = arith.constant 16 : i32
      %mul3A_481 = arith.muli %add3A_407, %mul3A_480 : i32
      %get3A_482 = arith.index_cast %mul3A_481 : i32 to index
      %get3A_483 = tpu.vector_load %arg12[%get3A_482] {strides = array<i32>} : memref<12288xi32, #tpu.memory_space<vmem>>, vector<16xi32>,
      %gather3A_484 = tpu.vector_load_idx %arg8[%get3A_483] : memref<16384xf32, #tpu.memory_space<vmem>>[vector<16xi32>], vector<16xf32>,
      %get3A_485 = arith.index_cast %mul3A_481 : i32 to index
      %get3A_486 = tpu.vector_load %arg11[%get3A_485] {strides = array<i32>} : memref<12288xi32, #tpu.memory_space<vmem>>, vector<16xi32>,
      %get3A_487 = arith.index_cast %mul3A_481 : i32 to index
      %get3A_488 = tpu.vector_load %arg10[%get3A_487] {strides = array<i32>} : memref<12288xf32, #tpu.memory_space<vmem>>, vector<16xf32>,
      %mul3A_489 = arith.mulf %get3A_488, %gather3A_484 : vector<16xf32>
      %mul3A_490 = arith.constant 16 : i32
      %mul3A_491 = arith.muli %add3A_411, %mul3A_490 : i32
      %get3A_492 = arith.index_cast %mul3A_491 : i32 to index
      %get3A_493 = tpu.vector_load %arg12[%get3A_492] {strides = array<i32>} : memref<12288xi32, #tpu.memory_space<vmem>>, vector<16xi32>,
      %gather3A_494 = tpu.vector_load_idx %arg8[%get3A_493] : memref<16384xf32, #tpu.memory_space<vmem>>[vector<16xi32>], vector<16xf32>,
      %get3A_495 = arith.index_cast %mul3A_491 : i32 to index
      %get3A_496 = tpu.vector_load %arg11[%get3A_495] {strides = array<i32>} : memref<12288xi32, #tpu.memory_space<vmem>>, vector<16xi32>,
      %get3A_497 = arith.index_cast %mul3A_491 : i32 to index
      %get3A_498 = tpu.vector_load %arg10[%get3A_497] {strides = array<i32>} : memref<12288xf32, #tpu.memory_space<vmem>>, vector<16xf32>,
      %mul3A_499 = arith.mulf %get3A_498, %gather3A_494 : vector<16xf32>
      %mul3A_500 = arith.constant 16 : i32
      %mul3A_501 = arith.muli %add3A_415, %mul3A_500 : i32
      %get3A_502 = arith.index_cast %mul3A_501 : i32 to index
      %get3A_503 = tpu.vector_load %arg12[%get3A_502] {strides = array<i32>} : memref<12288xi32, #tpu.memory_space<vmem>>, vector<16xi32>,
      %gather3A_504 = tpu.vector_load_idx %arg8[%get3A_503] : memref<16384xf32, #tpu.memory_space<vmem>>[vector<16xi32>], vector<16xf32>,
      %get3A_505 = arith.index_cast %mul3A_501 : i32 to index
      %get3A_506 = tpu.vector_load %arg11[%get3A_505] {strides = array<i32>} : memref<12288xi32, #tpu.memory_space<vmem>>, vector<16xi32>,
      %get3A_507 = arith.index_cast %mul3A_501 : i32 to index
      %get3A_508 = tpu.vector_load %arg10[%get3A_507] {strides = array<i32>} : memref<12288xf32, #tpu.memory_space<vmem>>, vector<16xf32>,
      %mul3A_509 = arith.mulf %get3A_508, %gather3A_504 : vector<16xf32>
      %mul3A_510 = arith.constant 16 : i32
      %mul3A_511 = arith.muli %add3A_419, %mul3A_510 : i32
      %get3A_512 = arith.index_cast %mul3A_511 : i32 to index
      %get3A_513 = tpu.vector_load %arg12[%get3A_512] {strides = array<i32>} : memref<12288xi32, #tpu.memory_space<vmem>>, vector<16xi32>,
      %gather3A_514 = tpu.vector_load_idx %arg8[%get3A_513] : memref<16384xf32, #tpu.memory_space<vmem>>[vector<16xi32>], vector<16xf32>,
      %get3A_515 = arith.index_cast %mul3A_511 : i32 to index
      %get3A_516 = tpu.vector_load %arg11[%get3A_515] {strides = array<i32>} : memref<12288xi32, #tpu.memory_space<vmem>>, vector<16xi32>,
      %get3A_517 = arith.index_cast %mul3A_511 : i32 to index
      %get3A_518 = tpu.vector_load %arg10[%get3A_517] {strides = array<i32>} : memref<12288xf32, #tpu.memory_space<vmem>>, vector<16xf32>,
      %mul3A_519 = arith.mulf %get3A_518, %gather3A_514 : vector<16xf32>
      %mul3A_520 = arith.constant 16 : i32
      %mul3A_521 = arith.muli %add3A_423, %mul3A_520 : i32
      %get3A_522 = arith.index_cast %mul3A_521 : i32 to index
      %get3A_523 = tpu.vector_load %arg12[%get3A_522] {strides = array<i32>} : memref<12288xi32, #tpu.memory_space<vmem>>, vector<16xi32>,
      %gather3A_524 = tpu.vector_load_idx %arg8[%get3A_523] : memref<16384xf32, #tpu.memory_space<vmem>>[vector<16xi32>], vector<16xf32>,
      %get3A_525 = arith.index_cast %mul3A_521 : i32 to index
      %get3A_526 = tpu.vector_load %arg11[%get3A_525] {strides = array<i32>} : memref<12288xi32, #tpu.memory_space<vmem>>, vector<16xi32>,
      %get3A_527 = arith.index_cast %mul3A_521 : i32 to index
      %get3A_528 = tpu.vector_load %arg10[%get3A_527] {strides = array<i32>} : memref<12288xf32, #tpu.memory_space<vmem>>, vector<16xf32>,
      %mul3A_529 = arith.mulf %get3A_528, %gather3A_524 : vector<16xf32>
      %mul3A_530 = arith.constant 16 : i32
      %mul3A_531 = arith.muli %add3A_427, %mul3A_530 : i32
      %get3A_532 = arith.index_cast %mul3A_531 : i32 to index
      %get3A_533 = tpu.vector_load %arg12[%get3A_532] {strides = array<i32>} : memref<12288xi32, #tpu.memory_space<vmem>>, vector<16xi32>,
      %gather3A_534 = tpu.vector_load_idx %arg8[%get3A_533] : memref<16384xf32, #tpu.memory_space<vmem>>[vector<16xi32>], vector<16xf32>,
      %get3A_535 = arith.index_cast %mul3A_531 : i32 to index
      %get3A_536 = tpu.vector_load %arg11[%get3A_535] {strides = array<i32>} : memref<12288xi32, #tpu.memory_space<vmem>>, vector<16xi32>,
      %get3A_537 = arith.index_cast %mul3A_531 : i32 to index
      %get3A_538 = tpu.vector_load %arg10[%get3A_537] {strides = array<i32>} : memref<12288xf32, #tpu.memory_space<vmem>>, vector<16xf32>,
      %mul3A_539 = arith.mulf %get3A_538, %gather3A_534 : vector<16xf32>
      %mul3A_540 = arith.constant 16 : i32
      %mul3A_541 = arith.muli %add3A_431, %mul3A_540 : i32
      %get3A_542 = arith.index_cast %mul3A_541 : i32 to index
      %get3A_543 = tpu.vector_load %arg12[%get3A_542] {strides = array<i32>} : memref<12288xi32, #tpu.memory_space<vmem>>, vector<16xi32>,
      %gather3A_544 = tpu.vector_load_idx %arg8[%get3A_543] : memref<16384xf32, #tpu.memory_space<vmem>>[vector<16xi32>], vector<16xf32>,
      %get3A_545 = arith.index_cast %mul3A_541 : i32 to index
      %get3A_546 = tpu.vector_load %arg11[%get3A_545] {strides = array<i32>} : memref<12288xi32, #tpu.memory_space<vmem>>, vector<16xi32>,
      %get3A_547 = arith.index_cast %mul3A_541 : i32 to index
      %get3A_548 = tpu.vector_load %arg10[%get3A_547] {strides = array<i32>} : memref<12288xf32, #tpu.memory_space<vmem>>, vector<16xf32>,
      %mul3A_549 = arith.mulf %get3A_548, %gather3A_544 : vector<16xf32>
      %mul3A_550 = arith.constant 16 : i32
      %mul3A_551 = arith.muli %add3A_435, %mul3A_550 : i32
      %get3A_552 = arith.index_cast %mul3A_551 : i32 to index
      %get3A_553 = tpu.vector_load %arg12[%get3A_552] {strides = array<i32>} : memref<12288xi32, #tpu.memory_space<vmem>>, vector<16xi32>,
      %gather3A_554 = tpu.vector_load_idx %arg8[%get3A_553] : memref<16384xf32, #tpu.memory_space<vmem>>[vector<16xi32>], vector<16xf32>,
      %get3A_555 = arith.index_cast %mul3A_551 : i32 to index
      %get3A_556 = tpu.vector_load %arg11[%get3A_555] {strides = array<i32>} : memref<12288xi32, #tpu.memory_space<vmem>>, vector<16xi32>,
      %get3A_557 = arith.index_cast %mul3A_551 : i32 to index
      %get3A_558 = tpu.vector_load %arg10[%get3A_557] {strides = array<i32>} : memref<12288xf32, #tpu.memory_space<vmem>>, vector<16xf32>,
      %mul3A_559 = arith.mulf %get3A_558, %gather3A_554 : vector<16xf32>
      %mul3A_560 = arith.constant 16 : i32
      %mul3A_561 = arith.muli %add3A_439, %mul3A_560 : i32
      %get3A_562 = arith.index_cast %mul3A_561 : i32 to index
      %get3A_563 = tpu.vector_load %arg12[%get3A_562] {strides = array<i32>} : memref<12288xi32, #tpu.memory_space<vmem>>, vector<16xi32>,
      %gather3A_564 = tpu.vector_load_idx %arg8[%get3A_563] : memref<16384xf32, #tpu.memory_space<vmem>>[vector<16xi32>], vector<16xf32>,
      %get3A_565 = arith.index_cast %mul3A_561 : i32 to index
      %get3A_566 = tpu.vector_load %arg11[%get3A_565] {strides = array<i32>} : memref<12288xi32, #tpu.memory_space<vmem>>, vector<16xi32>,
      %get3A_567 = arith.index_cast %mul3A_561 : i32 to index
      %get3A_568 = tpu.vector_load %arg10[%get3A_567] {strides = array<i32>} : memref<12288xf32, #tpu.memory_space<vmem>>, vector<16xf32>,
      %mul3A_569 = arith.mulf %get3A_568, %gather3A_564 : vector<16xf32>
      %mul3A_570 = arith.constant 16 : i32
      %mul3A_571 = arith.muli %add3A_443, %mul3A_570 : i32
      %get3A_572 = arith.index_cast %mul3A_571 : i32 to index
      %get3A_573 = tpu.vector_load %arg12[%get3A_572] {strides = array<i32>} : memref<12288xi32, #tpu.memory_space<vmem>>, vector<16xi32>,
      %gather3A_574 = tpu.vector_load_idx %arg8[%get3A_573] : memref<16384xf32, #tpu.memory_space<vmem>>[vector<16xi32>], vector<16xf32>,
      %get3A_575 = arith.index_cast %mul3A_571 : i32 to index
      %get3A_576 = tpu.vector_load %arg11[%get3A_575] {strides = array<i32>} : memref<12288xi32, #tpu.memory_space<vmem>>, vector<16xi32>,
      %get3A_577 = arith.index_cast %mul3A_571 : i32 to index
      %get3A_578 = tpu.vector_load %arg10[%get3A_577] {strides = array<i32>} : memref<12288xf32, #tpu.memory_space<vmem>>, vector<16xf32>,
      %mul3A_579 = arith.mulf %get3A_578, %gather3A_574 : vector<16xf32>
      %mul3A_580 = arith.constant 16 : i32
      %mul3A_581 = arith.muli %add3A_447, %mul3A_580 : i32
      %get3A_582 = arith.index_cast %mul3A_581 : i32 to index
      %get3A_583 = tpu.vector_load %arg12[%get3A_582] {strides = array<i32>} : memref<12288xi32, #tpu.memory_space<vmem>>, vector<16xi32>,
      %gather3A_584 = tpu.vector_load_idx %arg8[%get3A_583] : memref<16384xf32, #tpu.memory_space<vmem>>[vector<16xi32>], vector<16xf32>,
      %get3A_585 = arith.index_cast %mul3A_581 : i32 to index
      %get3A_586 = tpu.vector_load %arg11[%get3A_585] {strides = array<i32>} : memref<12288xi32, #tpu.memory_space<vmem>>, vector<16xi32>,
      %get3A_587 = arith.index_cast %mul3A_581 : i32 to index
      %get3A_588 = tpu.vector_load %arg10[%get3A_587] {strides = array<i32>} : memref<12288xf32, #tpu.memory_space<vmem>>, vector<16xf32>,
      %mul3A_589 = arith.mulf %get3A_588, %gather3A_584 : vector<16xf32>
      %mul3A_590 = arith.constant 16 : i32
      %mul3A_591 = arith.muli %add3A_451, %mul3A_590 : i32
      %get3A_592 = arith.index_cast %mul3A_591 : i32 to index
      %get3A_593 = tpu.vector_load %arg12[%get3A_592] {strides = array<i32>} : memref<12288xi32, #tpu.memory_space<vmem>>, vector<16xi32>,
      %gather3A_594 = tpu.vector_load_idx %arg8[%get3A_593] : memref<16384xf32, #tpu.memory_space<vmem>>[vector<16xi32>], vector<16xf32>,
      %get3A_595 = arith.index_cast %mul3A_591 : i32 to index
      %get3A_596 = tpu.vector_load %arg11[%get3A_595] {strides = array<i32>} : memref<12288xi32, #tpu.memory_space<vmem>>, vector<16xi32>,
      %get3A_597 = arith.index_cast %mul3A_591 : i32 to index
      %get3A_598 = tpu.vector_load %arg10[%get3A_597] {strides = array<i32>} : memref<12288xf32, #tpu.memory_space<vmem>>, vector<16xf32>,
      %mul3A_599 = arith.mulf %get3A_598, %gather3A_594 : vector<16xf32>
      %mul3A_600 = arith.constant 16 : i32
      %mul3A_601 = arith.muli %add3A_455, %mul3A_600 : i32
      %get3A_602 = arith.index_cast %mul3A_601 : i32 to index
      %get3A_603 = tpu.vector_load %arg12[%get3A_602] {strides = array<i32>} : memref<12288xi32, #tpu.memory_space<vmem>>, vector<16xi32>,
      %gather3A_604 = tpu.vector_load_idx %arg8[%get3A_603] : memref<16384xf32, #tpu.memory_space<vmem>>[vector<16xi32>], vector<16xf32>,
      %get3A_605 = arith.index_cast %mul3A_601 : i32 to index
      %get3A_606 = tpu.vector_load %arg11[%get3A_605] {strides = array<i32>} : memref<12288xi32, #tpu.memory_space<vmem>>, vector<16xi32>,
      %get3A_607 = arith.index_cast %mul3A_601 : i32 to index
      %get3A_608 = tpu.vector_load %arg10[%get3A_607] {strides = array<i32>} : memref<12288xf32, #tpu.memory_space<vmem>>, vector<16xf32>,
      %mul3A_609 = arith.mulf %get3A_608, %gather3A_604 : vector<16xf32>
      %mul3A_610 = arith.constant 16 : i32
      %mul3A_611 = arith.muli %add3A_459, %mul3A_610 : i32
      %get3A_612 = arith.index_cast %mul3A_611 : i32 to index
      %get3A_613 = tpu.vector_load %arg12[%get3A_612] {strides = array<i32>} : memref<12288xi32, #tpu.memory_space<vmem>>, vector<16xi32>,
      %gather3A_614 = tpu.vector_load_idx %arg8[%get3A_613] : memref<16384xf32, #tpu.memory_space<vmem>>[vector<16xi32>], vector<16xf32>,
      %get3A_615 = arith.index_cast %mul3A_611 : i32 to index
      %get3A_616 = tpu.vector_load %arg11[%get3A_615] {strides = array<i32>} : memref<12288xi32, #tpu.memory_space<vmem>>, vector<16xi32>,
      %get3A_617 = arith.index_cast %mul3A_611 : i32 to index
      %get3A_618 = tpu.vector_load %arg10[%get3A_617] {strides = array<i32>} : memref<12288xf32, #tpu.memory_space<vmem>>, vector<16xf32>,
      %mul3A_619 = arith.mulf %get3A_618, %gather3A_614 : vector<16xf32>
      tpu.vector_store_idx %arg9[%get3A_466], %mul3A_469 {add = true} : memref<16384xf32, #tpu.memory_space<vmem>>[vector<16xi32>], vector<16xf32>,
      tpu.vector_store_idx %arg9[%get3A_476], %mul3A_479 {add = true} : memref<16384xf32, #tpu.memory_space<vmem>>[vector<16xi32>], vector<16xf32>,
      tpu.vector_store_idx %arg9[%get3A_486], %mul3A_489 {add = true} : memref<16384xf32, #tpu.memory_space<vmem>>[vector<16xi32>], vector<16xf32>,
      tpu.vector_store_idx %arg9[%get3A_496], %mul3A_499 {add = true} : memref<16384xf32, #tpu.memory_space<vmem>>[vector<16xi32>], vector<16xf32>,
      tpu.vector_store_idx %arg9[%get3A_506], %mul3A_509 {add = true} : memref<16384xf32, #tpu.memory_space<vmem>>[vector<16xi32>], vector<16xf32>,
      tpu.vector_store_idx %arg9[%get3A_516], %mul3A_519 {add = true} : memref<16384xf32, #tpu.memory_space<vmem>>[vector<16xi32>], vector<16xf32>,
      tpu.vector_store_idx %arg9[%get3A_526], %mul3A_529 {add = true} : memref<16384xf32, #tpu.memory_space<vmem>>[vector<16xi32>], vector<16xf32>,
      tpu.vector_store_idx %arg9[%get3A_536], %mul3A_539 {add = true} : memref<16384xf32, #tpu.memory_space<vmem>>[vector<16xi32>], vector<16xf32>,
      tpu.vector_store_idx %arg9[%get3A_546], %mul3A_549 {add = true} : memref<16384xf32, #tpu.memory_space<vmem>>[vector<16xi32>], vector<16xf32>,
      tpu.vector_store_idx %arg9[%get3A_556], %mul3A_559 {add = true} : memref<16384xf32, #tpu.memory_space<vmem>>[vector<16xi32>], vector<16xf32>,
      tpu.vector_store_idx %arg9[%get3A_566], %mul3A_569 {add = true} : memref<16384xf32, #tpu.memory_space<vmem>>[vector<16xi32>], vector<16xf32>,
      tpu.vector_store_idx %arg9[%get3A_576], %mul3A_579 {add = true} : memref<16384xf32, #tpu.memory_space<vmem>>[vector<16xi32>], vector<16xf32>,
      tpu.vector_store_idx %arg9[%get3A_586], %mul3A_589 {add = true} : memref<16384xf32, #tpu.memory_space<vmem>>[vector<16xi32>], vector<16xf32>,
      tpu.vector_store_idx %arg9[%get3A_596], %mul3A_599 {add = true} : memref<16384xf32, #tpu.memory_space<vmem>>[vector<16xi32>], vector<16xf32>,
      tpu.vector_store_idx %arg9[%get3A_606], %mul3A_609 {add = true} : memref<16384xf32, #tpu.memory_space<vmem>>[vector<16xi32>], vector<16xf32>,
      tpu.vector_store_idx %arg9[%get3A_616], %mul3A_619 {add = true} : memref<16384xf32, #tpu.memory_space<vmem>>[vector<16xi32>], vector<16xf32>,
    }
    %scan3A_70 = arith.constant 48 : i32
    %add3A_71 = arith.constant 24576 : i32
    %add3A_72 = arith.addi %mul3A_2, %add3A_71 : i32
    %dma_start3A_73 = arith.constant 0 : i32
    %dma_start3A_74 = tpu.memref_slice %arg10[%dma_start3A_73] : memref<12288xf32, #tpu.memory_space<vmem>> -> memref<12288xf32, #tpu.memory_space<vmem>>
    %dma_start3A_75 = tpu.memref_slice %arg2[%add3A_72] : memref<2684354xf32, #tpu.memory_space<hbm>> -> memref<12288xf32, #tpu.memory_space<hbm>>
    %dma_start3A_76 = arith.constant 0 : i32
    %dma_start3A_77 = tpu.memref_slice %arg10[%dma_start3A_76] : memref<12288xf32, #tpu.memory_space<vmem>> -> memref<12288xf32, #tpu.memory_space<vmem>>
    %dma_start3A_78 = tpu.memref_slice %arg2[%add3A_72] : memref<2684354xf32, #tpu.memory_space<hbm>> -> memref<12288xf32, #tpu.memory_space<hbm>>
    tpu.enqueue_dma source(%dma_start3A_78 : memref<12288xf32, #tpu.memory_space<hbm>>) target(%dma_start3A_77 : memref<12288xf32, #tpu.memory_space<vmem>>) target_semaphore(%arg17 : memref<!tpu.dma_semaphore, #tpu.memory_space<semaphore_mem>>)
    %dma_start3A_79 = arith.constant 0 : i32
    %dma_start3A_80 = tpu.memref_slice %arg11[%dma_start3A_79] : memref<12288xi32, #tpu.memory_space<vmem>> -> memref<12288xi32, #tpu.memory_space<vmem>>
    %dma_start3A_81 = tpu.memref_slice %arg3[%add3A_72] : memref<2684354xi32, #tpu.memory_space<hbm>> -> memref<12288xi32, #tpu.memory_space<hbm>>
    %dma_start3A_82 = arith.constant 0 : i32
    %dma_start3A_83 = tpu.memref_slice %arg11[%dma_start3A_82] : memref<12288xi32, #tpu.memory_space<vmem>> -> memref<12288xi32, #tpu.memory_space<vmem>>
    %dma_start3A_84 = tpu.memref_slice %arg3[%add3A_72] : memref<2684354xi32, #tpu.memory_space<hbm>> -> memref<12288xi32, #tpu.memory_space<hbm>>
    tpu.enqueue_dma source(%dma_start3A_84 : memref<12288xi32, #tpu.memory_space<hbm>>) target(%dma_start3A_83 : memref<12288xi32, #tpu.memory_space<vmem>>) target_semaphore(%arg17 : memref<!tpu.dma_semaphore, #tpu.memory_space<semaphore_mem>>)
    %dma_start3A_85 = arith.constant 0 : i32
    %dma_start3A_86 = tpu.memref_slice %arg12[%dma_start3A_85] : memref<12288xi32, #tpu.memory_space<vmem>> -> memref<12288xi32, #tpu.memory_space<vmem>>
    %dma_start3A_87 = tpu.memref_slice %arg4[%add3A_72] : memref<2684354xi32, #tpu.memory_space<hbm>> -> memref<12288xi32, #tpu.memory_space<hbm>>
    %dma_start3A_88 = arith.constant 0 : i32
    %dma_start3A_89 = tpu.memref_slice %arg12[%dma_start3A_88] : memref<12288xi32, #tpu.memory_space<vmem>> -> memref<12288xi32, #tpu.memory_space<vmem>>
    %dma_start3A_90 = tpu.memref_slice %arg4[%add3A_72] : memref<2684354xi32, #tpu.memory_space<hbm>> -> memref<12288xi32, #tpu.memory_space<hbm>>
    tpu.enqueue_dma source(%dma_start3A_90 : memref<12288xi32, #tpu.memory_space<hbm>>) target(%dma_start3A_89 : memref<12288xi32, #tpu.memory_space<vmem>>) target_semaphore(%arg17 : memref<!tpu.dma_semaphore, #tpu.memory_space<semaphore_mem>>)
    %dma_wait3A_91 = arith.constant 0 : i32
    %dma_wait3A_92 = tpu.memref_slice %arg13[%dma_wait3A_91] : memref<12288xf32, #tpu.memory_space<vmem>> -> memref<12288xf32, #tpu.memory_space<vmem>>
    %dma_wait3A_93 = tpu.memref_slice %arg2[%add3A_23] : memref<2684354xf32, #tpu.memory_space<hbm>> -> memref<12288xf32, #tpu.memory_space<hbm>>
    %dma_wait3A_94 = arith.constant 0 : i32
    %dma_wait3A_95 = tpu.memref_slice %arg13[%dma_wait3A_94] : memref<12288xf32, #tpu.memory_space<vmem>> -> memref<12288xf32, #tpu.memory_space<vmem>>
    %dma_wait3A_96 = tpu.memref_slice %arg2[%add3A_23] : memref<2684354xf32, #tpu.memory_space<hbm>> -> memref<12288xf32, #tpu.memory_space<hbm>>
    tpu.wait_dma2 semaphore(%arg18 : memref<!tpu.dma_semaphore, #tpu.memory_space<semaphore_mem>>) src(%dma_wait3A_96 : memref<12288xf32, #tpu.memory_space<hbm>>) dst(%dma_wait3A_95 : memref<12288xf32, #tpu.memory_space<vmem>>)
    %dma_wait3A_97 = arith.constant 0 : i32
    %dma_wait3A_98 = tpu.memref_slice %arg14[%dma_wait3A_97] : memref<12288xi32, #tpu.memory_space<vmem>> -> memref<12288xi32, #tpu.memory_space<vmem>>
    %dma_wait3A_99 = tpu.memref_slice %arg3[%add3A_23] : memref<2684354xi32, #tpu.memory_space<hbm>> -> memref<12288xi32, #tpu.memory_space<hbm>>
    %dma_wait3A_100 = arith.constant 0 : i32
    %dma_wait3A_101 = tpu.memref_slice %arg14[%dma_wait3A_100] : memref<12288xi32, #tpu.memory_space<vmem>> -> memref<12288xi32, #tpu.memory_space<vmem>>
    %dma_wait3A_102 = tpu.memref_slice %arg3[%add3A_23] : memref<2684354xi32, #tpu.memory_space<hbm>> -> memref<12288xi32, #tpu.memory_space<hbm>>
    tpu.wait_dma2 semaphore(%arg18 : memref<!tpu.dma_semaphore, #tpu.memory_space<semaphore_mem>>) src(%dma_wait3A_102 : memref<12288xi32, #tpu.memory_space<hbm>>) dst(%dma_wait3A_101 : memref<12288xi32, #tpu.memory_space<vmem>>)
    %dma_wait3A_103 = arith.constant 0 : i32
    %dma_wait3A_104 = tpu.memref_slice %arg15[%dma_wait3A_103] : memref<12288xi32, #tpu.memory_space<vmem>> -> memref<12288xi32, #tpu.memory_space<vmem>>
    %dma_wait3A_105 = tpu.memref_slice %arg4[%add3A_23] : memref<2684354xi32, #tpu.memory_space<hbm>> -> memref<12288xi32, #tpu.memory_space<hbm>>
    %dma_wait3A_106 = arith.constant 0 : i32
    %dma_wait3A_107 = tpu.memref_slice %arg15[%dma_wait3A_106] : memref<12288xi32, #tpu.memory_space<vmem>> -> memref<12288xi32, #tpu.memory_space<vmem>>
    %dma_wait3A_108 = tpu.memref_slice %arg4[%add3A_23] : memref<2684354xi32, #tpu.memory_space<hbm>> -> memref<12288xi32, #tpu.memory_space<hbm>>
    tpu.wait_dma2 semaphore(%arg18 : memref<!tpu.dma_semaphore, #tpu.memory_space<semaphore_mem>>) src(%dma_wait3A_108 : memref<12288xi32, #tpu.memory_space<hbm>>) dst(%dma_wait3A_107 : memref<12288xi32, #tpu.memory_space<vmem>>)
    %scan3A_109 = arith.constant 0 : i32
    %scan3A_110 = arith.constant 0 : i32
    %scan3A_111 = arith.constant 48 : i32
    %scan3A_112 = arith.addi %scan3A_110, %scan3A_111 : i32
    %scan3A_113 = arith.constant 1 : i32
    scf.for %scan3A_395 = %scan3A_110 to %scan3A_112 step %scan3A_113  : i32 {
      %mul3A_396 = arith.constant 16 : i32
      %mul3A_397 = arith.muli %scan3A_395, %mul3A_396 : i32
      %add3A_398 = arith.constant 0 : i32
      %add3A_399 = arith.addi %mul3A_397, %add3A_398 : i32
      %mul3A_400 = arith.constant 16 : i32
      %mul3A_401 = arith.muli %scan3A_395, %mul3A_400 : i32
      %add3A_402 = arith.constant 1 : i32
      %add3A_403 = arith.addi %mul3A_401, %add3A_402 : i32
      %mul3A_404 = arith.constant 16 : i32
      %mul3A_405 = arith.muli %scan3A_395, %mul3A_404 : i32
      %add3A_406 = arith.constant 2 : i32
      %add3A_407 = arith.addi %mul3A_405, %add3A_406 : i32
      %mul3A_408 = arith.constant 16 : i32
      %mul3A_409 = arith.muli %scan3A_395, %mul3A_408 : i32
      %add3A_410 = arith.constant 3 : i32
      %add3A_411 = arith.addi %mul3A_409, %add3A_410 : i32
      %mul3A_412 = arith.constant 16 : i32
      %mul3A_413 = arith.muli %scan3A_395, %mul3A_412 : i32
      %add3A_414 = arith.constant 4 : i32
      %add3A_415 = arith.addi %mul3A_413, %add3A_414 : i32
      %mul3A_416 = arith.constant 16 : i32
      %mul3A_417 = arith.muli %scan3A_395, %mul3A_416 : i32
      %add3A_418 = arith.constant 5 : i32
      %add3A_419 = arith.addi %mul3A_417, %add3A_418 : i32
      %mul3A_420 = arith.constant 16 : i32
      %mul3A_421 = arith.muli %scan3A_395, %mul3A_420 : i32
      %add3A_422 = arith.constant 6 : i32
      %add3A_423 = arith.addi %mul3A_421, %add3A_422 : i32
      %mul3A_424 = arith.constant 16 : i32
      %mul3A_425 = arith.muli %scan3A_395, %mul3A_424 : i32
      %add3A_426 = arith.constant 7 : i32
      %add3A_427 = arith.addi %mul3A_425, %add3A_426 : i32
      %mul3A_428 = arith.constant 16 : i32
      %mul3A_429 = arith.muli %scan3A_395, %mul3A_428 : i32
      %add3A_430 = arith.constant 8 : i32
      %add3A_431 = arith.addi %mul3A_429, %add3A_430 : i32
      %mul3A_432 = arith.constant 16 : i32
      %mul3A_433 = arith.muli %scan3A_395, %mul3A_432 : i32
      %add3A_434 = arith.constant 9 : i32
      %add3A_435 = arith.addi %mul3A_433, %add3A_434 : i32
      %mul3A_436 = arith.constant 16 : i32
      %mul3A_437 = arith.muli %scan3A_395, %mul3A_436 : i32
      %add3A_438 = arith.constant 10 : i32
      %add3A_439 = arith.addi %mul3A_437, %add3A_438 : i32
      %mul3A_440 = arith.constant 16 : i32
      %mul3A_441 = arith.muli %scan3A_395, %mul3A_440 : i32
      %add3A_442 = arith.constant 11 : i32
      %add3A_443 = arith.addi %mul3A_441, %add3A_442 : i32
      %mul3A_444 = arith.constant 16 : i32
      %mul3A_445 = arith.muli %scan3A_395, %mul3A_444 : i32
      %add3A_446 = arith.constant 12 : i32
      %add3A_447 = arith.addi %mul3A_445, %add3A_446 : i32
      %mul3A_448 = arith.constant 16 : i32
      %mul3A_449 = arith.muli %scan3A_395, %mul3A_448 : i32
      %add3A_450 = arith.constant 13 : i32
      %add3A_451 = arith.addi %mul3A_449, %add3A_450 : i32
      %mul3A_452 = arith.constant 16 : i32
      %mul3A_453 = arith.muli %scan3A_395, %mul3A_452 : i32
      %add3A_454 = arith.constant 14 : i32
      %add3A_455 = arith.addi %mul3A_453, %add3A_454 : i32
      %mul3A_456 = arith.constant 16 : i32
      %mul3A_457 = arith.muli %scan3A_395, %mul3A_456 : i32
      %add3A_458 = arith.constant 15 : i32
      %add3A_459 = arith.addi %mul3A_457, %add3A_458 : i32
      %mul3A_460 = arith.constant 16 : i32
      %mul3A_461 = arith.muli %add3A_399, %mul3A_460 : i32
      %get3A_462 = arith.index_cast %mul3A_461 : i32 to index
      %get3A_463 = tpu.vector_load %arg15[%get3A_462] {strides = array<i32>} : memref<12288xi32, #tpu.memory_space<vmem>>, vector<16xi32>,
      %gather3A_464 = tpu.vector_load_idx %arg8[%get3A_463] : memref<16384xf32, #tpu.memory_space<vmem>>[vector<16xi32>], vector<16xf32>,
      %get3A_465 = arith.index_cast %mul3A_461 : i32 to index
      %get3A_466 = tpu.vector_load %arg14[%get3A_465] {strides = array<i32>} : memref<12288xi32, #tpu.memory_space<vmem>>, vector<16xi32>,
      %get3A_467 = arith.index_cast %mul3A_461 : i32 to index
      %get3A_468 = tpu.vector_load %arg13[%get3A_467] {strides = array<i32>} : memref<12288xf32, #tpu.memory_space<vmem>>, vector<16xf32>,
      %mul3A_469 = arith.mulf %get3A_468, %gather3A_464 : vector<16xf32>
      %mul3A_470 = arith.constant 16 : i32
      %mul3A_471 = arith.muli %add3A_403, %mul3A_470 : i32
      %get3A_472 = arith.index_cast %mul3A_471 : i32 to index
      %get3A_473 = tpu.vector_load %arg15[%get3A_472] {strides = array<i32>} : memref<12288xi32, #tpu.memory_space<vmem>>, vector<16xi32>,
      %gather3A_474 = tpu.vector_load_idx %arg8[%get3A_473] : memref<16384xf32, #tpu.memory_space<vmem>>[vector<16xi32>], vector<16xf32>,
      %get3A_475 = arith.index_cast %mul3A_471 : i32 to index
      %get3A_476 = tpu.vector_load %arg14[%get3A_475] {strides = array<i32>} : memref<12288xi32, #tpu.memory_space<vmem>>, vector<16xi32>,
      %get3A_477 = arith.index_cast %mul3A_471 : i32 to index
      %get3A_478 = tpu.vector_load %arg13[%get3A_477] {strides = array<i32>} : memref<12288xf32, #tpu.memory_space<vmem>>, vector<16xf32>,
      %mul3A_479 = arith.mulf %get3A_478, %gather3A_474 : vector<16xf32>
      %mul3A_480 = arith.constant 16 : i32
      %mul3A_481 = arith.muli %add3A_407, %mul3A_480 : i32
      %get3A_482 = arith.index_cast %mul3A_481 : i32 to index
      %get3A_483 = tpu.vector_load %arg15[%get3A_482] {strides = array<i32>} : memref<12288xi32, #tpu.memory_space<vmem>>, vector<16xi32>,
      %gather3A_484 = tpu.vector_load_idx %arg8[%get3A_483] : memref<16384xf32, #tpu.memory_space<vmem>>[vector<16xi32>], vector<16xf32>,
      %get3A_485 = arith.index_cast %mul3A_481 : i32 to index
      %get3A_486 = tpu.vector_load %arg14[%get3A_485] {strides = array<i32>} : memref<12288xi32, #tpu.memory_space<vmem>>, vector<16xi32>,
      %get3A_487 = arith.index_cast %mul3A_481 : i32 to index
      %get3A_488 = tpu.vector_load %arg13[%get3A_487] {strides = array<i32>} : memref<12288xf32, #tpu.memory_space<vmem>>, vector<16xf32>,
      %mul3A_489 = arith.mulf %get3A_488, %gather3A_484 : vector<16xf32>
      %mul3A_490 = arith.constant 16 : i32
      %mul3A_491 = arith.muli %add3A_411, %mul3A_490 : i32
      %get3A_492 = arith.index_cast %mul3A_491 : i32 to index
      %get3A_493 = tpu.vector_load %arg15[%get3A_492] {strides = array<i32>} : memref<12288xi32, #tpu.memory_space<vmem>>, vector<16xi32>,
      %gather3A_494 = tpu.vector_load_idx %arg8[%get3A_493] : memref<16384xf32, #tpu.memory_space<vmem>>[vector<16xi32>], vector<16xf32>,
      %get3A_495 = arith.index_cast %mul3A_491 : i32 to index
      %get3A_496 = tpu.vector_load %arg14[%get3A_495] {strides = array<i32>} : memref<12288xi32, #tpu.memory_space<vmem>>, vector<16xi32>,
      %get3A_497 = arith.index_cast %mul3A_491 : i32 to index
      %get3A_498 = tpu.vector_load %arg13[%get3A_497] {strides = array<i32>} : memref<12288xf32, #tpu.memory_space<vmem>>, vector<16xf32>,
      %mul3A_499 = arith.mulf %get3A_498, %gather3A_494 : vector<16xf32>
      %mul3A_500 = arith.constant 16 : i32
      %mul3A_501 = arith.muli %add3A_415, %mul3A_500 : i32
      %get3A_502 = arith.index_cast %mul3A_501 : i32 to index
      %get3A_503 = tpu.vector_load %arg15[%get3A_502] {strides = array<i32>} : memref<12288xi32, #tpu.memory_space<vmem>>, vector<16xi32>,
      %gather3A_504 = tpu.vector_load_idx %arg8[%get3A_503] : memref<16384xf32, #tpu.memory_space<vmem>>[vector<16xi32>], vector<16xf32>,
      %get3A_505 = arith.index_cast %mul3A_501 : i32 to index
      %get3A_506 = tpu.vector_load %arg14[%get3A_505] {strides = array<i32>} : memref<12288xi32, #tpu.memory_space<vmem>>, vector<16xi32>,
      %get3A_507 = arith.index_cast %mul3A_501 : i32 to index
      %get3A_508 = tpu.vector_load %arg13[%get3A_507] {strides = array<i32>} : memref<12288xf32, #tpu.memory_space<vmem>>, vector<16xf32>,
      %mul3A_509 = arith.mulf %get3A_508, %gather3A_504 : vector<16xf32>
      %mul3A_510 = arith.constant 16 : i32
      %mul3A_511 = arith.muli %add3A_419, %mul3A_510 : i32
      %get3A_512 = arith.index_cast %mul3A_511 : i32 to index
      %get3A_513 = tpu.vector_load %arg15[%get3A_512] {strides = array<i32>} : memref<12288xi32, #tpu.memory_space<vmem>>, vector<16xi32>,
      %gather3A_514 = tpu.vector_load_idx %arg8[%get3A_513] : memref<16384xf32, #tpu.memory_space<vmem>>[vector<16xi32>], vector<16xf32>,
      %get3A_515 = arith.index_cast %mul3A_511 : i32 to index
      %get3A_516 = tpu.vector_load %arg14[%get3A_515] {strides = array<i32>} : memref<12288xi32, #tpu.memory_space<vmem>>, vector<16xi32>,
      %get3A_517 = arith.index_cast %mul3A_511 : i32 to index
      %get3A_518 = tpu.vector_load %arg13[%get3A_517] {strides = array<i32>} : memref<12288xf32, #tpu.memory_space<vmem>>, vector<16xf32>,
      %mul3A_519 = arith.mulf %get3A_518, %gather3A_514 : vector<16xf32>
      %mul3A_520 = arith.constant 16 : i32
      %mul3A_521 = arith.muli %add3A_423, %mul3A_520 : i32
      %get3A_522 = arith.index_cast %mul3A_521 : i32 to index
      %get3A_523 = tpu.vector_load %arg15[%get3A_522] {strides = array<i32>} : memref<12288xi32, #tpu.memory_space<vmem>>, vector<16xi32>,
      %gather3A_524 = tpu.vector_load_idx %arg8[%get3A_523] : memref<16384xf32, #tpu.memory_space<vmem>>[vector<16xi32>], vector<16xf32>,
      %get3A_525 = arith.index_cast %mul3A_521 : i32 to index
      %get3A_526 = tpu.vector_load %arg14[%get3A_525] {strides = array<i32>} : memref<12288xi32, #tpu.memory_space<vmem>>, vector<16xi32>,
      %get3A_527 = arith.index_cast %mul3A_521 : i32 to index
      %get3A_528 = tpu.vector_load %arg13[%get3A_527] {strides = array<i32>} : memref<12288xf32, #tpu.memory_space<vmem>>, vector<16xf32>,
      %mul3A_529 = arith.mulf %get3A_528, %gather3A_524 : vector<16xf32>
      %mul3A_530 = arith.constant 16 : i32
      %mul3A_531 = arith.muli %add3A_427, %mul3A_530 : i32
      %get3A_532 = arith.index_cast %mul3A_531 : i32 to index
      %get3A_533 = tpu.vector_load %arg15[%get3A_532] {strides = array<i32>} : memref<12288xi32, #tpu.memory_space<vmem>>, vector<16xi32>,
      %gather3A_534 = tpu.vector_load_idx %arg8[%get3A_533] : memref<16384xf32, #tpu.memory_space<vmem>>[vector<16xi32>], vector<16xf32>,
      %get3A_535 = arith.index_cast %mul3A_531 : i32 to index
      %get3A_536 = tpu.vector_load %arg14[%get3A_535] {strides = array<i32>} : memref<12288xi32, #tpu.memory_space<vmem>>, vector<16xi32>,
      %get3A_537 = arith.index_cast %mul3A_531 : i32 to index
      %get3A_538 = tpu.vector_load %arg13[%get3A_537] {strides = array<i32>} : memref<12288xf32, #tpu.memory_space<vmem>>, vector<16xf32>,
      %mul3A_539 = arith.mulf %get3A_538, %gather3A_534 : vector<16xf32>
      %mul3A_540 = arith.constant 16 : i32
      %mul3A_541 = arith.muli %add3A_431, %mul3A_540 : i32
      %get3A_542 = arith.index_cast %mul3A_541 : i32 to index
      %get3A_543 = tpu.vector_load %arg15[%get3A_542] {strides = array<i32>} : memref<12288xi32, #tpu.memory_space<vmem>>, vector<16xi32>,
      %gather3A_544 = tpu.vector_load_idx %arg8[%get3A_543] : memref<16384xf32, #tpu.memory_space<vmem>>[vector<16xi32>], vector<16xf32>,
      %get3A_545 = arith.index_cast %mul3A_541 : i32 to index
      %get3A_546 = tpu.vector_load %arg14[%get3A_545] {strides = array<i32>} : memref<12288xi32, #tpu.memory_space<vmem>>, vector<16xi32>,
      %get3A_547 = arith.index_cast %mul3A_541 : i32 to index
      %get3A_548 = tpu.vector_load %arg13[%get3A_547] {strides = array<i32>} : memref<12288xf32, #tpu.memory_space<vmem>>, vector<16xf32>,
      %mul3A_549 = arith.mulf %get3A_548, %gather3A_544 : vector<16xf32>
      %mul3A_550 = arith.constant 16 : i32
      %mul3A_551 = arith.muli %add3A_435, %mul3A_550 : i32
      %get3A_552 = arith.index_cast %mul3A_551 : i32 to index
      %get3A_553 = tpu.vector_load %arg15[%get3A_552] {strides = array<i32>} : memref<12288xi32, #tpu.memory_space<vmem>>, vector<16xi32>,
      %gather3A_554 = tpu.vector_load_idx %arg8[%get3A_553] : memref<16384xf32, #tpu.memory_space<vmem>>[vector<16xi32>], vector<16xf32>,
      %get3A_555 = arith.index_cast %mul3A_551 : i32 to index
      %get3A_556 = tpu.vector_load %arg14[%get3A_555] {strides = array<i32>} : memref<12288xi32, #tpu.memory_space<vmem>>, vector<16xi32>,
      %get3A_557 = arith.index_cast %mul3A_551 : i32 to index
      %get3A_558 = tpu.vector_load %arg13[%get3A_557] {strides = array<i32>} : memref<12288xf32, #tpu.memory_space<vmem>>, vector<16xf32>,
      %mul3A_559 = arith.mulf %get3A_558, %gather3A_554 : vector<16xf32>
      %mul3A_560 = arith.constant 16 : i32
      %mul3A_561 = arith.muli %add3A_439, %mul3A_560 : i32
      %get3A_562 = arith.index_cast %mul3A_561 : i32 to index
      %get3A_563 = tpu.vector_load %arg15[%get3A_562] {strides = array<i32>} : memref<12288xi32, #tpu.memory_space<vmem>>, vector<16xi32>,
      %gather3A_564 = tpu.vector_load_idx %arg8[%get3A_563] : memref<16384xf32, #tpu.memory_space<vmem>>[vector<16xi32>], vector<16xf32>,
      %get3A_565 = arith.index_cast %mul3A_561 : i32 to index
      %get3A_566 = tpu.vector_load %arg14[%get3A_565] {strides = array<i32>} : memref<12288xi32, #tpu.memory_space<vmem>>, vector<16xi32>,
      %get3A_567 = arith.index_cast %mul3A_561 : i32 to index
      %get3A_568 = tpu.vector_load %arg13[%get3A_567] {strides = array<i32>} : memref<12288xf32, #tpu.memory_space<vmem>>, vector<16xf32>,
      %mul3A_569 = arith.mulf %get3A_568, %gather3A_564 : vector<16xf32>
      %mul3A_570 = arith.constant 16 : i32
      %mul3A_571 = arith.muli %add3A_443, %mul3A_570 : i32
      %get3A_572 = arith.index_cast %mul3A_571 : i32 to index
      %get3A_573 = tpu.vector_load %arg15[%get3A_572] {strides = array<i32>} : memref<12288xi32, #tpu.memory_space<vmem>>, vector<16xi32>,
      %gather3A_574 = tpu.vector_load_idx %arg8[%get3A_573] : memref<16384xf32, #tpu.memory_space<vmem>>[vector<16xi32>], vector<16xf32>,
      %get3A_575 = arith.index_cast %mul3A_571 : i32 to index
      %get3A_576 = tpu.vector_load %arg14[%get3A_575] {strides = array<i32>} : memref<12288xi32, #tpu.memory_space<vmem>>, vector<16xi32>,
      %get3A_577 = arith.index_cast %mul3A_571 : i32 to index
      %get3A_578 = tpu.vector_load %arg13[%get3A_577] {strides = array<i32>} : memref<12288xf32, #tpu.memory_space<vmem>>, vector<16xf32>,
      %mul3A_579 = arith.mulf %get3A_578, %gather3A_574 : vector<16xf32>
      %mul3A_580 = arith.constant 16 : i32
      %mul3A_581 = arith.muli %add3A_447, %mul3A_580 : i32
      %get3A_582 = arith.index_cast %mul3A_581 : i32 to index
      %get3A_583 = tpu.vector_load %arg15[%get3A_582] {strides = array<i32>} : memref<12288xi32, #tpu.memory_space<vmem>>, vector<16xi32>,
      %gather3A_584 = tpu.vector_load_idx %arg8[%get3A_583] : memref<16384xf32, #tpu.memory_space<vmem>>[vector<16xi32>], vector<16xf32>,
      %get3A_585 = arith.index_cast %mul3A_581 : i32 to index
      %get3A_586 = tpu.vector_load %arg14[%get3A_585] {strides = array<i32>} : memref<12288xi32, #tpu.memory_space<vmem>>, vector<16xi32>,
      %get3A_587 = arith.index_cast %mul3A_581 : i32 to index
      %get3A_588 = tpu.vector_load %arg13[%get3A_587] {strides = array<i32>} : memref<12288xf32, #tpu.memory_space<vmem>>, vector<16xf32>,
      %mul3A_589 = arith.mulf %get3A_588, %gather3A_584 : vector<16xf32>
      %mul3A_590 = arith.constant 16 : i32
      %mul3A_591 = arith.muli %add3A_451, %mul3A_590 : i32
      %get3A_592 = arith.index_cast %mul3A_591 : i32 to index
      %get3A_593 = tpu.vector_load %arg15[%get3A_592] {strides = array<i32>} : memref<12288xi32, #tpu.memory_space<vmem>>, vector<16xi32>,
      %gather3A_594 = tpu.vector_load_idx %arg8[%get3A_593] : memref<16384xf32, #tpu.memory_space<vmem>>[vector<16xi32>], vector<16xf32>,
      %get3A_595 = arith.index_cast %mul3A_591 : i32 to index
      %get3A_596 = tpu.vector_load %arg14[%get3A_595] {strides = array<i32>} : memref<12288xi32, #tpu.memory_space<vmem>>, vector<16xi32>,
      %get3A_597 = arith.index_cast %mul3A_591 : i32 to index
      %get3A_598 = tpu.vector_load %arg13[%get3A_597] {strides = array<i32>} : memref<12288xf32, #tpu.memory_space<vmem>>, vector<16xf32>,
      %mul3A_599 = arith.mulf %get3A_598, %gather3A_594 : vector<16xf32>
      %mul3A_600 = arith.constant 16 : i32
      %mul3A_601 = arith.muli %add3A_455, %mul3A_600 : i32
      %get3A_602 = arith.index_cast %mul3A_601 : i32 to index
      %get3A_603 = tpu.vector_load %arg15[%get3A_602] {strides = array<i32>} : memref<12288xi32, #tpu.memory_space<vmem>>, vector<16xi32>,
      %gather3A_604 = tpu.vector_load_idx %arg8[%get3A_603] : memref<16384xf32, #tpu.memory_space<vmem>>[vector<16xi32>], vector<16xf32>,
      %get3A_605 = arith.index_cast %mul3A_601 : i32 to index
      %get3A_606 = tpu.vector_load %arg14[%get3A_605] {strides = array<i32>} : memref<12288xi32, #tpu.memory_space<vmem>>, vector<16xi32>,
      %get3A_607 = arith.index_cast %mul3A_601 : i32 to index
      %get3A_608 = tpu.vector_load %arg13[%get3A_607] {strides = array<i32>} : memref<12288xf32, #tpu.memory_space<vmem>>, vector<16xf32>,
      %mul3A_609 = arith.mulf %get3A_608, %gather3A_604 : vector<16xf32>
      %mul3A_610 = arith.constant 16 : i32
      %mul3A_611 = arith.muli %add3A_459, %mul3A_610 : i32
      %get3A_612 = arith.index_cast %mul3A_611 : i32 to index
      %get3A_613 = tpu.vector_load %arg15[%get3A_612] {strides = array<i32>} : memref<12288xi32, #tpu.memory_space<vmem>>, vector<16xi32>,
      %gather3A_614 = tpu.vector_load_idx %arg8[%get3A_613] : memref<16384xf32, #tpu.memory_space<vmem>>[vector<16xi32>], vector<16xf32>,
      %get3A_615 = arith.index_cast %mul3A_611 : i32 to index
      %get3A_616 = tpu.vector_load %arg14[%get3A_615] {strides = array<i32>} : memref<12288xi32, #tpu.memory_space<vmem>>, vector<16xi32>,
      %get3A_617 = arith.index_cast %mul3A_611 : i32 to index
      %get3A_618 = tpu.vector_load %arg13[%get3A_617] {strides = array<i32>} : memref<12288xf32, #tpu.memory_space<vmem>>, vector<16xf32>,
      %mul3A_619 = arith.mulf %get3A_618, %gather3A_614 : vector<16xf32>
      tpu.vector_store_idx %arg9[%get3A_466], %mul3A_469 {add = true} : memref<16384xf32, #tpu.memory_space<vmem>>[vector<16xi32>], vector<16xf32>,
      tpu.vector_store_idx %arg9[%get3A_476], %mul3A_479 {add = true} : memref<16384xf32, #tpu.memory_space<vmem>>[vector<16xi32>], vector<16xf32>,
      tpu.vector_store_idx %arg9[%get3A_486], %mul3A_489 {add = true} : memref<16384xf32, #tpu.memory_space<vmem>>[vector<16xi32>], vector<16xf32>,
      tpu.vector_store_idx %arg9[%get3A_496], %mul3A_499 {add = true} : memref<16384xf32, #tpu.memory_space<vmem>>[vector<16xi32>], vector<16xf32>,
      tpu.vector_store_idx %arg9[%get3A_506], %mul3A_509 {add = true} : memref<16384xf32, #tpu.memory_space<vmem>>[vector<16xi32>], vector<16xf32>,
      tpu.vector_store_idx %arg9[%get3A_516], %mul3A_519 {add = true} : memref<16384xf32, #tpu.memory_space<vmem>>[vector<16xi32>], vector<16xf32>,
      tpu.vector_store_idx %arg9[%get3A_526], %mul3A_529 {add = true} : memref<16384xf32, #tpu.memory_space<vmem>>[vector<16xi32>], vector<16xf32>,
      tpu.vector_store_idx %arg9[%get3A_536], %mul3A_539 {add = true} : memref<16384xf32, #tpu.memory_space<vmem>>[vector<16xi32>], vector<16xf32>,
      tpu.vector_store_idx %arg9[%get3A_546], %mul3A_549 {add = true} : memref<16384xf32, #tpu.memory_space<vmem>>[vector<16xi32>], vector<16xf32>,
      tpu.vector_store_idx %arg9[%get3A_556], %mul3A_559 {add = true} : memref<16384xf32, #tpu.memory_space<vmem>>[vector<16xi32>], vector<16xf32>,
      tpu.vector_store_idx %arg9[%get3A_566], %mul3A_569 {add = true} : memref<16384xf32, #tpu.memory_space<vmem>>[vector<16xi32>], vector<16xf32>,
      tpu.vector_store_idx %arg9[%get3A_576], %mul3A_579 {add = true} : memref<16384xf32, #tpu.memory_space<vmem>>[vector<16xi32>], vector<16xf32>,
      tpu.vector_store_idx %arg9[%get3A_586], %mul3A_589 {add = true} : memref<16384xf32, #tpu.memory_space<vmem>>[vector<16xi32>], vector<16xf32>,
      tpu.vector_store_idx %arg9[%get3A_596], %mul3A_599 {add = true} : memref<16384xf32, #tpu.memory_space<vmem>>[vector<16xi32>], vector<16xf32>,
      tpu.vector_store_idx %arg9[%get3A_606], %mul3A_609 {add = true} : memref<16384xf32, #tpu.memory_space<vmem>>[vector<16xi32>], vector<16xf32>,
      tpu.vector_store_idx %arg9[%get3A_616], %mul3A_619 {add = true} : memref<16384xf32, #tpu.memory_space<vmem>>[vector<16xi32>], vector<16xf32>,
    }
    %scan3A_114 = arith.constant 48 : i32
    %add3A_115 = arith.constant 36864 : i32
    %add3A_116 = arith.addi %mul3A_2, %add3A_115 : i32
    %dma_start3A_117 = arith.constant 0 : i32
    %dma_start3A_118 = tpu.memref_slice %arg13[%dma_start3A_117] : memref<12288xf32, #tpu.memory_space<vmem>> -> memref<12288xf32, #tpu.memory_space<vmem>>
    %dma_start3A_119 = tpu.memref_slice %arg2[%add3A_116] : memref<2684354xf32, #tpu.memory_space<hbm>> -> memref<12288xf32, #tpu.memory_space<hbm>>
    %dma_start3A_120 = arith.constant 0 : i32
    %dma_start3A_121 = tpu.memref_slice %arg13[%dma_start3A_120] : memref<12288xf32, #tpu.memory_space<vmem>> -> memref<12288xf32, #tpu.memory_space<vmem>>
    %dma_start3A_122 = tpu.memref_slice %arg2[%add3A_116] : memref<2684354xf32, #tpu.memory_space<hbm>> -> memref<12288xf32, #tpu.memory_space<hbm>>
    tpu.enqueue_dma source(%dma_start3A_122 : memref<12288xf32, #tpu.memory_space<hbm>>) target(%dma_start3A_121 : memref<12288xf32, #tpu.memory_space<vmem>>) target_semaphore(%arg18 : memref<!tpu.dma_semaphore, #tpu.memory_space<semaphore_mem>>)
    %dma_start3A_123 = arith.constant 0 : i32
    %dma_start3A_124 = tpu.memref_slice %arg14[%dma_start3A_123] : memref<12288xi32, #tpu.memory_space<vmem>> -> memref<12288xi32, #tpu.memory_space<vmem>>
    %dma_start3A_125 = tpu.memref_slice %arg3[%add3A_116] : memref<2684354xi32, #tpu.memory_space<hbm>> -> memref<12288xi32, #tpu.memory_space<hbm>>
    %dma_start3A_126 = arith.constant 0 : i32
    %dma_start3A_127 = tpu.memref_slice %arg14[%dma_start3A_126] : memref<12288xi32, #tpu.memory_space<vmem>> -> memref<12288xi32, #tpu.memory_space<vmem>>
    %dma_start3A_128 = tpu.memref_slice %arg3[%add3A_116] : memref<2684354xi32, #tpu.memory_space<hbm>> -> memref<12288xi32, #tpu.memory_space<hbm>>
    tpu.enqueue_dma source(%dma_start3A_128 : memref<12288xi32, #tpu.memory_space<hbm>>) target(%dma_start3A_127 : memref<12288xi32, #tpu.memory_space<vmem>>) target_semaphore(%arg18 : memref<!tpu.dma_semaphore, #tpu.memory_space<semaphore_mem>>)
    %dma_start3A_129 = arith.constant 0 : i32
    %dma_start3A_130 = tpu.memref_slice %arg15[%dma_start3A_129] : memref<12288xi32, #tpu.memory_space<vmem>> -> memref<12288xi32, #tpu.memory_space<vmem>>
    %dma_start3A_131 = tpu.memref_slice %arg4[%add3A_116] : memref<2684354xi32, #tpu.memory_space<hbm>> -> memref<12288xi32, #tpu.memory_space<hbm>>
    %dma_start3A_132 = arith.constant 0 : i32
    %dma_start3A_133 = tpu.memref_slice %arg15[%dma_start3A_132] : memref<12288xi32, #tpu.memory_space<vmem>> -> memref<12288xi32, #tpu.memory_space<vmem>>
    %dma_start3A_134 = tpu.memref_slice %arg4[%add3A_116] : memref<2684354xi32, #tpu.memory_space<hbm>> -> memref<12288xi32, #tpu.memory_space<hbm>>
    tpu.enqueue_dma source(%dma_start3A_134 : memref<12288xi32, #tpu.memory_space<hbm>>) target(%dma_start3A_133 : memref<12288xi32, #tpu.memory_space<vmem>>) target_semaphore(%arg18 : memref<!tpu.dma_semaphore, #tpu.memory_space<semaphore_mem>>)
    %dma_wait3A_135 = arith.constant 0 : i32
    %dma_wait3A_136 = tpu.memref_slice %arg10[%dma_wait3A_135] : memref<12288xf32, #tpu.memory_space<vmem>> -> memref<12288xf32, #tpu.memory_space<vmem>>
    %dma_wait3A_137 = tpu.memref_slice %arg2[%add3A_72] : memref<2684354xf32, #tpu.memory_space<hbm>> -> memref<12288xf32, #tpu.memory_space<hbm>>
    %dma_wait3A_138 = arith.constant 0 : i32
    %dma_wait3A_139 = tpu.memref_slice %arg10[%dma_wait3A_138] : memref<12288xf32, #tpu.memory_space<vmem>> -> memref<12288xf32, #tpu.memory_space<vmem>>
    %dma_wait3A_140 = tpu.memref_slice %arg2[%add3A_72] : memref<2684354xf32, #tpu.memory_space<hbm>> -> memref<12288xf32, #tpu.memory_space<hbm>>
    tpu.wait_dma2 semaphore(%arg17 : memref<!tpu.dma_semaphore, #tpu.memory_space<semaphore_mem>>) src(%dma_wait3A_140 : memref<12288xf32, #tpu.memory_space<hbm>>) dst(%dma_wait3A_139 : memref<12288xf32, #tpu.memory_space<vmem>>)
    %dma_wait3A_141 = arith.constant 0 : i32
    %dma_wait3A_142 = tpu.memref_slice %arg11[%dma_wait3A_141] : memref<12288xi32, #tpu.memory_space<vmem>> -> memref<12288xi32, #tpu.memory_space<vmem>>
    %dma_wait3A_143 = tpu.memref_slice %arg3[%add3A_72] : memref<2684354xi32, #tpu.memory_space<hbm>> -> memref<12288xi32, #tpu.memory_space<hbm>>
    %dma_wait3A_144 = arith.constant 0 : i32
    %dma_wait3A_145 = tpu.memref_slice %arg11[%dma_wait3A_144] : memref<12288xi32, #tpu.memory_space<vmem>> -> memref<12288xi32, #tpu.memory_space<vmem>>
    %dma_wait3A_146 = tpu.memref_slice %arg3[%add3A_72] : memref<2684354xi32, #tpu.memory_space<hbm>> -> memref<12288xi32, #tpu.memory_space<hbm>>
    tpu.wait_dma2 semaphore(%arg17 : memref<!tpu.dma_semaphore, #tpu.memory_space<semaphore_mem>>) src(%dma_wait3A_146 : memref<12288xi32, #tpu.memory_space<hbm>>) dst(%dma_wait3A_145 : memref<12288xi32, #tpu.memory_space<vmem>>)
    %dma_wait3A_147 = arith.constant 0 : i32
    %dma_wait3A_148 = tpu.memref_slice %arg12[%dma_wait3A_147] : memref<12288xi32, #tpu.memory_space<vmem>> -> memref<12288xi32, #tpu.memory_space<vmem>>
    %dma_wait3A_149 = tpu.memref_slice %arg4[%add3A_72] : memref<2684354xi32, #tpu.memory_space<hbm>> -> memref<12288xi32, #tpu.memory_space<hbm>>
    %dma_wait3A_150 = arith.constant 0 : i32
    %dma_wait3A_151 = tpu.memref_slice %arg12[%dma_wait3A_150] : memref<12288xi32, #tpu.memory_space<vmem>> -> memref<12288xi32, #tpu.memory_space<vmem>>
    %dma_wait3A_152 = tpu.memref_slice %arg4[%add3A_72] : memref<2684354xi32, #tpu.memory_space<hbm>> -> memref<12288xi32, #tpu.memory_space<hbm>>
    tpu.wait_dma2 semaphore(%arg17 : memref<!tpu.dma_semaphore, #tpu.memory_space<semaphore_mem>>) src(%dma_wait3A_152 : memref<12288xi32, #tpu.memory_space<hbm>>) dst(%dma_wait3A_151 : memref<12288xi32, #tpu.memory_space<vmem>>)
    %scan3A_153 = arith.constant 0 : i32
    %scan3A_154 = arith.constant 0 : i32
    %scan3A_155 = arith.constant 48 : i32
    %scan3A_156 = arith.addi %scan3A_154, %scan3A_155 : i32
    %scan3A_157 = arith.constant 1 : i32
    scf.for %scan3A_395 = %scan3A_154 to %scan3A_156 step %scan3A_157  : i32 {
      %mul3A_396 = arith.constant 16 : i32
      %mul3A_397 = arith.muli %scan3A_395, %mul3A_396 : i32
      %add3A_398 = arith.constant 0 : i32
      %add3A_399 = arith.addi %mul3A_397, %add3A_398 : i32
      %mul3A_400 = arith.constant 16 : i32
      %mul3A_401 = arith.muli %scan3A_395, %mul3A_400 : i32
      %add3A_402 = arith.constant 1 : i32
      %add3A_403 = arith.addi %mul3A_401, %add3A_402 : i32
      %mul3A_404 = arith.constant 16 : i32
      %mul3A_405 = arith.muli %scan3A_395, %mul3A_404 : i32
      %add3A_406 = arith.constant 2 : i32
      %add3A_407 = arith.addi %mul3A_405, %add3A_406 : i32
      %mul3A_408 = arith.constant 16 : i32
      %mul3A_409 = arith.muli %scan3A_395, %mul3A_408 : i32
      %add3A_410 = arith.constant 3 : i32
      %add3A_411 = arith.addi %mul3A_409, %add3A_410 : i32
      %mul3A_412 = arith.constant 16 : i32
      %mul3A_413 = arith.muli %scan3A_395, %mul3A_412 : i32
      %add3A_414 = arith.constant 4 : i32
      %add3A_415 = arith.addi %mul3A_413, %add3A_414 : i32
      %mul3A_416 = arith.constant 16 : i32
      %mul3A_417 = arith.muli %scan3A_395, %mul3A_416 : i32
      %add3A_418 = arith.constant 5 : i32
      %add3A_419 = arith.addi %mul3A_417, %add3A_418 : i32
      %mul3A_420 = arith.constant 16 : i32
      %mul3A_421 = arith.muli %scan3A_395, %mul3A_420 : i32
      %add3A_422 = arith.constant 6 : i32
      %add3A_423 = arith.addi %mul3A_421, %add3A_422 : i32
      %mul3A_424 = arith.constant 16 : i32
      %mul3A_425 = arith.muli %scan3A_395, %mul3A_424 : i32
      %add3A_426 = arith.constant 7 : i32
      %add3A_427 = arith.addi %mul3A_425, %add3A_426 : i32
      %mul3A_428 = arith.constant 16 : i32
      %mul3A_429 = arith.muli %scan3A_395, %mul3A_428 : i32
      %add3A_430 = arith.constant 8 : i32
      %add3A_431 = arith.addi %mul3A_429, %add3A_430 : i32
      %mul3A_432 = arith.constant 16 : i32
      %mul3A_433 = arith.muli %scan3A_395, %mul3A_432 : i32
      %add3A_434 = arith.constant 9 : i32
      %add3A_435 = arith.addi %mul3A_433, %add3A_434 : i32
      %mul3A_436 = arith.constant 16 : i32
      %mul3A_437 = arith.muli %scan3A_395, %mul3A_436 : i32
      %add3A_438 = arith.constant 10 : i32
      %add3A_439 = arith.addi %mul3A_437, %add3A_438 : i32
      %mul3A_440 = arith.constant 16 : i32
      %mul3A_441 = arith.muli %scan3A_395, %mul3A_440 : i32
      %add3A_442 = arith.constant 11 : i32
      %add3A_443 = arith.addi %mul3A_441, %add3A_442 : i32
      %mul3A_444 = arith.constant 16 : i32
      %mul3A_445 = arith.muli %scan3A_395, %mul3A_444 : i32
      %add3A_446 = arith.constant 12 : i32
      %add3A_447 = arith.addi %mul3A_445, %add3A_446 : i32
      %mul3A_448 = arith.constant 16 : i32
      %mul3A_449 = arith.muli %scan3A_395, %mul3A_448 : i32
      %add3A_450 = arith.constant 13 : i32
      %add3A_451 = arith.addi %mul3A_449, %add3A_450 : i32
      %mul3A_452 = arith.constant 16 : i32
      %mul3A_453 = arith.muli %scan3A_395, %mul3A_452 : i32
      %add3A_454 = arith.constant 14 : i32
      %add3A_455 = arith.addi %mul3A_453, %add3A_454 : i32
      %mul3A_456 = arith.constant 16 : i32
      %mul3A_457 = arith.muli %scan3A_395, %mul3A_456 : i32
      %add3A_458 = arith.constant 15 : i32
      %add3A_459 = arith.addi %mul3A_457, %add3A_458 : i32
      %mul3A_460 = arith.constant 16 : i32
      %mul3A_461 = arith.muli %add3A_399, %mul3A_460 : i32
      %get3A_462 = arith.index_cast %mul3A_461 : i32 to index
      %get3A_463 = tpu.vector_load %arg12[%get3A_462] {strides = array<i32>} : memref<12288xi32, #tpu.memory_space<vmem>>, vector<16xi32>,
      %gather3A_464 = tpu.vector_load_idx %arg8[%get3A_463] : memref<16384xf32, #tpu.memory_space<vmem>>[vector<16xi32>], vector<16xf32>,
      %get3A_465 = arith.index_cast %mul3A_461 : i32 to index
      %get3A_466 = tpu.vector_load %arg11[%get3A_465] {strides = array<i32>} : memref<12288xi32, #tpu.memory_space<vmem>>, vector<16xi32>,
      %get3A_467 = arith.index_cast %mul3A_461 : i32 to index
      %get3A_468 = tpu.vector_load %arg10[%get3A_467] {strides = array<i32>} : memref<12288xf32, #tpu.memory_space<vmem>>, vector<16xf32>,
      %mul3A_469 = arith.mulf %get3A_468, %gather3A_464 : vector<16xf32>
      %mul3A_470 = arith.constant 16 : i32
      %mul3A_471 = arith.muli %add3A_403, %mul3A_470 : i32
      %get3A_472 = arith.index_cast %mul3A_471 : i32 to index
      %get3A_473 = tpu.vector_load %arg12[%get3A_472] {strides = array<i32>} : memref<12288xi32, #tpu.memory_space<vmem>>, vector<16xi32>,
      %gather3A_474 = tpu.vector_load_idx %arg8[%get3A_473] : memref<16384xf32, #tpu.memory_space<vmem>>[vector<16xi32>], vector<16xf32>,
      %get3A_475 = arith.index_cast %mul3A_471 : i32 to index
      %get3A_476 = tpu.vector_load %arg11[%get3A_475] {strides = array<i32>} : memref<12288xi32, #tpu.memory_space<vmem>>, vector<16xi32>,
      %get3A_477 = arith.index_cast %mul3A_471 : i32 to index
      %get3A_478 = tpu.vector_load %arg10[%get3A_477] {strides = array<i32>} : memref<12288xf32, #tpu.memory_space<vmem>>, vector<16xf32>,
      %mul3A_479 = arith.mulf %get3A_478, %gather3A_474 : vector<16xf32>
      %mul3A_480 = arith.constant 16 : i32
      %mul3A_481 = arith.muli %add3A_407, %mul3A_480 : i32
      %get3A_482 = arith.index_cast %mul3A_481 : i32 to index
      %get3A_483 = tpu.vector_load %arg12[%get3A_482] {strides = array<i32>} : memref<12288xi32, #tpu.memory_space<vmem>>, vector<16xi32>,
      %gather3A_484 = tpu.vector_load_idx %arg8[%get3A_483] : memref<16384xf32, #tpu.memory_space<vmem>>[vector<16xi32>], vector<16xf32>,
      %get3A_485 = arith.index_cast %mul3A_481 : i32 to index
      %get3A_486 = tpu.vector_load %arg11[%get3A_485] {strides = array<i32>} : memref<12288xi32, #tpu.memory_space<vmem>>, vector<16xi32>,
      %get3A_487 = arith.index_cast %mul3A_481 : i32 to index
      %get3A_488 = tpu.vector_load %arg10[%get3A_487] {strides = array<i32>} : memref<12288xf32, #tpu.memory_space<vmem>>, vector<16xf32>,
      %mul3A_489 = arith.mulf %get3A_488, %gather3A_484 : vector<16xf32>
      %mul3A_490 = arith.constant 16 : i32
      %mul3A_491 = arith.muli %add3A_411, %mul3A_490 : i32
      %get3A_492 = arith.index_cast %mul3A_491 : i32 to index
      %get3A_493 = tpu.vector_load %arg12[%get3A_492] {strides = array<i32>} : memref<12288xi32, #tpu.memory_space<vmem>>, vector<16xi32>,
      %gather3A_494 = tpu.vector_load_idx %arg8[%get3A_493] : memref<16384xf32, #tpu.memory_space<vmem>>[vector<16xi32>], vector<16xf32>,
      %get3A_495 = arith.index_cast %mul3A_491 : i32 to index
      %get3A_496 = tpu.vector_load %arg11[%get3A_495] {strides = array<i32>} : memref<12288xi32, #tpu.memory_space<vmem>>, vector<16xi32>,
      %get3A_497 = arith.index_cast %mul3A_491 : i32 to index
      %get3A_498 = tpu.vector_load %arg10[%get3A_497] {strides = array<i32>} : memref<12288xf32, #tpu.memory_space<vmem>>, vector<16xf32>,
      %mul3A_499 = arith.mulf %get3A_498, %gather3A_494 : vector<16xf32>
      %mul3A_500 = arith.constant 16 : i32
      %mul3A_501 = arith.muli %add3A_415, %mul3A_500 : i32
      %get3A_502 = arith.index_cast %mul3A_501 : i32 to index
      %get3A_503 = tpu.vector_load %arg12[%get3A_502] {strides = array<i32>} : memref<12288xi32, #tpu.memory_space<vmem>>, vector<16xi32>,
      %gather3A_504 = tpu.vector_load_idx %arg8[%get3A_503] : memref<16384xf32, #tpu.memory_space<vmem>>[vector<16xi32>], vector<16xf32>,
      %get3A_505 = arith.index_cast %mul3A_501 : i32 to index
      %get3A_506 = tpu.vector_load %arg11[%get3A_505] {strides = array<i32>} : memref<12288xi32, #tpu.memory_space<vmem>>, vector<16xi32>,
      %get3A_507 = arith.index_cast %mul3A_501 : i32 to index
      %get3A_508 = tpu.vector_load %arg10[%get3A_507] {strides = array<i32>} : memref<12288xf32, #tpu.memory_space<vmem>>, vector<16xf32>,
      %mul3A_509 = arith.mulf %get3A_508, %gather3A_504 : vector<16xf32>
      %mul3A_510 = arith.constant 16 : i32
      %mul3A_511 = arith.muli %add3A_419, %mul3A_510 : i32
      %get3A_512 = arith.index_cast %mul3A_511 : i32 to index
      %get3A_513 = tpu.vector_load %arg12[%get3A_512] {strides = array<i32>} : memref<12288xi32, #tpu.memory_space<vmem>>, vector<16xi32>,
      %gather3A_514 = tpu.vector_load_idx %arg8[%get3A_513] : memref<16384xf32, #tpu.memory_space<vmem>>[vector<16xi32>], vector<16xf32>,
      %get3A_515 = arith.index_cast %mul3A_511 : i32 to index
      %get3A_516 = tpu.vector_load %arg11[%get3A_515] {strides = array<i32>} : memref<12288xi32, #tpu.memory_space<vmem>>, vector<16xi32>,
      %get3A_517 = arith.index_cast %mul3A_511 : i32 to index
      %get3A_518 = tpu.vector_load %arg10[%get3A_517] {strides = array<i32>} : memref<12288xf32, #tpu.memory_space<vmem>>, vector<16xf32>,
      %mul3A_519 = arith.mulf %get3A_518, %gather3A_514 : vector<16xf32>
      %mul3A_520 = arith.constant 16 : i32
      %mul3A_521 = arith.muli %add3A_423, %mul3A_520 : i32
      %get3A_522 = arith.index_cast %mul3A_521 : i32 to index
      %get3A_523 = tpu.vector_load %arg12[%get3A_522] {strides = array<i32>} : memref<12288xi32, #tpu.memory_space<vmem>>, vector<16xi32>,
      %gather3A_524 = tpu.vector_load_idx %arg8[%get3A_523] : memref<16384xf32, #tpu.memory_space<vmem>>[vector<16xi32>], vector<16xf32>,
      %get3A_525 = arith.index_cast %mul3A_521 : i32 to index
      %get3A_526 = tpu.vector_load %arg11[%get3A_525] {strides = array<i32>} : memref<12288xi32, #tpu.memory_space<vmem>>, vector<16xi32>,
      %get3A_527 = arith.index_cast %mul3A_521 : i32 to index
      %get3A_528 = tpu.vector_load %arg10[%get3A_527] {strides = array<i32>} : memref<12288xf32, #tpu.memory_space<vmem>>, vector<16xf32>,
      %mul3A_529 = arith.mulf %get3A_528, %gather3A_524 : vector<16xf32>
      %mul3A_530 = arith.constant 16 : i32
      %mul3A_531 = arith.muli %add3A_427, %mul3A_530 : i32
      %get3A_532 = arith.index_cast %mul3A_531 : i32 to index
      %get3A_533 = tpu.vector_load %arg12[%get3A_532] {strides = array<i32>} : memref<12288xi32, #tpu.memory_space<vmem>>, vector<16xi32>,
      %gather3A_534 = tpu.vector_load_idx %arg8[%get3A_533] : memref<16384xf32, #tpu.memory_space<vmem>>[vector<16xi32>], vector<16xf32>,
      %get3A_535 = arith.index_cast %mul3A_531 : i32 to index
      %get3A_536 = tpu.vector_load %arg11[%get3A_535] {strides = array<i32>} : memref<12288xi32, #tpu.memory_space<vmem>>, vector<16xi32>,
      %get3A_537 = arith.index_cast %mul3A_531 : i32 to index
      %get3A_538 = tpu.vector_load %arg10[%get3A_537] {strides = array<i32>} : memref<12288xf32, #tpu.memory_space<vmem>>, vector<16xf32>,
      %mul3A_539 = arith.mulf %get3A_538, %gather3A_534 : vector<16xf32>
      %mul3A_540 = arith.constant 16 : i32
      %mul3A_541 = arith.muli %add3A_431, %mul3A_540 : i32
      %get3A_542 = arith.index_cast %mul3A_541 : i32 to index
      %get3A_543 = tpu.vector_load %arg12[%get3A_542] {strides = array<i32>} : memref<12288xi32, #tpu.memory_space<vmem>>, vector<16xi32>,
      %gather3A_544 = tpu.vector_load_idx %arg8[%get3A_543] : memref<16384xf32, #tpu.memory_space<vmem>>[vector<16xi32>], vector<16xf32>,
      %get3A_545 = arith.index_cast %mul3A_541 : i32 to index
      %get3A_546 = tpu.vector_load %arg11[%get3A_545] {strides = array<i32>} : memref<12288xi32, #tpu.memory_space<vmem>>, vector<16xi32>,
      %get3A_547 = arith.index_cast %mul3A_541 : i32 to index
      %get3A_548 = tpu.vector_load %arg10[%get3A_547] {strides = array<i32>} : memref<12288xf32, #tpu.memory_space<vmem>>, vector<16xf32>,
      %mul3A_549 = arith.mulf %get3A_548, %gather3A_544 : vector<16xf32>
      %mul3A_550 = arith.constant 16 : i32
      %mul3A_551 = arith.muli %add3A_435, %mul3A_550 : i32
      %get3A_552 = arith.index_cast %mul3A_551 : i32 to index
      %get3A_553 = tpu.vector_load %arg12[%get3A_552] {strides = array<i32>} : memref<12288xi32, #tpu.memory_space<vmem>>, vector<16xi32>,
      %gather3A_554 = tpu.vector_load_idx %arg8[%get3A_553] : memref<16384xf32, #tpu.memory_space<vmem>>[vector<16xi32>], vector<16xf32>,
      %get3A_555 = arith.index_cast %mul3A_551 : i32 to index
      %get3A_556 = tpu.vector_load %arg11[%get3A_555] {strides = array<i32>} : memref<12288xi32, #tpu.memory_space<vmem>>, vector<16xi32>,
      %get3A_557 = arith.index_cast %mul3A_551 : i32 to index
      %get3A_558 = tpu.vector_load %arg10[%get3A_557] {strides = array<i32>} : memref<12288xf32, #tpu.memory_space<vmem>>, vector<16xf32>,
      %mul3A_559 = arith.mulf %get3A_558, %gather3A_554 : vector<16xf32>
      %mul3A_560 = arith.constant 16 : i32
      %mul3A_561 = arith.muli %add3A_439, %mul3A_560 : i32
      %get3A_562 = arith.index_cast %mul3A_561 : i32 to index
      %get3A_563 = tpu.vector_load %arg12[%get3A_562] {strides = array<i32>} : memref<12288xi32, #tpu.memory_space<vmem>>, vector<16xi32>,
      %gather3A_564 = tpu.vector_load_idx %arg8[%get3A_563] : memref<16384xf32, #tpu.memory_space<vmem>>[vector<16xi32>], vector<16xf32>,
      %get3A_565 = arith.index_cast %mul3A_561 : i32 to index
      %get3A_566 = tpu.vector_load %arg11[%get3A_565] {strides = array<i32>} : memref<12288xi32, #tpu.memory_space<vmem>>, vector<16xi32>,
      %get3A_567 = arith.index_cast %mul3A_561 : i32 to index
      %get3A_568 = tpu.vector_load %arg10[%get3A_567] {strides = array<i32>} : memref<12288xf32, #tpu.memory_space<vmem>>, vector<16xf32>,
      %mul3A_569 = arith.mulf %get3A_568, %gather3A_564 : vector<16xf32>
      %mul3A_570 = arith.constant 16 : i32
      %mul3A_571 = arith.muli %add3A_443, %mul3A_570 : i32
      %get3A_572 = arith.index_cast %mul3A_571 : i32 to index
      %get3A_573 = tpu.vector_load %arg12[%get3A_572] {strides = array<i32>} : memref<12288xi32, #tpu.memory_space<vmem>>, vector<16xi32>,
      %gather3A_574 = tpu.vector_load_idx %arg8[%get3A_573] : memref<16384xf32, #tpu.memory_space<vmem>>[vector<16xi32>], vector<16xf32>,
      %get3A_575 = arith.index_cast %mul3A_571 : i32 to index
      %get3A_576 = tpu.vector_load %arg11[%get3A_575] {strides = array<i32>} : memref<12288xi32, #tpu.memory_space<vmem>>, vector<16xi32>,
      %get3A_577 = arith.index_cast %mul3A_571 : i32 to index
      %get3A_578 = tpu.vector_load %arg10[%get3A_577] {strides = array<i32>} : memref<12288xf32, #tpu.memory_space<vmem>>, vector<16xf32>,
      %mul3A_579 = arith.mulf %get3A_578, %gather3A_574 : vector<16xf32>
      %mul3A_580 = arith.constant 16 : i32
      %mul3A_581 = arith.muli %add3A_447, %mul3A_580 : i32
      %get3A_582 = arith.index_cast %mul3A_581 : i32 to index
      %get3A_583 = tpu.vector_load %arg12[%get3A_582] {strides = array<i32>} : memref<12288xi32, #tpu.memory_space<vmem>>, vector<16xi32>,
      %gather3A_584 = tpu.vector_load_idx %arg8[%get3A_583] : memref<16384xf32, #tpu.memory_space<vmem>>[vector<16xi32>], vector<16xf32>,
      %get3A_585 = arith.index_cast %mul3A_581 : i32 to index
      %get3A_586 = tpu.vector_load %arg11[%get3A_585] {strides = array<i32>} : memref<12288xi32, #tpu.memory_space<vmem>>, vector<16xi32>,
      %get3A_587 = arith.index_cast %mul3A_581 : i32 to index
      %get3A_588 = tpu.vector_load %arg10[%get3A_587] {strides = array<i32>} : memref<12288xf32, #tpu.memory_space<vmem>>, vector<16xf32>,
      %mul3A_589 = arith.mulf %get3A_588, %gather3A_584 : vector<16xf32>
      %mul3A_590 = arith.constant 16 : i32
      %mul3A_591 = arith.muli %add3A_451, %mul3A_590 : i32
      %get3A_592 = arith.index_cast %mul3A_591 : i32 to index
      %get3A_593 = tpu.vector_load %arg12[%get3A_592] {strides = array<i32>} : memref<12288xi32, #tpu.memory_space<vmem>>, vector<16xi32>,
      %gather3A_594 = tpu.vector_load_idx %arg8[%get3A_593] : memref<16384xf32, #tpu.memory_space<vmem>>[vector<16xi32>], vector<16xf32>,
      %get3A_595 = arith.index_cast %mul3A_591 : i32 to index
      %get3A_596 = tpu.vector_load %arg11[%get3A_595] {strides = array<i32>} : memref<12288xi32, #tpu.memory_space<vmem>>, vector<16xi32>,
      %get3A_597 = arith.index_cast %mul3A_591 : i32 to index
      %get3A_598 = tpu.vector_load %arg10[%get3A_597] {strides = array<i32>} : memref<12288xf32, #tpu.memory_space<vmem>>, vector<16xf32>,
      %mul3A_599 = arith.mulf %get3A_598, %gather3A_594 : vector<16xf32>
      %mul3A_600 = arith.constant 16 : i32
      %mul3A_601 = arith.muli %add3A_455, %mul3A_600 : i32
      %get3A_602 = arith.index_cast %mul3A_601 : i32 to index
      %get3A_603 = tpu.vector_load %arg12[%get3A_602] {strides = array<i32>} : memref<12288xi32, #tpu.memory_space<vmem>>, vector<16xi32>,
      %gather3A_604 = tpu.vector_load_idx %arg8[%get3A_603] : memref<16384xf32, #tpu.memory_space<vmem>>[vector<16xi32>], vector<16xf32>,
      %get3A_605 = arith.index_cast %mul3A_601 : i32 to index
      %get3A_606 = tpu.vector_load %arg11[%get3A_605] {strides = array<i32>} : memref<12288xi32, #tpu.memory_space<vmem>>, vector<16xi32>,
      %get3A_607 = arith.index_cast %mul3A_601 : i32 to index
      %get3A_608 = tpu.vector_load %arg10[%get3A_607] {strides = array<i32>} : memref<12288xf32, #tpu.memory_space<vmem>>, vector<16xf32>,
      %mul3A_609 = arith.mulf %get3A_608, %gather3A_604 : vector<16xf32>
      %mul3A_610 = arith.constant 16 : i32
      %mul3A_611 = arith.muli %add3A_459, %mul3A_610 : i32
      %get3A_612 = arith.index_cast %mul3A_611 : i32 to index
      %get3A_613 = tpu.vector_load %arg12[%get3A_612] {strides = array<i32>} : memref<12288xi32, #tpu.memory_space<vmem>>, vector<16xi32>,
      %gather3A_614 = tpu.vector_load_idx %arg8[%get3A_613] : memref<16384xf32, #tpu.memory_space<vmem>>[vector<16xi32>], vector<16xf32>,
      %get3A_615 = arith.index_cast %mul3A_611 : i32 to index
      %get3A_616 = tpu.vector_load %arg11[%get3A_615] {strides = array<i32>} : memref<12288xi32, #tpu.memory_space<vmem>>, vector<16xi32>,
      %get3A_617 = arith.index_cast %mul3A_611 : i32 to index
      %get3A_618 = tpu.vector_load %arg10[%get3A_617] {strides = array<i32>} : memref<12288xf32, #tpu.memory_space<vmem>>, vector<16xf32>,
      %mul3A_619 = arith.mulf %get3A_618, %gather3A_614 : vector<16xf32>
      tpu.vector_store_idx %arg9[%get3A_466], %mul3A_469 {add = true} : memref<16384xf32, #tpu.memory_space<vmem>>[vector<16xi32>], vector<16xf32>,
      tpu.vector_store_idx %arg9[%get3A_476], %mul3A_479 {add = true} : memref<16384xf32, #tpu.memory_space<vmem>>[vector<16xi32>], vector<16xf32>,
      tpu.vector_store_idx %arg9[%get3A_486], %mul3A_489 {add = true} : memref<16384xf32, #tpu.memory_space<vmem>>[vector<16xi32>], vector<16xf32>,
      tpu.vector_store_idx %arg9[%get3A_496], %mul3A_499 {add = true} : memref<16384xf32, #tpu.memory_space<vmem>>[vector<16xi32>], vector<16xf32>,
      tpu.vector_store_idx %arg9[%get3A_506], %mul3A_509 {add = true} : memref<16384xf32, #tpu.memory_space<vmem>>[vector<16xi32>], vector<16xf32>,
      tpu.vector_store_idx %arg9[%get3A_516], %mul3A_519 {add = true} : memref<16384xf32, #tpu.memory_space<vmem>>[vector<16xi32>], vector<16xf32>,
      tpu.vector_store_idx %arg9[%get3A_526], %mul3A_529 {add = true} : memref<16384xf32, #tpu.memory_space<vmem>>[vector<16xi32>], vector<16xf32>,
      tpu.vector_store_idx %arg9[%get3A_536], %mul3A_539 {add = true} : memref<16384xf32, #tpu.memory_space<vmem>>[vector<16xi32>], vector<16xf32>,
      tpu.vector_store_idx %arg9[%get3A_546], %mul3A_549 {add = true} : memref<16384xf32, #tpu.memory_space<vmem>>[vector<16xi32>], vector<16xf32>,
      tpu.vector_store_idx %arg9[%get3A_556], %mul3A_559 {add = true} : memref<16384xf32, #tpu.memory_space<vmem>>[vector<16xi32>], vector<16xf32>,
      tpu.vector_store_idx %arg9[%get3A_566], %mul3A_569 {add = true} : memref<16384xf32, #tpu.memory_space<vmem>>[vector<16xi32>], vector<16xf32>,
      tpu.vector_store_idx %arg9[%get3A_576], %mul3A_579 {add = true} : memref<16384xf32, #tpu.memory_space<vmem>>[vector<16xi32>], vector<16xf32>,
      tpu.vector_store_idx %arg9[%get3A_586], %mul3A_589 {add = true} : memref<16384xf32, #tpu.memory_space<vmem>>[vector<16xi32>], vector<16xf32>,
      tpu.vector_store_idx %arg9[%get3A_596], %mul3A_599 {add = true} : memref<16384xf32, #tpu.memory_space<vmem>>[vector<16xi32>], vector<16xf32>,
      tpu.vector_store_idx %arg9[%get3A_606], %mul3A_609 {add = true} : memref<16384xf32, #tpu.memory_space<vmem>>[vector<16xi32>], vector<16xf32>,
      tpu.vector_store_idx %arg9[%get3A_616], %mul3A_619 {add = true} : memref<16384xf32, #tpu.memory_space<vmem>>[vector<16xi32>], vector<16xf32>,
    }
    %scan3A_158 = arith.constant 48 : i32
    %add3A_159 = arith.constant 49152 : i32
    %add3A_160 = arith.addi %mul3A_2, %add3A_159 : i32
    %dma_start3A_161 = arith.constant 0 : i32
    %dma_start3A_162 = tpu.memref_slice %arg10[%dma_start3A_161] : memref<12288xf32, #tpu.memory_space<vmem>> -> memref<12288xf32, #tpu.memory_space<vmem>>
    %dma_start3A_163 = tpu.memref_slice %arg2[%add3A_160] : memref<2684354xf32, #tpu.memory_space<hbm>> -> memref<12288xf32, #tpu.memory_space<hbm>>
    %dma_start3A_164 = arith.constant 0 : i32
    %dma_start3A_165 = tpu.memref_slice %arg10[%dma_start3A_164] : memref<12288xf32, #tpu.memory_space<vmem>> -> memref<12288xf32, #tpu.memory_space<vmem>>
    %dma_start3A_166 = tpu.memref_slice %arg2[%add3A_160] : memref<2684354xf32, #tpu.memory_space<hbm>> -> memref<12288xf32, #tpu.memory_space<hbm>>
    tpu.enqueue_dma source(%dma_start3A_166 : memref<12288xf32, #tpu.memory_space<hbm>>) target(%dma_start3A_165 : memref<12288xf32, #tpu.memory_space<vmem>>) target_semaphore(%arg17 : memref<!tpu.dma_semaphore, #tpu.memory_space<semaphore_mem>>)
    %dma_start3A_167 = arith.constant 0 : i32
    %dma_start3A_168 = tpu.memref_slice %arg11[%dma_start3A_167] : memref<12288xi32, #tpu.memory_space<vmem>> -> memref<12288xi32, #tpu.memory_space<vmem>>
    %dma_start3A_169 = tpu.memref_slice %arg3[%add3A_160] : memref<2684354xi32, #tpu.memory_space<hbm>> -> memref<12288xi32, #tpu.memory_space<hbm>>
    %dma_start3A_170 = arith.constant 0 : i32
    %dma_start3A_171 = tpu.memref_slice %arg11[%dma_start3A_170] : memref<12288xi32, #tpu.memory_space<vmem>> -> memref<12288xi32, #tpu.memory_space<vmem>>
    %dma_start3A_172 = tpu.memref_slice %arg3[%add3A_160] : memref<2684354xi32, #tpu.memory_space<hbm>> -> memref<12288xi32, #tpu.memory_space<hbm>>
    tpu.enqueue_dma source(%dma_start3A_172 : memref<12288xi32, #tpu.memory_space<hbm>>) target(%dma_start3A_171 : memref<12288xi32, #tpu.memory_space<vmem>>) target_semaphore(%arg17 : memref<!tpu.dma_semaphore, #tpu.memory_space<semaphore_mem>>)
    %dma_start3A_173 = arith.constant 0 : i32
    %dma_start3A_174 = tpu.memref_slice %arg12[%dma_start3A_173] : memref<12288xi32, #tpu.memory_space<vmem>> -> memref<12288xi32, #tpu.memory_space<vmem>>
    %dma_start3A_175 = tpu.memref_slice %arg4[%add3A_160] : memref<2684354xi32, #tpu.memory_space<hbm>> -> memref<12288xi32, #tpu.memory_space<hbm>>
    %dma_start3A_176 = arith.constant 0 : i32
    %dma_start3A_177 = tpu.memref_slice %arg12[%dma_start3A_176] : memref<12288xi32, #tpu.memory_space<vmem>> -> memref<12288xi32, #tpu.memory_space<vmem>>
    %dma_start3A_178 = tpu.memref_slice %arg4[%add3A_160] : memref<2684354xi32, #tpu.memory_space<hbm>> -> memref<12288xi32, #tpu.memory_space<hbm>>
    tpu.enqueue_dma source(%dma_start3A_178 : memref<12288xi32, #tpu.memory_space<hbm>>) target(%dma_start3A_177 : memref<12288xi32, #tpu.memory_space<vmem>>) target_semaphore(%arg17 : memref<!tpu.dma_semaphore, #tpu.memory_space<semaphore_mem>>)
    %dma_wait3A_179 = arith.constant 0 : i32
    %dma_wait3A_180 = tpu.memref_slice %arg13[%dma_wait3A_179] : memref<12288xf32, #tpu.memory_space<vmem>> -> memref<12288xf32, #tpu.memory_space<vmem>>
    %dma_wait3A_181 = tpu.memref_slice %arg2[%add3A_116] : memref<2684354xf32, #tpu.memory_space<hbm>> -> memref<12288xf32, #tpu.memory_space<hbm>>
    %dma_wait3A_182 = arith.constant 0 : i32
    %dma_wait3A_183 = tpu.memref_slice %arg13[%dma_wait3A_182] : memref<12288xf32, #tpu.memory_space<vmem>> -> memref<12288xf32, #tpu.memory_space<vmem>>
    %dma_wait3A_184 = tpu.memref_slice %arg2[%add3A_116] : memref<2684354xf32, #tpu.memory_space<hbm>> -> memref<12288xf32, #tpu.memory_space<hbm>>
    tpu.wait_dma2 semaphore(%arg18 : memref<!tpu.dma_semaphore, #tpu.memory_space<semaphore_mem>>) src(%dma_wait3A_184 : memref<12288xf32, #tpu.memory_space<hbm>>) dst(%dma_wait3A_183 : memref<12288xf32, #tpu.memory_space<vmem>>)
    %dma_wait3A_185 = arith.constant 0 : i32
    %dma_wait3A_186 = tpu.memref_slice %arg14[%dma_wait3A_185] : memref<12288xi32, #tpu.memory_space<vmem>> -> memref<12288xi32, #tpu.memory_space<vmem>>
    %dma_wait3A_187 = tpu.memref_slice %arg3[%add3A_116] : memref<2684354xi32, #tpu.memory_space<hbm>> -> memref<12288xi32, #tpu.memory_space<hbm>>
    %dma_wait3A_188 = arith.constant 0 : i32
    %dma_wait3A_189 = tpu.memref_slice %arg14[%dma_wait3A_188] : memref<12288xi32, #tpu.memory_space<vmem>> -> memref<12288xi32, #tpu.memory_space<vmem>>
    %dma_wait3A_190 = tpu.memref_slice %arg3[%add3A_116] : memref<2684354xi32, #tpu.memory_space<hbm>> -> memref<12288xi32, #tpu.memory_space<hbm>>
    tpu.wait_dma2 semaphore(%arg18 : memref<!tpu.dma_semaphore, #tpu.memory_space<semaphore_mem>>) src(%dma_wait3A_190 : memref<12288xi32, #tpu.memory_space<hbm>>) dst(%dma_wait3A_189 : memref<12288xi32, #tpu.memory_space<vmem>>)
    %dma_wait3A_191 = arith.constant 0 : i32
    %dma_wait3A_192 = tpu.memref_slice %arg15[%dma_wait3A_191] : memref<12288xi32, #tpu.memory_space<vmem>> -> memref<12288xi32, #tpu.memory_space<vmem>>
    %dma_wait3A_193 = tpu.memref_slice %arg4[%add3A_116] : memref<2684354xi32, #tpu.memory_space<hbm>> -> memref<12288xi32, #tpu.memory_space<hbm>>
    %dma_wait3A_194 = arith.constant 0 : i32
    %dma_wait3A_195 = tpu.memref_slice %arg15[%dma_wait3A_194] : memref<12288xi32, #tpu.memory_space<vmem>> -> memref<12288xi32, #tpu.memory_space<vmem>>
    %dma_wait3A_196 = tpu.memref_slice %arg4[%add3A_116] : memref<2684354xi32, #tpu.memory_space<hbm>> -> memref<12288xi32, #tpu.memory_space<hbm>>
    tpu.wait_dma2 semaphore(%arg18 : memref<!tpu.dma_semaphore, #tpu.memory_space<semaphore_mem>>) src(%dma_wait3A_196 : memref<12288xi32, #tpu.memory_space<hbm>>) dst(%dma_wait3A_195 : memref<12288xi32, #tpu.memory_space<vmem>>)
    %scan3A_197 = arith.constant 0 : i32
    %scan3A_198 = arith.constant 0 : i32
    %scan3A_199 = arith.constant 48 : i32
    %scan3A_200 = arith.addi %scan3A_198, %scan3A_199 : i32
    %scan3A_201 = arith.constant 1 : i32
    scf.for %scan3A_395 = %scan3A_198 to %scan3A_200 step %scan3A_201  : i32 {
      %mul3A_396 = arith.constant 16 : i32
      %mul3A_397 = arith.muli %scan3A_395, %mul3A_396 : i32
      %add3A_398 = arith.constant 0 : i32
      %add3A_399 = arith.addi %mul3A_397, %add3A_398 : i32
      %mul3A_400 = arith.constant 16 : i32
      %mul3A_401 = arith.muli %scan3A_395, %mul3A_400 : i32
      %add3A_402 = arith.constant 1 : i32
      %add3A_403 = arith.addi %mul3A_401, %add3A_402 : i32
      %mul3A_404 = arith.constant 16 : i32
      %mul3A_405 = arith.muli %scan3A_395, %mul3A_404 : i32
      %add3A_406 = arith.constant 2 : i32
      %add3A_407 = arith.addi %mul3A_405, %add3A_406 : i32
      %mul3A_408 = arith.constant 16 : i32
      %mul3A_409 = arith.muli %scan3A_395, %mul3A_408 : i32
      %add3A_410 = arith.constant 3 : i32
      %add3A_411 = arith.addi %mul3A_409, %add3A_410 : i32
      %mul3A_412 = arith.constant 16 : i32
      %mul3A_413 = arith.muli %scan3A_395, %mul3A_412 : i32
      %add3A_414 = arith.constant 4 : i32
      %add3A_415 = arith.addi %mul3A_413, %add3A_414 : i32
      %mul3A_416 = arith.constant 16 : i32
      %mul3A_417 = arith.muli %scan3A_395, %mul3A_416 : i32
      %add3A_418 = arith.constant 5 : i32
      %add3A_419 = arith.addi %mul3A_417, %add3A_418 : i32
      %mul3A_420 = arith.constant 16 : i32
      %mul3A_421 = arith.muli %scan3A_395, %mul3A_420 : i32
      %add3A_422 = arith.constant 6 : i32
      %add3A_423 = arith.addi %mul3A_421, %add3A_422 : i32
      %mul3A_424 = arith.constant 16 : i32
      %mul3A_425 = arith.muli %scan3A_395, %mul3A_424 : i32
      %add3A_426 = arith.constant 7 : i32
      %add3A_427 = arith.addi %mul3A_425, %add3A_426 : i32
      %mul3A_428 = arith.constant 16 : i32
      %mul3A_429 = arith.muli %scan3A_395, %mul3A_428 : i32
      %add3A_430 = arith.constant 8 : i32
      %add3A_431 = arith.addi %mul3A_429, %add3A_430 : i32
      %mul3A_432 = arith.constant 16 : i32
      %mul3A_433 = arith.muli %scan3A_395, %mul3A_432 : i32
      %add3A_434 = arith.constant 9 : i32
      %add3A_435 = arith.addi %mul3A_433, %add3A_434 : i32
      %mul3A_436 = arith.constant 16 : i32
      %mul3A_437 = arith.muli %scan3A_395, %mul3A_436 : i32
      %add3A_438 = arith.constant 10 : i32
      %add3A_439 = arith.addi %mul3A_437, %add3A_438 : i32
      %mul3A_440 = arith.constant 16 : i32
      %mul3A_441 = arith.muli %scan3A_395, %mul3A_440 : i32
      %add3A_442 = arith.constant 11 : i32
      %add3A_443 = arith.addi %mul3A_441, %add3A_442 : i32
      %mul3A_444 = arith.constant 16 : i32
      %mul3A_445 = arith.muli %scan3A_395, %mul3A_444 : i32
      %add3A_446 = arith.constant 12 : i32
      %add3A_447 = arith.addi %mul3A_445, %add3A_446 : i32
      %mul3A_448 = arith.constant 16 : i32
      %mul3A_449 = arith.muli %scan3A_395, %mul3A_448 : i32
      %add3A_450 = arith.constant 13 : i32
      %add3A_451 = arith.addi %mul3A_449, %add3A_450 : i32
      %mul3A_452 = arith.constant 16 : i32
      %mul3A_453 = arith.muli %scan3A_395, %mul3A_452 : i32
      %add3A_454 = arith.constant 14 : i32
      %add3A_455 = arith.addi %mul3A_453, %add3A_454 : i32
      %mul3A_456 = arith.constant 16 : i32
      %mul3A_457 = arith.muli %scan3A_395, %mul3A_456 : i32
      %add3A_458 = arith.constant 15 : i32
      %add3A_459 = arith.addi %mul3A_457, %add3A_458 : i32
      %mul3A_460 = arith.constant 16 : i32
      %mul3A_461 = arith.muli %add3A_399, %mul3A_460 : i32
      %get3A_462 = arith.index_cast %mul3A_461 : i32 to index
      %get3A_463 = tpu.vector_load %arg15[%get3A_462] {strides = array<i32>} : memref<12288xi32, #tpu.memory_space<vmem>>, vector<16xi32>,
      %gather3A_464 = tpu.vector_load_idx %arg8[%get3A_463] : memref<16384xf32, #tpu.memory_space<vmem>>[vector<16xi32>], vector<16xf32>,
      %get3A_465 = arith.index_cast %mul3A_461 : i32 to index
      %get3A_466 = tpu.vector_load %arg14[%get3A_465] {strides = array<i32>} : memref<12288xi32, #tpu.memory_space<vmem>>, vector<16xi32>,
      %get3A_467 = arith.index_cast %mul3A_461 : i32 to index
      %get3A_468 = tpu.vector_load %arg13[%get3A_467] {strides = array<i32>} : memref<12288xf32, #tpu.memory_space<vmem>>, vector<16xf32>,
      %mul3A_469 = arith.mulf %get3A_468, %gather3A_464 : vector<16xf32>
      %mul3A_470 = arith.constant 16 : i32
      %mul3A_471 = arith.muli %add3A_403, %mul3A_470 : i32
      %get3A_472 = arith.index_cast %mul3A_471 : i32 to index
      %get3A_473 = tpu.vector_load %arg15[%get3A_472] {strides = array<i32>} : memref<12288xi32, #tpu.memory_space<vmem>>, vector<16xi32>,
      %gather3A_474 = tpu.vector_load_idx %arg8[%get3A_473] : memref<16384xf32, #tpu.memory_space<vmem>>[vector<16xi32>], vector<16xf32>,
      %get3A_475 = arith.index_cast %mul3A_471 : i32 to index
      %get3A_476 = tpu.vector_load %arg14[%get3A_475] {strides = array<i32>} : memref<12288xi32, #tpu.memory_space<vmem>>, vector<16xi32>,
      %get3A_477 = arith.index_cast %mul3A_471 : i32 to index
      %get3A_478 = tpu.vector_load %arg13[%get3A_477] {strides = array<i32>} : memref<12288xf32, #tpu.memory_space<vmem>>, vector<16xf32>,
      %mul3A_479 = arith.mulf %get3A_478, %gather3A_474 : vector<16xf32>
      %mul3A_480 = arith.constant 16 : i32
      %mul3A_481 = arith.muli %add3A_407, %mul3A_480 : i32
      %get3A_482 = arith.index_cast %mul3A_481 : i32 to index
      %get3A_483 = tpu.vector_load %arg15[%get3A_482] {strides = array<i32>} : memref<12288xi32, #tpu.memory_space<vmem>>, vector<16xi32>,
      %gather3A_484 = tpu.vector_load_idx %arg8[%get3A_483] : memref<16384xf32, #tpu.memory_space<vmem>>[vector<16xi32>], vector<16xf32>,
      %get3A_485 = arith.index_cast %mul3A_481 : i32 to index
      %get3A_486 = tpu.vector_load %arg14[%get3A_485] {strides = array<i32>} : memref<12288xi32, #tpu.memory_space<vmem>>, vector<16xi32>,
      %get3A_487 = arith.index_cast %mul3A_481 : i32 to index
      %get3A_488 = tpu.vector_load %arg13[%get3A_487] {strides = array<i32>} : memref<12288xf32, #tpu.memory_space<vmem>>, vector<16xf32>,
      %mul3A_489 = arith.mulf %get3A_488, %gather3A_484 : vector<16xf32>
      %mul3A_490 = arith.constant 16 : i32
      %mul3A_491 = arith.muli %add3A_411, %mul3A_490 : i32
      %get3A_492 = arith.index_cast %mul3A_491 : i32 to index
      %get3A_493 = tpu.vector_load %arg15[%get3A_492] {strides = array<i32>} : memref<12288xi32, #tpu.memory_space<vmem>>, vector<16xi32>,
      %gather3A_494 = tpu.vector_load_idx %arg8[%get3A_493] : memref<16384xf32, #tpu.memory_space<vmem>>[vector<16xi32>], vector<16xf32>,
      %get3A_495 = arith.index_cast %mul3A_491 : i32 to index
      %get3A_496 = tpu.vector_load %arg14[%get3A_495] {strides = array<i32>} : memref<12288xi32, #tpu.memory_space<vmem>>, vector<16xi32>,
      %get3A_497 = arith.index_cast %mul3A_491 : i32 to index
      %get3A_498 = tpu.vector_load %arg13[%get3A_497] {strides = array<i32>} : memref<12288xf32, #tpu.memory_space<vmem>>, vector<16xf32>,
      %mul3A_499 = arith.mulf %get3A_498, %gather3A_494 : vector<16xf32>
      %mul3A_500 = arith.constant 16 : i32
      %mul3A_501 = arith.muli %add3A_415, %mul3A_500 : i32
      %get3A_502 = arith.index_cast %mul3A_501 : i32 to index
      %get3A_503 = tpu.vector_load %arg15[%get3A_502] {strides = array<i32>} : memref<12288xi32, #tpu.memory_space<vmem>>, vector<16xi32>,
      %gather3A_504 = tpu.vector_load_idx %arg8[%get3A_503] : memref<16384xf32, #tpu.memory_space<vmem>>[vector<16xi32>], vector<16xf32>,
      %get3A_505 = arith.index_cast %mul3A_501 : i32 to index
      %get3A_506 = tpu.vector_load %arg14[%get3A_505] {strides = array<i32>} : memref<12288xi32, #tpu.memory_space<vmem>>, vector<16xi32>,
      %get3A_507 = arith.index_cast %mul3A_501 : i32 to index
      %get3A_508 = tpu.vector_load %arg13[%get3A_507] {strides = array<i32>} : memref<12288xf32, #tpu.memory_space<vmem>>, vector<16xf32>,
      %mul3A_509 = arith.mulf %get3A_508, %gather3A_504 : vector<16xf32>
      %mul3A_510 = arith.constant 16 : i32
      %mul3A_511 = arith.muli %add3A_419, %mul3A_510 : i32
      %get3A_512 = arith.index_cast %mul3A_511 : i32 to index
      %get3A_513 = tpu.vector_load %arg15[%get3A_512] {strides = array<i32>} : memref<12288xi32, #tpu.memory_space<vmem>>, vector<16xi32>,
      %gather3A_514 = tpu.vector_load_idx %arg8[%get3A_513] : memref<16384xf32, #tpu.memory_space<vmem>>[vector<16xi32>], vector<16xf32>,
      %get3A_515 = arith.index_cast %mul3A_511 : i32 to index
      %get3A_516 = tpu.vector_load %arg14[%get3A_515] {strides = array<i32>} : memref<12288xi32, #tpu.memory_space<vmem>>, vector<16xi32>,
      %get3A_517 = arith.index_cast %mul3A_511 : i32 to index
      %get3A_518 = tpu.vector_load %arg13[%get3A_517] {strides = array<i32>} : memref<12288xf32, #tpu.memory_space<vmem>>, vector<16xf32>,
      %mul3A_519 = arith.mulf %get3A_518, %gather3A_514 : vector<16xf32>
      %mul3A_520 = arith.constant 16 : i32
      %mul3A_521 = arith.muli %add3A_423, %mul3A_520 : i32
      %get3A_522 = arith.index_cast %mul3A_521 : i32 to index
      %get3A_523 = tpu.vector_load %arg15[%get3A_522] {strides = array<i32>} : memref<12288xi32, #tpu.memory_space<vmem>>, vector<16xi32>,
      %gather3A_524 = tpu.vector_load_idx %arg8[%get3A_523] : memref<16384xf32, #tpu.memory_space<vmem>>[vector<16xi32>], vector<16xf32>,
      %get3A_525 = arith.index_cast %mul3A_521 : i32 to index
      %get3A_526 = tpu.vector_load %arg14[%get3A_525] {strides = array<i32>} : memref<12288xi32, #tpu.memory_space<vmem>>, vector<16xi32>,
      %get3A_527 = arith.index_cast %mul3A_521 : i32 to index
      %get3A_528 = tpu.vector_load %arg13[%get3A_527] {strides = array<i32>} : memref<12288xf32, #tpu.memory_space<vmem>>, vector<16xf32>,
      %mul3A_529 = arith.mulf %get3A_528, %gather3A_524 : vector<16xf32>
      %mul3A_530 = arith.constant 16 : i32
      %mul3A_531 = arith.muli %add3A_427, %mul3A_530 : i32
      %get3A_532 = arith.index_cast %mul3A_531 : i32 to index
      %get3A_533 = tpu.vector_load %arg15[%get3A_532] {strides = array<i32>} : memref<12288xi32, #tpu.memory_space<vmem>>, vector<16xi32>,
      %gather3A_534 = tpu.vector_load_idx %arg8[%get3A_533] : memref<16384xf32, #tpu.memory_space<vmem>>[vector<16xi32>], vector<16xf32>,
      %get3A_535 = arith.index_cast %mul3A_531 : i32 to index
      %get3A_536 = tpu.vector_load %arg14[%get3A_535] {strides = array<i32>} : memref<12288xi32, #tpu.memory_space<vmem>>, vector<16xi32>,
      %get3A_537 = arith.index_cast %mul3A_531 : i32 to index
      %get3A_538 = tpu.vector_load %arg13[%get3A_537] {strides = array<i32>} : memref<12288xf32, #tpu.memory_space<vmem>>, vector<16xf32>,
      %mul3A_539 = arith.mulf %get3A_538, %gather3A_534 : vector<16xf32>
      %mul3A_540 = arith.constant 16 : i32
      %mul3A_541 = arith.muli %add3A_431, %mul3A_540 : i32
      %get3A_542 = arith.index_cast %mul3A_541 : i32 to index
      %get3A_543 = tpu.vector_load %arg15[%get3A_542] {strides = array<i32>} : memref<12288xi32, #tpu.memory_space<vmem>>, vector<16xi32>,
      %gather3A_544 = tpu.vector_load_idx %arg8[%get3A_543] : memref<16384xf32, #tpu.memory_space<vmem>>[vector<16xi32>], vector<16xf32>,
      %get3A_545 = arith.index_cast %mul3A_541 : i32 to index
      %get3A_546 = tpu.vector_load %arg14[%get3A_545] {strides = array<i32>} : memref<12288xi32, #tpu.memory_space<vmem>>, vector<16xi32>,
      %get3A_547 = arith.index_cast %mul3A_541 : i32 to index
      %get3A_548 = tpu.vector_load %arg13[%get3A_547] {strides = array<i32>} : memref<12288xf32, #tpu.memory_space<vmem>>, vector<16xf32>,
      %mul3A_549 = arith.mulf %get3A_548, %gather3A_544 : vector<16xf32>
      %mul3A_550 = arith.constant 16 : i32
      %mul3A_551 = arith.muli %add3A_435, %mul3A_550 : i32
      %get3A_552 = arith.index_cast %mul3A_551 : i32 to index
      %get3A_553 = tpu.vector_load %arg15[%get3A_552] {strides = array<i32>} : memref<12288xi32, #tpu.memory_space<vmem>>, vector<16xi32>,
      %gather3A_554 = tpu.vector_load_idx %arg8[%get3A_553] : memref<16384xf32, #tpu.memory_space<vmem>>[vector<16xi32>], vector<16xf32>,
      %get3A_555 = arith.index_cast %mul3A_551 : i32 to index
      %get3A_556 = tpu.vector_load %arg14[%get3A_555] {strides = array<i32>} : memref<12288xi32, #tpu.memory_space<vmem>>, vector<16xi32>,
      %get3A_557 = arith.index_cast %mul3A_551 : i32 to index
      %get3A_558 = tpu.vector_load %arg13[%get3A_557] {strides = array<i32>} : memref<12288xf32, #tpu.memory_space<vmem>>, vector<16xf32>,
      %mul3A_559 = arith.mulf %get3A_558, %gather3A_554 : vector<16xf32>
      %mul3A_560 = arith.constant 16 : i32
      %mul3A_561 = arith.muli %add3A_439, %mul3A_560 : i32
      %get3A_562 = arith.index_cast %mul3A_561 : i32 to index
      %get3A_563 = tpu.vector_load %arg15[%get3A_562] {strides = array<i32>} : memref<12288xi32, #tpu.memory_space<vmem>>, vector<16xi32>,
      %gather3A_564 = tpu.vector_load_idx %arg8[%get3A_563] : memref<16384xf32, #tpu.memory_space<vmem>>[vector<16xi32>], vector<16xf32>,
      %get3A_565 = arith.index_cast %mul3A_561 : i32 to index
      %get3A_566 = tpu.vector_load %arg14[%get3A_565] {strides = array<i32>} : memref<12288xi32, #tpu.memory_space<vmem>>, vector<16xi32>,
      %get3A_567 = arith.index_cast %mul3A_561 : i32 to index
      %get3A_568 = tpu.vector_load %arg13[%get3A_567] {strides = array<i32>} : memref<12288xf32, #tpu.memory_space<vmem>>, vector<16xf32>,
      %mul3A_569 = arith.mulf %get3A_568, %gather3A_564 : vector<16xf32>
      %mul3A_570 = arith.constant 16 : i32
      %mul3A_571 = arith.muli %add3A_443, %mul3A_570 : i32
      %get3A_572 = arith.index_cast %mul3A_571 : i32 to index
      %get3A_573 = tpu.vector_load %arg15[%get3A_572] {strides = array<i32>} : memref<12288xi32, #tpu.memory_space<vmem>>, vector<16xi32>,
      %gather3A_574 = tpu.vector_load_idx %arg8[%get3A_573] : memref<16384xf32, #tpu.memory_space<vmem>>[vector<16xi32>], vector<16xf32>,
      %get3A_575 = arith.index_cast %mul3A_571 : i32 to index
      %get3A_576 = tpu.vector_load %arg14[%get3A_575] {strides = array<i32>} : memref<12288xi32, #tpu.memory_space<vmem>>, vector<16xi32>,
      %get3A_577 = arith.index_cast %mul3A_571 : i32 to index
      %get3A_578 = tpu.vector_load %arg13[%get3A_577] {strides = array<i32>} : memref<12288xf32, #tpu.memory_space<vmem>>, vector<16xf32>,
      %mul3A_579 = arith.mulf %get3A_578, %gather3A_574 : vector<16xf32>
      %mul3A_580 = arith.constant 16 : i32
      %mul3A_581 = arith.muli %add3A_447, %mul3A_580 : i32
      %get3A_582 = arith.index_cast %mul3A_581 : i32 to index
      %get3A_583 = tpu.vector_load %arg15[%get3A_582] {strides = array<i32>} : memref<12288xi32, #tpu.memory_space<vmem>>, vector<16xi32>,
      %gather3A_584 = tpu.vector_load_idx %arg8[%get3A_583] : memref<16384xf32, #tpu.memory_space<vmem>>[vector<16xi32>], vector<16xf32>,
      %get3A_585 = arith.index_cast %mul3A_581 : i32 to index
      %get3A_586 = tpu.vector_load %arg14[%get3A_585] {strides = array<i32>} : memref<12288xi32, #tpu.memory_space<vmem>>, vector<16xi32>,
      %get3A_587 = arith.index_cast %mul3A_581 : i32 to index
      %get3A_588 = tpu.vector_load %arg13[%get3A_587] {strides = array<i32>} : memref<12288xf32, #tpu.memory_space<vmem>>, vector<16xf32>,
      %mul3A_589 = arith.mulf %get3A_588, %gather3A_584 : vector<16xf32>
      %mul3A_590 = arith.constant 16 : i32
      %mul3A_591 = arith.muli %add3A_451, %mul3A_590 : i32
      %get3A_592 = arith.index_cast %mul3A_591 : i32 to index
      %get3A_593 = tpu.vector_load %arg15[%get3A_592] {strides = array<i32>} : memref<12288xi32, #tpu.memory_space<vmem>>, vector<16xi32>,
      %gather3A_594 = tpu.vector_load_idx %arg8[%get3A_593] : memref<16384xf32, #tpu.memory_space<vmem>>[vector<16xi32>], vector<16xf32>,
      %get3A_595 = arith.index_cast %mul3A_591 : i32 to index
      %get3A_596 = tpu.vector_load %arg14[%get3A_595] {strides = array<i32>} : memref<12288xi32, #tpu.memory_space<vmem>>, vector<16xi32>,
      %get3A_597 = arith.index_cast %mul3A_591 : i32 to index
      %get3A_598 = tpu.vector_load %arg13[%get3A_597] {strides = array<i32>} : memref<12288xf32, #tpu.memory_space<vmem>>, vector<16xf32>,
      %mul3A_599 = arith.mulf %get3A_598, %gather3A_594 : vector<16xf32>
      %mul3A_600 = arith.constant 16 : i32
      %mul3A_601 = arith.muli %add3A_455, %mul3A_600 : i32
      %get3A_602 = arith.index_cast %mul3A_601 : i32 to index
      %get3A_603 = tpu.vector_load %arg15[%get3A_602] {strides = array<i32>} : memref<12288xi32, #tpu.memory_space<vmem>>, vector<16xi32>,
      %gather3A_604 = tpu.vector_load_idx %arg8[%get3A_603] : memref<16384xf32, #tpu.memory_space<vmem>>[vector<16xi32>], vector<16xf32>,
      %get3A_605 = arith.index_cast %mul3A_601 : i32 to index
      %get3A_606 = tpu.vector_load %arg14[%get3A_605] {strides = array<i32>} : memref<12288xi32, #tpu.memory_space<vmem>>, vector<16xi32>,
      %get3A_607 = arith.index_cast %mul3A_601 : i32 to index
      %get3A_608 = tpu.vector_load %arg13[%get3A_607] {strides = array<i32>} : memref<12288xf32, #tpu.memory_space<vmem>>, vector<16xf32>,
      %mul3A_609 = arith.mulf %get3A_608, %gather3A_604 : vector<16xf32>
      %mul3A_610 = arith.constant 16 : i32
      %mul3A_611 = arith.muli %add3A_459, %mul3A_610 : i32
      %get3A_612 = arith.index_cast %mul3A_611 : i32 to index
      %get3A_613 = tpu.vector_load %arg15[%get3A_612] {strides = array<i32>} : memref<12288xi32, #tpu.memory_space<vmem>>, vector<16xi32>,
      %gather3A_614 = tpu.vector_load_idx %arg8[%get3A_613] : memref<16384xf32, #tpu.memory_space<vmem>>[vector<16xi32>], vector<16xf32>,
      %get3A_615 = arith.index_cast %mul3A_611 : i32 to index
      %get3A_616 = tpu.vector_load %arg14[%get3A_615] {strides = array<i32>} : memref<12288xi32, #tpu.memory_space<vmem>>, vector<16xi32>,
      %get3A_617 = arith.index_cast %mul3A_611 : i32 to index
      %get3A_618 = tpu.vector_load %arg13[%get3A_617] {strides = array<i32>} : memref<12288xf32, #tpu.memory_space<vmem>>, vector<16xf32>,
      %mul3A_619 = arith.mulf %get3A_618, %gather3A_614 : vector<16xf32>
      tpu.vector_store_idx %arg9[%get3A_466], %mul3A_469 {add = true} : memref<16384xf32, #tpu.memory_space<vmem>>[vector<16xi32>], vector<16xf32>,
      tpu.vector_store_idx %arg9[%get3A_476], %mul3A_479 {add = true} : memref<16384xf32, #tpu.memory_space<vmem>>[vector<16xi32>], vector<16xf32>,
      tpu.vector_store_idx %arg9[%get3A_486], %mul3A_489 {add = true} : memref<16384xf32, #tpu.memory_space<vmem>>[vector<16xi32>], vector<16xf32>,
      tpu.vector_store_idx %arg9[%get3A_496], %mul3A_499 {add = true} : memref<16384xf32, #tpu.memory_space<vmem>>[vector<16xi32>], vector<16xf32>,
      tpu.vector_store_idx %arg9[%get3A_506], %mul3A_509 {add = true} : memref<16384xf32, #tpu.memory_space<vmem>>[vector<16xi32>], vector<16xf32>,
      tpu.vector_store_idx %arg9[%get3A_516], %mul3A_519 {add = true} : memref<16384xf32, #tpu.memory_space<vmem>>[vector<16xi32>], vector<16xf32>,
      tpu.vector_store_idx %arg9[%get3A_526], %mul3A_529 {add = true} : memref<16384xf32, #tpu.memory_space<vmem>>[vector<16xi32>], vector<16xf32>,
      tpu.vector_store_idx %arg9[%get3A_536], %mul3A_539 {add = true} : memref<16384xf32, #tpu.memory_space<vmem>>[vector<16xi32>], vector<16xf32>,
      tpu.vector_store_idx %arg9[%get3A_546], %mul3A_549 {add = true} : memref<16384xf32, #tpu.memory_space<vmem>>[vector<16xi32>], vector<16xf32>,
      tpu.vector_store_idx %arg9[%get3A_556], %mul3A_559 {add = true} : memref<16384xf32, #tpu.memory_space<vmem>>[vector<16xi32>], vector<16xf32>,
      tpu.vector_store_idx %arg9[%get3A_566], %mul3A_569 {add = true} : memref<16384xf32, #tpu.memory_space<vmem>>[vector<16xi32>], vector<16xf32>,
      tpu.vector_store_idx %arg9[%get3A_576], %mul3A_579 {add = true} : memref<16384xf32, #tpu.memory_space<vmem>>[vector<16xi32>], vector<16xf32>,
      tpu.vector_store_idx %arg9[%get3A_586], %mul3A_589 {add = true} : memref<16384xf32, #tpu.memory_space<vmem>>[vector<16xi32>], vector<16xf32>,
      tpu.vector_store_idx %arg9[%get3A_596], %mul3A_599 {add = true} : memref<16384xf32, #tpu.memory_space<vmem>>[vector<16xi32>], vector<16xf32>,
      tpu.vector_store_idx %arg9[%get3A_606], %mul3A_609 {add = true} : memref<16384xf32, #tpu.memory_space<vmem>>[vector<16xi32>], vector<16xf32>,
      tpu.vector_store_idx %arg9[%get3A_616], %mul3A_619 {add = true} : memref<16384xf32, #tpu.memory_space<vmem>>[vector<16xi32>], vector<16xf32>,
    }
    %scan3A_202 = arith.constant 48 : i32
    %add3A_203 = arith.constant 61440 : i32
    %add3A_204 = arith.addi %mul3A_2, %add3A_203 : i32
    %dma_start3A_205 = arith.constant 0 : i32
    %dma_start3A_206 = tpu.memref_slice %arg13[%dma_start3A_205] : memref<12288xf32, #tpu.memory_space<vmem>> -> memref<12288xf32, #tpu.memory_space<vmem>>
    %dma_start3A_207 = tpu.memref_slice %arg2[%add3A_204] : memref<2684354xf32, #tpu.memory_space<hbm>> -> memref<12288xf32, #tpu.memory_space<hbm>>
    %dma_start3A_208 = arith.constant 0 : i32
    %dma_start3A_209 = tpu.memref_slice %arg13[%dma_start3A_208] : memref<12288xf32, #tpu.memory_space<vmem>> -> memref<12288xf32, #tpu.memory_space<vmem>>
    %dma_start3A_210 = tpu.memref_slice %arg2[%add3A_204] : memref<2684354xf32, #tpu.memory_space<hbm>> -> memref<12288xf32, #tpu.memory_space<hbm>>
    tpu.enqueue_dma source(%dma_start3A_210 : memref<12288xf32, #tpu.memory_space<hbm>>) target(%dma_start3A_209 : memref<12288xf32, #tpu.memory_space<vmem>>) target_semaphore(%arg18 : memref<!tpu.dma_semaphore, #tpu.memory_space<semaphore_mem>>)
    %dma_start3A_211 = arith.constant 0 : i32
    %dma_start3A_212 = tpu.memref_slice %arg14[%dma_start3A_211] : memref<12288xi32, #tpu.memory_space<vmem>> -> memref<12288xi32, #tpu.memory_space<vmem>>
    %dma_start3A_213 = tpu.memref_slice %arg3[%add3A_204] : memref<2684354xi32, #tpu.memory_space<hbm>> -> memref<12288xi32, #tpu.memory_space<hbm>>
    %dma_start3A_214 = arith.constant 0 : i32
    %dma_start3A_215 = tpu.memref_slice %arg14[%dma_start3A_214] : memref<12288xi32, #tpu.memory_space<vmem>> -> memref<12288xi32, #tpu.memory_space<vmem>>
    %dma_start3A_216 = tpu.memref_slice %arg3[%add3A_204] : memref<2684354xi32, #tpu.memory_space<hbm>> -> memref<12288xi32, #tpu.memory_space<hbm>>
    tpu.enqueue_dma source(%dma_start3A_216 : memref<12288xi32, #tpu.memory_space<hbm>>) target(%dma_start3A_215 : memref<12288xi32, #tpu.memory_space<vmem>>) target_semaphore(%arg18 : memref<!tpu.dma_semaphore, #tpu.memory_space<semaphore_mem>>)
    %dma_start3A_217 = arith.constant 0 : i32
    %dma_start3A_218 = tpu.memref_slice %arg15[%dma_start3A_217] : memref<12288xi32, #tpu.memory_space<vmem>> -> memref<12288xi32, #tpu.memory_space<vmem>>
    %dma_start3A_219 = tpu.memref_slice %arg4[%add3A_204] : memref<2684354xi32, #tpu.memory_space<hbm>> -> memref<12288xi32, #tpu.memory_space<hbm>>
    %dma_start3A_220 = arith.constant 0 : i32
    %dma_start3A_221 = tpu.memref_slice %arg15[%dma_start3A_220] : memref<12288xi32, #tpu.memory_space<vmem>> -> memref<12288xi32, #tpu.memory_space<vmem>>
    %dma_start3A_222 = tpu.memref_slice %arg4[%add3A_204] : memref<2684354xi32, #tpu.memory_space<hbm>> -> memref<12288xi32, #tpu.memory_space<hbm>>
    tpu.enqueue_dma source(%dma_start3A_222 : memref<12288xi32, #tpu.memory_space<hbm>>) target(%dma_start3A_221 : memref<12288xi32, #tpu.memory_space<vmem>>) target_semaphore(%arg18 : memref<!tpu.dma_semaphore, #tpu.memory_space<semaphore_mem>>)
    %dma_wait3A_223 = arith.constant 0 : i32
    %dma_wait3A_224 = tpu.memref_slice %arg10[%dma_wait3A_223] : memref<12288xf32, #tpu.memory_space<vmem>> -> memref<12288xf32, #tpu.memory_space<vmem>>
    %dma_wait3A_225 = tpu.memref_slice %arg2[%add3A_160] : memref<2684354xf32, #tpu.memory_space<hbm>> -> memref<12288xf32, #tpu.memory_space<hbm>>
    %dma_wait3A_226 = arith.constant 0 : i32
    %dma_wait3A_227 = tpu.memref_slice %arg10[%dma_wait3A_226] : memref<12288xf32, #tpu.memory_space<vmem>> -> memref<12288xf32, #tpu.memory_space<vmem>>
    %dma_wait3A_228 = tpu.memref_slice %arg2[%add3A_160] : memref<2684354xf32, #tpu.memory_space<hbm>> -> memref<12288xf32, #tpu.memory_space<hbm>>
    tpu.wait_dma2 semaphore(%arg17 : memref<!tpu.dma_semaphore, #tpu.memory_space<semaphore_mem>>) src(%dma_wait3A_228 : memref<12288xf32, #tpu.memory_space<hbm>>) dst(%dma_wait3A_227 : memref<12288xf32, #tpu.memory_space<vmem>>)
    %dma_wait3A_229 = arith.constant 0 : i32
    %dma_wait3A_230 = tpu.memref_slice %arg11[%dma_wait3A_229] : memref<12288xi32, #tpu.memory_space<vmem>> -> memref<12288xi32, #tpu.memory_space<vmem>>
    %dma_wait3A_231 = tpu.memref_slice %arg3[%add3A_160] : memref<2684354xi32, #tpu.memory_space<hbm>> -> memref<12288xi32, #tpu.memory_space<hbm>>
    %dma_wait3A_232 = arith.constant 0 : i32
    %dma_wait3A_233 = tpu.memref_slice %arg11[%dma_wait3A_232] : memref<12288xi32, #tpu.memory_space<vmem>> -> memref<12288xi32, #tpu.memory_space<vmem>>
    %dma_wait3A_234 = tpu.memref_slice %arg3[%add3A_160] : memref<2684354xi32, #tpu.memory_space<hbm>> -> memref<12288xi32, #tpu.memory_space<hbm>>
    tpu.wait_dma2 semaphore(%arg17 : memref<!tpu.dma_semaphore, #tpu.memory_space<semaphore_mem>>) src(%dma_wait3A_234 : memref<12288xi32, #tpu.memory_space<hbm>>) dst(%dma_wait3A_233 : memref<12288xi32, #tpu.memory_space<vmem>>)
    %dma_wait3A_235 = arith.constant 0 : i32
    %dma_wait3A_236 = tpu.memref_slice %arg12[%dma_wait3A_235] : memref<12288xi32, #tpu.memory_space<vmem>> -> memref<12288xi32, #tpu.memory_space<vmem>>
    %dma_wait3A_237 = tpu.memref_slice %arg4[%add3A_160] : memref<2684354xi32, #tpu.memory_space<hbm>> -> memref<12288xi32, #tpu.memory_space<hbm>>
    %dma_wait3A_238 = arith.constant 0 : i32
    %dma_wait3A_239 = tpu.memref_slice %arg12[%dma_wait3A_238] : memref<12288xi32, #tpu.memory_space<vmem>> -> memref<12288xi32, #tpu.memory_space<vmem>>
    %dma_wait3A_240 = tpu.memref_slice %arg4[%add3A_160] : memref<2684354xi32, #tpu.memory_space<hbm>> -> memref<12288xi32, #tpu.memory_space<hbm>>
    tpu.wait_dma2 semaphore(%arg17 : memref<!tpu.dma_semaphore, #tpu.memory_space<semaphore_mem>>) src(%dma_wait3A_240 : memref<12288xi32, #tpu.memory_space<hbm>>) dst(%dma_wait3A_239 : memref<12288xi32, #tpu.memory_space<vmem>>)
    %scan3A_241 = arith.constant 0 : i32
    %scan3A_242 = arith.constant 0 : i32
    %scan3A_243 = arith.constant 48 : i32
    %scan3A_244 = arith.addi %scan3A_242, %scan3A_243 : i32
    %scan3A_245 = arith.constant 1 : i32
    scf.for %scan3A_395 = %scan3A_242 to %scan3A_244 step %scan3A_245  : i32 {
      %mul3A_396 = arith.constant 16 : i32
      %mul3A_397 = arith.muli %scan3A_395, %mul3A_396 : i32
      %add3A_398 = arith.constant 0 : i32
      %add3A_399 = arith.addi %mul3A_397, %add3A_398 : i32
      %mul3A_400 = arith.constant 16 : i32
      %mul3A_401 = arith.muli %scan3A_395, %mul3A_400 : i32
      %add3A_402 = arith.constant 1 : i32
      %add3A_403 = arith.addi %mul3A_401, %add3A_402 : i32
      %mul3A_404 = arith.constant 16 : i32
      %mul3A_405 = arith.muli %scan3A_395, %mul3A_404 : i32
      %add3A_406 = arith.constant 2 : i32
      %add3A_407 = arith.addi %mul3A_405, %add3A_406 : i32
      %mul3A_408 = arith.constant 16 : i32
      %mul3A_409 = arith.muli %scan3A_395, %mul3A_408 : i32
      %add3A_410 = arith.constant 3 : i32
      %add3A_411 = arith.addi %mul3A_409, %add3A_410 : i32
      %mul3A_412 = arith.constant 16 : i32
      %mul3A_413 = arith.muli %scan3A_395, %mul3A_412 : i32
      %add3A_414 = arith.constant 4 : i32
      %add3A_415 = arith.addi %mul3A_413, %add3A_414 : i32
      %mul3A_416 = arith.constant 16 : i32
      %mul3A_417 = arith.muli %scan3A_395, %mul3A_416 : i32
      %add3A_418 = arith.constant 5 : i32
      %add3A_419 = arith.addi %mul3A_417, %add3A_418 : i32
      %mul3A_420 = arith.constant 16 : i32
      %mul3A_421 = arith.muli %scan3A_395, %mul3A_420 : i32
      %add3A_422 = arith.constant 6 : i32
      %add3A_423 = arith.addi %mul3A_421, %add3A_422 : i32
      %mul3A_424 = arith.constant 16 : i32
      %mul3A_425 = arith.muli %scan3A_395, %mul3A_424 : i32
      %add3A_426 = arith.constant 7 : i32
      %add3A_427 = arith.addi %mul3A_425, %add3A_426 : i32
      %mul3A_428 = arith.constant 16 : i32
      %mul3A_429 = arith.muli %scan3A_395, %mul3A_428 : i32
      %add3A_430 = arith.constant 8 : i32
      %add3A_431 = arith.addi %mul3A_429, %add3A_430 : i32
      %mul3A_432 = arith.constant 16 : i32
      %mul3A_433 = arith.muli %scan3A_395, %mul3A_432 : i32
      %add3A_434 = arith.constant 9 : i32
      %add3A_435 = arith.addi %mul3A_433, %add3A_434 : i32
      %mul3A_436 = arith.constant 16 : i32
      %mul3A_437 = arith.muli %scan3A_395, %mul3A_436 : i32
      %add3A_438 = arith.constant 10 : i32
      %add3A_439 = arith.addi %mul3A_437, %add3A_438 : i32
      %mul3A_440 = arith.constant 16 : i32
      %mul3A_441 = arith.muli %scan3A_395, %mul3A_440 : i32
      %add3A_442 = arith.constant 11 : i32
      %add3A_443 = arith.addi %mul3A_441, %add3A_442 : i32
      %mul3A_444 = arith.constant 16 : i32
      %mul3A_445 = arith.muli %scan3A_395, %mul3A_444 : i32
      %add3A_446 = arith.constant 12 : i32
      %add3A_447 = arith.addi %mul3A_445, %add3A_446 : i32
      %mul3A_448 = arith.constant 16 : i32
      %mul3A_449 = arith.muli %scan3A_395, %mul3A_448 : i32
      %add3A_450 = arith.constant 13 : i32
      %add3A_451 = arith.addi %mul3A_449, %add3A_450 : i32
      %mul3A_452 = arith.constant 16 : i32
      %mul3A_453 = arith.muli %scan3A_395, %mul3A_452 : i32
      %add3A_454 = arith.constant 14 : i32
      %add3A_455 = arith.addi %mul3A_453, %add3A_454 : i32
      %mul3A_456 = arith.constant 16 : i32
      %mul3A_457 = arith.muli %scan3A_395, %mul3A_456 : i32
      %add3A_458 = arith.constant 15 : i32
      %add3A_459 = arith.addi %mul3A_457, %add3A_458 : i32
      %mul3A_460 = arith.constant 16 : i32
      %mul3A_461 = arith.muli %add3A_399, %mul3A_460 : i32
      %get3A_462 = arith.index_cast %mul3A_461 : i32 to index
      %get3A_463 = tpu.vector_load %arg12[%get3A_462] {strides = array<i32>} : memref<12288xi32, #tpu.memory_space<vmem>>, vector<16xi32>,
      %gather3A_464 = tpu.vector_load_idx %arg8[%get3A_463] : memref<16384xf32, #tpu.memory_space<vmem>>[vector<16xi32>], vector<16xf32>,
      %get3A_465 = arith.index_cast %mul3A_461 : i32 to index
      %get3A_466 = tpu.vector_load %arg11[%get3A_465] {strides = array<i32>} : memref<12288xi32, #tpu.memory_space<vmem>>, vector<16xi32>,
      %get3A_467 = arith.index_cast %mul3A_461 : i32 to index
      %get3A_468 = tpu.vector_load %arg10[%get3A_467] {strides = array<i32>} : memref<12288xf32, #tpu.memory_space<vmem>>, vector<16xf32>,
      %mul3A_469 = arith.mulf %get3A_468, %gather3A_464 : vector<16xf32>
      %mul3A_470 = arith.constant 16 : i32
      %mul3A_471 = arith.muli %add3A_403, %mul3A_470 : i32
      %get3A_472 = arith.index_cast %mul3A_471 : i32 to index
      %get3A_473 = tpu.vector_load %arg12[%get3A_472] {strides = array<i32>} : memref<12288xi32, #tpu.memory_space<vmem>>, vector<16xi32>,
      %gather3A_474 = tpu.vector_load_idx %arg8[%get3A_473] : memref<16384xf32, #tpu.memory_space<vmem>>[vector<16xi32>], vector<16xf32>,
      %get3A_475 = arith.index_cast %mul3A_471 : i32 to index
      %get3A_476 = tpu.vector_load %arg11[%get3A_475] {strides = array<i32>} : memref<12288xi32, #tpu.memory_space<vmem>>, vector<16xi32>,
      %get3A_477 = arith.index_cast %mul3A_471 : i32 to index
      %get3A_478 = tpu.vector_load %arg10[%get3A_477] {strides = array<i32>} : memref<12288xf32, #tpu.memory_space<vmem>>, vector<16xf32>,
      %mul3A_479 = arith.mulf %get3A_478, %gather3A_474 : vector<16xf32>
      %mul3A_480 = arith.constant 16 : i32
      %mul3A_481 = arith.muli %add3A_407, %mul3A_480 : i32
      %get3A_482 = arith.index_cast %mul3A_481 : i32 to index
      %get3A_483 = tpu.vector_load %arg12[%get3A_482] {strides = array<i32>} : memref<12288xi32, #tpu.memory_space<vmem>>, vector<16xi32>,
      %gather3A_484 = tpu.vector_load_idx %arg8[%get3A_483] : memref<16384xf32, #tpu.memory_space<vmem>>[vector<16xi32>], vector<16xf32>,
      %get3A_485 = arith.index_cast %mul3A_481 : i32 to index
      %get3A_486 = tpu.vector_load %arg11[%get3A_485] {strides = array<i32>} : memref<12288xi32, #tpu.memory_space<vmem>>, vector<16xi32>,
      %get3A_487 = arith.index_cast %mul3A_481 : i32 to index
      %get3A_488 = tpu.vector_load %arg10[%get3A_487] {strides = array<i32>} : memref<12288xf32, #tpu.memory_space<vmem>>, vector<16xf32>,
      %mul3A_489 = arith.mulf %get3A_488, %gather3A_484 : vector<16xf32>
      %mul3A_490 = arith.constant 16 : i32
      %mul3A_491 = arith.muli %add3A_411, %mul3A_490 : i32
      %get3A_492 = arith.index_cast %mul3A_491 : i32 to index
      %get3A_493 = tpu.vector_load %arg12[%get3A_492] {strides = array<i32>} : memref<12288xi32, #tpu.memory_space<vmem>>, vector<16xi32>,
      %gather3A_494 = tpu.vector_load_idx %arg8[%get3A_493] : memref<16384xf32, #tpu.memory_space<vmem>>[vector<16xi32>], vector<16xf32>,
      %get3A_495 = arith.index_cast %mul3A_491 : i32 to index
      %get3A_496 = tpu.vector_load %arg11[%get3A_495] {strides = array<i32>} : memref<12288xi32, #tpu.memory_space<vmem>>, vector<16xi32>,
      %get3A_497 = arith.index_cast %mul3A_491 : i32 to index
      %get3A_498 = tpu.vector_load %arg10[%get3A_497] {strides = array<i32>} : memref<12288xf32, #tpu.memory_space<vmem>>, vector<16xf32>,
      %mul3A_499 = arith.mulf %get3A_498, %gather3A_494 : vector<16xf32>
      %mul3A_500 = arith.constant 16 : i32
      %mul3A_501 = arith.muli %add3A_415, %mul3A_500 : i32
      %get3A_502 = arith.index_cast %mul3A_501 : i32 to index
      %get3A_503 = tpu.vector_load %arg12[%get3A_502] {strides = array<i32>} : memref<12288xi32, #tpu.memory_space<vmem>>, vector<16xi32>,
      %gather3A_504 = tpu.vector_load_idx %arg8[%get3A_503] : memref<16384xf32, #tpu.memory_space<vmem>>[vector<16xi32>], vector<16xf32>,
      %get3A_505 = arith.index_cast %mul3A_501 : i32 to index
      %get3A_506 = tpu.vector_load %arg11[%get3A_505] {strides = array<i32>} : memref<12288xi32, #tpu.memory_space<vmem>>, vector<16xi32>,
      %get3A_507 = arith.index_cast %mul3A_501 : i32 to index
      %get3A_508 = tpu.vector_load %arg10[%get3A_507] {strides = array<i32>} : memref<12288xf32, #tpu.memory_space<vmem>>, vector<16xf32>,
      %mul3A_509 = arith.mulf %get3A_508, %gather3A_504 : vector<16xf32>
      %mul3A_510 = arith.constant 16 : i32
      %mul3A_511 = arith.muli %add3A_419, %mul3A_510 : i32
      %get3A_512 = arith.index_cast %mul3A_511 : i32 to index
      %get3A_513 = tpu.vector_load %arg12[%get3A_512] {strides = array<i32>} : memref<12288xi32, #tpu.memory_space<vmem>>, vector<16xi32>,
      %gather3A_514 = tpu.vector_load_idx %arg8[%get3A_513] : memref<16384xf32, #tpu.memory_space<vmem>>[vector<16xi32>], vector<16xf32>,
      %get3A_515 = arith.index_cast %mul3A_511 : i32 to index
      %get3A_516 = tpu.vector_load %arg11[%get3A_515] {strides = array<i32>} : memref<12288xi32, #tpu.memory_space<vmem>>, vector<16xi32>,
      %get3A_517 = arith.index_cast %mul3A_511 : i32 to index
      %get3A_518 = tpu.vector_load %arg10[%get3A_517] {strides = array<i32>} : memref<12288xf32, #tpu.memory_space<vmem>>, vector<16xf32>,
      %mul3A_519 = arith.mulf %get3A_518, %gather3A_514 : vector<16xf32>
      %mul3A_520 = arith.constant 16 : i32
      %mul3A_521 = arith.muli %add3A_423, %mul3A_520 : i32
      %get3A_522 = arith.index_cast %mul3A_521 : i32 to index
      %get3A_523 = tpu.vector_load %arg12[%get3A_522] {strides = array<i32>} : memref<12288xi32, #tpu.memory_space<vmem>>, vector<16xi32>,
      %gather3A_524 = tpu.vector_load_idx %arg8[%get3A_523] : memref<16384xf32, #tpu.memory_space<vmem>>[vector<16xi32>], vector<16xf32>,
      %get3A_525 = arith.index_cast %mul3A_521 : i32 to index
      %get3A_526 = tpu.vector_load %arg11[%get3A_525] {strides = array<i32>} : memref<12288xi32, #tpu.memory_space<vmem>>, vector<16xi32>,
      %get3A_527 = arith.index_cast %mul3A_521 : i32 to index
      %get3A_528 = tpu.vector_load %arg10[%get3A_527] {strides = array<i32>} : memref<12288xf32, #tpu.memory_space<vmem>>, vector<16xf32>,
      %mul3A_529 = arith.mulf %get3A_528, %gather3A_524 : vector<16xf32>
      %mul3A_530 = arith.constant 16 : i32
      %mul3A_531 = arith.muli %add3A_427, %mul3A_530 : i32
      %get3A_532 = arith.index_cast %mul3A_531 : i32 to index
      %get3A_533 = tpu.vector_load %arg12[%get3A_532] {strides = array<i32>} : memref<12288xi32, #tpu.memory_space<vmem>>, vector<16xi32>,
      %gather3A_534 = tpu.vector_load_idx %arg8[%get3A_533] : memref<16384xf32, #tpu.memory_space<vmem>>[vector<16xi32>], vector<16xf32>,
      %get3A_535 = arith.index_cast %mul3A_531 : i32 to index
      %get3A_536 = tpu.vector_load %arg11[%get3A_535] {strides = array<i32>} : memref<12288xi32, #tpu.memory_space<vmem>>, vector<16xi32>,
      %get3A_537 = arith.index_cast %mul3A_531 : i32 to index
      %get3A_538 = tpu.vector_load %arg10[%get3A_537] {strides = array<i32>} : memref<12288xf32, #tpu.memory_space<vmem>>, vector<16xf32>,
      %mul3A_539 = arith.mulf %get3A_538, %gather3A_534 : vector<16xf32>
      %mul3A_540 = arith.constant 16 : i32
      %mul3A_541 = arith.muli %add3A_431, %mul3A_540 : i32
      %get3A_542 = arith.index_cast %mul3A_541 : i32 to index
      %get3A_543 = tpu.vector_load %arg12[%get3A_542] {strides = array<i32>} : memref<12288xi32, #tpu.memory_space<vmem>>, vector<16xi32>,
      %gather3A_544 = tpu.vector_load_idx %arg8[%get3A_543] : memref<16384xf32, #tpu.memory_space<vmem>>[vector<16xi32>], vector<16xf32>,
      %get3A_545 = arith.index_cast %mul3A_541 : i32 to index
      %get3A_546 = tpu.vector_load %arg11[%get3A_545] {strides = array<i32>} : memref<12288xi32, #tpu.memory_space<vmem>>, vector<16xi32>,
      %get3A_547 = arith.index_cast %mul3A_541 : i32 to index
      %get3A_548 = tpu.vector_load %arg10[%get3A_547] {strides = array<i32>} : memref<12288xf32, #tpu.memory_space<vmem>>, vector<16xf32>,
      %mul3A_549 = arith.mulf %get3A_548, %gather3A_544 : vector<16xf32>
      %mul3A_550 = arith.constant 16 : i32
      %mul3A_551 = arith.muli %add3A_435, %mul3A_550 : i32
      %get3A_552 = arith.index_cast %mul3A_551 : i32 to index
      %get3A_553 = tpu.vector_load %arg12[%get3A_552] {strides = array<i32>} : memref<12288xi32, #tpu.memory_space<vmem>>, vector<16xi32>,
      %gather3A_554 = tpu.vector_load_idx %arg8[%get3A_553] : memref<16384xf32, #tpu.memory_space<vmem>>[vector<16xi32>], vector<16xf32>,
      %get3A_555 = arith.index_cast %mul3A_551 : i32 to index
      %get3A_556 = tpu.vector_load %arg11[%get3A_555] {strides = array<i32>} : memref<12288xi32, #tpu.memory_space<vmem>>, vector<16xi32>,
      %get3A_557 = arith.index_cast %mul3A_551 : i32 to index
      %get3A_558 = tpu.vector_load %arg10[%get3A_557] {strides = array<i32>} : memref<12288xf32, #tpu.memory_space<vmem>>, vector<16xf32>,
      %mul3A_559 = arith.mulf %get3A_558, %gather3A_554 : vector<16xf32>
      %mul3A_560 = arith.constant 16 : i32
      %mul3A_561 = arith.muli %add3A_439, %mul3A_560 : i32
      %get3A_562 = arith.index_cast %mul3A_561 : i32 to index
      %get3A_563 = tpu.vector_load %arg12[%get3A_562] {strides = array<i32>} : memref<12288xi32, #tpu.memory_space<vmem>>, vector<16xi32>,
      %gather3A_564 = tpu.vector_load_idx %arg8[%get3A_563] : memref<16384xf32, #tpu.memory_space<vmem>>[vector<16xi32>], vector<16xf32>,
      %get3A_565 = arith.index_cast %mul3A_561 : i32 to index
      %get3A_566 = tpu.vector_load %arg11[%get3A_565] {strides = array<i32>} : memref<12288xi32, #tpu.memory_space<vmem>>, vector<16xi32>,
      %get3A_567 = arith.index_cast %mul3A_561 : i32 to index
      %get3A_568 = tpu.vector_load %arg10[%get3A_567] {strides = array<i32>} : memref<12288xf32, #tpu.memory_space<vmem>>, vector<16xf32>,
      %mul3A_569 = arith.mulf %get3A_568, %gather3A_564 : vector<16xf32>
      %mul3A_570 = arith.constant 16 : i32
      %mul3A_571 = arith.muli %add3A_443, %mul3A_570 : i32
      %get3A_572 = arith.index_cast %mul3A_571 : i32 to index
      %get3A_573 = tpu.vector_load %arg12[%get3A_572] {strides = array<i32>} : memref<12288xi32, #tpu.memory_space<vmem>>, vector<16xi32>,
      %gather3A_574 = tpu.vector_load_idx %arg8[%get3A_573] : memref<16384xf32, #tpu.memory_space<vmem>>[vector<16xi32>], vector<16xf32>,
      %get3A_575 = arith.index_cast %mul3A_571 : i32 to index
      %get3A_576 = tpu.vector_load %arg11[%get3A_575] {strides = array<i32>} : memref<12288xi32, #tpu.memory_space<vmem>>, vector<16xi32>,
      %get3A_577 = arith.index_cast %mul3A_571 : i32 to index
      %get3A_578 = tpu.vector_load %arg10[%get3A_577] {strides = array<i32>} : memref<12288xf32, #tpu.memory_space<vmem>>, vector<16xf32>,
      %mul3A_579 = arith.mulf %get3A_578, %gather3A_574 : vector<16xf32>
      %mul3A_580 = arith.constant 16 : i32
      %mul3A_581 = arith.muli %add3A_447, %mul3A_580 : i32
      %get3A_582 = arith.index_cast %mul3A_581 : i32 to index
      %get3A_583 = tpu.vector_load %arg12[%get3A_582] {strides = array<i32>} : memref<12288xi32, #tpu.memory_space<vmem>>, vector<16xi32>,
      %gather3A_584 = tpu.vector_load_idx %arg8[%get3A_583] : memref<16384xf32, #tpu.memory_space<vmem>>[vector<16xi32>], vector<16xf32>,
      %get3A_585 = arith.index_cast %mul3A_581 : i32 to index
      %get3A_586 = tpu.vector_load %arg11[%get3A_585] {strides = array<i32>} : memref<12288xi32, #tpu.memory_space<vmem>>, vector<16xi32>,
      %get3A_587 = arith.index_cast %mul3A_581 : i32 to index
      %get3A_588 = tpu.vector_load %arg10[%get3A_587] {strides = array<i32>} : memref<12288xf32, #tpu.memory_space<vmem>>, vector<16xf32>,
      %mul3A_589 = arith.mulf %get3A_588, %gather3A_584 : vector<16xf32>
      %mul3A_590 = arith.constant 16 : i32
      %mul3A_591 = arith.muli %add3A_451, %mul3A_590 : i32
      %get3A_592 = arith.index_cast %mul3A_591 : i32 to index
      %get3A_593 = tpu.vector_load %arg12[%get3A_592] {strides = array<i32>} : memref<12288xi32, #tpu.memory_space<vmem>>, vector<16xi32>,
      %gather3A_594 = tpu.vector_load_idx %arg8[%get3A_593] : memref<16384xf32, #tpu.memory_space<vmem>>[vector<16xi32>], vector<16xf32>,
      %get3A_595 = arith.index_cast %mul3A_591 : i32 to index
      %get3A_596 = tpu.vector_load %arg11[%get3A_595] {strides = array<i32>} : memref<12288xi32, #tpu.memory_space<vmem>>, vector<16xi32>,
      %get3A_597 = arith.index_cast %mul3A_591 : i32 to index
      %get3A_598 = tpu.vector_load %arg10[%get3A_597] {strides = array<i32>} : memref<12288xf32, #tpu.memory_space<vmem>>, vector<16xf32>,
      %mul3A_599 = arith.mulf %get3A_598, %gather3A_594 : vector<16xf32>
      %mul3A_600 = arith.constant 16 : i32
      %mul3A_601 = arith.muli %add3A_455, %mul3A_600 : i32
      %get3A_602 = arith.index_cast %mul3A_601 : i32 to index
      %get3A_603 = tpu.vector_load %arg12[%get3A_602] {strides = array<i32>} : memref<12288xi32, #tpu.memory_space<vmem>>, vector<16xi32>,
      %gather3A_604 = tpu.vector_load_idx %arg8[%get3A_603] : memref<16384xf32, #tpu.memory_space<vmem>>[vector<16xi32>], vector<16xf32>,
      %get3A_605 = arith.index_cast %mul3A_601 : i32 to index
      %get3A_606 = tpu.vector_load %arg11[%get3A_605] {strides = array<i32>} : memref<12288xi32, #tpu.memory_space<vmem>>, vector<16xi32>,
      %get3A_607 = arith.index_cast %mul3A_601 : i32 to index
      %get3A_608 = tpu.vector_load %arg10[%get3A_607] {strides = array<i32>} : memref<12288xf32, #tpu.memory_space<vmem>>, vector<16xf32>,
      %mul3A_609 = arith.mulf %get3A_608, %gather3A_604 : vector<16xf32>
      %mul3A_610 = arith.constant 16 : i32
      %mul3A_611 = arith.muli %add3A_459, %mul3A_610 : i32
      %get3A_612 = arith.index_cast %mul3A_611 : i32 to index
      %get3A_613 = tpu.vector_load %arg12[%get3A_612] {strides = array<i32>} : memref<12288xi32, #tpu.memory_space<vmem>>, vector<16xi32>,
      %gather3A_614 = tpu.vector_load_idx %arg8[%get3A_613] : memref<16384xf32, #tpu.memory_space<vmem>>[vector<16xi32>], vector<16xf32>,
      %get3A_615 = arith.index_cast %mul3A_611 : i32 to index
      %get3A_616 = tpu.vector_load %arg11[%get3A_615] {strides = array<i32>} : memref<12288xi32, #tpu.memory_space<vmem>>, vector<16xi32>,
      %get3A_617 = arith.index_cast %mul3A_611 : i32 to index
      %get3A_618 = tpu.vector_load %arg10[%get3A_617] {strides = array<i32>} : memref<12288xf32, #tpu.memory_space<vmem>>, vector<16xf32>,
      %mul3A_619 = arith.mulf %get3A_618, %gather3A_614 : vector<16xf32>
      tpu.vector_store_idx %arg9[%get3A_466], %mul3A_469 {add = true} : memref<16384xf32, #tpu.memory_space<vmem>>[vector<16xi32>], vector<16xf32>,
      tpu.vector_store_idx %arg9[%get3A_476], %mul3A_479 {add = true} : memref<16384xf32, #tpu.memory_space<vmem>>[vector<16xi32>], vector<16xf32>,
      tpu.vector_store_idx %arg9[%get3A_486], %mul3A_489 {add = true} : memref<16384xf32, #tpu.memory_space<vmem>>[vector<16xi32>], vector<16xf32>,
      tpu.vector_store_idx %arg9[%get3A_496], %mul3A_499 {add = true} : memref<16384xf32, #tpu.memory_space<vmem>>[vector<16xi32>], vector<16xf32>,
      tpu.vector_store_idx %arg9[%get3A_506], %mul3A_509 {add = true} : memref<16384xf32, #tpu.memory_space<vmem>>[vector<16xi32>], vector<16xf32>,
      tpu.vector_store_idx %arg9[%get3A_516], %mul3A_519 {add = true} : memref<16384xf32, #tpu.memory_space<vmem>>[vector<16xi32>], vector<16xf32>,
      tpu.vector_store_idx %arg9[%get3A_526], %mul3A_529 {add = true} : memref<16384xf32, #tpu.memory_space<vmem>>[vector<16xi32>], vector<16xf32>,
      tpu.vector_store_idx %arg9[%get3A_536], %mul3A_539 {add = true} : memref<16384xf32, #tpu.memory_space<vmem>>[vector<16xi32>], vector<16xf32>,
      tpu.vector_store_idx %arg9[%get3A_546], %mul3A_549 {add = true} : memref<16384xf32, #tpu.memory_space<vmem>>[vector<16xi32>], vector<16xf32>,
      tpu.vector_store_idx %arg9[%get3A_556], %mul3A_559 {add = true} : memref<16384xf32, #tpu.memory_space<vmem>>[vector<16xi32>], vector<16xf32>,
      tpu.vector_store_idx %arg9[%get3A_566], %mul3A_569 {add = true} : memref<16384xf32, #tpu.memory_space<vmem>>[vector<16xi32>], vector<16xf32>,
      tpu.vector_store_idx %arg9[%get3A_576], %mul3A_579 {add = true} : memref<16384xf32, #tpu.memory_space<vmem>>[vector<16xi32>], vector<16xf32>,
      tpu.vector_store_idx %arg9[%get3A_586], %mul3A_589 {add = true} : memref<16384xf32, #tpu.memory_space<vmem>>[vector<16xi32>], vector<16xf32>,
      tpu.vector_store_idx %arg9[%get3A_596], %mul3A_599 {add = true} : memref<16384xf32, #tpu.memory_space<vmem>>[vector<16xi32>], vector<16xf32>,
      tpu.vector_store_idx %arg9[%get3A_606], %mul3A_609 {add = true} : memref<16384xf32, #tpu.memory_space<vmem>>[vector<16xi32>], vector<16xf32>,
      tpu.vector_store_idx %arg9[%get3A_616], %mul3A_619 {add = true} : memref<16384xf32, #tpu.memory_space<vmem>>[vector<16xi32>], vector<16xf32>,
    }
    %scan3A_246 = arith.constant 48 : i32
    %add3A_247 = arith.constant 73728 : i32
    %add3A_248 = arith.addi %mul3A_2, %add3A_247 : i32
    %dma_start3A_249 = arith.constant 0 : i32
    %dma_start3A_250 = tpu.memref_slice %arg10[%dma_start3A_249] : memref<12288xf32, #tpu.memory_space<vmem>> -> memref<10144xf32, #tpu.memory_space<vmem>>
    %dma_start3A_251 = tpu.memref_slice %arg2[%add3A_248] : memref<2684354xf32, #tpu.memory_space<hbm>> -> memref<10144xf32, #tpu.memory_space<hbm>>
    %dma_start3A_252 = arith.constant 0 : i32
    %dma_start3A_253 = tpu.memref_slice %arg10[%dma_start3A_252] : memref<12288xf32, #tpu.memory_space<vmem>> -> memref<10144xf32, #tpu.memory_space<vmem>>
    %dma_start3A_254 = tpu.memref_slice %arg2[%add3A_248] : memref<2684354xf32, #tpu.memory_space<hbm>> -> memref<10144xf32, #tpu.memory_space<hbm>>
    tpu.enqueue_dma source(%dma_start3A_254 : memref<10144xf32, #tpu.memory_space<hbm>>) target(%dma_start3A_253 : memref<10144xf32, #tpu.memory_space<vmem>>) target_semaphore(%arg17 : memref<!tpu.dma_semaphore, #tpu.memory_space<semaphore_mem>>)
    %dma_start3A_255 = arith.constant 0 : i32
    %dma_start3A_256 = tpu.memref_slice %arg11[%dma_start3A_255] : memref<12288xi32, #tpu.memory_space<vmem>> -> memref<10144xi32, #tpu.memory_space<vmem>>
    %dma_start3A_257 = tpu.memref_slice %arg3[%add3A_248] : memref<2684354xi32, #tpu.memory_space<hbm>> -> memref<10144xi32, #tpu.memory_space<hbm>>
    %dma_start3A_258 = arith.constant 0 : i32
    %dma_start3A_259 = tpu.memref_slice %arg11[%dma_start3A_258] : memref<12288xi32, #tpu.memory_space<vmem>> -> memref<10144xi32, #tpu.memory_space<vmem>>
    %dma_start3A_260 = tpu.memref_slice %arg3[%add3A_248] : memref<2684354xi32, #tpu.memory_space<hbm>> -> memref<10144xi32, #tpu.memory_space<hbm>>
    tpu.enqueue_dma source(%dma_start3A_260 : memref<10144xi32, #tpu.memory_space<hbm>>) target(%dma_start3A_259 : memref<10144xi32, #tpu.memory_space<vmem>>) target_semaphore(%arg17 : memref<!tpu.dma_semaphore, #tpu.memory_space<semaphore_mem>>)
    %dma_start3A_261 = arith.constant 0 : i32
    %dma_start3A_262 = tpu.memref_slice %arg12[%dma_start3A_261] : memref<12288xi32, #tpu.memory_space<vmem>> -> memref<10144xi32, #tpu.memory_space<vmem>>
    %dma_start3A_263 = tpu.memref_slice %arg4[%add3A_248] : memref<2684354xi32, #tpu.memory_space<hbm>> -> memref<10144xi32, #tpu.memory_space<hbm>>
    %dma_start3A_264 = arith.constant 0 : i32
    %dma_start3A_265 = tpu.memref_slice %arg12[%dma_start3A_264] : memref<12288xi32, #tpu.memory_space<vmem>> -> memref<10144xi32, #tpu.memory_space<vmem>>
    %dma_start3A_266 = tpu.memref_slice %arg4[%add3A_248] : memref<2684354xi32, #tpu.memory_space<hbm>> -> memref<10144xi32, #tpu.memory_space<hbm>>
    tpu.enqueue_dma source(%dma_start3A_266 : memref<10144xi32, #tpu.memory_space<hbm>>) target(%dma_start3A_265 : memref<10144xi32, #tpu.memory_space<vmem>>) target_semaphore(%arg17 : memref<!tpu.dma_semaphore, #tpu.memory_space<semaphore_mem>>)
    %dma_wait3A_267 = arith.constant 0 : i32
    %dma_wait3A_268 = tpu.memref_slice %arg13[%dma_wait3A_267] : memref<12288xf32, #tpu.memory_space<vmem>> -> memref<12288xf32, #tpu.memory_space<vmem>>
    %dma_wait3A_269 = tpu.memref_slice %arg2[%add3A_204] : memref<2684354xf32, #tpu.memory_space<hbm>> -> memref<12288xf32, #tpu.memory_space<hbm>>
    %dma_wait3A_270 = arith.constant 0 : i32
    %dma_wait3A_271 = tpu.memref_slice %arg13[%dma_wait3A_270] : memref<12288xf32, #tpu.memory_space<vmem>> -> memref<12288xf32, #tpu.memory_space<vmem>>
    %dma_wait3A_272 = tpu.memref_slice %arg2[%add3A_204] : memref<2684354xf32, #tpu.memory_space<hbm>> -> memref<12288xf32, #tpu.memory_space<hbm>>
    tpu.wait_dma2 semaphore(%arg18 : memref<!tpu.dma_semaphore, #tpu.memory_space<semaphore_mem>>) src(%dma_wait3A_272 : memref<12288xf32, #tpu.memory_space<hbm>>) dst(%dma_wait3A_271 : memref<12288xf32, #tpu.memory_space<vmem>>)
    %dma_wait3A_273 = arith.constant 0 : i32
    %dma_wait3A_274 = tpu.memref_slice %arg14[%dma_wait3A_273] : memref<12288xi32, #tpu.memory_space<vmem>> -> memref<12288xi32, #tpu.memory_space<vmem>>
    %dma_wait3A_275 = tpu.memref_slice %arg3[%add3A_204] : memref<2684354xi32, #tpu.memory_space<hbm>> -> memref<12288xi32, #tpu.memory_space<hbm>>
    %dma_wait3A_276 = arith.constant 0 : i32
    %dma_wait3A_277 = tpu.memref_slice %arg14[%dma_wait3A_276] : memref<12288xi32, #tpu.memory_space<vmem>> -> memref<12288xi32, #tpu.memory_space<vmem>>
    %dma_wait3A_278 = tpu.memref_slice %arg3[%add3A_204] : memref<2684354xi32, #tpu.memory_space<hbm>> -> memref<12288xi32, #tpu.memory_space<hbm>>
    tpu.wait_dma2 semaphore(%arg18 : memref<!tpu.dma_semaphore, #tpu.memory_space<semaphore_mem>>) src(%dma_wait3A_278 : memref<12288xi32, #tpu.memory_space<hbm>>) dst(%dma_wait3A_277 : memref<12288xi32, #tpu.memory_space<vmem>>)
    %dma_wait3A_279 = arith.constant 0 : i32
    %dma_wait3A_280 = tpu.memref_slice %arg15[%dma_wait3A_279] : memref<12288xi32, #tpu.memory_space<vmem>> -> memref<12288xi32, #tpu.memory_space<vmem>>
    %dma_wait3A_281 = tpu.memref_slice %arg4[%add3A_204] : memref<2684354xi32, #tpu.memory_space<hbm>> -> memref<12288xi32, #tpu.memory_space<hbm>>
    %dma_wait3A_282 = arith.constant 0 : i32
    %dma_wait3A_283 = tpu.memref_slice %arg15[%dma_wait3A_282] : memref<12288xi32, #tpu.memory_space<vmem>> -> memref<12288xi32, #tpu.memory_space<vmem>>
    %dma_wait3A_284 = tpu.memref_slice %arg4[%add3A_204] : memref<2684354xi32, #tpu.memory_space<hbm>> -> memref<12288xi32, #tpu.memory_space<hbm>>
    tpu.wait_dma2 semaphore(%arg18 : memref<!tpu.dma_semaphore, #tpu.memory_space<semaphore_mem>>) src(%dma_wait3A_284 : memref<12288xi32, #tpu.memory_space<hbm>>) dst(%dma_wait3A_283 : memref<12288xi32, #tpu.memory_space<vmem>>)
    %scan3A_285 = arith.constant 0 : i32
    %scan3A_286 = arith.constant 0 : i32
    %scan3A_287 = arith.constant 48 : i32
    %scan3A_288 = arith.addi %scan3A_286, %scan3A_287 : i32
    %scan3A_289 = arith.constant 1 : i32
    scf.for %scan3A_395 = %scan3A_286 to %scan3A_288 step %scan3A_289  : i32 {
      %mul3A_396 = arith.constant 16 : i32
      %mul3A_397 = arith.muli %scan3A_395, %mul3A_396 : i32
      %add3A_398 = arith.constant 0 : i32
      %add3A_399 = arith.addi %mul3A_397, %add3A_398 : i32
      %mul3A_400 = arith.constant 16 : i32
      %mul3A_401 = arith.muli %scan3A_395, %mul3A_400 : i32
      %add3A_402 = arith.constant 1 : i32
      %add3A_403 = arith.addi %mul3A_401, %add3A_402 : i32
      %mul3A_404 = arith.constant 16 : i32
      %mul3A_405 = arith.muli %scan3A_395, %mul3A_404 : i32
      %add3A_406 = arith.constant 2 : i32
      %add3A_407 = arith.addi %mul3A_405, %add3A_406 : i32
      %mul3A_408 = arith.constant 16 : i32
      %mul3A_409 = arith.muli %scan3A_395, %mul3A_408 : i32
      %add3A_410 = arith.constant 3 : i32
      %add3A_411 = arith.addi %mul3A_409, %add3A_410 : i32
      %mul3A_412 = arith.constant 16 : i32
      %mul3A_413 = arith.muli %scan3A_395, %mul3A_412 : i32
      %add3A_414 = arith.constant 4 : i32
      %add3A_415 = arith.addi %mul3A_413, %add3A_414 : i32
      %mul3A_416 = arith.constant 16 : i32
      %mul3A_417 = arith.muli %scan3A_395, %mul3A_416 : i32
      %add3A_418 = arith.constant 5 : i32
      %add3A_419 = arith.addi %mul3A_417, %add3A_418 : i32
      %mul3A_420 = arith.constant 16 : i32
      %mul3A_421 = arith.muli %scan3A_395, %mul3A_420 : i32
      %add3A_422 = arith.constant 6 : i32
      %add3A_423 = arith.addi %mul3A_421, %add3A_422 : i32
      %mul3A_424 = arith.constant 16 : i32
      %mul3A_425 = arith.muli %scan3A_395, %mul3A_424 : i32
      %add3A_426 = arith.constant 7 : i32
      %add3A_427 = arith.addi %mul3A_425, %add3A_426 : i32
      %mul3A_428 = arith.constant 16 : i32
      %mul3A_429 = arith.muli %scan3A_395, %mul3A_428 : i32
      %add3A_430 = arith.constant 8 : i32
      %add3A_431 = arith.addi %mul3A_429, %add3A_430 : i32
      %mul3A_432 = arith.constant 16 : i32
      %mul3A_433 = arith.muli %scan3A_395, %mul3A_432 : i32
      %add3A_434 = arith.constant 9 : i32
      %add3A_435 = arith.addi %mul3A_433, %add3A_434 : i32
      %mul3A_436 = arith.constant 16 : i32
      %mul3A_437 = arith.muli %scan3A_395, %mul3A_436 : i32
      %add3A_438 = arith.constant 10 : i32
      %add3A_439 = arith.addi %mul3A_437, %add3A_438 : i32
      %mul3A_440 = arith.constant 16 : i32
      %mul3A_441 = arith.muli %scan3A_395, %mul3A_440 : i32
      %add3A_442 = arith.constant 11 : i32
      %add3A_443 = arith.addi %mul3A_441, %add3A_442 : i32
      %mul3A_444 = arith.constant 16 : i32
      %mul3A_445 = arith.muli %scan3A_395, %mul3A_444 : i32
      %add3A_446 = arith.constant 12 : i32
      %add3A_447 = arith.addi %mul3A_445, %add3A_446 : i32
      %mul3A_448 = arith.constant 16 : i32
      %mul3A_449 = arith.muli %scan3A_395, %mul3A_448 : i32
      %add3A_450 = arith.constant 13 : i32
      %add3A_451 = arith.addi %mul3A_449, %add3A_450 : i32
      %mul3A_452 = arith.constant 16 : i32
      %mul3A_453 = arith.muli %scan3A_395, %mul3A_452 : i32
      %add3A_454 = arith.constant 14 : i32
      %add3A_455 = arith.addi %mul3A_453, %add3A_454 : i32
      %mul3A_456 = arith.constant 16 : i32
      %mul3A_457 = arith.muli %scan3A_395, %mul3A_456 : i32
      %add3A_458 = arith.constant 15 : i32
      %add3A_459 = arith.addi %mul3A_457, %add3A_458 : i32
      %mul3A_460 = arith.constant 16 : i32
      %mul3A_461 = arith.muli %add3A_399, %mul3A_460 : i32
      %get3A_462 = arith.index_cast %mul3A_461 : i32 to index
      %get3A_463 = tpu.vector_load %arg15[%get3A_462] {strides = array<i32>} : memref<12288xi32, #tpu.memory_space<vmem>>, vector<16xi32>,
      %gather3A_464 = tpu.vector_load_idx %arg8[%get3A_463] : memref<16384xf32, #tpu.memory_space<vmem>>[vector<16xi32>], vector<16xf32>,
      %get3A_465 = arith.index_cast %mul3A_461 : i32 to index
      %get3A_466 = tpu.vector_load %arg14[%get3A_465] {strides = array<i32>} : memref<12288xi32, #tpu.memory_space<vmem>>, vector<16xi32>,
      %get3A_467 = arith.index_cast %mul3A_461 : i32 to index
      %get3A_468 = tpu.vector_load %arg13[%get3A_467] {strides = array<i32>} : memref<12288xf32, #tpu.memory_space<vmem>>, vector<16xf32>,
      %mul3A_469 = arith.mulf %get3A_468, %gather3A_464 : vector<16xf32>
      %mul3A_470 = arith.constant 16 : i32
      %mul3A_471 = arith.muli %add3A_403, %mul3A_470 : i32
      %get3A_472 = arith.index_cast %mul3A_471 : i32 to index
      %get3A_473 = tpu.vector_load %arg15[%get3A_472] {strides = array<i32>} : memref<12288xi32, #tpu.memory_space<vmem>>, vector<16xi32>,
      %gather3A_474 = tpu.vector_load_idx %arg8[%get3A_473] : memref<16384xf32, #tpu.memory_space<vmem>>[vector<16xi32>], vector<16xf32>,
      %get3A_475 = arith.index_cast %mul3A_471 : i32 to index
      %get3A_476 = tpu.vector_load %arg14[%get3A_475] {strides = array<i32>} : memref<12288xi32, #tpu.memory_space<vmem>>, vector<16xi32>,
      %get3A_477 = arith.index_cast %mul3A_471 : i32 to index
      %get3A_478 = tpu.vector_load %arg13[%get3A_477] {strides = array<i32>} : memref<12288xf32, #tpu.memory_space<vmem>>, vector<16xf32>,
      %mul3A_479 = arith.mulf %get3A_478, %gather3A_474 : vector<16xf32>
      %mul3A_480 = arith.constant 16 : i32
      %mul3A_481 = arith.muli %add3A_407, %mul3A_480 : i32
      %get3A_482 = arith.index_cast %mul3A_481 : i32 to index
      %get3A_483 = tpu.vector_load %arg15[%get3A_482] {strides = array<i32>} : memref<12288xi32, #tpu.memory_space<vmem>>, vector<16xi32>,
      %gather3A_484 = tpu.vector_load_idx %arg8[%get3A_483] : memref<16384xf32, #tpu.memory_space<vmem>>[vector<16xi32>], vector<16xf32>,
      %get3A_485 = arith.index_cast %mul3A_481 : i32 to index
      %get3A_486 = tpu.vector_load %arg14[%get3A_485] {strides = array<i32>} : memref<12288xi32, #tpu.memory_space<vmem>>, vector<16xi32>,
      %get3A_487 = arith.index_cast %mul3A_481 : i32 to index
      %get3A_488 = tpu.vector_load %arg13[%get3A_487] {strides = array<i32>} : memref<12288xf32, #tpu.memory_space<vmem>>, vector<16xf32>,
      %mul3A_489 = arith.mulf %get3A_488, %gather3A_484 : vector<16xf32>
      %mul3A_490 = arith.constant 16 : i32
      %mul3A_491 = arith.muli %add3A_411, %mul3A_490 : i32
      %get3A_492 = arith.index_cast %mul3A_491 : i32 to index
      %get3A_493 = tpu.vector_load %arg15[%get3A_492] {strides = array<i32>} : memref<12288xi32, #tpu.memory_space<vmem>>, vector<16xi32>,
      %gather3A_494 = tpu.vector_load_idx %arg8[%get3A_493] : memref<16384xf32, #tpu.memory_space<vmem>>[vector<16xi32>], vector<16xf32>,
      %get3A_495 = arith.index_cast %mul3A_491 : i32 to index
      %get3A_496 = tpu.vector_load %arg14[%get3A_495] {strides = array<i32>} : memref<12288xi32, #tpu.memory_space<vmem>>, vector<16xi32>,
      %get3A_497 = arith.index_cast %mul3A_491 : i32 to index
      %get3A_498 = tpu.vector_load %arg13[%get3A_497] {strides = array<i32>} : memref<12288xf32, #tpu.memory_space<vmem>>, vector<16xf32>,
      %mul3A_499 = arith.mulf %get3A_498, %gather3A_494 : vector<16xf32>
      %mul3A_500 = arith.constant 16 : i32
      %mul3A_501 = arith.muli %add3A_415, %mul3A_500 : i32
      %get3A_502 = arith.index_cast %mul3A_501 : i32 to index
      %get3A_503 = tpu.vector_load %arg15[%get3A_502] {strides = array<i32>} : memref<12288xi32, #tpu.memory_space<vmem>>, vector<16xi32>,
      %gather3A_504 = tpu.vector_load_idx %arg8[%get3A_503] : memref<16384xf32, #tpu.memory_space<vmem>>[vector<16xi32>], vector<16xf32>,
      %get3A_505 = arith.index_cast %mul3A_501 : i32 to index
      %get3A_506 = tpu.vector_load %arg14[%get3A_505] {strides = array<i32>} : memref<12288xi32, #tpu.memory_space<vmem>>, vector<16xi32>,
      %get3A_507 = arith.index_cast %mul3A_501 : i32 to index
      %get3A_508 = tpu.vector_load %arg13[%get3A_507] {strides = array<i32>} : memref<12288xf32, #tpu.memory_space<vmem>>, vector<16xf32>,
      %mul3A_509 = arith.mulf %get3A_508, %gather3A_504 : vector<16xf32>
      %mul3A_510 = arith.constant 16 : i32
      %mul3A_511 = arith.muli %add3A_419, %mul3A_510 : i32
      %get3A_512 = arith.index_cast %mul3A_511 : i32 to index
      %get3A_513 = tpu.vector_load %arg15[%get3A_512] {strides = array<i32>} : memref<12288xi32, #tpu.memory_space<vmem>>, vector<16xi32>,
      %gather3A_514 = tpu.vector_load_idx %arg8[%get3A_513] : memref<16384xf32, #tpu.memory_space<vmem>>[vector<16xi32>], vector<16xf32>,
      %get3A_515 = arith.index_cast %mul3A_511 : i32 to index
      %get3A_516 = tpu.vector_load %arg14[%get3A_515] {strides = array<i32>} : memref<12288xi32, #tpu.memory_space<vmem>>, vector<16xi32>,
      %get3A_517 = arith.index_cast %mul3A_511 : i32 to index
      %get3A_518 = tpu.vector_load %arg13[%get3A_517] {strides = array<i32>} : memref<12288xf32, #tpu.memory_space<vmem>>, vector<16xf32>,
      %mul3A_519 = arith.mulf %get3A_518, %gather3A_514 : vector<16xf32>
      %mul3A_520 = arith.constant 16 : i32
      %mul3A_521 = arith.muli %add3A_423, %mul3A_520 : i32
      %get3A_522 = arith.index_cast %mul3A_521 : i32 to index
      %get3A_523 = tpu.vector_load %arg15[%get3A_522] {strides = array<i32>} : memref<12288xi32, #tpu.memory_space<vmem>>, vector<16xi32>,
      %gather3A_524 = tpu.vector_load_idx %arg8[%get3A_523] : memref<16384xf32, #tpu.memory_space<vmem>>[vector<16xi32>], vector<16xf32>,
      %get3A_525 = arith.index_cast %mul3A_521 : i32 to index
      %get3A_526 = tpu.vector_load %arg14[%get3A_525] {strides = array<i32>} : memref<12288xi32, #tpu.memory_space<vmem>>, vector<16xi32>,
      %get3A_527 = arith.index_cast %mul3A_521 : i32 to index
      %get3A_528 = tpu.vector_load %arg13[%get3A_527] {strides = array<i32>} : memref<12288xf32, #tpu.memory_space<vmem>>, vector<16xf32>,
      %mul3A_529 = arith.mulf %get3A_528, %gather3A_524 : vector<16xf32>
      %mul3A_530 = arith.constant 16 : i32
      %mul3A_531 = arith.muli %add3A_427, %mul3A_530 : i32
      %get3A_532 = arith.index_cast %mul3A_531 : i32 to index
      %get3A_533 = tpu.vector_load %arg15[%get3A_532] {strides = array<i32>} : memref<12288xi32, #tpu.memory_space<vmem>>, vector<16xi32>,
      %gather3A_534 = tpu.vector_load_idx %arg8[%get3A_533] : memref<16384xf32, #tpu.memory_space<vmem>>[vector<16xi32>], vector<16xf32>,
      %get3A_535 = arith.index_cast %mul3A_531 : i32 to index
      %get3A_536 = tpu.vector_load %arg14[%get3A_535] {strides = array<i32>} : memref<12288xi32, #tpu.memory_space<vmem>>, vector<16xi32>,
      %get3A_537 = arith.index_cast %mul3A_531 : i32 to index
      %get3A_538 = tpu.vector_load %arg13[%get3A_537] {strides = array<i32>} : memref<12288xf32, #tpu.memory_space<vmem>>, vector<16xf32>,
      %mul3A_539 = arith.mulf %get3A_538, %gather3A_534 : vector<16xf32>
      %mul3A_540 = arith.constant 16 : i32
      %mul3A_541 = arith.muli %add3A_431, %mul3A_540 : i32
      %get3A_542 = arith.index_cast %mul3A_541 : i32 to index
      %get3A_543 = tpu.vector_load %arg15[%get3A_542] {strides = array<i32>} : memref<12288xi32, #tpu.memory_space<vmem>>, vector<16xi32>,
      %gather3A_544 = tpu.vector_load_idx %arg8[%get3A_543] : memref<16384xf32, #tpu.memory_space<vmem>>[vector<16xi32>], vector<16xf32>,
      %get3A_545 = arith.index_cast %mul3A_541 : i32 to index
      %get3A_546 = tpu.vector_load %arg14[%get3A_545] {strides = array<i32>} : memref<12288xi32, #tpu.memory_space<vmem>>, vector<16xi32>,
      %get3A_547 = arith.index_cast %mul3A_541 : i32 to index
      %get3A_548 = tpu.vector_load %arg13[%get3A_547] {strides = array<i32>} : memref<12288xf32, #tpu.memory_space<vmem>>, vector<16xf32>,
      %mul3A_549 = arith.mulf %get3A_548, %gather3A_544 : vector<16xf32>
      %mul3A_550 = arith.constant 16 : i32
      %mul3A_551 = arith.muli %add3A_435, %mul3A_550 : i32
      %get3A_552 = arith.index_cast %mul3A_551 : i32 to index
      %get3A_553 = tpu.vector_load %arg15[%get3A_552] {strides = array<i32>} : memref<12288xi32, #tpu.memory_space<vmem>>, vector<16xi32>,
      %gather3A_554 = tpu.vector_load_idx %arg8[%get3A_553] : memref<16384xf32, #tpu.memory_space<vmem>>[vector<16xi32>], vector<16xf32>,
      %get3A_555 = arith.index_cast %mul3A_551 : i32 to index
      %get3A_556 = tpu.vector_load %arg14[%get3A_555] {strides = array<i32>} : memref<12288xi32, #tpu.memory_space<vmem>>, vector<16xi32>,
      %get3A_557 = arith.index_cast %mul3A_551 : i32 to index
      %get3A_558 = tpu.vector_load %arg13[%get3A_557] {strides = array<i32>} : memref<12288xf32, #tpu.memory_space<vmem>>, vector<16xf32>,
      %mul3A_559 = arith.mulf %get3A_558, %gather3A_554 : vector<16xf32>
      %mul3A_560 = arith.constant 16 : i32
      %mul3A_561 = arith.muli %add3A_439, %mul3A_560 : i32
      %get3A_562 = arith.index_cast %mul3A_561 : i32 to index
      %get3A_563 = tpu.vector_load %arg15[%get3A_562] {strides = array<i32>} : memref<12288xi32, #tpu.memory_space<vmem>>, vector<16xi32>,
      %gather3A_564 = tpu.vector_load_idx %arg8[%get3A_563] : memref<16384xf32, #tpu.memory_space<vmem>>[vector<16xi32>], vector<16xf32>,
      %get3A_565 = arith.index_cast %mul3A_561 : i32 to index
      %get3A_566 = tpu.vector_load %arg14[%get3A_565] {strides = array<i32>} : memref<12288xi32, #tpu.memory_space<vmem>>, vector<16xi32>,
      %get3A_567 = arith.index_cast %mul3A_561 : i32 to index
      %get3A_568 = tpu.vector_load %arg13[%get3A_567] {strides = array<i32>} : memref<12288xf32, #tpu.memory_space<vmem>>, vector<16xf32>,
      %mul3A_569 = arith.mulf %get3A_568, %gather3A_564 : vector<16xf32>
      %mul3A_570 = arith.constant 16 : i32
      %mul3A_571 = arith.muli %add3A_443, %mul3A_570 : i32
      %get3A_572 = arith.index_cast %mul3A_571 : i32 to index
      %get3A_573 = tpu.vector_load %arg15[%get3A_572] {strides = array<i32>} : memref<12288xi32, #tpu.memory_space<vmem>>, vector<16xi32>,
      %gather3A_574 = tpu.vector_load_idx %arg8[%get3A_573] : memref<16384xf32, #tpu.memory_space<vmem>>[vector<16xi32>], vector<16xf32>,
      %get3A_575 = arith.index_cast %mul3A_571 : i32 to index
      %get3A_576 = tpu.vector_load %arg14[%get3A_575] {strides = array<i32>} : memref<12288xi32, #tpu.memory_space<vmem>>, vector<16xi32>,
      %get3A_577 = arith.index_cast %mul3A_571 : i32 to index
      %get3A_578 = tpu.vector_load %arg13[%get3A_577] {strides = array<i32>} : memref<12288xf32, #tpu.memory_space<vmem>>, vector<16xf32>,
      %mul3A_579 = arith.mulf %get3A_578, %gather3A_574 : vector<16xf32>
      %mul3A_580 = arith.constant 16 : i32
      %mul3A_581 = arith.muli %add3A_447, %mul3A_580 : i32
      %get3A_582 = arith.index_cast %mul3A_581 : i32 to index
      %get3A_583 = tpu.vector_load %arg15[%get3A_582] {strides = array<i32>} : memref<12288xi32, #tpu.memory_space<vmem>>, vector<16xi32>,
      %gather3A_584 = tpu.vector_load_idx %arg8[%get3A_583] : memref<16384xf32, #tpu.memory_space<vmem>>[vector<16xi32>], vector<16xf32>,
      %get3A_585 = arith.index_cast %mul3A_581 : i32 to index
      %get3A_586 = tpu.vector_load %arg14[%get3A_585] {strides = array<i32>} : memref<12288xi32, #tpu.memory_space<vmem>>, vector<16xi32>,
      %get3A_587 = arith.index_cast %mul3A_581 : i32 to index
      %get3A_588 = tpu.vector_load %arg13[%get3A_587] {strides = array<i32>} : memref<12288xf32, #tpu.memory_space<vmem>>, vector<16xf32>,
      %mul3A_589 = arith.mulf %get3A_588, %gather3A_584 : vector<16xf32>
      %mul3A_590 = arith.constant 16 : i32
      %mul3A_591 = arith.muli %add3A_451, %mul3A_590 : i32
      %get3A_592 = arith.index_cast %mul3A_591 : i32 to index
      %get3A_593 = tpu.vector_load %arg15[%get3A_592] {strides = array<i32>} : memref<12288xi32, #tpu.memory_space<vmem>>, vector<16xi32>,
      %gather3A_594 = tpu.vector_load_idx %arg8[%get3A_593] : memref<16384xf32, #tpu.memory_space<vmem>>[vector<16xi32>], vector<16xf32>,
      %get3A_595 = arith.index_cast %mul3A_591 : i32 to index
      %get3A_596 = tpu.vector_load %arg14[%get3A_595] {strides = array<i32>} : memref<12288xi32, #tpu.memory_space<vmem>>, vector<16xi32>,
      %get3A_597 = arith.index_cast %mul3A_591 : i32 to index
      %get3A_598 = tpu.vector_load %arg13[%get3A_597] {strides = array<i32>} : memref<12288xf32, #tpu.memory_space<vmem>>, vector<16xf32>,
      %mul3A_599 = arith.mulf %get3A_598, %gather3A_594 : vector<16xf32>
      %mul3A_600 = arith.constant 16 : i32
      %mul3A_601 = arith.muli %add3A_455, %mul3A_600 : i32
      %get3A_602 = arith.index_cast %mul3A_601 : i32 to index
      %get3A_603 = tpu.vector_load %arg15[%get3A_602] {strides = array<i32>} : memref<12288xi32, #tpu.memory_space<vmem>>, vector<16xi32>,
      %gather3A_604 = tpu.vector_load_idx %arg8[%get3A_603] : memref<16384xf32, #tpu.memory_space<vmem>>[vector<16xi32>], vector<16xf32>,
      %get3A_605 = arith.index_cast %mul3A_601 : i32 to index
      %get3A_606 = tpu.vector_load %arg14[%get3A_605] {strides = array<i32>} : memref<12288xi32, #tpu.memory_space<vmem>>, vector<16xi32>,
      %get3A_607 = arith.index_cast %mul3A_601 : i32 to index
      %get3A_608 = tpu.vector_load %arg13[%get3A_607] {strides = array<i32>} : memref<12288xf32, #tpu.memory_space<vmem>>, vector<16xf32>,
      %mul3A_609 = arith.mulf %get3A_608, %gather3A_604 : vector<16xf32>
      %mul3A_610 = arith.constant 16 : i32
      %mul3A_611 = arith.muli %add3A_459, %mul3A_610 : i32
      %get3A_612 = arith.index_cast %mul3A_611 : i32 to index
      %get3A_613 = tpu.vector_load %arg15[%get3A_612] {strides = array<i32>} : memref<12288xi32, #tpu.memory_space<vmem>>, vector<16xi32>,
      %gather3A_614 = tpu.vector_load_idx %arg8[%get3A_613] : memref<16384xf32, #tpu.memory_space<vmem>>[vector<16xi32>], vector<16xf32>,
      %get3A_615 = arith.index_cast %mul3A_611 : i32 to index
      %get3A_616 = tpu.vector_load %arg14[%get3A_615] {strides = array<i32>} : memref<12288xi32, #tpu.memory_space<vmem>>, vector<16xi32>,
      %get3A_617 = arith.index_cast %mul3A_611 : i32 to index
      %get3A_618 = tpu.vector_load %arg13[%get3A_617] {strides = array<i32>} : memref<12288xf32, #tpu.memory_space<vmem>>, vector<16xf32>,
      %mul3A_619 = arith.mulf %get3A_618, %gather3A_614 : vector<16xf32>
      tpu.vector_store_idx %arg9[%get3A_466], %mul3A_469 {add = true} : memref<16384xf32, #tpu.memory_space<vmem>>[vector<16xi32>], vector<16xf32>,
      tpu.vector_store_idx %arg9[%get3A_476], %mul3A_479 {add = true} : memref<16384xf32, #tpu.memory_space<vmem>>[vector<16xi32>], vector<16xf32>,
      tpu.vector_store_idx %arg9[%get3A_486], %mul3A_489 {add = true} : memref<16384xf32, #tpu.memory_space<vmem>>[vector<16xi32>], vector<16xf32>,
      tpu.vector_store_idx %arg9[%get3A_496], %mul3A_499 {add = true} : memref<16384xf32, #tpu.memory_space<vmem>>[vector<16xi32>], vector<16xf32>,
      tpu.vector_store_idx %arg9[%get3A_506], %mul3A_509 {add = true} : memref<16384xf32, #tpu.memory_space<vmem>>[vector<16xi32>], vector<16xf32>,
      tpu.vector_store_idx %arg9[%get3A_516], %mul3A_519 {add = true} : memref<16384xf32, #tpu.memory_space<vmem>>[vector<16xi32>], vector<16xf32>,
      tpu.vector_store_idx %arg9[%get3A_526], %mul3A_529 {add = true} : memref<16384xf32, #tpu.memory_space<vmem>>[vector<16xi32>], vector<16xf32>,
      tpu.vector_store_idx %arg9[%get3A_536], %mul3A_539 {add = true} : memref<16384xf32, #tpu.memory_space<vmem>>[vector<16xi32>], vector<16xf32>,
      tpu.vector_store_idx %arg9[%get3A_546], %mul3A_549 {add = true} : memref<16384xf32, #tpu.memory_space<vmem>>[vector<16xi32>], vector<16xf32>,
      tpu.vector_store_idx %arg9[%get3A_556], %mul3A_559 {add = true} : memref<16384xf32, #tpu.memory_space<vmem>>[vector<16xi32>], vector<16xf32>,
      tpu.vector_store_idx %arg9[%get3A_566], %mul3A_569 {add = true} : memref<16384xf32, #tpu.memory_space<vmem>>[vector<16xi32>], vector<16xf32>,
      tpu.vector_store_idx %arg9[%get3A_576], %mul3A_579 {add = true} : memref<16384xf32, #tpu.memory_space<vmem>>[vector<16xi32>], vector<16xf32>,
      tpu.vector_store_idx %arg9[%get3A_586], %mul3A_589 {add = true} : memref<16384xf32, #tpu.memory_space<vmem>>[vector<16xi32>], vector<16xf32>,
      tpu.vector_store_idx %arg9[%get3A_596], %mul3A_599 {add = true} : memref<16384xf32, #tpu.memory_space<vmem>>[vector<16xi32>], vector<16xf32>,
      tpu.vector_store_idx %arg9[%get3A_606], %mul3A_609 {add = true} : memref<16384xf32, #tpu.memory_space<vmem>>[vector<16xi32>], vector<16xf32>,
      tpu.vector_store_idx %arg9[%get3A_616], %mul3A_619 {add = true} : memref<16384xf32, #tpu.memory_space<vmem>>[vector<16xi32>], vector<16xf32>,
    }
    %scan3A_290 = arith.constant 48 : i32
    %dma_wait3A_291 = arith.constant 0 : i32
    %dma_wait3A_292 = tpu.memref_slice %arg10[%dma_wait3A_291] : memref<12288xf32, #tpu.memory_space<vmem>> -> memref<10144xf32, #tpu.memory_space<vmem>>
    %dma_wait3A_293 = tpu.memref_slice %arg2[%add3A_248] : memref<2684354xf32, #tpu.memory_space<hbm>> -> memref<10144xf32, #tpu.memory_space<hbm>>
    %dma_wait3A_294 = arith.constant 0 : i32
    %dma_wait3A_295 = tpu.memref_slice %arg10[%dma_wait3A_294] : memref<12288xf32, #tpu.memory_space<vmem>> -> memref<10144xf32, #tpu.memory_space<vmem>>
    %dma_wait3A_296 = tpu.memref_slice %arg2[%add3A_248] : memref<2684354xf32, #tpu.memory_space<hbm>> -> memref<10144xf32, #tpu.memory_space<hbm>>
    tpu.wait_dma2 semaphore(%arg17 : memref<!tpu.dma_semaphore, #tpu.memory_space<semaphore_mem>>) src(%dma_wait3A_296 : memref<10144xf32, #tpu.memory_space<hbm>>) dst(%dma_wait3A_295 : memref<10144xf32, #tpu.memory_space<vmem>>)
    %dma_wait3A_297 = arith.constant 0 : i32
    %dma_wait3A_298 = tpu.memref_slice %arg11[%dma_wait3A_297] : memref<12288xi32, #tpu.memory_space<vmem>> -> memref<10144xi32, #tpu.memory_space<vmem>>
    %dma_wait3A_299 = tpu.memref_slice %arg3[%add3A_248] : memref<2684354xi32, #tpu.memory_space<hbm>> -> memref<10144xi32, #tpu.memory_space<hbm>>
    %dma_wait3A_300 = arith.constant 0 : i32
    %dma_wait3A_301 = tpu.memref_slice %arg11[%dma_wait3A_300] : memref<12288xi32, #tpu.memory_space<vmem>> -> memref<10144xi32, #tpu.memory_space<vmem>>
    %dma_wait3A_302 = tpu.memref_slice %arg3[%add3A_248] : memref<2684354xi32, #tpu.memory_space<hbm>> -> memref<10144xi32, #tpu.memory_space<hbm>>
    tpu.wait_dma2 semaphore(%arg17 : memref<!tpu.dma_semaphore, #tpu.memory_space<semaphore_mem>>) src(%dma_wait3A_302 : memref<10144xi32, #tpu.memory_space<hbm>>) dst(%dma_wait3A_301 : memref<10144xi32, #tpu.memory_space<vmem>>)
    %dma_wait3A_303 = arith.constant 0 : i32
    %dma_wait3A_304 = tpu.memref_slice %arg12[%dma_wait3A_303] : memref<12288xi32, #tpu.memory_space<vmem>> -> memref<10144xi32, #tpu.memory_space<vmem>>
    %dma_wait3A_305 = tpu.memref_slice %arg4[%add3A_248] : memref<2684354xi32, #tpu.memory_space<hbm>> -> memref<10144xi32, #tpu.memory_space<hbm>>
    %dma_wait3A_306 = arith.constant 0 : i32
    %dma_wait3A_307 = tpu.memref_slice %arg12[%dma_wait3A_306] : memref<12288xi32, #tpu.memory_space<vmem>> -> memref<10144xi32, #tpu.memory_space<vmem>>
    %dma_wait3A_308 = tpu.memref_slice %arg4[%add3A_248] : memref<2684354xi32, #tpu.memory_space<hbm>> -> memref<10144xi32, #tpu.memory_space<hbm>>
    tpu.wait_dma2 semaphore(%arg17 : memref<!tpu.dma_semaphore, #tpu.memory_space<semaphore_mem>>) src(%dma_wait3A_308 : memref<10144xi32, #tpu.memory_space<hbm>>) dst(%dma_wait3A_307 : memref<10144xi32, #tpu.memory_space<vmem>>)
    %scan3A_309 = arith.constant 0 : i32
    %scan3A_310 = arith.constant 0 : i32
    %scan3A_311 = arith.constant 39 : i32
    %scan3A_312 = arith.addi %scan3A_310, %scan3A_311 : i32
    %scan3A_313 = arith.constant 1 : i32
    scf.for %scan3A_395 = %scan3A_310 to %scan3A_312 step %scan3A_313  : i32 {
      %mul3A_396 = arith.constant 16 : i32
      %mul3A_397 = arith.muli %scan3A_395, %mul3A_396 : i32
      %add3A_398 = arith.constant 0 : i32
      %add3A_399 = arith.addi %mul3A_397, %add3A_398 : i32
      %mul3A_400 = arith.constant 16 : i32
      %mul3A_401 = arith.muli %scan3A_395, %mul3A_400 : i32
      %add3A_402 = arith.constant 1 : i32
      %add3A_403 = arith.addi %mul3A_401, %add3A_402 : i32
      %mul3A_404 = arith.constant 16 : i32
      %mul3A_405 = arith.muli %scan3A_395, %mul3A_404 : i32
      %add3A_406 = arith.constant 2 : i32
      %add3A_407 = arith.addi %mul3A_405, %add3A_406 : i32
      %mul3A_408 = arith.constant 16 : i32
      %mul3A_409 = arith.muli %scan3A_395, %mul3A_408 : i32
      %add3A_410 = arith.constant 3 : i32
      %add3A_411 = arith.addi %mul3A_409, %add3A_410 : i32
      %mul3A_412 = arith.constant 16 : i32
      %mul3A_413 = arith.muli %scan3A_395, %mul3A_412 : i32
      %add3A_414 = arith.constant 4 : i32
      %add3A_415 = arith.addi %mul3A_413, %add3A_414 : i32
      %mul3A_416 = arith.constant 16 : i32
      %mul3A_417 = arith.muli %scan3A_395, %mul3A_416 : i32
      %add3A_418 = arith.constant 5 : i32
      %add3A_419 = arith.addi %mul3A_417, %add3A_418 : i32
      %mul3A_420 = arith.constant 16 : i32
      %mul3A_421 = arith.muli %scan3A_395, %mul3A_420 : i32
      %add3A_422 = arith.constant 6 : i32
      %add3A_423 = arith.addi %mul3A_421, %add3A_422 : i32
      %mul3A_424 = arith.constant 16 : i32
      %mul3A_425 = arith.muli %scan3A_395, %mul3A_424 : i32
      %add3A_426 = arith.constant 7 : i32
      %add3A_427 = arith.addi %mul3A_425, %add3A_426 : i32
      %mul3A_428 = arith.constant 16 : i32
      %mul3A_429 = arith.muli %scan3A_395, %mul3A_428 : i32
      %add3A_430 = arith.constant 8 : i32
      %add3A_431 = arith.addi %mul3A_429, %add3A_430 : i32
      %mul3A_432 = arith.constant 16 : i32
      %mul3A_433 = arith.muli %scan3A_395, %mul3A_432 : i32
      %add3A_434 = arith.constant 9 : i32
      %add3A_435 = arith.addi %mul3A_433, %add3A_434 : i32
      %mul3A_436 = arith.constant 16 : i32
      %mul3A_437 = arith.muli %scan3A_395, %mul3A_436 : i32
      %add3A_438 = arith.constant 10 : i32
      %add3A_439 = arith.addi %mul3A_437, %add3A_438 : i32
      %mul3A_440 = arith.constant 16 : i32
      %mul3A_441 = arith.muli %scan3A_395, %mul3A_440 : i32
      %add3A_442 = arith.constant 11 : i32
      %add3A_443 = arith.addi %mul3A_441, %add3A_442 : i32
      %mul3A_444 = arith.constant 16 : i32
      %mul3A_445 = arith.muli %scan3A_395, %mul3A_444 : i32
      %add3A_446 = arith.constant 12 : i32
      %add3A_447 = arith.addi %mul3A_445, %add3A_446 : i32
      %mul3A_448 = arith.constant 16 : i32
      %mul3A_449 = arith.muli %scan3A_395, %mul3A_448 : i32
      %add3A_450 = arith.constant 13 : i32
      %add3A_451 = arith.addi %mul3A_449, %add3A_450 : i32
      %mul3A_452 = arith.constant 16 : i32
      %mul3A_453 = arith.muli %scan3A_395, %mul3A_452 : i32
      %add3A_454 = arith.constant 14 : i32
      %add3A_455 = arith.addi %mul3A_453, %add3A_454 : i32
      %mul3A_456 = arith.constant 16 : i32
      %mul3A_457 = arith.muli %scan3A_395, %mul3A_456 : i32
      %add3A_458 = arith.constant 15 : i32
      %add3A_459 = arith.addi %mul3A_457, %add3A_458 : i32
      %mul3A_460 = arith.constant 16 : i32
      %mul3A_461 = arith.muli %add3A_399, %mul3A_460 : i32
      %get3A_462 = arith.index_cast %mul3A_461 : i32 to index
      %get3A_463 = tpu.vector_load %arg12[%get3A_462] {strides = array<i32>} : memref<12288xi32, #tpu.memory_space<vmem>>, vector<16xi32>,
      %gather3A_464 = tpu.vector_load_idx %arg8[%get3A_463] : memref<16384xf32, #tpu.memory_space<vmem>>[vector<16xi32>], vector<16xf32>,
      %get3A_465 = arith.index_cast %mul3A_461 : i32 to index
      %get3A_466 = tpu.vector_load %arg11[%get3A_465] {strides = array<i32>} : memref<12288xi32, #tpu.memory_space<vmem>>, vector<16xi32>,
      %get3A_467 = arith.index_cast %mul3A_461 : i32 to index
      %get3A_468 = tpu.vector_load %arg10[%get3A_467] {strides = array<i32>} : memref<12288xf32, #tpu.memory_space<vmem>>, vector<16xf32>,
      %mul3A_469 = arith.mulf %get3A_468, %gather3A_464 : vector<16xf32>
      %mul3A_470 = arith.constant 16 : i32
      %mul3A_471 = arith.muli %add3A_403, %mul3A_470 : i32
      %get3A_472 = arith.index_cast %mul3A_471 : i32 to index
      %get3A_473 = tpu.vector_load %arg12[%get3A_472] {strides = array<i32>} : memref<12288xi32, #tpu.memory_space<vmem>>, vector<16xi32>,
      %gather3A_474 = tpu.vector_load_idx %arg8[%get3A_473] : memref<16384xf32, #tpu.memory_space<vmem>>[vector<16xi32>], vector<16xf32>,
      %get3A_475 = arith.index_cast %mul3A_471 : i32 to index
      %get3A_476 = tpu.vector_load %arg11[%get3A_475] {strides = array<i32>} : memref<12288xi32, #tpu.memory_space<vmem>>, vector<16xi32>,
      %get3A_477 = arith.index_cast %mul3A_471 : i32 to index
      %get3A_478 = tpu.vector_load %arg10[%get3A_477] {strides = array<i32>} : memref<12288xf32, #tpu.memory_space<vmem>>, vector<16xf32>,
      %mul3A_479 = arith.mulf %get3A_478, %gather3A_474 : vector<16xf32>
      %mul3A_480 = arith.constant 16 : i32
      %mul3A_481 = arith.muli %add3A_407, %mul3A_480 : i32
      %get3A_482 = arith.index_cast %mul3A_481 : i32 to index
      %get3A_483 = tpu.vector_load %arg12[%get3A_482] {strides = array<i32>} : memref<12288xi32, #tpu.memory_space<vmem>>, vector<16xi32>,
      %gather3A_484 = tpu.vector_load_idx %arg8[%get3A_483] : memref<16384xf32, #tpu.memory_space<vmem>>[vector<16xi32>], vector<16xf32>,
      %get3A_485 = arith.index_cast %mul3A_481 : i32 to index
      %get3A_486 = tpu.vector_load %arg11[%get3A_485] {strides = array<i32>} : memref<12288xi32, #tpu.memory_space<vmem>>, vector<16xi32>,
      %get3A_487 = arith.index_cast %mul3A_481 : i32 to index
      %get3A_488 = tpu.vector_load %arg10[%get3A_487] {strides = array<i32>} : memref<12288xf32, #tpu.memory_space<vmem>>, vector<16xf32>,
      %mul3A_489 = arith.mulf %get3A_488, %gather3A_484 : vector<16xf32>
      %mul3A_490 = arith.constant 16 : i32
      %mul3A_491 = arith.muli %add3A_411, %mul3A_490 : i32
      %get3A_492 = arith.index_cast %mul3A_491 : i32 to index
      %get3A_493 = tpu.vector_load %arg12[%get3A_492] {strides = array<i32>} : memref<12288xi32, #tpu.memory_space<vmem>>, vector<16xi32>,
      %gather3A_494 = tpu.vector_load_idx %arg8[%get3A_493] : memref<16384xf32, #tpu.memory_space<vmem>>[vector<16xi32>], vector<16xf32>,
      %get3A_495 = arith.index_cast %mul3A_491 : i32 to index
      %get3A_496 = tpu.vector_load %arg11[%get3A_495] {strides = array<i32>} : memref<12288xi32, #tpu.memory_space<vmem>>, vector<16xi32>,
      %get3A_497 = arith.index_cast %mul3A_491 : i32 to index
      %get3A_498 = tpu.vector_load %arg10[%get3A_497] {strides = array<i32>} : memref<12288xf32, #tpu.memory_space<vmem>>, vector<16xf32>,
      %mul3A_499 = arith.mulf %get3A_498, %gather3A_494 : vector<16xf32>
      %mul3A_500 = arith.constant 16 : i32
      %mul3A_501 = arith.muli %add3A_415, %mul3A_500 : i32
      %get3A_502 = arith.index_cast %mul3A_501 : i32 to index
      %get3A_503 = tpu.vector_load %arg12[%get3A_502] {strides = array<i32>} : memref<12288xi32, #tpu.memory_space<vmem>>, vector<16xi32>,
      %gather3A_504 = tpu.vector_load_idx %arg8[%get3A_503] : memref<16384xf32, #tpu.memory_space<vmem>>[vector<16xi32>], vector<16xf32>,
      %get3A_505 = arith.index_cast %mul3A_501 : i32 to index
      %get3A_506 = tpu.vector_load %arg11[%get3A_505] {strides = array<i32>} : memref<12288xi32, #tpu.memory_space<vmem>>, vector<16xi32>,
      %get3A_507 = arith.index_cast %mul3A_501 : i32 to index
      %get3A_508 = tpu.vector_load %arg10[%get3A_507] {strides = array<i32>} : memref<12288xf32, #tpu.memory_space<vmem>>, vector<16xf32>,
      %mul3A_509 = arith.mulf %get3A_508, %gather3A_504 : vector<16xf32>
      %mul3A_510 = arith.constant 16 : i32
      %mul3A_511 = arith.muli %add3A_419, %mul3A_510 : i32
      %get3A_512 = arith.index_cast %mul3A_511 : i32 to index
      %get3A_513 = tpu.vector_load %arg12[%get3A_512] {strides = array<i32>} : memref<12288xi32, #tpu.memory_space<vmem>>, vector<16xi32>,
      %gather3A_514 = tpu.vector_load_idx %arg8[%get3A_513] : memref<16384xf32, #tpu.memory_space<vmem>>[vector<16xi32>], vector<16xf32>,
      %get3A_515 = arith.index_cast %mul3A_511 : i32 to index
      %get3A_516 = tpu.vector_load %arg11[%get3A_515] {strides = array<i32>} : memref<12288xi32, #tpu.memory_space<vmem>>, vector<16xi32>,
      %get3A_517 = arith.index_cast %mul3A_511 : i32 to index
      %get3A_518 = tpu.vector_load %arg10[%get3A_517] {strides = array<i32>} : memref<12288xf32, #tpu.memory_space<vmem>>, vector<16xf32>,
      %mul3A_519 = arith.mulf %get3A_518, %gather3A_514 : vector<16xf32>
      %mul3A_520 = arith.constant 16 : i32
      %mul3A_521 = arith.muli %add3A_423, %mul3A_520 : i32
      %get3A_522 = arith.index_cast %mul3A_521 : i32 to index
      %get3A_523 = tpu.vector_load %arg12[%get3A_522] {strides = array<i32>} : memref<12288xi32, #tpu.memory_space<vmem>>, vector<16xi32>,
      %gather3A_524 = tpu.vector_load_idx %arg8[%get3A_523] : memref<16384xf32, #tpu.memory_space<vmem>>[vector<16xi32>], vector<16xf32>,
      %get3A_525 = arith.index_cast %mul3A_521 : i32 to index
      %get3A_526 = tpu.vector_load %arg11[%get3A_525] {strides = array<i32>} : memref<12288xi32, #tpu.memory_space<vmem>>, vector<16xi32>,
      %get3A_527 = arith.index_cast %mul3A_521 : i32 to index
      %get3A_528 = tpu.vector_load %arg10[%get3A_527] {strides = array<i32>} : memref<12288xf32, #tpu.memory_space<vmem>>, vector<16xf32>,
      %mul3A_529 = arith.mulf %get3A_528, %gather3A_524 : vector<16xf32>
      %mul3A_530 = arith.constant 16 : i32
      %mul3A_531 = arith.muli %add3A_427, %mul3A_530 : i32
      %get3A_532 = arith.index_cast %mul3A_531 : i32 to index
      %get3A_533 = tpu.vector_load %arg12[%get3A_532] {strides = array<i32>} : memref<12288xi32, #tpu.memory_space<vmem>>, vector<16xi32>,
      %gather3A_534 = tpu.vector_load_idx %arg8[%get3A_533] : memref<16384xf32, #tpu.memory_space<vmem>>[vector<16xi32>], vector<16xf32>,
      %get3A_535 = arith.index_cast %mul3A_531 : i32 to index
      %get3A_536 = tpu.vector_load %arg11[%get3A_535] {strides = array<i32>} : memref<12288xi32, #tpu.memory_space<vmem>>, vector<16xi32>,
      %get3A_537 = arith.index_cast %mul3A_531 : i32 to index
      %get3A_538 = tpu.vector_load %arg10[%get3A_537] {strides = array<i32>} : memref<12288xf32, #tpu.memory_space<vmem>>, vector<16xf32>,
      %mul3A_539 = arith.mulf %get3A_538, %gather3A_534 : vector<16xf32>
      %mul3A_540 = arith.constant 16 : i32
      %mul3A_541 = arith.muli %add3A_431, %mul3A_540 : i32
      %get3A_542 = arith.index_cast %mul3A_541 : i32 to index
      %get3A_543 = tpu.vector_load %arg12[%get3A_542] {strides = array<i32>} : memref<12288xi32, #tpu.memory_space<vmem>>, vector<16xi32>,
      %gather3A_544 = tpu.vector_load_idx %arg8[%get3A_543] : memref<16384xf32, #tpu.memory_space<vmem>>[vector<16xi32>], vector<16xf32>,
      %get3A_545 = arith.index_cast %mul3A_541 : i32 to index
      %get3A_546 = tpu.vector_load %arg11[%get3A_545] {strides = array<i32>} : memref<12288xi32, #tpu.memory_space<vmem>>, vector<16xi32>,
      %get3A_547 = arith.index_cast %mul3A_541 : i32 to index
      %get3A_548 = tpu.vector_load %arg10[%get3A_547] {strides = array<i32>} : memref<12288xf32, #tpu.memory_space<vmem>>, vector<16xf32>,
      %mul3A_549 = arith.mulf %get3A_548, %gather3A_544 : vector<16xf32>
      %mul3A_550 = arith.constant 16 : i32
      %mul3A_551 = arith.muli %add3A_435, %mul3A_550 : i32
      %get3A_552 = arith.index_cast %mul3A_551 : i32 to index
      %get3A_553 = tpu.vector_load %arg12[%get3A_552] {strides = array<i32>} : memref<12288xi32, #tpu.memory_space<vmem>>, vector<16xi32>,
      %gather3A_554 = tpu.vector_load_idx %arg8[%get3A_553] : memref<16384xf32, #tpu.memory_space<vmem>>[vector<16xi32>], vector<16xf32>,
      %get3A_555 = arith.index_cast %mul3A_551 : i32 to index
      %get3A_556 = tpu.vector_load %arg11[%get3A_555] {strides = array<i32>} : memref<12288xi32, #tpu.memory_space<vmem>>, vector<16xi32>,
      %get3A_557 = arith.index_cast %mul3A_551 : i32 to index
      %get3A_558 = tpu.vector_load %arg10[%get3A_557] {strides = array<i32>} : memref<12288xf32, #tpu.memory_space<vmem>>, vector<16xf32>,
      %mul3A_559 = arith.mulf %get3A_558, %gather3A_554 : vector<16xf32>
      %mul3A_560 = arith.constant 16 : i32
      %mul3A_561 = arith.muli %add3A_439, %mul3A_560 : i32
      %get3A_562 = arith.index_cast %mul3A_561 : i32 to index
      %get3A_563 = tpu.vector_load %arg12[%get3A_562] {strides = array<i32>} : memref<12288xi32, #tpu.memory_space<vmem>>, vector<16xi32>,
      %gather3A_564 = tpu.vector_load_idx %arg8[%get3A_563] : memref<16384xf32, #tpu.memory_space<vmem>>[vector<16xi32>], vector<16xf32>,
      %get3A_565 = arith.index_cast %mul3A_561 : i32 to index
      %get3A_566 = tpu.vector_load %arg11[%get3A_565] {strides = array<i32>} : memref<12288xi32, #tpu.memory_space<vmem>>, vector<16xi32>,
      %get3A_567 = arith.index_cast %mul3A_561 : i32 to index
      %get3A_568 = tpu.vector_load %arg10[%get3A_567] {strides = array<i32>} : memref<12288xf32, #tpu.memory_space<vmem>>, vector<16xf32>,
      %mul3A_569 = arith.mulf %get3A_568, %gather3A_564 : vector<16xf32>
      %mul3A_570 = arith.constant 16 : i32
      %mul3A_571 = arith.muli %add3A_443, %mul3A_570 : i32
      %get3A_572 = arith.index_cast %mul3A_571 : i32 to index
      %get3A_573 = tpu.vector_load %arg12[%get3A_572] {strides = array<i32>} : memref<12288xi32, #tpu.memory_space<vmem>>, vector<16xi32>,
      %gather3A_574 = tpu.vector_load_idx %arg8[%get3A_573] : memref<16384xf32, #tpu.memory_space<vmem>>[vector<16xi32>], vector<16xf32>,
      %get3A_575 = arith.index_cast %mul3A_571 : i32 to index
      %get3A_576 = tpu.vector_load %arg11[%get3A_575] {strides = array<i32>} : memref<12288xi32, #tpu.memory_space<vmem>>, vector<16xi32>,
      %get3A_577 = arith.index_cast %mul3A_571 : i32 to index
      %get3A_578 = tpu.vector_load %arg10[%get3A_577] {strides = array<i32>} : memref<12288xf32, #tpu.memory_space<vmem>>, vector<16xf32>,
      %mul3A_579 = arith.mulf %get3A_578, %gather3A_574 : vector<16xf32>
      %mul3A_580 = arith.constant 16 : i32
      %mul3A_581 = arith.muli %add3A_447, %mul3A_580 : i32
      %get3A_582 = arith.index_cast %mul3A_581 : i32 to index
      %get3A_583 = tpu.vector_load %arg12[%get3A_582] {strides = array<i32>} : memref<12288xi32, #tpu.memory_space<vmem>>, vector<16xi32>,
      %gather3A_584 = tpu.vector_load_idx %arg8[%get3A_583] : memref<16384xf32, #tpu.memory_space<vmem>>[vector<16xi32>], vector<16xf32>,
      %get3A_585 = arith.index_cast %mul3A_581 : i32 to index
      %get3A_586 = tpu.vector_load %arg11[%get3A_585] {strides = array<i32>} : memref<12288xi32, #tpu.memory_space<vmem>>, vector<16xi32>,
      %get3A_587 = arith.index_cast %mul3A_581 : i32 to index
      %get3A_588 = tpu.vector_load %arg10[%get3A_587] {strides = array<i32>} : memref<12288xf32, #tpu.memory_space<vmem>>, vector<16xf32>,
      %mul3A_589 = arith.mulf %get3A_588, %gather3A_584 : vector<16xf32>
      %mul3A_590 = arith.constant 16 : i32
      %mul3A_591 = arith.muli %add3A_451, %mul3A_590 : i32
      %get3A_592 = arith.index_cast %mul3A_591 : i32 to index
      %get3A_593 = tpu.vector_load %arg12[%get3A_592] {strides = array<i32>} : memref<12288xi32, #tpu.memory_space<vmem>>, vector<16xi32>,
      %gather3A_594 = tpu.vector_load_idx %arg8[%get3A_593] : memref<16384xf32, #tpu.memory_space<vmem>>[vector<16xi32>], vector<16xf32>,
      %get3A_595 = arith.index_cast %mul3A_591 : i32 to index
      %get3A_596 = tpu.vector_load %arg11[%get3A_595] {strides = array<i32>} : memref<12288xi32, #tpu.memory_space<vmem>>, vector<16xi32>,
      %get3A_597 = arith.index_cast %mul3A_591 : i32 to index
      %get3A_598 = tpu.vector_load %arg10[%get3A_597] {strides = array<i32>} : memref<12288xf32, #tpu.memory_space<vmem>>, vector<16xf32>,
      %mul3A_599 = arith.mulf %get3A_598, %gather3A_594 : vector<16xf32>
      %mul3A_600 = arith.constant 16 : i32
      %mul3A_601 = arith.muli %add3A_455, %mul3A_600 : i32
      %get3A_602 = arith.index_cast %mul3A_601 : i32 to index
      %get3A_603 = tpu.vector_load %arg12[%get3A_602] {strides = array<i32>} : memref<12288xi32, #tpu.memory_space<vmem>>, vector<16xi32>,
      %gather3A_604 = tpu.vector_load_idx %arg8[%get3A_603] : memref<16384xf32, #tpu.memory_space<vmem>>[vector<16xi32>], vector<16xf32>,
      %get3A_605 = arith.index_cast %mul3A_601 : i32 to index
      %get3A_606 = tpu.vector_load %arg11[%get3A_605] {strides = array<i32>} : memref<12288xi32, #tpu.memory_space<vmem>>, vector<16xi32>,
      %get3A_607 = arith.index_cast %mul3A_601 : i32 to index
      %get3A_608 = tpu.vector_load %arg10[%get3A_607] {strides = array<i32>} : memref<12288xf32, #tpu.memory_space<vmem>>, vector<16xf32>,
      %mul3A_609 = arith.mulf %get3A_608, %gather3A_604 : vector<16xf32>
      %mul3A_610 = arith.constant 16 : i32
      %mul3A_611 = arith.muli %add3A_459, %mul3A_610 : i32
      %get3A_612 = arith.index_cast %mul3A_611 : i32 to index
      %get3A_613 = tpu.vector_load %arg12[%get3A_612] {strides = array<i32>} : memref<12288xi32, #tpu.memory_space<vmem>>, vector<16xi32>,
      %gather3A_614 = tpu.vector_load_idx %arg8[%get3A_613] : memref<16384xf32, #tpu.memory_space<vmem>>[vector<16xi32>], vector<16xf32>,
      %get3A_615 = arith.index_cast %mul3A_611 : i32 to index
      %get3A_616 = tpu.vector_load %arg11[%get3A_615] {strides = array<i32>} : memref<12288xi32, #tpu.memory_space<vmem>>, vector<16xi32>,
      %get3A_617 = arith.index_cast %mul3A_611 : i32 to index
      %get3A_618 = tpu.vector_load %arg10[%get3A_617] {strides = array<i32>} : memref<12288xf32, #tpu.memory_space<vmem>>, vector<16xf32>,
      %mul3A_619 = arith.mulf %get3A_618, %gather3A_614 : vector<16xf32>
      tpu.vector_store_idx %arg9[%get3A_466], %mul3A_469 {add = true} : memref<16384xf32, #tpu.memory_space<vmem>>[vector<16xi32>], vector<16xf32>,
      tpu.vector_store_idx %arg9[%get3A_476], %mul3A_479 {add = true} : memref<16384xf32, #tpu.memory_space<vmem>>[vector<16xi32>], vector<16xf32>,
      tpu.vector_store_idx %arg9[%get3A_486], %mul3A_489 {add = true} : memref<16384xf32, #tpu.memory_space<vmem>>[vector<16xi32>], vector<16xf32>,
      tpu.vector_store_idx %arg9[%get3A_496], %mul3A_499 {add = true} : memref<16384xf32, #tpu.memory_space<vmem>>[vector<16xi32>], vector<16xf32>,
      tpu.vector_store_idx %arg9[%get3A_506], %mul3A_509 {add = true} : memref<16384xf32, #tpu.memory_space<vmem>>[vector<16xi32>], vector<16xf32>,
      tpu.vector_store_idx %arg9[%get3A_516], %mul3A_519 {add = true} : memref<16384xf32, #tpu.memory_space<vmem>>[vector<16xi32>], vector<16xf32>,
      tpu.vector_store_idx %arg9[%get3A_526], %mul3A_529 {add = true} : memref<16384xf32, #tpu.memory_space<vmem>>[vector<16xi32>], vector<16xf32>,
      tpu.vector_store_idx %arg9[%get3A_536], %mul3A_539 {add = true} : memref<16384xf32, #tpu.memory_space<vmem>>[vector<16xi32>], vector<16xf32>,
      tpu.vector_store_idx %arg9[%get3A_546], %mul3A_549 {add = true} : memref<16384xf32, #tpu.memory_space<vmem>>[vector<16xi32>], vector<16xf32>,
      tpu.vector_store_idx %arg9[%get3A_556], %mul3A_559 {add = true} : memref<16384xf32, #tpu.memory_space<vmem>>[vector<16xi32>], vector<16xf32>,
      tpu.vector_store_idx %arg9[%get3A_566], %mul3A_569 {add = true} : memref<16384xf32, #tpu.memory_space<vmem>>[vector<16xi32>], vector<16xf32>,
      tpu.vector_store_idx %arg9[%get3A_576], %mul3A_579 {add = true} : memref<16384xf32, #tpu.memory_space<vmem>>[vector<16xi32>], vector<16xf32>,
      tpu.vector_store_idx %arg9[%get3A_586], %mul3A_589 {add = true} : memref<16384xf32, #tpu.memory_space<vmem>>[vector<16xi32>], vector<16xf32>,
      tpu.vector_store_idx %arg9[%get3A_596], %mul3A_599 {add = true} : memref<16384xf32, #tpu.memory_space<vmem>>[vector<16xi32>], vector<16xf32>,
      tpu.vector_store_idx %arg9[%get3A_606], %mul3A_609 {add = true} : memref<16384xf32, #tpu.memory_space<vmem>>[vector<16xi32>], vector<16xf32>,
      tpu.vector_store_idx %arg9[%get3A_616], %mul3A_619 {add = true} : memref<16384xf32, #tpu.memory_space<vmem>>[vector<16xi32>], vector<16xf32>,
    }
    %scan3A_314 = arith.constant 39 : i32
    %get3A = arith.constant 9984 : index
    %get3A_315 = tpu.vector_load %arg12[%get3A] {strides = array<i32>} : memref<12288xi32, #tpu.memory_space<vmem>>, vector<16xi32>,
    %gather3A = tpu.vector_load_idx %arg8[%get3A_315] : memref<16384xf32, #tpu.memory_space<vmem>>[vector<16xi32>], vector<16xf32>,
    %get3A_316 = arith.constant 9984 : index
    %get3A_317 = tpu.vector_load %arg11[%get3A_316] {strides = array<i32>} : memref<12288xi32, #tpu.memory_space<vmem>>, vector<16xi32>,
    %get3A_318 = arith.constant 9984 : index
    %get3A_319 = tpu.vector_load %arg10[%get3A_318] {strides = array<i32>} : memref<12288xf32, #tpu.memory_space<vmem>>, vector<16xf32>,
    %mul3A_320 = arith.mulf %get3A_319, %gather3A : vector<16xf32>
    %get3A_321 = arith.constant 10000 : index
    %get3A_322 = tpu.vector_load %arg12[%get3A_321] {strides = array<i32>} : memref<12288xi32, #tpu.memory_space<vmem>>, vector<16xi32>,
    %gather3A_323 = tpu.vector_load_idx %arg8[%get3A_322] : memref<16384xf32, #tpu.memory_space<vmem>>[vector<16xi32>], vector<16xf32>,
    %get3A_324 = arith.constant 10000 : index
    %get3A_325 = tpu.vector_load %arg11[%get3A_324] {strides = array<i32>} : memref<12288xi32, #tpu.memory_space<vmem>>, vector<16xi32>,
    %get3A_326 = arith.constant 10000 : index
    %get3A_327 = tpu.vector_load %arg10[%get3A_326] {strides = array<i32>} : memref<12288xf32, #tpu.memory_space<vmem>>, vector<16xf32>,
    %mul3A_328 = arith.mulf %get3A_327, %gather3A_323 : vector<16xf32>
    %get3A_329 = arith.constant 10016 : index
    %get3A_330 = tpu.vector_load %arg12[%get3A_329] {strides = array<i32>} : memref<12288xi32, #tpu.memory_space<vmem>>, vector<16xi32>,
    %gather3A_331 = tpu.vector_load_idx %arg8[%get3A_330] : memref<16384xf32, #tpu.memory_space<vmem>>[vector<16xi32>], vector<16xf32>,
    %get3A_332 = arith.constant 10016 : index
    %get3A_333 = tpu.vector_load %arg11[%get3A_332] {strides = array<i32>} : memref<12288xi32, #tpu.memory_space<vmem>>, vector<16xi32>,
    %get3A_334 = arith.constant 10016 : index
    %get3A_335 = tpu.vector_load %arg10[%get3A_334] {strides = array<i32>} : memref<12288xf32, #tpu.memory_space<vmem>>, vector<16xf32>,
    %mul3A_336 = arith.mulf %get3A_335, %gather3A_331 : vector<16xf32>
    %get3A_337 = arith.constant 10032 : index
    %get3A_338 = tpu.vector_load %arg12[%get3A_337] {strides = array<i32>} : memref<12288xi32, #tpu.memory_space<vmem>>, vector<16xi32>,
    %gather3A_339 = tpu.vector_load_idx %arg8[%get3A_338] : memref<16384xf32, #tpu.memory_space<vmem>>[vector<16xi32>], vector<16xf32>,
    %get3A_340 = arith.constant 10032 : index
    %get3A_341 = tpu.vector_load %arg11[%get3A_340] {strides = array<i32>} : memref<12288xi32, #tpu.memory_space<vmem>>, vector<16xi32>,
    %get3A_342 = arith.constant 10032 : index
    %get3A_343 = tpu.vector_load %arg10[%get3A_342] {strides = array<i32>} : memref<12288xf32, #tpu.memory_space<vmem>>, vector<16xf32>,
    %mul3A_344 = arith.mulf %get3A_343, %gather3A_339 : vector<16xf32>
    %get3A_345 = arith.constant 10048 : index
    %get3A_346 = tpu.vector_load %arg12[%get3A_345] {strides = array<i32>} : memref<12288xi32, #tpu.memory_space<vmem>>, vector<16xi32>,
    %gather3A_347 = tpu.vector_load_idx %arg8[%get3A_346] : memref<16384xf32, #tpu.memory_space<vmem>>[vector<16xi32>], vector<16xf32>,
    %get3A_348 = arith.constant 10048 : index
    %get3A_349 = tpu.vector_load %arg11[%get3A_348] {strides = array<i32>} : memref<12288xi32, #tpu.memory_space<vmem>>, vector<16xi32>,
    %get3A_350 = arith.constant 10048 : index
    %get3A_351 = tpu.vector_load %arg10[%get3A_350] {strides = array<i32>} : memref<12288xf32, #tpu.memory_space<vmem>>, vector<16xf32>,
    %mul3A_352 = arith.mulf %get3A_351, %gather3A_347 : vector<16xf32>
    %get3A_353 = arith.constant 10064 : index
    %get3A_354 = tpu.vector_load %arg12[%get3A_353] {strides = array<i32>} : memref<12288xi32, #tpu.memory_space<vmem>>, vector<16xi32>,
    %gather3A_355 = tpu.vector_load_idx %arg8[%get3A_354] : memref<16384xf32, #tpu.memory_space<vmem>>[vector<16xi32>], vector<16xf32>,
    %get3A_356 = arith.constant 10064 : index
    %get3A_357 = tpu.vector_load %arg11[%get3A_356] {strides = array<i32>} : memref<12288xi32, #tpu.memory_space<vmem>>, vector<16xi32>,
    %get3A_358 = arith.constant 10064 : index
    %get3A_359 = tpu.vector_load %arg10[%get3A_358] {strides = array<i32>} : memref<12288xf32, #tpu.memory_space<vmem>>, vector<16xf32>,
    %mul3A_360 = arith.mulf %get3A_359, %gather3A_355 : vector<16xf32>
    %get3A_361 = arith.constant 10080 : index
    %get3A_362 = tpu.vector_load %arg12[%get3A_361] {strides = array<i32>} : memref<12288xi32, #tpu.memory_space<vmem>>, vector<16xi32>,
    %gather3A_363 = tpu.vector_load_idx %arg8[%get3A_362] : memref<16384xf32, #tpu.memory_space<vmem>>[vector<16xi32>], vector<16xf32>,
    %get3A_364 = arith.constant 10080 : index
    %get3A_365 = tpu.vector_load %arg11[%get3A_364] {strides = array<i32>} : memref<12288xi32, #tpu.memory_space<vmem>>, vector<16xi32>,
    %get3A_366 = arith.constant 10080 : index
    %get3A_367 = tpu.vector_load %arg10[%get3A_366] {strides = array<i32>} : memref<12288xf32, #tpu.memory_space<vmem>>, vector<16xf32>,
    %mul3A_368 = arith.mulf %get3A_367, %gather3A_363 : vector<16xf32>
    %get3A_369 = arith.constant 10096 : index
    %get3A_370 = tpu.vector_load %arg12[%get3A_369] {strides = array<i32>} : memref<12288xi32, #tpu.memory_space<vmem>>, vector<16xi32>,
    %gather3A_371 = tpu.vector_load_idx %arg8[%get3A_370] : memref<16384xf32, #tpu.memory_space<vmem>>[vector<16xi32>], vector<16xf32>,
    %get3A_372 = arith.constant 10096 : index
    %get3A_373 = tpu.vector_load %arg11[%get3A_372] {strides = array<i32>} : memref<12288xi32, #tpu.memory_space<vmem>>, vector<16xi32>,
    %get3A_374 = arith.constant 10096 : index
    %get3A_375 = tpu.vector_load %arg10[%get3A_374] {strides = array<i32>} : memref<12288xf32, #tpu.memory_space<vmem>>, vector<16xf32>,
    %mul3A_376 = arith.mulf %get3A_375, %gather3A_371 : vector<16xf32>
    %get3A_377 = arith.constant 10112 : index
    %get3A_378 = tpu.vector_load %arg12[%get3A_377] {strides = array<i32>} : memref<12288xi32, #tpu.memory_space<vmem>>, vector<16xi32>,
    %gather3A_379 = tpu.vector_load_idx %arg8[%get3A_378] : memref<16384xf32, #tpu.memory_space<vmem>>[vector<16xi32>], vector<16xf32>,
    %get3A_380 = arith.constant 10112 : index
    %get3A_381 = tpu.vector_load %arg11[%get3A_380] {strides = array<i32>} : memref<12288xi32, #tpu.memory_space<vmem>>, vector<16xi32>,
    %get3A_382 = arith.constant 10112 : index
    %get3A_383 = tpu.vector_load %arg10[%get3A_382] {strides = array<i32>} : memref<12288xf32, #tpu.memory_space<vmem>>, vector<16xf32>,
    %mul3A_384 = arith.mulf %get3A_383, %gather3A_379 : vector<16xf32>
    %get3A_385 = arith.constant 10128 : index
    %get3A_386 = tpu.vector_load %arg12[%get3A_385] {strides = array<i32>} : memref<12288xi32, #tpu.memory_space<vmem>>, vector<16xi32>,
    %gather3A_387 = tpu.vector_load_idx %arg8[%get3A_386] : memref<16384xf32, #tpu.memory_space<vmem>>[vector<16xi32>], vector<16xf32>,
    %get3A_388 = arith.constant 10128 : index
    %get3A_389 = tpu.vector_load %arg11[%get3A_388] {strides = array<i32>} : memref<12288xi32, #tpu.memory_space<vmem>>, vector<16xi32>,
    %get3A_390 = arith.constant 10128 : index
    %get3A_391 = tpu.vector_load %arg10[%get3A_390] {strides = array<i32>} : memref<12288xf32, #tpu.memory_space<vmem>>, vector<16xf32>,
    %mul3A_392 = arith.mulf %get3A_391, %gather3A_387 : vector<16xf32>
    tpu.vector_store_idx %arg9[%get3A_317], %mul3A_320 {add = true} : memref<16384xf32, #tpu.memory_space<vmem>>[vector<16xi32>], vector<16xf32>,
    tpu.vector_store_idx %arg9[%get3A_325], %mul3A_328 {add = true} : memref<16384xf32, #tpu.memory_space<vmem>>[vector<16xi32>], vector<16xf32>,
    tpu.vector_store_idx %arg9[%get3A_333], %mul3A_336 {add = true} : memref<16384xf32, #tpu.memory_space<vmem>>[vector<16xi32>], vector<16xf32>,
    tpu.vector_store_idx %arg9[%get3A_341], %mul3A_344 {add = true} : memref<16384xf32, #tpu.memory_space<vmem>>[vector<16xi32>], vector<16xf32>,
    tpu.vector_store_idx %arg9[%get3A_349], %mul3A_352 {add = true} : memref<16384xf32, #tpu.memory_space<vmem>>[vector<16xi32>], vector<16xf32>,
    tpu.vector_store_idx %arg9[%get3A_357], %mul3A_360 {add = true} : memref<16384xf32, #tpu.memory_space<vmem>>[vector<16xi32>], vector<16xf32>,
    tpu.vector_store_idx %arg9[%get3A_365], %mul3A_368 {add = true} : memref<16384xf32, #tpu.memory_space<vmem>>[vector<16xi32>], vector<16xf32>,
    tpu.vector_store_idx %arg9[%get3A_373], %mul3A_376 {add = true} : memref<16384xf32, #tpu.memory_space<vmem>>[vector<16xi32>], vector<16xf32>,
    tpu.vector_store_idx %arg9[%get3A_381], %mul3A_384 {add = true} : memref<16384xf32, #tpu.memory_space<vmem>>[vector<16xi32>], vector<16xf32>,
    tpu.vector_store_idx %arg9[%get3A_389], %mul3A_392 {add = true} : memref<16384xf32, #tpu.memory_space<vmem>>[vector<16xi32>], vector<16xf32>,
    %eq3A = arith.constant 0 : i32
    %eq3A_393 = arith.cmpi eq, %add3A, %eq3A : i32
    %convert_element_type3A = arith.extui %eq3A_393 : i1 to i32
    %cond3A = arith.constant 0 : i32
    %cond3A_394 = arith.cmpi ne, %convert_element_type3A, %cond3A : i32
    scf.if %cond3A_394 {
      "tpu.region"() ({
        %run_scoped3A = tpu.sem_alloc : memref<!tpu.dma_semaphore, #tpu.memory_space<semaphore_mem>>
        %dma_start3A_401 = arith.constant 0 : i32
        %dma_start3A_402 = tpu.memref_slice %arg5[%dma_start3A_401] : memref<1536xi32, #tpu.memory_space<hbm>> -> memref<512xi32, #tpu.memory_space<hbm>>
        %dma_start3A_403 = arith.constant 0 : i32
        %dma_start3A_404 = tpu.memref_slice %arg5[%dma_start3A_403] : memref<1536xi32, #tpu.memory_space<hbm>> -> memref<512xi32, #tpu.memory_space<hbm>>
        tpu.enqueue_dma source(%dma_start3A_404 : memref<512xi32, #tpu.memory_space<hbm>>) target(%arg16 : memref<512xi32, #tpu.memory_space<vmem>>) target_semaphore(%run_scoped3A : memref<!tpu.dma_semaphore, #tpu.memory_space<semaphore_mem>>)
        %dma_wait3A_405 = arith.constant 0 : i32
        %dma_wait3A_406 = tpu.memref_slice %arg5[%dma_wait3A_405] : memref<1536xi32, #tpu.memory_space<hbm>> -> memref<512xi32, #tpu.memory_space<hbm>>
        %dma_wait3A_407 = arith.constant 0 : i32
        %dma_wait3A_408 = tpu.memref_slice %arg5[%dma_wait3A_407] : memref<1536xi32, #tpu.memory_space<hbm>> -> memref<512xi32, #tpu.memory_space<hbm>>
        tpu.wait_dma2 semaphore(%run_scoped3A : memref<!tpu.dma_semaphore, #tpu.memory_space<semaphore_mem>>) src(%dma_wait3A_408 : memref<512xi32, #tpu.memory_space<hbm>>) dst(%arg16 : memref<512xi32, #tpu.memory_space<vmem>>)
        tpu.yield
      }) : () -> ()
      "tpu.region"() ({
        %run_scoped3A = tpu.sem_alloc : memref<!tpu.dma_semaphore, #tpu.memory_space<semaphore_mem>>
        %dma_start3A_401 = arith.constant 0 : i32
        %dma_start3A_402 = tpu.memref_slice %arg11[%dma_start3A_401] : memref<12288xi32, #tpu.memory_space<vmem>> -> memref<512xi32, #tpu.memory_space<vmem>>
        %dma_start3A_403 = arith.constant 512 : i32
        %dma_start3A_404 = tpu.memref_slice %arg5[%dma_start3A_403] : memref<1536xi32, #tpu.memory_space<hbm>> -> memref<512xi32, #tpu.memory_space<hbm>>
        %dma_start3A_405 = arith.constant 0 : i32
        %dma_start3A_406 = tpu.memref_slice %arg11[%dma_start3A_405] : memref<12288xi32, #tpu.memory_space<vmem>> -> memref<512xi32, #tpu.memory_space<vmem>>
        %dma_start3A_407 = arith.constant 512 : i32
        %dma_start3A_408 = tpu.memref_slice %arg5[%dma_start3A_407] : memref<1536xi32, #tpu.memory_space<hbm>> -> memref<512xi32, #tpu.memory_space<hbm>>
        tpu.enqueue_dma source(%dma_start3A_408 : memref<512xi32, #tpu.memory_space<hbm>>) target(%dma_start3A_406 : memref<512xi32, #tpu.memory_space<vmem>>) target_semaphore(%run_scoped3A : memref<!tpu.dma_semaphore, #tpu.memory_space<semaphore_mem>>)
        %dma_wait3A_409 = arith.constant 0 : i32
        %dma_wait3A_410 = tpu.memref_slice %arg11[%dma_wait3A_409] : memref<12288xi32, #tpu.memory_space<vmem>> -> memref<512xi32, #tpu.memory_space<vmem>>
        %dma_wait3A_411 = arith.constant 512 : i32
        %dma_wait3A_412 = tpu.memref_slice %arg5[%dma_wait3A_411] : memref<1536xi32, #tpu.memory_space<hbm>> -> memref<512xi32, #tpu.memory_space<hbm>>
        %dma_wait3A_413 = arith.constant 0 : i32
        %dma_wait3A_414 = tpu.memref_slice %arg11[%dma_wait3A_413] : memref<12288xi32, #tpu.memory_space<vmem>> -> memref<512xi32, #tpu.memory_space<vmem>>
        %dma_wait3A_415 = arith.constant 512 : i32
        %dma_wait3A_416 = tpu.memref_slice %arg5[%dma_wait3A_415] : memref<1536xi32, #tpu.memory_space<hbm>> -> memref<512xi32, #tpu.memory_space<hbm>>
        tpu.wait_dma2 semaphore(%run_scoped3A : memref<!tpu.dma_semaphore, #tpu.memory_space<semaphore_mem>>) src(%dma_wait3A_416 : memref<512xi32, #tpu.memory_space<hbm>>) dst(%dma_wait3A_414 : memref<512xi32, #tpu.memory_space<vmem>>)
        tpu.yield
      }) : () -> ()
      "tpu.region"() ({
        %run_scoped3A = tpu.sem_alloc : memref<!tpu.dma_semaphore, #tpu.memory_space<semaphore_mem>>
        %dma_start3A_401 = arith.constant 0 : i32
        %dma_start3A_402 = tpu.memref_slice %arg12[%dma_start3A_401] : memref<12288xi32, #tpu.memory_space<vmem>> -> memref<512xi32, #tpu.memory_space<vmem>>
        %dma_start3A_403 = arith.constant 1024 : i32
        %dma_start3A_404 = tpu.memref_slice %arg5[%dma_start3A_403] : memref<1536xi32, #tpu.memory_space<hbm>> -> memref<512xi32, #tpu.memory_space<hbm>>
        %dma_start3A_405 = arith.constant 0 : i32
        %dma_start3A_406 = tpu.memref_slice %arg12[%dma_start3A_405] : memref<12288xi32, #tpu.memory_space<vmem>> -> memref<512xi32, #tpu.memory_space<vmem>>
        %dma_start3A_407 = arith.constant 1024 : i32
        %dma_start3A_408 = tpu.memref_slice %arg5[%dma_start3A_407] : memref<1536xi32, #tpu.memory_space<hbm>> -> memref<512xi32, #tpu.memory_space<hbm>>
        tpu.enqueue_dma source(%dma_start3A_408 : memref<512xi32, #tpu.memory_space<hbm>>) target(%dma_start3A_406 : memref<512xi32, #tpu.memory_space<vmem>>) target_semaphore(%run_scoped3A : memref<!tpu.dma_semaphore, #tpu.memory_space<semaphore_mem>>)
        %dma_wait3A_409 = arith.constant 0 : i32
        %dma_wait3A_410 = tpu.memref_slice %arg12[%dma_wait3A_409] : memref<12288xi32, #tpu.memory_space<vmem>> -> memref<512xi32, #tpu.memory_space<vmem>>
        %dma_wait3A_411 = arith.constant 1024 : i32
        %dma_wait3A_412 = tpu.memref_slice %arg5[%dma_wait3A_411] : memref<1536xi32, #tpu.memory_space<hbm>> -> memref<512xi32, #tpu.memory_space<hbm>>
        %dma_wait3A_413 = arith.constant 0 : i32
        %dma_wait3A_414 = tpu.memref_slice %arg12[%dma_wait3A_413] : memref<12288xi32, #tpu.memory_space<vmem>> -> memref<512xi32, #tpu.memory_space<vmem>>
        %dma_wait3A_415 = arith.constant 1024 : i32
        %dma_wait3A_416 = tpu.memref_slice %arg5[%dma_wait3A_415] : memref<1536xi32, #tpu.memory_space<hbm>> -> memref<512xi32, #tpu.memory_space<hbm>>
        tpu.wait_dma2 semaphore(%run_scoped3A : memref<!tpu.dma_semaphore, #tpu.memory_space<semaphore_mem>>) src(%dma_wait3A_416 : memref<512xi32, #tpu.memory_space<hbm>>) dst(%dma_wait3A_414 : memref<512xi32, #tpu.memory_space<vmem>>)
        tpu.yield
      }) : () -> ()
      %scan3A_395 = arith.constant 0 : i32
      %scan3A_396 = arith.constant 0 : i32
      %scan3A_397 = arith.constant 2 : i32
      %scan3A_398 = arith.addi %scan3A_396, %scan3A_397 : i32
      %scan3A_399 = arith.constant 1 : i32
      scf.for %scan3A_401 = %scan3A_396 to %scan3A_398 step %scan3A_399  : i32 {
        %mul3A_402 = arith.constant 16 : i32
        %mul3A_403 = arith.muli %scan3A_401, %mul3A_402 : i32
        %add3A_404 = arith.constant 0 : i32
        %add3A_405 = arith.addi %mul3A_403, %add3A_404 : i32
        %mul3A_406 = arith.constant 16 : i32
        %mul3A_407 = arith.muli %add3A_405, %mul3A_406 : i32
        %get3A_408 = arith.index_cast %mul3A_407 : i32 to index
        %get3A_409 = tpu.vector_load %arg12[%get3A_408] {strides = array<i32>} : memref<12288xi32, #tpu.memory_space<vmem>>, vector<16xi32>,
        %gather3A_410 = tpu.vector_load_idx %arg8[%get3A_409] : memref<16384xf32, #tpu.memory_space<vmem>>[vector<16xi32>], vector<16xf32>,
        %get3A_411 = arith.index_cast %mul3A_407 : i32 to index
        %get3A_412 = tpu.vector_load %arg16[%get3A_411] {strides = array<i32>} : memref<512xi32, #tpu.memory_space<vmem>>, vector<16xi32>,
        %bitcast3A = vector.bitcast %get3A_412 : vector<16xi32> to vector<16xf32>
        %get3A_413 = arith.index_cast %mul3A_407 : i32 to index
        %get3A_414 = tpu.vector_load %arg11[%get3A_413] {strides = array<i32>} : memref<12288xi32, #tpu.memory_space<vmem>>, vector<16xi32>,
        %mul3A_415 = arith.mulf %bitcast3A, %gather3A_410 : vector<16xf32>
        %mul3A_416 = arith.constant 16 : i32
        %mul3A_417 = arith.muli %scan3A_401, %mul3A_416 : i32
        %add3A_418 = arith.constant 1 : i32
        %add3A_419 = arith.addi %mul3A_417, %add3A_418 : i32
        %mul3A_420 = arith.constant 16 : i32
        %mul3A_421 = arith.muli %add3A_419, %mul3A_420 : i32
        %get3A_422 = arith.index_cast %mul3A_421 : i32 to index
        %get3A_423 = tpu.vector_load %arg12[%get3A_422] {strides = array<i32>} : memref<12288xi32, #tpu.memory_space<vmem>>, vector<16xi32>,
        %gather3A_424 = tpu.vector_load_idx %arg8[%get3A_423] : memref<16384xf32, #tpu.memory_space<vmem>>[vector<16xi32>], vector<16xf32>,
        %get3A_425 = arith.index_cast %mul3A_421 : i32 to index
        %get3A_426 = tpu.vector_load %arg16[%get3A_425] {strides = array<i32>} : memref<512xi32, #tpu.memory_space<vmem>>, vector<16xi32>,
        %bitcast3A_427 = vector.bitcast %get3A_426 : vector<16xi32> to vector<16xf32>
        %get3A_428 = arith.index_cast %mul3A_421 : i32 to index
        %get3A_429 = tpu.vector_load %arg11[%get3A_428] {strides = array<i32>} : memref<12288xi32, #tpu.memory_space<vmem>>, vector<16xi32>,
        %mul3A_430 = arith.mulf %bitcast3A_427, %gather3A_424 : vector<16xf32>
        %mul3A_431 = arith.constant 16 : i32
        %mul3A_432 = arith.muli %scan3A_401, %mul3A_431 : i32
        %add3A_433 = arith.constant 2 : i32
        %add3A_434 = arith.addi %mul3A_432, %add3A_433 : i32
        %mul3A_435 = arith.constant 16 : i32
        %mul3A_436 = arith.muli %add3A_434, %mul3A_435 : i32
        %get3A_437 = arith.index_cast %mul3A_436 : i32 to index
        %get3A_438 = tpu.vector_load %arg12[%get3A_437] {strides = array<i32>} : memref<12288xi32, #tpu.memory_space<vmem>>, vector<16xi32>,
        %gather3A_439 = tpu.vector_load_idx %arg8[%get3A_438] : memref<16384xf32, #tpu.memory_space<vmem>>[vector<16xi32>], vector<16xf32>,
        %get3A_440 = arith.index_cast %mul3A_436 : i32 to index
        %get3A_441 = tpu.vector_load %arg16[%get3A_440] {strides = array<i32>} : memref<512xi32, #tpu.memory_space<vmem>>, vector<16xi32>,
        %bitcast3A_442 = vector.bitcast %get3A_441 : vector<16xi32> to vector<16xf32>
        %get3A_443 = arith.index_cast %mul3A_436 : i32 to index
        %get3A_444 = tpu.vector_load %arg11[%get3A_443] {strides = array<i32>} : memref<12288xi32, #tpu.memory_space<vmem>>, vector<16xi32>,
        %mul3A_445 = arith.mulf %bitcast3A_442, %gather3A_439 : vector<16xf32>
        %mul3A_446 = arith.constant 16 : i32
        %mul3A_447 = arith.muli %scan3A_401, %mul3A_446 : i32
        %add3A_448 = arith.constant 3 : i32
        %add3A_449 = arith.addi %mul3A_447, %add3A_448 : i32
        %mul3A_450 = arith.constant 16 : i32
        %mul3A_451 = arith.muli %add3A_449, %mul3A_450 : i32
        %get3A_452 = arith.index_cast %mul3A_451 : i32 to index
        %get3A_453 = tpu.vector_load %arg12[%get3A_452] {strides = array<i32>} : memref<12288xi32, #tpu.memory_space<vmem>>, vector<16xi32>,
        %gather3A_454 = tpu.vector_load_idx %arg8[%get3A_453] : memref<16384xf32, #tpu.memory_space<vmem>>[vector<16xi32>], vector<16xf32>,
        %get3A_455 = arith.index_cast %mul3A_451 : i32 to index
        %get3A_456 = tpu.vector_load %arg16[%get3A_455] {strides = array<i32>} : memref<512xi32, #tpu.memory_space<vmem>>, vector<16xi32>,
        %bitcast3A_457 = vector.bitcast %get3A_456 : vector<16xi32> to vector<16xf32>
        %get3A_458 = arith.index_cast %mul3A_451 : i32 to index
        %get3A_459 = tpu.vector_load %arg11[%get3A_458] {strides = array<i32>} : memref<12288xi32, #tpu.memory_space<vmem>>, vector<16xi32>,
        %mul3A_460 = arith.mulf %bitcast3A_457, %gather3A_454 : vector<16xf32>
        %mul3A_461 = arith.constant 16 : i32
        %mul3A_462 = arith.muli %scan3A_401, %mul3A_461 : i32
        %add3A_463 = arith.constant 4 : i32
        %add3A_464 = arith.addi %mul3A_462, %add3A_463 : i32
        %mul3A_465 = arith.constant 16 : i32
        %mul3A_466 = arith.muli %add3A_464, %mul3A_465 : i32
        %get3A_467 = arith.index_cast %mul3A_466 : i32 to index
        %get3A_468 = tpu.vector_load %arg12[%get3A_467] {strides = array<i32>} : memref<12288xi32, #tpu.memory_space<vmem>>, vector<16xi32>,
        %gather3A_469 = tpu.vector_load_idx %arg8[%get3A_468] : memref<16384xf32, #tpu.memory_space<vmem>>[vector<16xi32>], vector<16xf32>,
        %get3A_470 = arith.index_cast %mul3A_466 : i32 to index
        %get3A_471 = tpu.vector_load %arg16[%get3A_470] {strides = array<i32>} : memref<512xi32, #tpu.memory_space<vmem>>, vector<16xi32>,
        %bitcast3A_472 = vector.bitcast %get3A_471 : vector<16xi32> to vector<16xf32>
        %get3A_473 = arith.index_cast %mul3A_466 : i32 to index
        %get3A_474 = tpu.vector_load %arg11[%get3A_473] {strides = array<i32>} : memref<12288xi32, #tpu.memory_space<vmem>>, vector<16xi32>,
        %mul3A_475 = arith.mulf %bitcast3A_472, %gather3A_469 : vector<16xf32>
        %mul3A_476 = arith.constant 16 : i32
        %mul3A_477 = arith.muli %scan3A_401, %mul3A_476 : i32
        %add3A_478 = arith.constant 5 : i32
        %add3A_479 = arith.addi %mul3A_477, %add3A_478 : i32
        %mul3A_480 = arith.constant 16 : i32
        %mul3A_481 = arith.muli %add3A_479, %mul3A_480 : i32
        %get3A_482 = arith.index_cast %mul3A_481 : i32 to index
        %get3A_483 = tpu.vector_load %arg12[%get3A_482] {strides = array<i32>} : memref<12288xi32, #tpu.memory_space<vmem>>, vector<16xi32>,
        %gather3A_484 = tpu.vector_load_idx %arg8[%get3A_483] : memref<16384xf32, #tpu.memory_space<vmem>>[vector<16xi32>], vector<16xf32>,
        %get3A_485 = arith.index_cast %mul3A_481 : i32 to index
        %get3A_486 = tpu.vector_load %arg16[%get3A_485] {strides = array<i32>} : memref<512xi32, #tpu.memory_space<vmem>>, vector<16xi32>,
        %bitcast3A_487 = vector.bitcast %get3A_486 : vector<16xi32> to vector<16xf32>
        %get3A_488 = arith.index_cast %mul3A_481 : i32 to index
        %get3A_489 = tpu.vector_load %arg11[%get3A_488] {strides = array<i32>} : memref<12288xi32, #tpu.memory_space<vmem>>, vector<16xi32>,
        %mul3A_490 = arith.mulf %bitcast3A_487, %gather3A_484 : vector<16xf32>
        %mul3A_491 = arith.constant 16 : i32
        %mul3A_492 = arith.muli %scan3A_401, %mul3A_491 : i32
        %add3A_493 = arith.constant 6 : i32
        %add3A_494 = arith.addi %mul3A_492, %add3A_493 : i32
        %mul3A_495 = arith.constant 16 : i32
        %mul3A_496 = arith.muli %add3A_494, %mul3A_495 : i32
        %get3A_497 = arith.index_cast %mul3A_496 : i32 to index
        %get3A_498 = tpu.vector_load %arg12[%get3A_497] {strides = array<i32>} : memref<12288xi32, #tpu.memory_space<vmem>>, vector<16xi32>,
        %gather3A_499 = tpu.vector_load_idx %arg8[%get3A_498] : memref<16384xf32, #tpu.memory_space<vmem>>[vector<16xi32>], vector<16xf32>,
        %get3A_500 = arith.index_cast %mul3A_496 : i32 to index
        %get3A_501 = tpu.vector_load %arg16[%get3A_500] {strides = array<i32>} : memref<512xi32, #tpu.memory_space<vmem>>, vector<16xi32>,
        %bitcast3A_502 = vector.bitcast %get3A_501 : vector<16xi32> to vector<16xf32>
        %get3A_503 = arith.index_cast %mul3A_496 : i32 to index
        %get3A_504 = tpu.vector_load %arg11[%get3A_503] {strides = array<i32>} : memref<12288xi32, #tpu.memory_space<vmem>>, vector<16xi32>,
        %mul3A_505 = arith.mulf %bitcast3A_502, %gather3A_499 : vector<16xf32>
        %mul3A_506 = arith.constant 16 : i32
        %mul3A_507 = arith.muli %scan3A_401, %mul3A_506 : i32
        %add3A_508 = arith.constant 7 : i32
        %add3A_509 = arith.addi %mul3A_507, %add3A_508 : i32
        %mul3A_510 = arith.constant 16 : i32
        %mul3A_511 = arith.muli %add3A_509, %mul3A_510 : i32
        %get3A_512 = arith.index_cast %mul3A_511 : i32 to index
        %get3A_513 = tpu.vector_load %arg12[%get3A_512] {strides = array<i32>} : memref<12288xi32, #tpu.memory_space<vmem>>, vector<16xi32>,
        %gather3A_514 = tpu.vector_load_idx %arg8[%get3A_513] : memref<16384xf32, #tpu.memory_space<vmem>>[vector<16xi32>], vector<16xf32>,
        %get3A_515 = arith.index_cast %mul3A_511 : i32 to index
        %get3A_516 = tpu.vector_load %arg16[%get3A_515] {strides = array<i32>} : memref<512xi32, #tpu.memory_space<vmem>>, vector<16xi32>,
        %bitcast3A_517 = vector.bitcast %get3A_516 : vector<16xi32> to vector<16xf32>
        %get3A_518 = arith.index_cast %mul3A_511 : i32 to index
        %get3A_519 = tpu.vector_load %arg11[%get3A_518] {strides = array<i32>} : memref<12288xi32, #tpu.memory_space<vmem>>, vector<16xi32>,
        %mul3A_520 = arith.mulf %bitcast3A_517, %gather3A_514 : vector<16xf32>
        %mul3A_521 = arith.constant 16 : i32
        %mul3A_522 = arith.muli %scan3A_401, %mul3A_521 : i32
        %add3A_523 = arith.constant 8 : i32
        %add3A_524 = arith.addi %mul3A_522, %add3A_523 : i32
        %mul3A_525 = arith.constant 16 : i32
        %mul3A_526 = arith.muli %add3A_524, %mul3A_525 : i32
        %get3A_527 = arith.index_cast %mul3A_526 : i32 to index
        %get3A_528 = tpu.vector_load %arg12[%get3A_527] {strides = array<i32>} : memref<12288xi32, #tpu.memory_space<vmem>>, vector<16xi32>,
        %gather3A_529 = tpu.vector_load_idx %arg8[%get3A_528] : memref<16384xf32, #tpu.memory_space<vmem>>[vector<16xi32>], vector<16xf32>,
        %get3A_530 = arith.index_cast %mul3A_526 : i32 to index
        %get3A_531 = tpu.vector_load %arg16[%get3A_530] {strides = array<i32>} : memref<512xi32, #tpu.memory_space<vmem>>, vector<16xi32>,
        %bitcast3A_532 = vector.bitcast %get3A_531 : vector<16xi32> to vector<16xf32>
        %get3A_533 = arith.index_cast %mul3A_526 : i32 to index
        %get3A_534 = tpu.vector_load %arg11[%get3A_533] {strides = array<i32>} : memref<12288xi32, #tpu.memory_space<vmem>>, vector<16xi32>,
        %mul3A_535 = arith.mulf %bitcast3A_532, %gather3A_529 : vector<16xf32>
        %mul3A_536 = arith.constant 16 : i32
        %mul3A_537 = arith.muli %scan3A_401, %mul3A_536 : i32
        %add3A_538 = arith.constant 9 : i32
        %add3A_539 = arith.addi %mul3A_537, %add3A_538 : i32
        %mul3A_540 = arith.constant 16 : i32
        %mul3A_541 = arith.muli %add3A_539, %mul3A_540 : i32
        %get3A_542 = arith.index_cast %mul3A_541 : i32 to index
        %get3A_543 = tpu.vector_load %arg12[%get3A_542] {strides = array<i32>} : memref<12288xi32, #tpu.memory_space<vmem>>, vector<16xi32>,
        %gather3A_544 = tpu.vector_load_idx %arg8[%get3A_543] : memref<16384xf32, #tpu.memory_space<vmem>>[vector<16xi32>], vector<16xf32>,
        %get3A_545 = arith.index_cast %mul3A_541 : i32 to index
        %get3A_546 = tpu.vector_load %arg16[%get3A_545] {strides = array<i32>} : memref<512xi32, #tpu.memory_space<vmem>>, vector<16xi32>,
        %bitcast3A_547 = vector.bitcast %get3A_546 : vector<16xi32> to vector<16xf32>
        %get3A_548 = arith.index_cast %mul3A_541 : i32 to index
        %get3A_549 = tpu.vector_load %arg11[%get3A_548] {strides = array<i32>} : memref<12288xi32, #tpu.memory_space<vmem>>, vector<16xi32>,
        %mul3A_550 = arith.mulf %bitcast3A_547, %gather3A_544 : vector<16xf32>
        %mul3A_551 = arith.constant 16 : i32
        %mul3A_552 = arith.muli %scan3A_401, %mul3A_551 : i32
        %add3A_553 = arith.constant 10 : i32
        %add3A_554 = arith.addi %mul3A_552, %add3A_553 : i32
        %mul3A_555 = arith.constant 16 : i32
        %mul3A_556 = arith.muli %add3A_554, %mul3A_555 : i32
        %get3A_557 = arith.index_cast %mul3A_556 : i32 to index
        %get3A_558 = tpu.vector_load %arg12[%get3A_557] {strides = array<i32>} : memref<12288xi32, #tpu.memory_space<vmem>>, vector<16xi32>,
        %gather3A_559 = tpu.vector_load_idx %arg8[%get3A_558] : memref<16384xf32, #tpu.memory_space<vmem>>[vector<16xi32>], vector<16xf32>,
        %get3A_560 = arith.index_cast %mul3A_556 : i32 to index
        %get3A_561 = tpu.vector_load %arg16[%get3A_560] {strides = array<i32>} : memref<512xi32, #tpu.memory_space<vmem>>, vector<16xi32>,
        %bitcast3A_562 = vector.bitcast %get3A_561 : vector<16xi32> to vector<16xf32>
        %get3A_563 = arith.index_cast %mul3A_556 : i32 to index
        %get3A_564 = tpu.vector_load %arg11[%get3A_563] {strides = array<i32>} : memref<12288xi32, #tpu.memory_space<vmem>>, vector<16xi32>,
        %mul3A_565 = arith.mulf %bitcast3A_562, %gather3A_559 : vector<16xf32>
        %mul3A_566 = arith.constant 16 : i32
        %mul3A_567 = arith.muli %scan3A_401, %mul3A_566 : i32
        %add3A_568 = arith.constant 11 : i32
        %add3A_569 = arith.addi %mul3A_567, %add3A_568 : i32
        %mul3A_570 = arith.constant 16 : i32
        %mul3A_571 = arith.muli %add3A_569, %mul3A_570 : i32
        %get3A_572 = arith.index_cast %mul3A_571 : i32 to index
        %get3A_573 = tpu.vector_load %arg12[%get3A_572] {strides = array<i32>} : memref<12288xi32, #tpu.memory_space<vmem>>, vector<16xi32>,
        %gather3A_574 = tpu.vector_load_idx %arg8[%get3A_573] : memref<16384xf32, #tpu.memory_space<vmem>>[vector<16xi32>], vector<16xf32>,
        %get3A_575 = arith.index_cast %mul3A_571 : i32 to index
        %get3A_576 = tpu.vector_load %arg16[%get3A_575] {strides = array<i32>} : memref<512xi32, #tpu.memory_space<vmem>>, vector<16xi32>,
        %bitcast3A_577 = vector.bitcast %get3A_576 : vector<16xi32> to vector<16xf32>
        %get3A_578 = arith.index_cast %mul3A_571 : i32 to index
        %get3A_579 = tpu.vector_load %arg11[%get3A_578] {strides = array<i32>} : memref<12288xi32, #tpu.memory_space<vmem>>, vector<16xi32>,
        %mul3A_580 = arith.mulf %bitcast3A_577, %gather3A_574 : vector<16xf32>
        %mul3A_581 = arith.constant 16 : i32
        %mul3A_582 = arith.muli %scan3A_401, %mul3A_581 : i32
        %add3A_583 = arith.constant 12 : i32
        %add3A_584 = arith.addi %mul3A_582, %add3A_583 : i32
        %mul3A_585 = arith.constant 16 : i32
        %mul3A_586 = arith.muli %add3A_584, %mul3A_585 : i32
        %get3A_587 = arith.index_cast %mul3A_586 : i32 to index
        %get3A_588 = tpu.vector_load %arg12[%get3A_587] {strides = array<i32>} : memref<12288xi32, #tpu.memory_space<vmem>>, vector<16xi32>,
        %gather3A_589 = tpu.vector_load_idx %arg8[%get3A_588] : memref<16384xf32, #tpu.memory_space<vmem>>[vector<16xi32>], vector<16xf32>,
        %get3A_590 = arith.index_cast %mul3A_586 : i32 to index
        %get3A_591 = tpu.vector_load %arg16[%get3A_590] {strides = array<i32>} : memref<512xi32, #tpu.memory_space<vmem>>, vector<16xi32>,
        %bitcast3A_592 = vector.bitcast %get3A_591 : vector<16xi32> to vector<16xf32>
        %get3A_593 = arith.index_cast %mul3A_586 : i32 to index
        %get3A_594 = tpu.vector_load %arg11[%get3A_593] {strides = array<i32>} : memref<12288xi32, #tpu.memory_space<vmem>>, vector<16xi32>,
        %mul3A_595 = arith.mulf %bitcast3A_592, %gather3A_589 : vector<16xf32>
        %mul3A_596 = arith.constant 16 : i32
        %mul3A_597 = arith.muli %scan3A_401, %mul3A_596 : i32
        %add3A_598 = arith.constant 13 : i32
        %add3A_599 = arith.addi %mul3A_597, %add3A_598 : i32
        %mul3A_600 = arith.constant 16 : i32
        %mul3A_601 = arith.muli %add3A_599, %mul3A_600 : i32
        %get3A_602 = arith.index_cast %mul3A_601 : i32 to index
        %get3A_603 = tpu.vector_load %arg12[%get3A_602] {strides = array<i32>} : memref<12288xi32, #tpu.memory_space<vmem>>, vector<16xi32>,
        %gather3A_604 = tpu.vector_load_idx %arg8[%get3A_603] : memref<16384xf32, #tpu.memory_space<vmem>>[vector<16xi32>], vector<16xf32>,
        %get3A_605 = arith.index_cast %mul3A_601 : i32 to index
        %get3A_606 = tpu.vector_load %arg16[%get3A_605] {strides = array<i32>} : memref<512xi32, #tpu.memory_space<vmem>>, vector<16xi32>,
        %bitcast3A_607 = vector.bitcast %get3A_606 : vector<16xi32> to vector<16xf32>
        %get3A_608 = arith.index_cast %mul3A_601 : i32 to index
        %get3A_609 = tpu.vector_load %arg11[%get3A_608] {strides = array<i32>} : memref<12288xi32, #tpu.memory_space<vmem>>, vector<16xi32>,
        %mul3A_610 = arith.mulf %bitcast3A_607, %gather3A_604 : vector<16xf32>
        %mul3A_611 = arith.constant 16 : i32
        %mul3A_612 = arith.muli %scan3A_401, %mul3A_611 : i32
        %add3A_613 = arith.constant 14 : i32
        %add3A_614 = arith.addi %mul3A_612, %add3A_613 : i32
        %mul3A_615 = arith.constant 16 : i32
        %mul3A_616 = arith.muli %add3A_614, %mul3A_615 : i32
        %get3A_617 = arith.index_cast %mul3A_616 : i32 to index
        %get3A_618 = tpu.vector_load %arg12[%get3A_617] {strides = array<i32>} : memref<12288xi32, #tpu.memory_space<vmem>>, vector<16xi32>,
        %gather3A_619 = tpu.vector_load_idx %arg8[%get3A_618] : memref<16384xf32, #tpu.memory_space<vmem>>[vector<16xi32>], vector<16xf32>,
        %get3A_620 = arith.index_cast %mul3A_616 : i32 to index
        %get3A_621 = tpu.vector_load %arg16[%get3A_620] {strides = array<i32>} : memref<512xi32, #tpu.memory_space<vmem>>, vector<16xi32>,
        %bitcast3A_622 = vector.bitcast %get3A_621 : vector<16xi32> to vector<16xf32>
        %get3A_623 = arith.index_cast %mul3A_616 : i32 to index
        %get3A_624 = tpu.vector_load %arg11[%get3A_623] {strides = array<i32>} : memref<12288xi32, #tpu.memory_space<vmem>>, vector<16xi32>,
        %mul3A_625 = arith.mulf %bitcast3A_622, %gather3A_619 : vector<16xf32>
        %mul3A_626 = arith.constant 16 : i32
        %mul3A_627 = arith.muli %scan3A_401, %mul3A_626 : i32
        %add3A_628 = arith.constant 15 : i32
        %add3A_629 = arith.addi %mul3A_627, %add3A_628 : i32
        %mul3A_630 = arith.constant 16 : i32
        %mul3A_631 = arith.muli %add3A_629, %mul3A_630 : i32
        %get3A_632 = arith.index_cast %mul3A_631 : i32 to index
        %get3A_633 = tpu.vector_load %arg12[%get3A_632] {strides = array<i32>} : memref<12288xi32, #tpu.memory_space<vmem>>, vector<16xi32>,
        %gather3A_634 = tpu.vector_load_idx %arg8[%get3A_633] : memref<16384xf32, #tpu.memory_space<vmem>>[vector<16xi32>], vector<16xf32>,
        %get3A_635 = arith.index_cast %mul3A_631 : i32 to index
        %get3A_636 = tpu.vector_load %arg16[%get3A_635] {strides = array<i32>} : memref<512xi32, #tpu.memory_space<vmem>>, vector<16xi32>,
        %bitcast3A_637 = vector.bitcast %get3A_636 : vector<16xi32> to vector<16xf32>
        %get3A_638 = arith.index_cast %mul3A_631 : i32 to index
        %get3A_639 = tpu.vector_load %arg11[%get3A_638] {strides = array<i32>} : memref<12288xi32, #tpu.memory_space<vmem>>, vector<16xi32>,
        %mul3A_640 = arith.mulf %bitcast3A_637, %gather3A_634 : vector<16xf32>
        tpu.vector_store_idx %arg9[%get3A_414], %mul3A_415 {add = true} : memref<16384xf32, #tpu.memory_space<vmem>>[vector<16xi32>], vector<16xf32>,
        tpu.vector_store_idx %arg9[%get3A_429], %mul3A_430 {add = true} : memref<16384xf32, #tpu.memory_space<vmem>>[vector<16xi32>], vector<16xf32>,
        tpu.vector_store_idx %arg9[%get3A_444], %mul3A_445 {add = true} : memref<16384xf32, #tpu.memory_space<vmem>>[vector<16xi32>], vector<16xf32>,
        tpu.vector_store_idx %arg9[%get3A_459], %mul3A_460 {add = true} : memref<16384xf32, #tpu.memory_space<vmem>>[vector<16xi32>], vector<16xf32>,
        tpu.vector_store_idx %arg9[%get3A_474], %mul3A_475 {add = true} : memref<16384xf32, #tpu.memory_space<vmem>>[vector<16xi32>], vector<16xf32>,
        tpu.vector_store_idx %arg9[%get3A_489], %mul3A_490 {add = true} : memref<16384xf32, #tpu.memory_space<vmem>>[vector<16xi32>], vector<16xf32>,
        tpu.vector_store_idx %arg9[%get3A_504], %mul3A_505 {add = true} : memref<16384xf32, #tpu.memory_space<vmem>>[vector<16xi32>], vector<16xf32>,
        tpu.vector_store_idx %arg9[%get3A_519], %mul3A_520 {add = true} : memref<16384xf32, #tpu.memory_space<vmem>>[vector<16xi32>], vector<16xf32>,
        tpu.vector_store_idx %arg9[%get3A_534], %mul3A_535 {add = true} : memref<16384xf32, #tpu.memory_space<vmem>>[vector<16xi32>], vector<16xf32>,
        tpu.vector_store_idx %arg9[%get3A_549], %mul3A_550 {add = true} : memref<16384xf32, #tpu.memory_space<vmem>>[vector<16xi32>], vector<16xf32>,
        tpu.vector_store_idx %arg9[%get3A_564], %mul3A_565 {add = true} : memref<16384xf32, #tpu.memory_space<vmem>>[vector<16xi32>], vector<16xf32>,
        tpu.vector_store_idx %arg9[%get3A_579], %mul3A_580 {add = true} : memref<16384xf32, #tpu.memory_space<vmem>>[vector<16xi32>], vector<16xf32>,
        tpu.vector_store_idx %arg9[%get3A_594], %mul3A_595 {add = true} : memref<16384xf32, #tpu.memory_space<vmem>>[vector<16xi32>], vector<16xf32>,
        tpu.vector_store_idx %arg9[%get3A_609], %mul3A_610 {add = true} : memref<16384xf32, #tpu.memory_space<vmem>>[vector<16xi32>], vector<16xf32>,
        tpu.vector_store_idx %arg9[%get3A_624], %mul3A_625 {add = true} : memref<16384xf32, #tpu.memory_space<vmem>>[vector<16xi32>], vector<16xf32>,
        tpu.vector_store_idx %arg9[%get3A_639], %mul3A_640 {add = true} : memref<16384xf32, #tpu.memory_space<vmem>>[vector<16xi32>], vector<16xf32>,
      }
      %scan3A_400 = arith.constant 2 : i32
    } else {
    }
    "tpu.region"() ({
      %run_scoped3A = tpu.sem_alloc : memref<!tpu.dma_semaphore, #tpu.memory_space<semaphore_mem>>
      %dma_start3A_395 = arith.constant 0 : i32
      %dma_start3A_396 = tpu.memref_slice %arg7[%add3A, %dma_start3A_395] : memref<32x16384xf32, #tpu.memory_space<hbm>> -> memref<1x16384xf32, #tpu.memory_space<hbm>>
      %dma_start3A_397 = tpu.memref_squeeze %dma_start3A_396 : memref<1x16384xf32, #tpu.memory_space<hbm>> -> memref<16384xf32, #tpu.memory_space<hbm>>
      %dma_start3A_398 = arith.constant 0 : i32
      %dma_start3A_399 = tpu.memref_slice %arg7[%add3A, %dma_start3A_398] : memref<32x16384xf32, #tpu.memory_space<hbm>> -> memref<1x16384xf32, #tpu.memory_space<hbm>>
      %dma_start3A_400 = tpu.memref_squeeze %dma_start3A_399 : memref<1x16384xf32, #tpu.memory_space<hbm>> -> memref<16384xf32, #tpu.memory_space<hbm>>
      tpu.enqueue_dma source(%arg9 : memref<16384xf32, #tpu.memory_space<vmem>>) target(%dma_start3A_400 : memref<16384xf32, #tpu.memory_space<hbm>>) target_semaphore(%run_scoped3A : memref<!tpu.dma_semaphore, #tpu.memory_space<semaphore_mem>>)
      %dma_wait3A_401 = arith.constant 0 : i32
      %dma_wait3A_402 = tpu.memref_slice %arg7[%add3A, %dma_wait3A_401] : memref<32x16384xf32, #tpu.memory_space<hbm>> -> memref<1x16384xf32, #tpu.memory_space<hbm>>
      %dma_wait3A_403 = tpu.memref_squeeze %dma_wait3A_402 : memref<1x16384xf32, #tpu.memory_space<hbm>> -> memref<16384xf32, #tpu.memory_space<hbm>>
      %dma_wait3A_404 = arith.constant 0 : i32
      %dma_wait3A_405 = tpu.memref_slice %arg7[%add3A, %dma_wait3A_404] : memref<32x16384xf32, #tpu.memory_space<hbm>> -> memref<1x16384xf32, #tpu.memory_space<hbm>>
      %dma_wait3A_406 = tpu.memref_squeeze %dma_wait3A_405 : memref<1x16384xf32, #tpu.memory_space<hbm>> -> memref<16384xf32, #tpu.memory_space<hbm>>
      tpu.wait_dma2 semaphore(%run_scoped3A : memref<!tpu.dma_semaphore, #tpu.memory_space<semaphore_mem>>) src(%arg9 : memref<16384xf32, #tpu.memory_space<vmem>>) dst(%dma_wait3A_406 : memref<16384xf32, #tpu.memory_space<hbm>>)
      tpu.yield
    }) : () -> ()
    return
  }
}

module attributes {stable_mosaic.version = 14 : i64} {
  func.func @body(%arg0: memref<32x16384xf32, #tpu.memory_space<vmem>>, %arg1: memref<1x16384xf32, #tpu.memory_space<vmem>>, %arg2: memref<1x16384xf32, #tpu.memory_space<vmem>>, %arg3: memref<1x16384xf32, #tpu.memory_space<vmem>>, %arg4: memref<1x16384xf32, #tpu.memory_space<vmem>>, %arg5: memref<1x16384xf32, #tpu.memory_space<vmem>>, %arg6: memref<1x16384xf32, #tpu.memory_space<vmem>>, %arg7: memref<1x16384xf32, #tpu.memory_space<vmem>>, %arg8: memref<1x1xf32, #tpu.memory_space<smem>>) attributes {dimension_semantics = [], scalar_prefetch = 0 : i64, scratch_operands = 0 : i64, tpu.core_type = #tpu.core_type<tc>} {
    %get3A = arith.constant 0 : index
    %get3A_0 = arith.constant 0 : index
    %get3A_1 = vector.load %arg0[%get3A, %get3A_0] : memref<32x16384xf32, #tpu.memory_space<vmem>>, vector<32x16384xf32>
    %reduce_sum3A = arith.constant dense<0.000000e+00> : vector<16384xf32>
    %reduce_sum3A_2 = vector.multi_reduction <add>, %get3A_1, %reduce_sum3A [0] : vector<32x16384xf32> to vector<16384xf32>
    %broadcast_in_dim3A = vector.shape_cast %reduce_sum3A_2 : vector<16384xf32> to vector<1x16384xf32>
    %get3A_3 = arith.constant 0 : index
    %get3A_4 = arith.constant 0 : index
    %get3A_5 = vector.load %arg1[%get3A_3, %get3A_4] : memref<1x16384xf32, #tpu.memory_space<vmem>>, vector<1x16384xf32>
    %sub3A = arith.subf %broadcast_in_dim3A, %get3A_5 : vector<1x16384xf32>
    %neg3A = arith.constant 0.000000e+00 : f32
    %neg3A_6 = vector.broadcast %neg3A : f32 to vector<1x16384xf32>
    %neg3A_7 = arith.subf %neg3A_6, %sub3A : vector<1x16384xf32>
    %max3A = arith.constant 0.000000e+00 : f32
    %max3A_8 = vector.broadcast %max3A : f32 to vector<1x16384xf32>
    %max3A_9 = arith.maximumf %neg3A_7, %max3A_8 : vector<1x16384xf32>
    %get3A_10 = arith.constant 0 : index
    %get3A_11 = arith.constant 0 : index
    %get3A_12 = vector.load %arg3[%get3A_10, %get3A_11] : memref<1x16384xf32, #tpu.memory_space<vmem>>, vector<1x16384xf32>
    %mul3A = arith.mulf %max3A_9, %get3A_12 : vector<1x16384xf32>
    %add3A = arith.addf %sub3A, %mul3A : vector<1x16384xf32>
    %get3A_13 = arith.constant 0 : index
    %get3A_14 = arith.constant 0 : index
    %get3A_15 = vector.load %arg2[%get3A_13, %get3A_14] : memref<1x16384xf32, #tpu.memory_space<vmem>>, vector<1x16384xf32>
    %get3A_16 = arith.constant 0 : index
    %get3A_17 = arith.constant 0 : index
    %get3A_18 = vector.load %arg6[%get3A_16, %get3A_17] : memref<1x16384xf32, #tpu.memory_space<vmem>>, vector<1x16384xf32>
    %sub3A_19 = arith.subf %get3A_18, %get3A_15 : vector<1x16384xf32>
    %max3A_20 = arith.constant 0.000000e+00 : f32
    %max3A_21 = vector.broadcast %max3A_20 : f32 to vector<1x16384xf32>
    %max3A_22 = arith.maximumf %sub3A_19, %max3A_21 : vector<1x16384xf32>
    %get3A_23 = arith.constant 0 : index
    %get3A_24 = arith.constant 0 : index
    %get3A_25 = vector.load %arg4[%get3A_23, %get3A_24] : memref<1x16384xf32, #tpu.memory_space<vmem>>, vector<1x16384xf32>
    %mul3A_26 = arith.mulf %max3A_22, %get3A_25 : vector<1x16384xf32>
    %get3A_27 = arith.constant 0 : index
    %get3A_28 = arith.constant 0 : index
    %get3A_29 = vector.load %arg7[%get3A_27, %get3A_28] : memref<1x16384xf32, #tpu.memory_space<vmem>>, vector<1x16384xf32>
    %sub3A_30 = arith.subf %get3A_15, %get3A_29 : vector<1x16384xf32>
    %max3A_31 = arith.constant 0.000000e+00 : f32
    %max3A_32 = vector.broadcast %max3A_31 : f32 to vector<1x16384xf32>
    %max3A_33 = arith.maximumf %sub3A_30, %max3A_32 : vector<1x16384xf32>
    %get3A_34 = arith.constant 0 : index
    %get3A_35 = arith.constant 0 : index
    %get3A_36 = vector.load %arg5[%get3A_34, %get3A_35] : memref<1x16384xf32, #tpu.memory_space<vmem>>, vector<1x16384xf32>
    %mul3A_37 = arith.mulf %max3A_33, %get3A_36 : vector<1x16384xf32>
    %add3A_38 = arith.addf %mul3A_26, %mul3A_37 : vector<1x16384xf32>
    %abs3A = math.absf %add3A : vector<1x16384xf32>
    %reduce_max3A = vector.shape_cast %abs3A : vector<1x16384xf32> to vector<1x1x16384xf32>
    %reduce_max3A_39 = arith.constant dense<0xFF800000> : vector<1xf32>
    %reduce_max3A_40 = vector.multi_reduction <maximumf>, %reduce_max3A, %reduce_max3A_39 [1, 2] : vector<1x1x16384xf32> to vector<1xf32>
    %reduce_max3A_41 = vector.shape_cast %reduce_max3A_40 : vector<1xf32> to vector<1x1x1xf32>
    %reduce_max3A_42 = vector.extract %reduce_max3A_41[0, 0, 0] : f32 from vector<1x1x1xf32>
    %abs3A_43 = math.absf %add3A_38 : vector<1x16384xf32>
    %reduce_max3A_44 = vector.shape_cast %abs3A_43 : vector<1x16384xf32> to vector<1x1x16384xf32>
    %reduce_max3A_45 = arith.constant dense<0xFF800000> : vector<1xf32>
    %reduce_max3A_46 = vector.multi_reduction <maximumf>, %reduce_max3A_44, %reduce_max3A_45 [1, 2] : vector<1x1x16384xf32> to vector<1xf32>
    %reduce_max3A_47 = vector.shape_cast %reduce_max3A_46 : vector<1xf32> to vector<1x1x1xf32>
    %reduce_max3A_48 = vector.extract %reduce_max3A_47[0, 0, 0] : f32 from vector<1x1x1xf32>
    %max3A_49 = arith.maximumf %reduce_max3A_42, %reduce_max3A_48 : f32
    %get3A_50 = arith.constant 0 : index
    %get3A_51 = arith.constant 0 : index
    %get3A_52 = vector.load %arg1[%get3A_50, %get3A_51] : memref<1x16384xf32, #tpu.memory_space<vmem>>, vector<1x16384xf32>
    %abs3A_53 = math.absf %get3A_52 : vector<1x16384xf32>
    %reduce_max3A_54 = vector.shape_cast %abs3A_53 : vector<1x16384xf32> to vector<1x1x16384xf32>
    %reduce_max3A_55 = arith.constant dense<0xFF800000> : vector<1xf32>
    %reduce_max3A_56 = vector.multi_reduction <maximumf>, %reduce_max3A_54, %reduce_max3A_55 [1, 2] : vector<1x1x16384xf32> to vector<1xf32>
    %reduce_max3A_57 = vector.shape_cast %reduce_max3A_56 : vector<1xf32> to vector<1x1x1xf32>
    %reduce_max3A_58 = vector.extract %reduce_max3A_57[0, 0, 0] : f32 from vector<1x1x1xf32>
    %add3A_59 = arith.constant 1.000000e+00 : f32
    %add3A_60 = arith.addf %add3A_59, %reduce_max3A_58 : f32
    %div3A = arith.divf %max3A_49, %add3A_60 : f32
    %swap3A = arith.constant 0 : index
    %swap3A_61 = arith.constant 0 : index
    %swap3A_62 = memref.load %arg8[%swap3A, %swap3A_61] : memref<1x1xf32, #tpu.memory_space<smem>>
    memref.store %div3A, %arg8[%swap3A, %swap3A_61] : memref<1x1xf32, #tpu.memory_space<smem>>
    return
  }
}

</mosaic_0001>

<sc_bundles>
// kernel: kernel.4.cloned.1.call-start
scs
__scs_entry_jumppad:
0x0: {  	(pc) =	sbr.rel $0x88, $3  }
0x1: {  	(tag) =	ssettag $0x0;
	lr =	simm.s32 $0x1  }
0x2: {  	[smem:$0x3F97] =	sst lr;
	_ =	strace $0xD0000000  }
0x3: {  	_ = 	snop  }
0x4: {  	_ = 	snop  }
0x5: {  	_ = 	snop  }
0x6: {  	_ = 	snop  }
0x7: {  	_ = 	snop  }
__scs_overlays_trampoline_lowered:
0x8: {  	[smem:$0x3FA6] =	sst s0  }
0x9: {  	[smem:$0x3FA7] =	sst s1  }
0xa: {  	[smem:$0x3FA8] =	sst s2  }
0xb: {  	[smem:$0x3FA9] =	sst s3  }
0xc: {  	[smem:$0x3FAA] =	sst s4  }
0xd: {  	[smem:$0x3FAB] =	sst s5  }
0xe: {  	[smem:$0x3FAC] =	sst s6  }
0xf: {  	[smem:$0x3FAD] =	sst s7  }
0x10: {  	[smem:$0x3FAE] =	sst s8  }
0x11: {  	[smem:$0x3FAF] =	sst s9;
	s0 =	simm.s32 @!p0 $0x0  }
0x12: {  	s1 =	sld [smem:$0x3F95];
	s0 =	simm.s32 @p0 $0x1  }
0x13: {  	[smem:$0x3FB0] =	sst s0;
	s0 =	simm.s32 @!p1 $0x0  }
0x14: {  	s2 =	sld [smem:$0x3F94];
	s0 =	simm.s32 @p1 $0x1  }
0x15: {  	[smem:$0x3FB1] =	sst s0;
	s0 =	simm.s32 @!p2 $0x0  }
0x16: {  	s3 =	sld [smem:$0x3FDB];
	s0 =	simm.s32 @p2 $0x1  }
0x17: {  	s4 =	simm.s32 $0x1BF5;
	[smem:$0x3FB3] =	sst s0  }
0x18: {  	s0 =	sld [smem:$0x3F96];
	_ =	swait.ge [sflag:s4], $0x0  }
0x19: {  	s7 =	sld [smem:$0x3F97]  }
0x1a: {  	s8 =	sadd.s32 $0xFFFFE003, lr  }
0x1b: {  	s9 =	sadd.s32 $0xFFFFFEF7, lr;
	s5 =	simm.s32 $0xFFFFFFFF;
	p2 =	slt.u32 s8, $0xFFFFF086  }
0x1c: {  	p1 =	slt.u32 s9, $0xF7A;
	s5 =	simm.s32 @!p2 $0x0  }
0x1d: {  	s5 =	simm.s32 @p1 $0x1;
	p0 =	seq.s32 s7, s2  }
0x1e: {  	s7 =	smul.u32 @!p0 $0xF7A, s2;
	p2 =	seq.s32 @!p0 s5, $0x0  }
0x1f: {  	s9 =	smul.u32 $0xF7A, s1;
	s8 =	simm.s32 @!p0 $0x1BF5;
	p2 =	por !p2, p0  }
0x20: {  	[sflag:s8] =	ssyncset.s32 @!p0 $0xFFFFF086;
	s6 =	sadd.s32 @!p0 s3, s7;
	s7 =	simm.s32 @!p0 $0x108  }
0x21: {  	s3 =	sadd.s32 s3, s9;
	s6 =	sadd.s32 @!p0 $0x88, s6;
	s7 =	simm.s32 @p2 $0x1082  }
0x22: {  	[simem:s7], [sflag:s8] =	dma.local @!p0 [hbm:s6], $0xF7A  }
0x23: {  	s9 =	sor.u32 $0xD0000000, s2;
	s6 =	simm.s32 $0x108;
	_ =	swait.ge @!p0 [sflag:s8], $0x0  }
0x24: {  	s3 =	sadd.s32 $0x88, s3;
	s6 =	simm.s32 @!p1 $0x1082;
	[sflag:s4] =	ssyncset.s32 $0xFFFFF086  }
0x25: {  	[simem:s6], [sflag:s4] =	dma.local [hbm:s3], $0xF7A  }
0x26: {  	[smem:$0x3F97] =	sst s1;
	(tag) =	ssettag s2;
	_ =	strace s9  }
0x27: {  	s1 =	sld [smem:$0x3FA7]  }
0x28: {  	s2 =	sld [smem:$0x3FA8]  }
0x29: {  	s4 =	sld [smem:$0x3FAA]  }
0x2a: {  	p0 =	seq.s32 s5, $0x0;
	s5 =	sld [smem:$0x3FAB]  }
0x2b: {  	s6 =	sld [smem:$0x3FAC]  }
0x2c: {  	s7 =	sld [smem:$0x3FAD]  }
0x2d: {  	s3 =	simm.s32 $0x108;
	s8 =	sld [smem:$0x3FAE]  }
0x2e: {  	s3 =	simm.s32 @!p0 $0x1082;
	s9 =	sld [smem:$0x3FAF]  }
0x2f: {  	lr =	sadd.s32 s0, s3;
	s0 =	sld [smem:$0x3FA6]  }
0x30: {  	s3 =	sld [smem:$0x3FA9]  }
0x31: {  	[smem:$0x3FB2] =	sst s10  }
0x32: {  	s10 =	sld [smem:$0x3FB0];
	_ =	sdelay $0x3  }
0x33: {  	p0 =	seq.s32 s10, $0x1;
	s10 =	sld [smem:$0x3FB2];
	_ =	sdelay $0x3  }
0x34: {  	[smem:$0x3FB2] =	sst s10  }
0x35: {  	s10 =	sld [smem:$0x3FB1];
	_ =	sdelay $0x3  }
0x36: {  	p1 =	seq.s32 s10, $0x1;
	s10 =	sld [smem:$0x3FB2];
	_ =	sdelay $0x3  }
0x37: {  	[smem:$0x3FB2] =	sst s10  }
0x38: {  	s10 =	sld [smem:$0x3FB3]  }
0x39: {  	_ = 	snop;
	(pc) =	sbr.ind lr, $3  }
0x3a: {  	_ = 	snop  }
0x3b: {  	_ = 	snop  }
0x3c: {  	p2 =	seq.s32 s10, $0x1;
	s10 =	sld [smem:$0x3FB2]  }
0x3d: {  	_ =	shalt  }
0x3e: {  	_ =	shalt  }
0x3f: {  	_ =	shalt  }
0x40: {  	_ =	shalt  }
0x41: {  	_ =	shalt  }
0x42: {  	_ =	shalt  }
0x43: {  	_ =	shalt  }
0x44: {  	_ =	shalt  }
0x45: {  	_ =	shalt  }
0x46: {  	_ =	shalt  }
0x47: {  	_ =	shalt  }
0x48: {  	_ =	shalt  }
0x49: {  	_ =	shalt  }
0x4a: {  	_ =	shalt  }
0x4b: {  	_ =	shalt  }
0x4c: {  	_ =	shalt  }
0x4d: {  	_ =	shalt  }
0x4e: {  	_ =	shalt  }
0x4f: {  	_ =	shalt  }
0x50: {  	_ =	shalt  }
0x51: {  	_ =	shalt  }
0x52: {  	_ =	shalt  }
0x53: {  	_ =	shalt  }
0x54: {  	_ =	shalt  }
0x55: {  	_ =	shalt  }
0x56: {  	_ =	shalt  }
0x57: {  	_ =	shalt  }
0x58: {  	_ =	shalt  }
0x59: {  	_ =	shalt  }
0x5a: {  	_ =	shalt  }
0x5b: {  	_ =	shalt  }
0x5c: {  	_ =	shalt  }
0x5d: {  	_ =	shalt  }
0x5e: {  	_ =	shalt  }
0x5f: {  	_ =	shalt  }
0x60: {  	_ =	shalt  }
0x61: {  	_ =	shalt  }
0x62: {  	_ =	shalt  }
0x63: {  	_ =	shalt  }
0x64: {  	_ =	shalt  }
0x65: {  	_ =	shalt  }
0x66: {  	_ =	shalt  }
0x67: {  	_ =	shalt  }
0x68: {  	_ =	shalt  }
0x69: {  	_ =	shalt  }
0x6a: {  	_ =	shalt  }
0x6b: {  	_ =	shalt  }
0x6c: {  	_ =	shalt  }
0x6d: {  	_ =	shalt  }
0x6e: {  	_ =	shalt  }
0x6f: {  	_ =	shalt  }
0x70: {  	_ =	shalt  }
0x71: {  	_ =	shalt  }
0x72: {  	_ =	shalt  }
0x73: {  	_ =	shalt  }
0x74: {  	_ =	shalt  }
0x75: {  	_ =	shalt  }
0x76: {  	_ =	shalt  }
0x77: {  	_ =	shalt  }
0x78: {  	_ =	shalt  }
0x79: {  	_ =	shalt  }
0x7a: {  	_ =	shalt  }
0x7b: {  	_ =	shalt  }
0x7c: {  	_ =	shalt  }
0x7d: {  	_ =	shalt  }
0x7e: {  	_ =	shalt  }
0x7f: {  	_ =	shalt  }
0x80: {  	_ =	shalt  }
0x81: {  	_ =	shalt  }
0x82: {  	_ =	shalt  }
0x83: {  	_ =	shalt  }
0x84: {  	_ =	shalt  }
0x85: {  	_ =	shalt  }
0x86: {  	_ =	shalt  }
0x87: {  	_ =	shalt  }
.Lfunc_end0:
.L_simem_size_0:
called_computation_lowered:
.L_overlay_start_0:
0x88: {  	s2 =	sld [smem:$0x3FD9]  }
0x89: {  	s3 =	sld [smem:$0x3FFE];
	_ =	sdelay $0x1  }
0x8a: {  	s1 =	srdreg.scid  }
0x8b: {  	s0 =	sand.u32 $0x1, s1  }
0x8c: {  	s17 =	sshll.u32 s0, $0xA;
	s2 =	sadd.s32 s3, s2  }
0x8d: {  	s2 =	sadd.s32 s2, s17  }
0x8e: {  	[smem:$0x3FBE] =	sst s2  }
0x8f: {  	_ = 	snop  }
0x90: {  	s2 =	sld [smem:$0x3FC9]  }
0x91: {  	s18 =	sld [smem:$0x3FC7]  }
0x92: {  	s4 =	sld [smem:$0x3FC1]  }
0x93: {  	s5 =	sld [smem:$0x3FC0];
	(tm) =	ssettm $0x1  }
0x94: {  	s6 =	sld [smem:$0x3FFB];
	_ =	sdelay $0x3  }
0x95: {  	_ =	strace s6  }
0x96: {  	s6 =	sld [smem:$0x3FFC];
	_ =	sdelay $0x3  }
0x97: {  	_ =	strace s6  }
0x98: {  	s6 =	sld [smem:$0x3FFD];
	_ =	sdelay $0x3  }
0x99: {  	_ =	strace s6  }
0x9a: {  	_ =	strace $0x8FFFFFFF  }
0x9b: {  	s19 =	sld [smem:$0x3FDB];
	_ =	sdelay $0x1  }
0x9c: {  	s7 =	simm.s32 $_scs_section_size  }
0x9d: {  	s8 =	simm.s32 $_size__tile_overlayer_lowered;
	s9 =	simm.s32 $_tile_overlayer_lowered  }
0x9e: {  	s22 =	simm.s32 $0x1BFF;
	s21 =	sshll.u32 s9, $0x1;
	s6 =	sadd.s32 s7, s19  }
0x9f: {  	s10 =	simm.s32 $0x0;
	s20 =	sshll.u32 s8, $0x1;
	s8 =	sadd.s32 s21, s6  }
0xa0: {  	[timem:s10], [sflag:s22] =	dma.local [hbm:s8], s20  }
0xa1: {  	_ =	swait.ge [sflag:s22], s20  }
0xa2: {  	s7 =	ssub.s32 $0x0, s20;
	[sflag:s22] =	ssyncset.done $0x0  }
0xa3: {  	[sflag:s22] =	ssyncadd.s32 s7;
	_ =	sdelay $0x1  }
0xa4: {  	s23 =	simm.s32 $0x1B8B  }
0xa5: {  	_ =	swait.ge [sflag:s23], $0x1  }
0xa6: {  	[sflag:s23] =	ssyncset.done $0x0  }
0xa7: {  	s25 =	simm.s32 $0x1B8E;
	s24 =	sld [smem:$0x3FFE];
	[sflag:s23] =	ssyncadd.s32 $0xFFFFFFFF  }
0xa8: {  	s26 =	simm.s32 $execute0_lowered;
	[smem:$0x3FD2] =	sst s25  }
0xa9: {  	s8 =	sshll.u32 s26, $0x1;
	_ =	strace $0x80000046;
	[dreg:$0x1] =	wrdreg $0xFFFFFFFF  }
0xaa: {  	s28 =	simm.s32 $_size_execute0_lowered;
	s6 =	sadd.s32 s6, s8;
	[dreg:$0x0] =	wrdreg $0x0  }
0xab: {  	s8 =	sshll.u32 s28, $0x1;
	[dreg:$0x2] =	wrdreg s6  }
0xac: {  	[dreg:$0x3] =	wrdreg s8  }
0xad: {  	[dreg:$0x4] =	wrdreg $0xC0  }
0xae: {  	_ =	task [dreg:s10], $0x5FFFF  }
0xaf: {  	[dreg:$0x1] =	wrdreg $0xFFFFFFFF  }
0xb0: {  	[dreg:$0x0] =	wrdreg $0x60  }
0xb1: {  	[dreg:$0x2] =	wrdreg s2  }
0xb2: {  	[dreg:$0x3] =	wrdreg s4  }
0xb3: {  	[dreg:$0x4] =	wrdreg s5  }
0xb4: {  	[dreg:$0x5] =	wrdreg s24  }
0xb5: {  	[dreg:$0x6] =	wrdreg s18  }
0xb6: {  	[dreg:$0x7] =	wrdreg $0x9  }
0xb7: {  	_ =	task.clear_ibuf [dreg:s10], $0x8FFFF;
	_ =	strace $0x90000046  }
0xb8: {  	s29 =	simm.s32 $0x9;
	_ =	strace $0x80000048  }
0xb9: {  	_ =	swait.ge [sflag:s29], $0x1  }
0xba: {  	[sflag:s29] =	ssyncadd.s32 $0xFFFFFFFF  }
0xbb: {  	_ =	strace $0x90000048  }
0xbc: {  	_ =	sfence  }
0xbd: {  	s30 =	sld [smem:$0x0];
	_ =	sdelay $0x2  }
0xbe: {  	s31 =	sshll.u32 s1, $0xD;
	s1 =	sshrl.u32 s1, $0x2  }
0xbf: {  	s3 =	sand.u32 $0x4000, s31;
	s1 =	sadd.s32 s1, s30  }
0xc0: {  	s0 =	sor.u32 s3, s0;
	s1 =	sshll.u32 s1, $0x11  }
0xc1: {  	s0 =	sor.u32 s1, s0  }
0xc2: {  	s0 =	sadd.s32 $0x8F2B, s0  }
0xc3: {  	[sflag:s0] =	ssyncadd.remote.s32 $0x1  }
0xc4: {  	_ =	sfence.sel $0xFFFF  }
0xc5: {  	[dreg:$0x0] =	wrdreg $0xFFFFFFFF;
	(pc) =	sbr.abs _section_cstart, $3  }
0xc6: {  	[dreg:$0x1] =	wrdreg $0xFFFFFFFF  }
0xc7: {  	_ =	task.clear_ibuf [dreg:s10], $0x2FFFF;
	_ =	strace $0x9FFFFFFF  }
0xc8: {  	(tm) =	ssettm $0x7FFFFFFF  }
0xc9: {  	_ =	shalt  }
tec
execute0_lowered:
.L_overlay_start_1:
0x0: {  	(tag) =	ssettag $0x1  }
0x1: {  	s0 =	rddreg [dreg:$0x0]  }
0x2: {  	s2 =	rddreg [dreg:$0x1];
	s7 =	stileid.u32  }
0x3: {  	s1 =	srdreg.scid;
	s3 =	rddreg [dreg:$0x2]  }
0x4: {  	s5 =	rddreg [dreg:$0x3];
	s31 =	simm.s32 $0x8000;
	s28 =	simm.s32 $0x17000  }
0x5: {  	s4 =	sand.u32 $0x1, s1;
	s20 =	sshll.u32 s7, $0x1;
	s1 =	simm.s32 $0x0  }
0x6: {  	s7 =	sshll.u32 s7, $0xC;
	s6 =	sor.u32 s4, s20;
	[smem:$0x7FF] =	sst s1  }
0x7: {  	s7 =	sand.u32 $0xC000, s7;
	s4 =	ssub.s32 $0x2, s4;
	s8 =	smul.u32 $0x147A0, s6  }
0x8: {  	s7 =	sadd.s32 s7, s5;
	s9 =	sshrl.u32 s4, $0x1;
	s26 =	sshll.u32 s6, $0x4  }
0x9: {  	p0 =	sne.s32 s6, $0x0;
	s4 =	ssub.s32 s4, s9;
	s17 =	sshrl.u32 s8, $0x3  }
0xa: {  	s30 =	smax.u32 s4, $0x1;
	s4 =	simm.s32 $0x2;
	s8 =	sadd.s32 s0, s17  }
0xb: {  	s21 =	sadd.s32 $0x600, s17;
	s22 =	sadd.s32 s2, s17;
	s23 =	sadd.s32 s3, s17  }
0xc: {  	s10 =	sadd.s32 $0xC00, s17;
	s13 =	sadd.s32 $0x1200, s17;
	[dreg:$0x6] =	wrdreg s8  }
0xd: {  	s16 =	sadd.s32 $0x1800, s17;
	s19 =	sadd.s32 $0x1E00, s17;
	[dreg:$0x7] =	wrdreg s22  }
0xe: {  	[dreg:$0x8] =	wrdreg s23;
	s24 =	sadd.s32 s0, s21;
	s25 =	sadd.s32 s2, s21  }
0xf: {  	s8 =	sadd.s32 s3, s21;
	s9 =	sadd.s32 s2, s10;
	s11 =	sadd.s32 s0, s13  }
0x10: {  	s12 =	sadd.s32 s2, s13;
	s13 =	sadd.s32 s3, s13;
	s14 =	sadd.s32 s0, s16  }
0x11: {  	s15 =	sadd.s32 s2, s16;
	s16 =	sadd.s32 s3, s16;
	s21 =	sadd.s32 $0x2400, s17  }
0x12: {  	s17 =	sadd.s32 s0, s19;
	s18 =	sadd.s32 s2, s19;
	[dreg:$0x9] =	wrdreg s24  }
0x13: {  	s19 =	sadd.s32 s3, s19;
	s23 =	sadd.s32 $0x1400, s5;
	[dreg:$0xa] =	wrdreg s25  }
0x14: {  	[dreg:$0xb] =	wrdreg s8;
	s8 =	sadd.s32 s0, s10;
	s10 =	sadd.s32 s3, s10  }
0x15: {  	s20 =	sadd.s32 s0, s21;
	s22 =	sadd.s32 s2, s21;
	s0 =	sand.u32 $0x70, s26  }
0x16: {  	s24 =	sadd.s32 s3, s21;
	s25 =	sadd.s32 $0x1440, s5;
	s26 =	sadd.s32 $0x1480, s5  }
.Ltmp0:
0x17: {  	s21 =	simm.s32 $0xB000;
	s2 =	simm.s32 $0x1;
	(pc) =	sbr.rel .LBB2_1-.Ltmp0, $4  }
0x18: {  	s3 =	simm.s32 $0x4000;
	_ =	strace $0x80000047;
	[dreg:$0xc] =	wrdreg s23  }
0x19: {  	s5 =	simm.s32 $0x0;
	s0 =	sadd.s32 s0, s7;
	[dreg:$0xd] =	wrdreg s25  }
0x1a: {  	[dreg:$0xe] =	wrdreg s26;
	s25 =	simm.s32 $0x11000;
	s26 =	simm.s32 $0x14000  }
0x1b: {  	v0 =	vimm.f32 $0.0e+00;
	s23 =	simm.s32 $0x3;
	s29 =	sadd.s32 $0x1600, s0;
	s0 =	simm.s32 $0xE000  }
.LBB2_19:
0x1c: {  	s5 =	sadd.s32 $0x1, s5  }
0x1d: {  	p1 =	sne.s32 s5, s30  }
.Ltmp1:
0x1e: {  	s6 =	simm.s32 $0x80;
	s7 =	simm.s32 $0x400;
	(pc) =	sbr.rel @!p1 .LBB2_20-.Ltmp1, $4  }
0x1f: {  	[hbm4b:s29+s6] =	stream.strided.scatter [tilespmem:s3], [sflag:$0x3], $0x4000, s7, s6, $0x38;
	[tilespmem:$0x1A200] =	vst v63  }
0x20: {  	_ =	swait.ge [sflag:s23], $0x4000  }
0x21: {  	[sflag:s23] =	ssyncset.done $0x0  }
0x22: {  	[sflag:s23] =	ssyncadd.s32 $0xFFFFC000  }
.LBB2_1:
0x23: {  	s6 =	rddreg [dreg:$0x6]  }
0x24: {  	[tilespmem:s31], [sflag:$0x1] =	stream.linear.gather [hbm4b:s6+s1], $0x3000, $0x38;
	[tilespmem:$0x1A200] =	vst v63  }
0x25: {  	s7 =	rddreg [dreg:$0x7]  }
0x26: {  	[tilespmem:s21], [sflag:$0x1] =	stream.linear.gather [hbm4b:s7+s1], $0x3000, $0x38;
	[tilespmem:$0x1A200] =	vst v63  }
0x27: {  	s7 =	rddreg [dreg:$0x8]  }
0x28: {  	[tilespmem:s0], [sflag:$0x1] =	stream.linear.gather [hbm4b:s7+s1], $0x3000, $0x38;
	[tilespmem:$0x1A200] =	vst v63  }
0x29: {  	s7 =	rddreg [dreg:$0x9]  }
0x2a: {  	[tilespmem:s25], [sflag:$0x2] =	stream.linear.gather [hbm4b:s7+s1], $0x3000, $0x38;
	[tilespmem:$0x1A200] =	vst v63  }
0x2b: {  	s7 =	rddreg [dreg:$0xa]  }
0x2c: {  	[tilespmem:s26], [sflag:$0x2] =	stream.linear.gather [hbm4b:s7+s1], $0x3000, $0x38;
	[tilespmem:$0x1A200] =	vst v63  }
0x2d: {  	s7 =	rddreg [dreg:$0xb]  }
0x2e: {  	[tilespmem:s28], [sflag:$0x2] =	stream.linear.gather [hbm4b:s7+s1], $0x3000, $0x38;
	[tilespmem:$0x1A200] =	vst v63  }
0x2f: {  	s7 =	rddreg [dreg:$0x4]  }
0x30: {  	[tilespmem:s1], [sflag:$0x3] =	stream.linear.gather [hbm4b:s7+s1], $0x4000, $0x38;
	[tilespmem:$0x1A200] =	vst v63  }
0x31: {  	_ =	swait.ge [sflag:s23], $0x4000  }
0x32: {  	[sflag:s23] =	ssyncset.done $0x0  }
0x33: {  	s6 =	simm.s32 $0x0;
	s7 =	simm.s32 $0x400;
	[sflag:s23] =	ssyncadd.s32 $0xFFFFC000  }
.LBB2_2:
0x34: {  	p1 =	sne.s32 s7, $0xFC00;
	[tilespmem:s6+$0x40F0] =	vst v0  }
0x35: {  	[tilespmem:s6+$0x4000] =	vst v0  }
0x36: {  	[tilespmem:s6+$0x4010] =	vst v0  }
0x37: {  	[tilespmem:s6+$0x4020] =	vst v0  }
0x38: {  	[tilespmem:s6+$0x4030] =	vst v0  }
0x39: {  	[tilespmem:s6+$0x4040] =	vst v0  }
0x3a: {  	[tilespmem:s6+$0x4050] =	vst v0  }
0x3b: {  	[tilespmem:s6+$0x4060] =	vst v0  }
0x3c: {  	[tilespmem:s6+$0x4070] =	vst v0  }
0x3d: {  	[tilespmem:s6+$0x4080] =	vst v0  }
0x3e: {  	[tilespmem:s6+$0x4090] =	vst v0  }
.Ltmp2:
0x3f: {  	[tilespmem:s6+$0x40A0] =	vst v0;
	(pc) =	sbr.rel @p1 .LBB2_2-.Ltmp2, $4  }
0x40: {  	[tilespmem:s6+$0x40B0] =	vst v0  }
0x41: {  	[tilespmem:s6+$0x40C0] =	vst v0  }
0x42: {  	[tilespmem:s6+$0x40D0] =	vst v0  }
0x43: {  	[tilespmem:s6+$0x40E0] =	vst v0;
	s6 =	sshra.s32 s7, $0x2;
	s7 =	sadd.s32 $0x400, s7  }
0x44: {  	[tilespmem:s6+$0x40F0] =	vst v0  }
0x45: {  	[tilespmem:s6+$0x4000] =	vst v0  }
0x46: {  	[tilespmem:s6+$0x4010] =	vst v0  }
0x47: {  	[tilespmem:s6+$0x4020] =	vst v0  }
0x48: {  	[tilespmem:s6+$0x4030] =	vst v0  }
0x49: {  	[tilespmem:s6+$0x4040] =	vst v0  }
0x4a: {  	[tilespmem:s6+$0x4050] =	vst v0  }
0x4b: {  	[tilespmem:s6+$0x4060] =	vst v0  }
0x4c: {  	[tilespmem:s6+$0x4070] =	vst v0  }
0x4d: {  	[tilespmem:s6+$0x4080] =	vst v0  }
0x4e: {  	[tilespmem:s6+$0x4090] =	vst v0  }
0x4f: {  	[tilespmem:s6+$0x40A0] =	vst v0  }
0x50: {  	[tilespmem:s6+$0x40B0] =	vst v0  }
0x51: {  	[tilespmem:s6+$0x40C0] =	vst v0  }
0x52: {  	[tilespmem:s6+$0x40D0] =	vst v0  }
0x53: {  	[tilespmem:s6+$0x40E0] =	vst v0  }
0x54: {  	_ =	swait.ge [sflag:s2], $0x3000  }
0x55: {  	[sflag:s2] =	ssyncset.done $0x0  }
0x56: {  	[sflag:s2] =	ssyncadd.s32 $0xFFFFD000  }
0x57: {  	_ =	swait.ge [sflag:s2], $0x3000  }
0x58: {  	[sflag:s2] =	ssyncset.done $0x0  }
0x59: {  	[sflag:s2] =	ssyncadd.s32 $0xFFFFD000  }
0x5a: {  	_ =	swait.ge [sflag:s2], $0x3000  }
0x5b: {  	[sflag:s2] =	ssyncset.done $0x0  }
0x5c: {  	s6 =	simm.s32 $0x0;
	[sflag:s2] =	ssyncadd.s32 $0xFFFFD000  }
.LBB2_4:
0x5d: {  	s7 =	sshra.s32 s6, $0x2  }
0x5e: {  	v1 =	vld [tilespmem:s7+$0xE000]  }
0x5f: {  	v2 =	vld [tilespmem:s7+$0xE010]  }
0x60: {  	v3 =	vld [tilespmem:s7+$0xE020]  }
0x61: {  	v4 =	vld [tilespmem:s7+$0xB000]  }
0x62: {  	v5 =	vld [tilespmem:s7+$0x8000]  }
0x63: {  	v6 =	vld [tilespmem:s7+$0xE030]  }
0x64: {  	v7 =	vld [tilespmem:s7+$0xB010]  }
0x65: {  	v8 =	vld [tilespmem:s7+$0x8010]  }
0x66: {  	v9 =	vld [tilespmem:s7+$0xE040]  }
0x67: {  	v10 =	vld [tilespmem:s7+$0xB020]  }
0x68: {  	v11 =	vld [tilespmem:s7+$0x8020]  }
0x69: {  	v12 =	vld [tilespmem:s7+$0xE050]  }
0x6a: {  	v13 =	vld [tilespmem:s7+$0xB030]  }
0x6b: {  	v14 =	vld [tilespmem:s7+$0x8030]  }
0x6c: {  	v15 =	vld [tilespmem:s7+$0xE060]  }
0x6d: {  	v16 =	vld [tilespmem:s7+$0xB040]  }
0x6e: {  	v17 =	vld [tilespmem:s7+$0x8040]  }
0x6f: {  	v18 =	vld [tilespmem:s7+$0xE070]  }
0x70: {  	v19 =	vld [tilespmem:s7+$0xB050]  }
0x71: {  	v20 =	vld [tilespmem:s7+$0x8050]  }
0x72: {  	v21 =	vld [tilespmem:s7+$0xE080]  }
0x73: {  	v22 =	vld [tilespmem:s7+$0xB060]  }
0x74: {  	v23 =	vld [tilespmem:s7+$0x8060]  }
0x75: {  	v24 =	vld [tilespmem:s7+$0xE090]  }
0x76: {  	v25 =	vld [tilespmem:s7+$0xB070]  }
0x77: {  	v26 =	vld [tilespmem:s7+$0x8070]  }
0x78: {  	v27 =	vld [tilespmem:s7+$0xE0A0]  }
0x79: {  	v28 =	vld [tilespmem:s7+$0xB080]  }
0x7a: {  	v29 =	vld [tilespmem:s7+$0x8080]  }
0x7b: {  	v30 =	vld [tilespmem:s7+$0xE0B0]  }
0x7c: {  	v31 =	vld [tilespmem:s7+$0xB090]  }
0x7d: {  	v32 =	vld [tilespmem:s7+$0x8090]  }
0x7e: {  	v33 =	vld [tilespmem:s7+$0xE0C0]  }
0x7f: {  	v34 =	vld [tilespmem:s7+$0xB0A0]  }
0x80: {  	v35 =	vld [tilespmem:s7+$0x80A0]  }
0x81: {  	v36 =	vld [tilespmem:s7+$0xE0D0]  }
0x82: {  	v37 =	vld [tilespmem:s7+$0xB0B0]  }
0x83: {  	v38 =	vld [tilespmem:s7+$0x80B0]  }
0x84: {  	v39 =	vld [tilespmem:s7+$0xE0E0]  }
0x85: {  	v40 =	vld [tilespmem:s7+$0xB0C0]  }
0x86: {  	v41 =	vld [tilespmem:s7+$0xE0F0]  }
0x87: {  	v42 =	vld [tilespmem:s7+$0x80C0]  }
0x88: {  	v43 =	vld [tilespmem:s7+$0xB0D0]  }
0x89: {  	v44 =	vld [tilespmem:s7+$0x80D0]  }
0x8a: {  	v45 =	vld [tilespmem:s7+$0xB0E0]  }
0x8b: {  	v46 =	vld [tilespmem:s7+$0x80E0]  }
0x8c: {  	v62 =	vld [tilespmem:s7+$0xB0F0]  }
0x8d: {  	v63 =	vld [tilespmem:s7+$0x80F0]  }
0x8e: {  	v1 =	vld.idx.msk [tilespmem:v1+s1+$0x0], $0xffff  }
0x8f: {  	v2 =	vld.idx.msk [tilespmem:v2+s1+$0x0], $0xffff  }
0x90: {  	v3 =	vld.idx.msk [tilespmem:v3+s1+$0x0], $0xffff  }
0x91: {  	v6 =	vld.idx.msk [tilespmem:v6+s1+$0x0], $0xffff  }
0x92: {  	v9 =	vld.idx.msk [tilespmem:v9+s1+$0x0], $0xffff  }
0x93: {  	v12 =	vld.idx.msk [tilespmem:v12+s1+$0x0], $0xffff  }
0x94: {  	v15 =	vld.idx.msk [tilespmem:v15+s1+$0x0], $0xffff  }
0x95: {  	v18 =	vld.idx.msk [tilespmem:v18+s1+$0x0], $0xffff  }
0x96: {  	v21 =	vld.idx.msk [tilespmem:v21+s1+$0x0], $0xffff  }
0x97: {  	v24 =	vld.idx.msk [tilespmem:v24+s1+$0x0], $0xffff  }
0x98: {  	v27 =	vld.idx.msk [tilespmem:v27+s1+$0x0], $0xffff  }
0x99: {  	v30 =	vld.idx.msk [tilespmem:v30+s1+$0x0], $0xffff  }
0x9a: {  	v33 =	vld.idx.msk [tilespmem:v33+s1+$0x0], $0xffff  }
0x9b: {  	v36 =	vld.idx.msk [tilespmem:v36+s1+$0x0], $0xffff  }
0x9c: {  	v39 =	vld.idx.msk [tilespmem:v39+s1+$0x0], $0xffff;
	v1 =	vmul.f32 v5, v1  }
0x9d: {  	v41 =	vld.idx.msk [tilespmem:v41+s1+$0x0], $0xffff;
	v2 =	vmul.f32 v8, v2  }
0x9e: {  	[tilespmem:v4+s3+$0x0] =	vst.idx.add.f32.msk $0xffff, v1;
	v1 =	vmul.f32 v11, v3  }
0x9f: {  	[tilespmem:v7+s3+$0x0] =	vst.idx.add.f32.msk $0xffff, v2;
	v2 =	vmul.f32 v14, v6  }
0xa0: {  	[tilespmem:v10+s3+$0x0] =	vst.idx.add.f32.msk $0xffff, v1;
	v1 =	vmul.f32 v17, v9  }
0xa1: {  	[tilespmem:v13+s3+$0x0] =	vst.idx.add.f32.msk $0xffff, v2;
	v2 =	vmul.f32 v20, v12  }
0xa2: {  	v3 =	vmul.f32 v23, v15;
	[tilespmem:v16+s3+$0x0] =	vst.idx.add.f32.msk $0xffff, v1  }
0xa3: {  	v1 =	vmul.f32 v26, v18;
	[tilespmem:v19+s3+$0x0] =	vst.idx.add.f32.msk $0xffff, v2  }
0xa4: {  	v2 =	vmul.f32 v29, v21;
	[tilespmem:v22+s3+$0x0] =	vst.idx.add.f32.msk $0xffff, v3  }
0xa5: {  	v3 =	vmul.f32 v32, v24;
	[tilespmem:v25+s3+$0x0] =	vst.idx.add.f32.msk $0xffff, v1  }
0xa6: {  	v1 =	vmul.f32 v35, v27;
	[tilespmem:v28+s3+$0x0] =	vst.idx.add.f32.msk $0xffff, v2  }
0xa7: {  	v2 =	vmul.f32 v38, v30;
	[tilespmem:v31+s3+$0x0] =	vst.idx.add.f32.msk $0xffff, v3  }
0xa8: {  	p1 =	sne.s32 s6, $0xBC00;
	v3 =	vmul.f32 v42, v33;
	[tilespmem:v34+s3+$0x0] =	vst.idx.add.f32.msk $0xffff, v1  }
.Ltmp3:
0xa9: {  	v1 =	vmul.f32 v44, v36;
	[tilespmem:v37+s3+$0x0] =	vst.idx.add.f32.msk $0xffff, v2;
	(pc) =	sbr.rel @p1 .LBB2_4-.Ltmp3, $4  }
0xaa: {  	v2 =	vmul.f32 v46, v39;
	[tilespmem:v40+s3+$0x0] =	vst.idx.add.f32.msk $0xffff, v3  }
0xab: {  	v3 =	vmul.f32 v63, v41;
	[tilespmem:v43+s3+$0x0] =	vst.idx.add.f32.msk $0xffff, v1  }
0xac: {  	[tilespmem:v45+s3+$0x0] =	vst.idx.add.f32.msk $0xffff, v2  }
0xad: {  	s6 =	sadd.s32 $0x400, s6;
	[tilespmem:v62+s3+$0x0] =	vst.idx.add.f32.msk $0xffff, v3  }
0xae: {  	s6 =	simm.s32 $0x0  }
0xaf: {  	[tilespmem:s31], [sflag:$0x1] =	stream.linear.gather [hbm4b:s8+s6], $0x3000, $0x38;
	[tilespmem:$0x1A200] =	vst v63  }
0xb0: {  	_ = 	snop  }
0xb1: {  	[tilespmem:s21], [sflag:$0x1] =	stream.linear.gather [hbm4b:s9+s6], $0x3000, $0x38;
	[tilespmem:$0x1A200] =	vst v63  }
0xb2: {  	_ = 	snop  }
0xb3: {  	[tilespmem:s0], [sflag:$0x1] =	stream.linear.gather [hbm4b:s10+s6], $0x3000, $0x38;
	[tilespmem:$0x1A200] =	vst v63  }
0xb4: {  	_ =	swait.ge [sflag:s4], $0x3000  }
0xb5: {  	[sflag:s4] =	ssyncset.done $0x0  }
0xb6: {  	[sflag:s4] =	ssyncadd.s32 $0xFFFFD000  }
0xb7: {  	_ =	swait.ge [sflag:s4], $0x3000  }
0xb8: {  	[sflag:s4] =	ssyncset.done $0x0  }
0xb9: {  	[sflag:s4] =	ssyncadd.s32 $0xFFFFD000  }
0xba: {  	_ =	swait.ge [sflag:s4], $0x3000  }
0xbb: {  	[sflag:s4] =	ssyncset.done $0x0  }
0xbc: {  	[sflag:s4] =	ssyncadd.s32 $0xFFFFD000  }
.LBB2_6:
0xbd: {  	s7 =	sshra.s32 s6, $0x2  }
0xbe: {  	v1 =	vld [tilespmem:s7+$0x17000]  }
0xbf: {  	v2 =	vld [tilespmem:s7+$0x17010]  }
0xc0: {  	v3 =	vld [tilespmem:s7+$0x17020]  }
0xc1: {  	v4 =	vld [tilespmem:s7+$0x14000]  }
0xc2: {  	v5 =	vld [tilespmem:s7+$0x11000]  }
0xc3: {  	v6 =	vld [tilespmem:s7+$0x17030]  }
0xc4: {  	v7 =	vld [tilespmem:s7+$0x14010]  }
0xc5: {  	v8 =	vld [tilespmem:s7+$0x11010]  }
0xc6: {  	v9 =	vld [tilespmem:s7+$0x17040]  }
0xc7: {  	v10 =	vld [tilespmem:s7+$0x14020]  }
0xc8: {  	v11 =	vld [tilespmem:s7+$0x11020]  }
0xc9: {  	v12 =	vld [tilespmem:s7+$0x17050]  }
0xca: {  	v13 =	vld [tilespmem:s7+$0x14030]  }
0xcb: {  	v14 =	vld [tilespmem:s7+$0x11030]  }
0xcc: {  	v15 =	vld [tilespmem:s7+$0x17060]  }
0xcd: {  	v16 =	vld [tilespmem:s7+$0x14040]  }
0xce: {  	v17 =	vld [tilespmem:s7+$0x11040]  }
0xcf: {  	v18 =	vld [tilespmem:s7+$0x17070]  }
0xd0: {  	v19 =	vld [tilespmem:s7+$0x14050]  }
0xd1: {  	v20 =	vld [tilespmem:s7+$0x11050]  }
0xd2: {  	v21 =	vld [tilespmem:s7+$0x17080]  }
0xd3: {  	v22 =	vld [tilespmem:s7+$0x14060]  }
0xd4: {  	v23 =	vld [tilespmem:s7+$0x11060]  }
0xd5: {  	v24 =	vld [tilespmem:s7+$0x17090]  }
0xd6: {  	v25 =	vld [tilespmem:s7+$0x14070]  }
0xd7: {  	v26 =	vld [tilespmem:s7+$0x11070]  }
0xd8: {  	v27 =	vld [tilespmem:s7+$0x170A0]  }
0xd9: {  	v28 =	vld [tilespmem:s7+$0x14080]  }
0xda: {  	v29 =	vld [tilespmem:s7+$0x11080]  }
0xdb: {  	v30 =	vld [tilespmem:s7+$0x170B0]  }
0xdc: {  	v31 =	vld [tilespmem:s7+$0x14090]  }
0xdd: {  	v32 =	vld [tilespmem:s7+$0x11090]  }
0xde: {  	v33 =	vld [tilespmem:s7+$0x170C0]  }
0xdf: {  	v34 =	vld [tilespmem:s7+$0x140A0]  }
0xe0: {  	v35 =	vld [tilespmem:s7+$0x110A0]  }
0xe1: {  	v36 =	vld [tilespmem:s7+$0x170D0]  }
0xe2: {  	v37 =	vld [tilespmem:s7+$0x140B0]  }
0xe3: {  	v38 =	vld [tilespmem:s7+$0x110B0]  }
0xe4: {  	v39 =	vld [tilespmem:s7+$0x170E0]  }
0xe5: {  	v40 =	vld [tilespmem:s7+$0x140C0]  }
0xe6: {  	v41 =	vld [tilespmem:s7+$0x170F0]  }
0xe7: {  	v42 =	vld [tilespmem:s7+$0x110C0]  }
0xe8: {  	v43 =	vld [tilespmem:s7+$0x140D0]  }
0xe9: {  	v44 =	vld [tilespmem:s7+$0x110D0]  }
0xea: {  	v45 =	vld [tilespmem:s7+$0x140E0]  }
0xeb: {  	v46 =	vld [tilespmem:s7+$0x110E0]  }
0xec: {  	v62 =	vld [tilespmem:s7+$0x140F0]  }
0xed: {  	v63 =	vld [tilespmem:s7+$0x110F0]  }
0xee: {  	v1 =	vld.idx.msk [tilespmem:v1+s1+$0x0], $0xffff  }
0xef: {  	v2 =	vld.idx.msk [tilespmem:v2+s1+$0x0], $0xffff  }
0xf0: {  	v3 =	vld.idx.msk [tilespmem:v3+s1+$0x0], $0xffff  }
0xf1: {  	v6 =	vld.idx.msk [tilespmem:v6+s1+$0x0], $0xffff  }
0xf2: {  	v9 =	vld.idx.msk [tilespmem:v9+s1+$0x0], $0xffff  }
0xf3: {  	v12 =	vld.idx.msk [tilespmem:v12+s1+$0x0], $0xffff  }
0xf4: {  	v15 =	vld.idx.msk [tilespmem:v15+s1+$0x0], $0xffff  }
0xf5: {  	v18 =	vld.idx.msk [tilespmem:v18+s1+$0x0], $0xffff  }
0xf6: {  	v21 =	vld.idx.msk [tilespmem:v21+s1+$0x0], $0xffff  }
0xf7: {  	v24 =	vld.idx.msk [tilespmem:v24+s1+$0x0], $0xffff  }
0xf8: {  	v27 =	vld.idx.msk [tilespmem:v27+s1+$0x0], $0xffff  }
0xf9: {  	v30 =	vld.idx.msk [tilespmem:v30+s1+$0x0], $0xffff  }
0xfa: {  	v33 =	vld.idx.msk [tilespmem:v33+s1+$0x0], $0xffff  }
0xfb: {  	v36 =	vld.idx.msk [tilespmem:v36+s1+$0x0], $0xffff  }
0xfc: {  	v39 =	vld.idx.msk [tilespmem:v39+s1+$0x0], $0xffff;
	v1 =	vmul.f32 v5, v1  }
0xfd: {  	v41 =	vld.idx.msk [tilespmem:v41+s1+$0x0], $0xffff;
	v2 =	vmul.f32 v8, v2  }
0xfe: {  	[tilespmem:v4+s3+$0x0] =	vst.idx.add.f32.msk $0xffff, v1;
	v1 =	vmul.f32 v11, v3  }
0xff: {  	[tilespmem:v7+s3+$0x0] =	vst.idx.add.f32.msk $0xffff, v2;
	v2 =	vmul.f32 v14, v6  }
0x100: {  	[tilespmem:v10+s3+$0x0] =	vst.idx.add.f32.msk $0xffff, v1;
	v1 =	vmul.f32 v17, v9  }
0x101: {  	[tilespmem:v13+s3+$0x0] =	vst.idx.add.f32.msk $0xffff, v2;
	v2 =	vmul.f32 v20, v12  }
0x102: {  	v3 =	vmul.f32 v23, v15;
	[tilespmem:v16+s3+$0x0] =	vst.idx.add.f32.msk $0xffff, v1  }
0x103: {  	v1 =	vmul.f32 v26, v18;
	[tilespmem:v19+s3+$0x0] =	vst.idx.add.f32.msk $0xffff, v2  }
0x104: {  	v2 =	vmul.f32 v29, v21;
	[tilespmem:v22+s3+$0x0] =	vst.idx.add.f32.msk $0xffff, v3  }
0x105: {  	v3 =	vmul.f32 v32, v24;
	[tilespmem:v25+s3+$0x0] =	vst.idx.add.f32.msk $0xffff, v1  }
0x106: {  	v1 =	vmul.f32 v35, v27;
	[tilespmem:v28+s3+$0x0] =	vst.idx.add.f32.msk $0xffff, v2  }
0x107: {  	v2 =	vmul.f32 v38, v30;
	[tilespmem:v31+s3+$0x0] =	vst.idx.add.f32.msk $0xffff, v3  }
0x108: {  	p1 =	sne.s32 s6, $0xBC00;
	v3 =	vmul.f32 v42, v33;
	[tilespmem:v34+s3+$0x0] =	vst.idx.add.f32.msk $0xffff, v1  }
.Ltmp4:
0x109: {  	v1 =	vmul.f32 v44, v36;
	[tilespmem:v37+s3+$0x0] =	vst.idx.add.f32.msk $0xffff, v2;
	(pc) =	sbr.rel @p1 .LBB2_6-.Ltmp4, $4  }
0x10a: {  	v2 =	vmul.f32 v46, v39;
	[tilespmem:v40+s3+$0x0] =	vst.idx.add.f32.msk $0xffff, v3  }
0x10b: {  	v3 =	vmul.f32 v63, v41;
	[tilespmem:v43+s3+$0x0] =	vst.idx.add.f32.msk $0xffff, v1  }
0x10c: {  	[tilespmem:v45+s3+$0x0] =	vst.idx.add.f32.msk $0xffff, v2  }
0x10d: {  	s6 =	sadd.s32 $0x400, s6;
	[tilespmem:v62+s3+$0x0] =	vst.idx.add.f32.msk $0xffff, v3  }
0x10e: {  	s6 =	simm.s32 $0x0  }
0x10f: {  	[tilespmem:s25], [sflag:$0x2] =	stream.linear.gather [hbm4b:s11+s6], $0x3000, $0x38;
	[tilespmem:$0x1A200] =	vst v63  }
0x110: {  	_ = 	snop  }
0x111: {  	[tilespmem:s26], [sflag:$0x2] =	stream.linear.gather [hbm4b:s12+s6], $0x3000, $0x38;
	[tilespmem:$0x1A200] =	vst v63  }
0x112: {  	_ = 	snop  }
0x113: {  	[tilespmem:s28], [sflag:$0x2] =	stream.linear.gather [hbm4b:s13+s6], $0x3000, $0x38;
	[tilespmem:$0x1A200] =	vst v63  }
0x114: {  	_ =	swait.ge [sflag:s2], $0x3000  }
0x115: {  	[sflag:s2] =	ssyncset.done $0x0  }
0x116: {  	[sflag:s2] =	ssyncadd.s32 $0xFFFFD000  }
0x117: {  	_ =	swait.ge [sflag:s2], $0x3000  }
0x118: {  	[sflag:s2] =	ssyncset.done $0x0  }
0x119: {  	[sflag:s2] =	ssyncadd.s32 $0xFFFFD000  }
0x11a: {  	_ =	swait.ge [sflag:s2], $0x3000  }
0x11b: {  	[sflag:s2] =	ssyncset.done $0x0  }
0x11c: {  	[sflag:s2] =	ssyncadd.s32 $0xFFFFD000  }
.LBB2_8:
0x11d: {  	s7 =	sshra.s32 s6, $0x2  }
0x11e: {  	v1 =	vld [tilespmem:s7+$0xE000]  }
0x11f: {  	v2 =	vld [tilespmem:s7+$0xE010]  }
0x120: {  	v3 =	vld [tilespmem:s7+$0xE020]  }
0x121: {  	v4 =	vld [tilespmem:s7+$0xB000]  }
0x122: {  	v5 =	vld [tilespmem:s7+$0x8000]  }
0x123: {  	v6 =	vld [tilespmem:s7+$0xE030]  }
0x124: {  	v7 =	vld [tilespmem:s7+$0xB010]  }
0x125: {  	v8 =	vld [tilespmem:s7+$0x8010]  }
0x126: {  	v9 =	vld [tilespmem:s7+$0xE040]  }
0x127: {  	v10 =	vld [tilespmem:s7+$0xB020]  }
0x128: {  	v11 =	vld [tilespmem:s7+$0x8020]  }
0x129: {  	v12 =	vld [tilespmem:s7+$0xE050]  }
0x12a: {  	v13 =	vld [tilespmem:s7+$0xB030]  }
0x12b: {  	v14 =	vld [tilespmem:s7+$0x8030]  }
0x12c: {  	v15 =	vld [tilespmem:s7+$0xE060]  }
0x12d: {  	v16 =	vld [tilespmem:s7+$0xB040]  }
0x12e: {  	v17 =	vld [tilespmem:s7+$0x8040]  }
0x12f: {  	v18 =	vld [tilespmem:s7+$0xE070]  }
0x130: {  	v19 =	vld [tilespmem:s7+$0xB050]  }
0x131: {  	v20 =	vld [tilespmem:s7+$0x8050]  }
0x132: {  	v21 =	vld [tilespmem:s7+$0xE080]  }
0x133: {  	v22 =	vld [tilespmem:s7+$0xB060]  }
0x134: {  	v23 =	vld [tilespmem:s7+$0x8060]  }
0x135: {  	v24 =	vld [tilespmem:s7+$0xE090]  }
0x136: {  	v25 =	vld [tilespmem:s7+$0xB070]  }
0x137: {  	v26 =	vld [tilespmem:s7+$0x8070]  }
0x138: {  	v27 =	vld [tilespmem:s7+$0xE0A0]  }
0x139: {  	v28 =	vld [tilespmem:s7+$0xB080]  }
0x13a: {  	v29 =	vld [tilespmem:s7+$0x8080]  }
0x13b: {  	v30 =	vld [tilespmem:s7+$0xE0B0]  }
0x13c: {  	v31 =	vld [tilespmem:s7+$0xB090]  }
0x13d: {  	v32 =	vld [tilespmem:s7+$0x8090]  }
0x13e: {  	v33 =	vld [tilespmem:s7+$0xE0C0]  }
0x13f: {  	v34 =	vld [tilespmem:s7+$0xB0A0]  }
0x140: {  	v35 =	vld [tilespmem:s7+$0x80A0]  }
0x141: {  	v36 =	vld [tilespmem:s7+$0xE0D0]  }
0x142: {  	v37 =	vld [tilespmem:s7+$0xB0B0]  }
0x143: {  	v38 =	vld [tilespmem:s7+$0x80B0]  }
0x144: {  	v39 =	vld [tilespmem:s7+$0xE0E0]  }
0x145: {  	v40 =	vld [tilespmem:s7+$0xB0C0]  }
0x146: {  	v41 =	vld [tilespmem:s7+$0xE0F0]  }
0x147: {  	v42 =	vld [tilespmem:s7+$0x80C0]  }
0x148: {  	v43 =	vld [tilespmem:s7+$0xB0D0]  }
0x149: {  	v44 =	vld [tilespmem:s7+$0x80D0]  }
0x14a: {  	v45 =	vld [tilespmem:s7+$0xB0E0]  }
0x14b: {  	v46 =	vld [tilespmem:s7+$0x80E0]  }
0x14c: {  	v62 =	vld [tilespmem:s7+$0xB0F0]  }
0x14d: {  	v63 =	vld [tilespmem:s7+$0x80F0]  }
0x14e: {  	v1 =	vld.idx.msk [tilespmem:v1+s1+$0x0], $0xffff  }
0x14f: {  	v2 =	vld.idx.msk [tilespmem:v2+s1+$0x0], $0xffff  }
0x150: {  	v3 =	vld.idx.msk [tilespmem:v3+s1+$0x0], $0xffff  }
0x151: {  	v6 =	vld.idx.msk [tilespmem:v6+s1+$0x0], $0xffff  }
0x152: {  	v9 =	vld.idx.msk [tilespmem:v9+s1+$0x0], $0xffff  }
0x153: {  	v12 =	vld.idx.msk [tilespmem:v12+s1+$0x0], $0xffff  }
0x154: {  	v15 =	vld.idx.msk [tilespmem:v15+s1+$0x0], $0xffff  }
0x155: {  	v18 =	vld.idx.msk [tilespmem:v18+s1+$0x0], $0xffff  }
0x156: {  	v21 =	vld.idx.msk [tilespmem:v21+s1+$0x0], $0xffff  }
0x157: {  	v24 =	vld.idx.msk [tilespmem:v24+s1+$0x0], $0xffff  }
0x158: {  	v27 =	vld.idx.msk [tilespmem:v27+s1+$0x0], $0xffff  }
0x159: {  	v30 =	vld.idx.msk [tilespmem:v30+s1+$0x0], $0xffff  }
0x15a: {  	v33 =	vld.idx.msk [tilespmem:v33+s1+$0x0], $0xffff  }
0x15b: {  	v36 =	vld.idx.msk [tilespmem:v36+s1+$0x0], $0xffff  }
0x15c: {  	v39 =	vld.idx.msk [tilespmem:v39+s1+$0x0], $0xffff;
	v1 =	vmul.f32 v5, v1  }
0x15d: {  	v41 =	vld.idx.msk [tilespmem:v41+s1+$0x0], $0xffff;
	v2 =	vmul.f32 v8, v2  }
0x15e: {  	[tilespmem:v4+s3+$0x0] =	vst.idx.add.f32.msk $0xffff, v1;
	v1 =	vmul.f32 v11, v3  }
0x15f: {  	[tilespmem:v7+s3+$0x0] =	vst.idx.add.f32.msk $0xffff, v2;
	v2 =	vmul.f32 v14, v6  }
0x160: {  	[tilespmem:v10+s3+$0x0] =	vst.idx.add.f32.msk $0xffff, v1;
	v1 =	vmul.f32 v17, v9  }
0x161: {  	[tilespmem:v13+s3+$0x0] =	vst.idx.add.f32.msk $0xffff, v2;
	v2 =	vmul.f32 v20, v12  }
0x162: {  	v3 =	vmul.f32 v23, v15;
	[tilespmem:v16+s3+$0x0] =	vst.idx.add.f32.msk $0xffff, v1  }
0x163: {  	v1 =	vmul.f32 v26, v18;
	[tilespmem:v19+s3+$0x0] =	vst.idx.add.f32.msk $0xffff, v2  }
0x164: {  	v2 =	vmul.f32 v29, v21;
	[tilespmem:v22+s3+$0x0] =	vst.idx.add.f32.msk $0xffff, v3  }
0x165: {  	v3 =	vmul.f32 v32, v24;
	[tilespmem:v25+s3+$0x0] =	vst.idx.add.f32.msk $0xffff, v1  }
0x166: {  	v1 =	vmul.f32 v35, v27;
	[tilespmem:v28+s3+$0x0] =	vst.idx.add.f32.msk $0xffff, v2  }
0x167: {  	v2 =	vmul.f32 v38, v30;
	[tilespmem:v31+s3+$0x0] =	vst.idx.add.f32.msk $0xffff, v3  }
0x168: {  	p1 =	sne.s32 s6, $0xBC00;
	v3 =	vmul.f32 v42, v33;
	[tilespmem:v34+s3+$0x0] =	vst.idx.add.f32.msk $0xffff, v1  }
.Ltmp5:
0x169: {  	v1 =	vmul.f32 v44, v36;
	[tilespmem:v37+s3+$0x0] =	vst.idx.add.f32.msk $0xffff, v2;
	(pc) =	sbr.rel @p1 .LBB2_8-.Ltmp5, $4  }
0x16a: {  	v2 =	vmul.f32 v46, v39;
	[tilespmem:v40+s3+$0x0] =	vst.idx.add.f32.msk $0xffff, v3  }
0x16b: {  	v3 =	vmul.f32 v63, v41;
	[tilespmem:v43+s3+$0x0] =	vst.idx.add.f32.msk $0xffff, v1  }
0x16c: {  	[tilespmem:v45+s3+$0x0] =	vst.idx.add.f32.msk $0xffff, v2  }
0x16d: {  	s6 =	sadd.s32 $0x400, s6;
	[tilespmem:v62+s3+$0x0] =	vst.idx.add.f32.msk $0xffff, v3  }
0x16e: {  	s6 =	simm.s32 $0x0  }
0x16f: {  	[tilespmem:s31], [sflag:$0x1] =	stream.linear.gather [hbm4b:s14+s6], $0x3000, $0x38;
	[tilespmem:$0x1A200] =	vst v63  }
0x170: {  	_ = 	snop  }
0x171: {  	[tilespmem:s21], [sflag:$0x1] =	stream.linear.gather [hbm4b:s15+s6], $0x3000, $0x38;
	[tilespmem:$0x1A200] =	vst v63  }
0x172: {  	_ = 	snop  }
0x173: {  	[tilespmem:s0], [sflag:$0x1] =	stream.linear.gather [hbm4b:s16+s6], $0x3000, $0x38;
	[tilespmem:$0x1A200] =	vst v63  }
0x174: {  	_ =	swait.ge [sflag:s4], $0x3000  }
0x175: {  	[sflag:s4] =	ssyncset.done $0x0  }
0x176: {  	[sflag:s4] =	ssyncadd.s32 $0xFFFFD000  }
0x177: {  	_ =	swait.ge [sflag:s4], $0x3000  }
0x178: {  	[sflag:s4] =	ssyncset.done $0x0  }
0x179: {  	[sflag:s4] =	ssyncadd.s32 $0xFFFFD000  }
0x17a: {  	_ =	swait.ge [sflag:s4], $0x3000  }
0x17b: {  	[sflag:s4] =	ssyncset.done $0x0  }
0x17c: {  	[sflag:s4] =	ssyncadd.s32 $0xFFFFD000  }
.LBB2_10:
0x17d: {  	s7 =	sshra.s32 s6, $0x2  }
0x17e: {  	v1 =	vld [tilespmem:s7+$0x17000]  }
0x17f: {  	v2 =	vld [tilespmem:s7+$0x17010]  }
0x180: {  	v3 =	vld [tilespmem:s7+$0x17020]  }
0x181: {  	v4 =	vld [tilespmem:s7+$0x14000]  }
0x182: {  	v5 =	vld [tilespmem:s7+$0x11000]  }
0x183: {  	v6 =	vld [tilespmem:s7+$0x17030]  }
0x184: {  	v7 =	vld [tilespmem:s7+$0x14010]  }
0x185: {  	v8 =	vld [tilespmem:s7+$0x11010]  }
0x186: {  	v9 =	vld [tilespmem:s7+$0x17040]  }
0x187: {  	v10 =	vld [tilespmem:s7+$0x14020]  }
0x188: {  	v11 =	vld [tilespmem:s7+$0x11020]  }
0x189: {  	v12 =	vld [tilespmem:s7+$0x17050]  }
0x18a: {  	v13 =	vld [tilespmem:s7+$0x14030]  }
0x18b: {  	v14 =	vld [tilespmem:s7+$0x11030]  }
0x18c: {  	v15 =	vld [tilespmem:s7+$0x17060]  }
0x18d: {  	v16 =	vld [tilespmem:s7+$0x14040]  }
0x18e: {  	v17 =	vld [tilespmem:s7+$0x11040]  }
0x18f: {  	v18 =	vld [tilespmem:s7+$0x17070]  }
0x190: {  	v19 =	vld [tilespmem:s7+$0x14050]  }
0x191: {  	v20 =	vld [tilespmem:s7+$0x11050]  }
0x192: {  	v21 =	vld [tilespmem:s7+$0x17080]  }
0x193: {  	v22 =	vld [tilespmem:s7+$0x14060]  }
0x194: {  	v23 =	vld [tilespmem:s7+$0x11060]  }
0x195: {  	v24 =	vld [tilespmem:s7+$0x17090]  }
0x196: {  	v25 =	vld [tilespmem:s7+$0x14070]  }
0x197: {  	v26 =	vld [tilespmem:s7+$0x11070]  }
0x198: {  	v27 =	vld [tilespmem:s7+$0x170A0]  }
0x199: {  	v28 =	vld [tilespmem:s7+$0x14080]  }
0x19a: {  	v29 =	vld [tilespmem:s7+$0x11080]  }
0x19b: {  	v30 =	vld [tilespmem:s7+$0x170B0]  }
0x19c: {  	v31 =	vld [tilespmem:s7+$0x14090]  }
0x19d: {  	v32 =	vld [tilespmem:s7+$0x11090]  }
0x19e: {  	v33 =	vld [tilespmem:s7+$0x170C0]  }
0x19f: {  	v34 =	vld [tilespmem:s7+$0x140A0]  }
0x1a0: {  	v35 =	vld [tilespmem:s7+$0x110A0]  }
0x1a1: {  	v36 =	vld [tilespmem:s7+$0x170D0]  }
0x1a2: {  	v37 =	vld [tilespmem:s7+$0x140B0]  }
0x1a3: {  	v38 =	vld [tilespmem:s7+$0x110B0]  }
0x1a4: {  	v39 =	vld [tilespmem:s7+$0x170E0]  }
0x1a5: {  	v40 =	vld [tilespmem:s7+$0x140C0]  }
0x1a6: {  	v41 =	vld [tilespmem:s7+$0x170F0]  }
0x1a7: {  	v42 =	vld [tilespmem:s7+$0x110C0]  }
0x1a8: {  	v43 =	vld [tilespmem:s7+$0x140D0]  }
0x1a9: {  	v44 =	vld [tilespmem:s7+$0x110D0]  }
0x1aa: {  	v45 =	vld [tilespmem:s7+$0x140E0]  }
0x1ab: {  	v46 =	vld [tilespmem:s7+$0x110E0]  }
0x1ac: {  	v62 =	vld [tilespmem:s7+$0x140F0]  }
0x1ad: {  	v63 =	vld [tilespmem:s7+$0x110F0]  }
0x1ae: {  	v1 =	vld.idx.msk [tilespmem:v1+s1+$0x0], $0xffff  }
0x1af: {  	v2 =	vld.idx.msk [tilespmem:v2+s1+$0x0], $0xffff  }
0x1b0: {  	v3 =	vld.idx.msk [tilespmem:v3+s1+$0x0], $0xffff  }
0x1b1: {  	v6 =	vld.idx.msk [tilespmem:v6+s1+$0x0], $0xffff  }
0x1b2: {  	v9 =	vld.idx.msk [tilespmem:v9+s1+$0x0], $0xffff  }
0x1b3: {  	v12 =	vld.idx.msk [tilespmem:v12+s1+$0x0], $0xffff  }
0x1b4: {  	v15 =	vld.idx.msk [tilespmem:v15+s1+$0x0], $0xffff  }
0x1b5: {  	v18 =	vld.idx.msk [tilespmem:v18+s1+$0x0], $0xffff  }
0x1b6: {  	v21 =	vld.idx.msk [tilespmem:v21+s1+$0x0], $0xffff  }
0x1b7: {  	v24 =	vld.idx.msk [tilespmem:v24+s1+$0x0], $0xffff  }
0x1b8: {  	v27 =	vld.idx.msk [tilespmem:v27+s1+$0x0], $0xffff  }
0x1b9: {  	v30 =	vld.idx.msk [tilespmem:v30+s1+$0x0], $0xffff  }
0x1ba: {  	v33 =	vld.idx.msk [tilespmem:v33+s1+$0x0], $0xffff  }
0x1bb: {  	v36 =	vld.idx.msk [tilespmem:v36+s1+$0x0], $0xffff  }
0x1bc: {  	v39 =	vld.idx.msk [tilespmem:v39+s1+$0x0], $0xffff;
	v1 =	vmul.f32 v5, v1  }
0x1bd: {  	v41 =	vld.idx.msk [tilespmem:v41+s1+$0x0], $0xffff;
	v2 =	vmul.f32 v8, v2  }
0x1be: {  	[tilespmem:v4+s3+$0x0] =	vst.idx.add.f32.msk $0xffff, v1;
	v1 =	vmul.f32 v11, v3  }
0x1bf: {  	[tilespmem:v7+s3+$0x0] =	vst.idx.add.f32.msk $0xffff, v2;
	v2 =	vmul.f32 v14, v6  }
0x1c0: {  	[tilespmem:v10+s3+$0x0] =	vst.idx.add.f32.msk $0xffff, v1;
	v1 =	vmul.f32 v17, v9  }
0x1c1: {  	[tilespmem:v13+s3+$0x0] =	vst.idx.add.f32.msk $0xffff, v2;
	v2 =	vmul.f32 v20, v12  }
0x1c2: {  	v3 =	vmul.f32 v23, v15;
	[tilespmem:v16+s3+$0x0] =	vst.idx.add.f32.msk $0xffff, v1  }
0x1c3: {  	v1 =	vmul.f32 v26, v18;
	[tilespmem:v19+s3+$0x0] =	vst.idx.add.f32.msk $0xffff, v2  }
0x1c4: {  	v2 =	vmul.f32 v29, v21;
	[tilespmem:v22+s3+$0x0] =	vst.idx.add.f32.msk $0xffff, v3  }
0x1c5: {  	v3 =	vmul.f32 v32, v24;
	[tilespmem:v25+s3+$0x0] =	vst.idx.add.f32.msk $0xffff, v1  }
0x1c6: {  	v1 =	vmul.f32 v35, v27;
	[tilespmem:v28+s3+$0x0] =	vst.idx.add.f32.msk $0xffff, v2  }
0x1c7: {  	v2 =	vmul.f32 v38, v30;
	[tilespmem:v31+s3+$0x0] =	vst.idx.add.f32.msk $0xffff, v3  }
0x1c8: {  	p1 =	sne.s32 s6, $0xBC00;
	v3 =	vmul.f32 v42, v33;
	[tilespmem:v34+s3+$0x0] =	vst.idx.add.f32.msk $0xffff, v1  }
.Ltmp6:
0x1c9: {  	v1 =	vmul.f32 v44, v36;
	[tilespmem:v37+s3+$0x0] =	vst.idx.add.f32.msk $0xffff, v2;
	(pc) =	sbr.rel @p1 .LBB2_10-.Ltmp6, $4  }
0x1ca: {  	v2 =	vmul.f32 v46, v39;
	[tilespmem:v40+s3+$0x0] =	vst.idx.add.f32.msk $0xffff, v3  }
0x1cb: {  	v3 =	vmul.f32 v63, v41;
	[tilespmem:v43+s3+$0x0] =	vst.idx.add.f32.msk $0xffff, v1  }
0x1cc: {  	[tilespmem:v45+s3+$0x0] =	vst.idx.add.f32.msk $0xffff, v2  }
0x1cd: {  	s6 =	sadd.s32 $0x400, s6;
	[tilespmem:v62+s3+$0x0] =	vst.idx.add.f32.msk $0xffff, v3  }
0x1ce: {  	s6 =	simm.s32 $0x0  }
0x1cf: {  	[tilespmem:s25], [sflag:$0x2] =	stream.linear.gather [hbm4b:s17+s6], $0x3000, $0x38;
	[tilespmem:$0x1A200] =	vst v63  }
0x1d0: {  	_ = 	snop  }
0x1d1: {  	[tilespmem:s26], [sflag:$0x2] =	stream.linear.gather [hbm4b:s18+s6], $0x3000, $0x38;
	[tilespmem:$0x1A200] =	vst v63  }
0x1d2: {  	_ = 	snop  }
0x1d3: {  	[tilespmem:s28], [sflag:$0x2] =	stream.linear.gather [hbm4b:s19+s6], $0x3000, $0x38;
	[tilespmem:$0x1A200] =	vst v63  }
0x1d4: {  	_ =	swait.ge [sflag:s2], $0x3000  }
0x1d5: {  	[sflag:s2] =	ssyncset.done $0x0  }
0x1d6: {  	[sflag:s2] =	ssyncadd.s32 $0xFFFFD000  }
0x1d7: {  	_ =	swait.ge [sflag:s2], $0x3000  }
0x1d8: {  	[sflag:s2] =	ssyncset.done $0x0  }
0x1d9: {  	[sflag:s2] =	ssyncadd.s32 $0xFFFFD000  }
0x1da: {  	_ =	swait.ge [sflag:s2], $0x3000  }
0x1db: {  	[sflag:s2] =	ssyncset.done $0x0  }
0x1dc: {  	[sflag:s2] =	ssyncadd.s32 $0xFFFFD000  }
.LBB2_12:
0x1dd: {  	s7 =	sshra.s32 s6, $0x2  }
0x1de: {  	v1 =	vld [tilespmem:s7+$0xE000]  }
0x1df: {  	v2 =	vld [tilespmem:s7+$0xE010]  }
0x1e0: {  	v3 =	vld [tilespmem:s7+$0xE020]  }
0x1e1: {  	v4 =	vld [tilespmem:s7+$0xB000]  }
0x1e2: {  	v5 =	vld [tilespmem:s7+$0x8000]  }
0x1e3: {  	v6 =	vld [tilespmem:s7+$0xE030]  }
0x1e4: {  	v7 =	vld [tilespmem:s7+$0xB010]  }
0x1e5: {  	v8 =	vld [tilespmem:s7+$0x8010]  }
0x1e6: {  	v9 =	vld [tilespmem:s7+$0xE040]  }
0x1e7: {  	v10 =	vld [tilespmem:s7+$0xB020]  }
0x1e8: {  	v11 =	vld [tilespmem:s7+$0x8020]  }
0x1e9: {  	v12 =	vld [tilespmem:s7+$0xE050]  }
0x1ea: {  	v13 =	vld [tilespmem:s7+$0xB030]  }
0x1eb: {  	v14 =	vld [tilespmem:s7+$0x8030]  }
0x1ec: {  	v15 =	vld [tilespmem:s7+$0xE060]  }
0x1ed: {  	v16 =	vld [tilespmem:s7+$0xB040]  }
0x1ee: {  	v17 =	vld [tilespmem:s7+$0x8040]  }
0x1ef: {  	v18 =	vld [tilespmem:s7+$0xE070]  }
0x1f0: {  	v19 =	vld [tilespmem:s7+$0xB050]  }
0x1f1: {  	v20 =	vld [tilespmem:s7+$0x8050]  }
0x1f2: {  	v21 =	vld [tilespmem:s7+$0xE080]  }
0x1f3: {  	v22 =	vld [tilespmem:s7+$0xB060]  }
0x1f4: {  	v23 =	vld [tilespmem:s7+$0x8060]  }
0x1f5: {  	v24 =	vld [tilespmem:s7+$0xE090]  }
0x1f6: {  	v25 =	vld [tilespmem:s7+$0xB070]  }
0x1f7: {  	v26 =	vld [tilespmem:s7+$0x8070]  }
0x1f8: {  	v27 =	vld [tilespmem:s7+$0xE0A0]  }
0x1f9: {  	v28 =	vld [tilespmem:s7+$0xB080]  }
0x1fa: {  	v29 =	vld [tilespmem:s7+$0x8080]  }
0x1fb: {  	v30 =	vld [tilespmem:s7+$0xE0B0]  }
0x1fc: {  	v31 =	vld [tilespmem:s7+$0xB090]  }
0x1fd: {  	v32 =	vld [tilespmem:s7+$0x8090]  }
0x1fe: {  	v33 =	vld [tilespmem:s7+$0xE0C0]  }
0x1ff: {  	v34 =	vld [tilespmem:s7+$0xB0A0]  }
0x200: {  	v35 =	vld [tilespmem:s7+$0x80A0]  }
0x201: {  	v36 =	vld [tilespmem:s7+$0xE0D0]  }
0x202: {  	v37 =	vld [tilespmem:s7+$0xB0B0]  }
0x203: {  	v38 =	vld [tilespmem:s7+$0x80B0]  }
0x204: {  	v39 =	vld [tilespmem:s7+$0xE0E0]  }
0x205: {  	v40 =	vld [tilespmem:s7+$0xB0C0]  }
0x206: {  	v41 =	vld [tilespmem:s7+$0xE0F0]  }
0x207: {  	v42 =	vld [tilespmem:s7+$0x80C0]  }
0x208: {  	v43 =	vld [tilespmem:s7+$0xB0D0]  }
0x209: {  	v44 =	vld [tilespmem:s7+$0x80D0]  }
0x20a: {  	v45 =	vld [tilespmem:s7+$0xB0E0]  }
0x20b: {  	v46 =	vld [tilespmem:s7+$0x80E0]  }
0x20c: {  	v62 =	vld [tilespmem:s7+$0xB0F0]  }
0x20d: {  	v63 =	vld [tilespmem:s7+$0x80F0]  }
0x20e: {  	v1 =	vld.idx.msk [tilespmem:v1+s1+$0x0], $0xffff  }
0x20f: {  	v2 =	vld.idx.msk [tilespmem:v2+s1+$0x0], $0xffff  }
0x210: {  	v3 =	vld.idx.msk [tilespmem:v3+s1+$0x0], $0xffff  }
0x211: {  	v6 =	vld.idx.msk [tilespmem:v6+s1+$0x0], $0xffff  }
0x212: {  	v9 =	vld.idx.msk [tilespmem:v9+s1+$0x0], $0xffff  }
0x213: {  	v12 =	vld.idx.msk [tilespmem:v12+s1+$0x0], $0xffff  }
0x214: {  	v15 =	vld.idx.msk [tilespmem:v15+s1+$0x0], $0xffff  }
0x215: {  	v18 =	vld.idx.msk [tilespmem:v18+s1+$0x0], $0xffff  }
0x216: {  	v21 =	vld.idx.msk [tilespmem:v21+s1+$0x0], $0xffff  }
0x217: {  	v24 =	vld.idx.msk [tilespmem:v24+s1+$0x0], $0xffff  }
0x218: {  	v27 =	vld.idx.msk [tilespmem:v27+s1+$0x0], $0xffff  }
0x219: {  	v30 =	vld.idx.msk [tilespmem:v30+s1+$0x0], $0xffff  }
0x21a: {  	v33 =	vld.idx.msk [tilespmem:v33+s1+$0x0], $0xffff  }
0x21b: {  	v36 =	vld.idx.msk [tilespmem:v36+s1+$0x0], $0xffff  }
0x21c: {  	v39 =	vld.idx.msk [tilespmem:v39+s1+$0x0], $0xffff;
	v1 =	vmul.f32 v5, v1  }
0x21d: {  	v41 =	vld.idx.msk [tilespmem:v41+s1+$0x0], $0xffff;
	v2 =	vmul.f32 v8, v2  }
0x21e: {  	[tilespmem:v4+s3+$0x0] =	vst.idx.add.f32.msk $0xffff, v1;
	v1 =	vmul.f32 v11, v3  }
0x21f: {  	[tilespmem:v7+s3+$0x0] =	vst.idx.add.f32.msk $0xffff, v2;
	v2 =	vmul.f32 v14, v6  }
0x220: {  	[tilespmem:v10+s3+$0x0] =	vst.idx.add.f32.msk $0xffff, v1;
	v1 =	vmul.f32 v17, v9  }
0x221: {  	[tilespmem:v13+s3+$0x0] =	vst.idx.add.f32.msk $0xffff, v2;
	v2 =	vmul.f32 v20, v12  }
0x222: {  	v3 =	vmul.f32 v23, v15;
	[tilespmem:v16+s3+$0x0] =	vst.idx.add.f32.msk $0xffff, v1  }
0x223: {  	v1 =	vmul.f32 v26, v18;
	[tilespmem:v19+s3+$0x0] =	vst.idx.add.f32.msk $0xffff, v2  }
0x224: {  	v2 =	vmul.f32 v29, v21;
	[tilespmem:v22+s3+$0x0] =	vst.idx.add.f32.msk $0xffff, v3  }
0x225: {  	v3 =	vmul.f32 v32, v24;
	[tilespmem:v25+s3+$0x0] =	vst.idx.add.f32.msk $0xffff, v1  }
0x226: {  	v1 =	vmul.f32 v35, v27;
	[tilespmem:v28+s3+$0x0] =	vst.idx.add.f32.msk $0xffff, v2  }
0x227: {  	v2 =	vmul.f32 v38, v30;
	[tilespmem:v31+s3+$0x0] =	vst.idx.add.f32.msk $0xffff, v3  }
0x228: {  	p1 =	sne.s32 s6, $0xBC00;
	v3 =	vmul.f32 v42, v33;
	[tilespmem:v34+s3+$0x0] =	vst.idx.add.f32.msk $0xffff, v1  }
.Ltmp7:
0x229: {  	v1 =	vmul.f32 v44, v36;
	[tilespmem:v37+s3+$0x0] =	vst.idx.add.f32.msk $0xffff, v2;
	(pc) =	sbr.rel @p1 .LBB2_12-.Ltmp7, $4  }
0x22a: {  	v2 =	vmul.f32 v46, v39;
	[tilespmem:v40+s3+$0x0] =	vst.idx.add.f32.msk $0xffff, v3  }
0x22b: {  	v3 =	vmul.f32 v63, v41;
	[tilespmem:v43+s3+$0x0] =	vst.idx.add.f32.msk $0xffff, v1  }
0x22c: {  	[tilespmem:v45+s3+$0x0] =	vst.idx.add.f32.msk $0xffff, v2  }
0x22d: {  	s6 =	sadd.s32 $0x400, s6;
	[tilespmem:v62+s3+$0x0] =	vst.idx.add.f32.msk $0xffff, v3  }
0x22e: {  	s6 =	simm.s32 $0x0  }
0x22f: {  	[tilespmem:s31], [sflag:$0x1] =	stream.linear.gather [hbm4b:s20+s6], $0x27A0, $0x38;
	[tilespmem:$0x1A200] =	vst v63  }
0x230: {  	_ = 	snop  }
0x231: {  	[tilespmem:s21], [sflag:$0x1] =	stream.linear.gather [hbm4b:s22+s6], $0x27A0, $0x38;
	[tilespmem:$0x1A200] =	vst v63  }
0x232: {  	_ = 	snop  }
0x233: {  	[tilespmem:s0], [sflag:$0x1] =	stream.linear.gather [hbm4b:s24+s6], $0x27A0, $0x38;
	[tilespmem:$0x1A200] =	vst v63  }
0x234: {  	_ =	swait.ge [sflag:s4], $0x3000  }
0x235: {  	[sflag:s4] =	ssyncset.done $0x0  }
0x236: {  	[sflag:s4] =	ssyncadd.s32 $0xFFFFD000  }
0x237: {  	_ =	swait.ge [sflag:s4], $0x3000  }
0x238: {  	[sflag:s4] =	ssyncset.done $0x0  }
0x239: {  	[sflag:s4] =	ssyncadd.s32 $0xFFFFD000  }
0x23a: {  	_ =	swait.ge [sflag:s4], $0x3000  }
0x23b: {  	[sflag:s4] =	ssyncset.done $0x0  }
0x23c: {  	[sflag:s4] =	ssyncadd.s32 $0xFFFFD000  }
.LBB2_14:
0x23d: {  	s7 =	sshra.s32 s6, $0x2  }
0x23e: {  	v1 =	vld [tilespmem:s7+$0x17000]  }
0x23f: {  	v2 =	vld [tilespmem:s7+$0x17010]  }
0x240: {  	v3 =	vld [tilespmem:s7+$0x17020]  }
0x241: {  	v4 =	vld [tilespmem:s7+$0x14000]  }
0x242: {  	v5 =	vld [tilespmem:s7+$0x11000]  }
0x243: {  	v6 =	vld [tilespmem:s7+$0x17030]  }
0x244: {  	v7 =	vld [tilespmem:s7+$0x14010]  }
0x245: {  	v8 =	vld [tilespmem:s7+$0x11010]  }
0x246: {  	v9 =	vld [tilespmem:s7+$0x17040]  }
0x247: {  	v10 =	vld [tilespmem:s7+$0x14020]  }
0x248: {  	v11 =	vld [tilespmem:s7+$0x11020]  }
0x249: {  	v12 =	vld [tilespmem:s7+$0x17050]  }
0x24a: {  	v13 =	vld [tilespmem:s7+$0x14030]  }
0x24b: {  	v14 =	vld [tilespmem:s7+$0x11030]  }
0x24c: {  	v15 =	vld [tilespmem:s7+$0x17060]  }
0x24d: {  	v16 =	vld [tilespmem:s7+$0x14040]  }
0x24e: {  	v17 =	vld [tilespmem:s7+$0x11040]  }
0x24f: {  	v18 =	vld [tilespmem:s7+$0x17070]  }
0x250: {  	v19 =	vld [tilespmem:s7+$0x14050]  }
0x251: {  	v20 =	vld [tilespmem:s7+$0x11050]  }
0x252: {  	v21 =	vld [tilespmem:s7+$0x17080]  }
0x253: {  	v22 =	vld [tilespmem:s7+$0x14060]  }
0x254: {  	v23 =	vld [tilespmem:s7+$0x11060]  }
0x255: {  	v24 =	vld [tilespmem:s7+$0x17090]  }
0x256: {  	v25 =	vld [tilespmem:s7+$0x14070]  }
0x257: {  	v26 =	vld [tilespmem:s7+$0x11070]  }
0x258: {  	v27 =	vld [tilespmem:s7+$0x170A0]  }
0x259: {  	v28 =	vld [tilespmem:s7+$0x14080]  }
0x25a: {  	v29 =	vld [tilespmem:s7+$0x11080]  }
0x25b: {  	v30 =	vld [tilespmem:s7+$0x170B0]  }
0x25c: {  	v31 =	vld [tilespmem:s7+$0x14090]  }
0x25d: {  	v32 =	vld [tilespmem:s7+$0x11090]  }
0x25e: {  	v33 =	vld [tilespmem:s7+$0x170C0]  }
0x25f: {  	v34 =	vld [tilespmem:s7+$0x140A0]  }
0x260: {  	v35 =	vld [tilespmem:s7+$0x110A0]  }
0x261: {  	v36 =	vld [tilespmem:s7+$0x170D0]  }
0x262: {  	v37 =	vld [tilespmem:s7+$0x140B0]  }
0x263: {  	v38 =	vld [tilespmem:s7+$0x110B0]  }
0x264: {  	v39 =	vld [tilespmem:s7+$0x170E0]  }
0x265: {  	v40 =	vld [tilespmem:s7+$0x140C0]  }
0x266: {  	v41 =	vld [tilespmem:s7+$0x170F0]  }
0x267: {  	v42 =	vld [tilespmem:s7+$0x110C0]  }
0x268: {  	v43 =	vld [tilespmem:s7+$0x140D0]  }
0x269: {  	v44 =	vld [tilespmem:s7+$0x110D0]  }
0x26a: {  	v45 =	vld [tilespmem:s7+$0x140E0]  }
0x26b: {  	v46 =	vld [tilespmem:s7+$0x110E0]  }
0x26c: {  	v62 =	vld [tilespmem:s7+$0x140F0]  }
0x26d: {  	v63 =	vld [tilespmem:s7+$0x110F0]  }
0x26e: {  	v1 =	vld.idx.msk [tilespmem:v1+s1+$0x0], $0xffff  }
0x26f: {  	v2 =	vld.idx.msk [tilespmem:v2+s1+$0x0], $0xffff  }
0x270: {  	v3 =	vld.idx.msk [tilespmem:v3+s1+$0x0], $0xffff  }
0x271: {  	v6 =	vld.idx.msk [tilespmem:v6+s1+$0x0], $0xffff  }
0x272: {  	v9 =	vld.idx.msk [tilespmem:v9+s1+$0x0], $0xffff  }
0x273: {  	v12 =	vld.idx.msk [tilespmem:v12+s1+$0x0], $0xffff  }
0x274: {  	v15 =	vld.idx.msk [tilespmem:v15+s1+$0x0], $0xffff  }
0x275: {  	v18 =	vld.idx.msk [tilespmem:v18+s1+$0x0], $0xffff  }
0x276: {  	v21 =	vld.idx.msk [tilespmem:v21+s1+$0x0], $0xffff  }
0x277: {  	v24 =	vld.idx.msk [tilespmem:v24+s1+$0x0], $0xffff  }
0x278: {  	v27 =	vld.idx.msk [tilespmem:v27+s1+$0x0], $0xffff  }
0x279: {  	v30 =	vld.idx.msk [tilespmem:v30+s1+$0x0], $0xffff  }
0x27a: {  	v33 =	vld.idx.msk [tilespmem:v33+s1+$0x0], $0xffff  }
0x27b: {  	v36 =	vld.idx.msk [tilespmem:v36+s1+$0x0], $0xffff  }
0x27c: {  	v39 =	vld.idx.msk [tilespmem:v39+s1+$0x0], $0xffff;
	v1 =	vmul.f32 v5, v1  }
0x27d: {  	v41 =	vld.idx.msk [tilespmem:v41+s1+$0x0], $0xffff;
	v2 =	vmul.f32 v8, v2  }
0x27e: {  	[tilespmem:v4+s3+$0x0] =	vst.idx.add.f32.msk $0xffff, v1;
	v1 =	vmul.f32 v11, v3  }
0x27f: {  	[tilespmem:v7+s3+$0x0] =	vst.idx.add.f32.msk $0xffff, v2;
	v2 =	vmul.f32 v14, v6  }
0x280: {  	[tilespmem:v10+s3+$0x0] =	vst.idx.add.f32.msk $0xffff, v1;
	v1 =	vmul.f32 v17, v9  }
0x281: {  	[tilespmem:v13+s3+$0x0] =	vst.idx.add.f32.msk $0xffff, v2;
	v2 =	vmul.f32 v20, v12  }
0x282: {  	v3 =	vmul.f32 v23, v15;
	[tilespmem:v16+s3+$0x0] =	vst.idx.add.f32.msk $0xffff, v1  }
0x283: {  	v1 =	vmul.f32 v26, v18;
	[tilespmem:v19+s3+$0x0] =	vst.idx.add.f32.msk $0xffff, v2  }
0x284: {  	v2 =	vmul.f32 v29, v21;
	[tilespmem:v22+s3+$0x0] =	vst.idx.add.f32.msk $0xffff, v3  }
0x285: {  	v3 =	vmul.f32 v32, v24;
	[tilespmem:v25+s3+$0x0] =	vst.idx.add.f32.msk $0xffff, v1  }
0x286: {  	v1 =	vmul.f32 v35, v27;
	[tilespmem:v28+s3+$0x0] =	vst.idx.add.f32.msk $0xffff, v2  }
0x287: {  	v2 =	vmul.f32 v38, v30;
	[tilespmem:v31+s3+$0x0] =	vst.idx.add.f32.msk $0xffff, v3  }
0x288: {  	p1 =	sne.s32 s6, $0xBC00;
	v3 =	vmul.f32 v42, v33;
	[tilespmem:v34+s3+$0x0] =	vst.idx.add.f32.msk $0xffff, v1  }
.Ltmp8:
0x289: {  	v1 =	vmul.f32 v44, v36;
	[tilespmem:v37+s3+$0x0] =	vst.idx.add.f32.msk $0xffff, v2;
	(pc) =	sbr.rel @p1 .LBB2_14-.Ltmp8, $4  }
0x28a: {  	v2 =	vmul.f32 v46, v39;
	[tilespmem:v40+s3+$0x0] =	vst.idx.add.f32.msk $0xffff, v3  }
0x28b: {  	v3 =	vmul.f32 v63, v41;
	[tilespmem:v43+s3+$0x0] =	vst.idx.add.f32.msk $0xffff, v1  }
0x28c: {  	[tilespmem:v45+s3+$0x0] =	vst.idx.add.f32.msk $0xffff, v2  }
0x28d: {  	s6 =	sadd.s32 $0x400, s6;
	[tilespmem:v62+s3+$0x0] =	vst.idx.add.f32.msk $0xffff, v3  }
0x28e: {  	_ =	swait.ge [sflag:s2], $0x27A0  }
0x28f: {  	[sflag:s2] =	ssyncset.done $0x0  }
0x290: {  	[sflag:s2] =	ssyncadd.s32 $0xFFFFD860  }
0x291: {  	_ =	swait.ge [sflag:s2], $0x27A0  }
0x292: {  	[sflag:s2] =	ssyncset.done $0x0  }
0x293: {  	[sflag:s2] =	ssyncadd.s32 $0xFFFFD860  }
0x294: {  	_ =	swait.ge [sflag:s2], $0x27A0  }
0x295: {  	[sflag:s2] =	ssyncset.done $0x0  }
0x296: {  	s6 =	simm.s32 $0x0;
	[sflag:s2] =	ssyncadd.s32 $0xFFFFD860  }
.LBB2_16:
0x297: {  	s7 =	sshra.s32 s6, $0x2  }
0x298: {  	v1 =	vld [tilespmem:s7+$0xE000]  }
0x299: {  	v2 =	vld [tilespmem:s7+$0xE010]  }
0x29a: {  	v3 =	vld [tilespmem:s7+$0xE020]  }
0x29b: {  	v4 =	vld [tilespmem:s7+$0xB000]  }
0x29c: {  	v5 =	vld [tilespmem:s7+$0x8000]  }
0x29d: {  	v6 =	vld [tilespmem:s7+$0xE030]  }
0x29e: {  	v7 =	vld [tilespmem:s7+$0xB010]  }
0x29f: {  	v8 =	vld [tilespmem:s7+$0x8010]  }
0x2a0: {  	v9 =	vld [tilespmem:s7+$0xE040]  }
0x2a1: {  	v10 =	vld [tilespmem:s7+$0xB020]  }
0x2a2: {  	v11 =	vld [tilespmem:s7+$0x8020]  }
0x2a3: {  	v12 =	vld [tilespmem:s7+$0xE050]  }
0x2a4: {  	v13 =	vld [tilespmem:s7+$0xB030]  }
0x2a5: {  	v14 =	vld [tilespmem:s7+$0x8030]  }
0x2a6: {  	v15 =	vld [tilespmem:s7+$0xE060]  }
0x2a7: {  	v16 =	vld [tilespmem:s7+$0xB040]  }
0x2a8: {  	v17 =	vld [tilespmem:s7+$0x8040]  }
0x2a9: {  	v18 =	vld [tilespmem:s7+$0xE070]  }
0x2aa: {  	v19 =	vld [tilespmem:s7+$0xB050]  }
0x2ab: {  	v20 =	vld [tilespmem:s7+$0x8050]  }
0x2ac: {  	v21 =	vld [tilespmem:s7+$0xE080]  }
0x2ad: {  	v22 =	vld [tilespmem:s7+$0xB060]  }
0x2ae: {  	v23 =	vld [tilespmem:s7+$0x8060]  }
0x2af: {  	v24 =	vld [tilespmem:s7+$0xE090]  }
0x2b0: {  	v25 =	vld [tilespmem:s7+$0xB070]  }
0x2b1: {  	v26 =	vld [tilespmem:s7+$0x8070]  }
0x2b2: {  	v27 =	vld [tilespmem:s7+$0xE0A0]  }
0x2b3: {  	v28 =	vld [tilespmem:s7+$0xB080]  }
0x2b4: {  	v29 =	vld [tilespmem:s7+$0x8080]  }
0x2b5: {  	v30 =	vld [tilespmem:s7+$0xE0B0]  }
0x2b6: {  	v31 =	vld [tilespmem:s7+$0xB090]  }
0x2b7: {  	v32 =	vld [tilespmem:s7+$0x8090]  }
0x2b8: {  	v33 =	vld [tilespmem:s7+$0xE0C0]  }
0x2b9: {  	v34 =	vld [tilespmem:s7+$0xB0A0]  }
0x2ba: {  	v35 =	vld [tilespmem:s7+$0x80A0]  }
0x2bb: {  	v36 =	vld [tilespmem:s7+$0xE0D0]  }
0x2bc: {  	v37 =	vld [tilespmem:s7+$0xB0B0]  }
0x2bd: {  	v38 =	vld [tilespmem:s7+$0x80B0]  }
0x2be: {  	v39 =	vld [tilespmem:s7+$0xE0E0]  }
0x2bf: {  	v40 =	vld [tilespmem:s7+$0xB0C0]  }
0x2c0: {  	v41 =	vld [tilespmem:s7+$0xE0F0]  }
0x2c1: {  	v42 =	vld [tilespmem:s7+$0x80C0]  }
0x2c2: {  	v43 =	vld [tilespmem:s7+$0xB0D0]  }
0x2c3: {  	v44 =	vld [tilespmem:s7+$0x80D0]  }
0x2c4: {  	v45 =	vld [tilespmem:s7+$0xB0E0]  }
0x2c5: {  	v46 =	vld [tilespmem:s7+$0x80E0]  }
0x2c6: {  	v62 =	vld [tilespmem:s7+$0xB0F0]  }
0x2c7: {  	v63 =	vld [tilespmem:s7+$0x80F0]  }
0x2c8: {  	v1 =	vld.idx.msk [tilespmem:v1+s1+$0x0], $0xffff  }
0x2c9: {  	v2 =	vld.idx.msk [tilespmem:v2+s1+$0x0], $0xffff  }
0x2ca: {  	v3 =	vld.idx.msk [tilespmem:v3+s1+$0x0], $0xffff  }
0x2cb: {  	v6 =	vld.idx.msk [tilespmem:v6+s1+$0x0], $0xffff  }
0x2cc: {  	v9 =	vld.idx.msk [tilespmem:v9+s1+$0x0], $0xffff  }
0x2cd: {  	v12 =	vld.idx.msk [tilespmem:v12+s1+$0x0], $0xffff  }
0x2ce: {  	v15 =	vld.idx.msk [tilespmem:v15+s1+$0x0], $0xffff  }
0x2cf: {  	v18 =	vld.idx.msk [tilespmem:v18+s1+$0x0], $0xffff  }
0x2d0: {  	v21 =	vld.idx.msk [tilespmem:v21+s1+$0x0], $0xffff  }
0x2d1: {  	v24 =	vld.idx.msk [tilespmem:v24+s1+$0x0], $0xffff  }
0x2d2: {  	v27 =	vld.idx.msk [tilespmem:v27+s1+$0x0], $0xffff  }
0x2d3: {  	v30 =	vld.idx.msk [tilespmem:v30+s1+$0x0], $0xffff  }
0x2d4: {  	v33 =	vld.idx.msk [tilespmem:v33+s1+$0x0], $0xffff  }
0x2d5: {  	v36 =	vld.idx.msk [tilespmem:v36+s1+$0x0], $0xffff  }
0x2d6: {  	v39 =	vld.idx.msk [tilespmem:v39+s1+$0x0], $0xffff;
	v1 =	vmul.f32 v5, v1  }
0x2d7: {  	v41 =	vld.idx.msk [tilespmem:v41+s1+$0x0], $0xffff;
	v2 =	vmul.f32 v8, v2  }
0x2d8: {  	[tilespmem:v4+s3+$0x0] =	vst.idx.add.f32.msk $0xffff, v1;
	v1 =	vmul.f32 v11, v3  }
0x2d9: {  	[tilespmem:v7+s3+$0x0] =	vst.idx.add.f32.msk $0xffff, v2;
	v2 =	vmul.f32 v14, v6  }
0x2da: {  	[tilespmem:v10+s3+$0x0] =	vst.idx.add.f32.msk $0xffff, v1;
	v1 =	vmul.f32 v17, v9  }
0x2db: {  	[tilespmem:v13+s3+$0x0] =	vst.idx.add.f32.msk $0xffff, v2;
	v2 =	vmul.f32 v20, v12  }
0x2dc: {  	v3 =	vmul.f32 v23, v15;
	[tilespmem:v16+s3+$0x0] =	vst.idx.add.f32.msk $0xffff, v1  }
0x2dd: {  	v1 =	vmul.f32 v26, v18;
	[tilespmem:v19+s3+$0x0] =	vst.idx.add.f32.msk $0xffff, v2  }
0x2de: {  	v2 =	vmul.f32 v29, v21;
	[tilespmem:v22+s3+$0x0] =	vst.idx.add.f32.msk $0xffff, v3  }
0x2df: {  	v3 =	vmul.f32 v32, v24;
	[tilespmem:v25+s3+$0x0] =	vst.idx.add.f32.msk $0xffff, v1  }
0x2e0: {  	v1 =	vmul.f32 v35, v27;
	[tilespmem:v28+s3+$0x0] =	vst.idx.add.f32.msk $0xffff, v2  }
0x2e1: {  	v2 =	vmul.f32 v38, v30;
	[tilespmem:v31+s3+$0x0] =	vst.idx.add.f32.msk $0xffff, v3  }
0x2e2: {  	p1 =	sne.s32 s6, $0x9800;
	v3 =	vmul.f32 v42, v33;
	[tilespmem:v34+s3+$0x0] =	vst.idx.add.f32.msk $0xffff, v1  }
.Ltmp9:
0x2e3: {  	v1 =	vmul.f32 v44, v36;
	[tilespmem:v37+s3+$0x0] =	vst.idx.add.f32.msk $0xffff, v2;
	(pc) =	sbr.rel @p1 .LBB2_16-.Ltmp9, $4  }
0x2e4: {  	v2 =	vmul.f32 v46, v39;
	[tilespmem:v40+s3+$0x0] =	vst.idx.add.f32.msk $0xffff, v3  }
0x2e5: {  	v3 =	vmul.f32 v63, v41;
	[tilespmem:v43+s3+$0x0] =	vst.idx.add.f32.msk $0xffff, v1  }
0x2e6: {  	[tilespmem:v45+s3+$0x0] =	vst.idx.add.f32.msk $0xffff, v2  }
0x2e7: {  	s6 =	sadd.s32 $0x400, s6;
	[tilespmem:v62+s3+$0x0] =	vst.idx.add.f32.msk $0xffff, v3  }
0x2e8: {  	v1 =	vld [tilespmem:$0x10700]  }
0x2e9: {  	v2 =	vld [tilespmem:$0x10710]  }
0x2ea: {  	v3 =	vld [tilespmem:$0x10720]  }
0x2eb: {  	v4 =	vld [tilespmem:$0xD700]  }
0x2ec: {  	v5 =	vld [tilespmem:$0xA700]  }
0x2ed: {  	v6 =	vld [tilespmem:$0x10730]  }
0x2ee: {  	v7 =	vld [tilespmem:$0xD710]  }
0x2ef: {  	v8 =	vld [tilespmem:$0xA710]  }
0x2f0: {  	v9 =	vld [tilespmem:$0x10740]  }
0x2f1: {  	v10 =	vld [tilespmem:$0xD720]  }
0x2f2: {  	v11 =	vld [tilespmem:$0xA720]  }
0x2f3: {  	v12 =	vld [tilespmem:$0x10750]  }
0x2f4: {  	v13 =	vld [tilespmem:$0xD730]  }
0x2f5: {  	v14 =	vld [tilespmem:$0xA730]  }
0x2f6: {  	v15 =	vld [tilespmem:$0x10760]  }
0x2f7: {  	v16 =	vld [tilespmem:$0xD740]  }
0x2f8: {  	v17 =	vld [tilespmem:$0xA740]  }
0x2f9: {  	v18 =	vld [tilespmem:$0x10770]  }
0x2fa: {  	v19 =	vld [tilespmem:$0xD750]  }
0x2fb: {  	v20 =	vld [tilespmem:$0xA750]  }
0x2fc: {  	v21 =	vld [tilespmem:$0x10780]  }
0x2fd: {  	v22 =	vld [tilespmem:$0xD760]  }
0x2fe: {  	v23 =	vld [tilespmem:$0x10790]  }
0x2ff: {  	v24 =	vld [tilespmem:$0xA760]  }
0x300: {  	v25 =	vld [tilespmem:$0xD770]  }
0x301: {  	v26 =	vld [tilespmem:$0xA770]  }
0x302: {  	v27 =	vld [tilespmem:$0xD780]  }
0x303: {  	v28 =	vld [tilespmem:$0xA780]  }
0x304: {  	v62 =	vld [tilespmem:$0xD790]  }
0x305: {  	v63 =	vld [tilespmem:$0xA790]  }
0x306: {  	v1 =	vld.idx.msk [tilespmem:v1+s1+$0x0], $0xffff  }
0x307: {  	v2 =	vld.idx.msk [tilespmem:v2+s1+$0x0], $0xffff  }
0x308: {  	v3 =	vld.idx.msk [tilespmem:v3+s1+$0x0], $0xffff  }
0x309: {  	v6 =	vld.idx.msk [tilespmem:v6+s1+$0x0], $0xffff  }
0x30a: {  	v9 =	vld.idx.msk [tilespmem:v9+s1+$0x0], $0xffff  }
0x30b: {  	v12 =	vld.idx.msk [tilespmem:v12+s1+$0x0], $0xffff  }
0x30c: {  	v15 =	vld.idx.msk [tilespmem:v15+s1+$0x0], $0xffff  }
0x30d: {  	v18 =	vld.idx.msk [tilespmem:v18+s1+$0x0], $0xffff  }
0x30e: {  	v21 =	vld.idx.msk [tilespmem:v21+s1+$0x0], $0xffff;
	v1 =	vmul.f32 v5, v1  }
0x30f: {  	v23 =	vld.idx.msk [tilespmem:v23+s1+$0x0], $0xffff;
	v2 =	vmul.f32 v8, v2  }
0x310: {  	[tilespmem:v4+s3+$0x0] =	vst.idx.add.f32.msk $0xffff, v1;
	v1 =	vmul.f32 v11, v3  }
0x311: {  	[tilespmem:v7+s3+$0x0] =	vst.idx.add.f32.msk $0xffff, v2;
	v2 =	vmul.f32 v14, v6  }
0x312: {  	v3 =	vmul.f32 v17, v9;
	[tilespmem:v10+s3+$0x0] =	vst.idx.add.f32.msk $0xffff, v1  }
0x313: {  	v1 =	vmul.f32 v20, v12;
	[tilespmem:v13+s3+$0x0] =	vst.idx.add.f32.msk $0xffff, v2  }
0x314: {  	v2 =	vmul.f32 v24, v15;
	[tilespmem:v16+s3+$0x0] =	vst.idx.add.f32.msk $0xffff, v3  }
.Ltmp10:
0x315: {  	v3 =	vmul.f32 v26, v18;
	[tilespmem:v19+s3+$0x0] =	vst.idx.add.f32.msk $0xffff, v1;
	(pc) =	sbr.rel @p0 .LBB2_19-.Ltmp10, $4  }
0x316: {  	v1 =	vmul.f32 v28, v21;
	[tilespmem:v22+s3+$0x0] =	vst.idx.add.f32.msk $0xffff, v2  }
0x317: {  	v2 =	vmul.f32 v63, v23;
	[tilespmem:v25+s3+$0x0] =	vst.idx.add.f32.msk $0xffff, v3  }
0x318: {  	[tilespmem:v27+s3+$0x0] =	vst.idx.add.f32.msk $0xffff, v1  }
0x319: {  	[tilespmem:v62+s3+$0x0] =	vst.idx.add.f32.msk $0xffff, v2  }
0x31a: {  	s6 =	rddreg [dreg:$0xc];
	s7 =	simm.s32 $0x1A000  }
0x31b: {  	[tilespmem:s7], [sflag:$0x3] =	stream.linear.gather [hbm4b:s6+s1], $0x200, $0x38;
	[tilespmem:$0x1A200] =	vst v63  }
0x31c: {  	_ =	swait.ge [sflag:s23], $0x200  }
0x31d: {  	[sflag:s23] =	ssyncset.done $0x0  }
0x31e: {  	s7 =	rddreg [dreg:$0xd];
	[sflag:s23] =	ssyncadd.s32 $0xFFFFFE00  }
0x31f: {  	[tilespmem:s21], [sflag:$0x3] =	stream.linear.gather [hbm4b:s7+s1], $0x200, $0x38;
	[tilespmem:$0x1A200] =	vst v63  }
0x320: {  	_ =	swait.ge [sflag:s23], $0x200  }
0x321: {  	[sflag:s23] =	ssyncset.done $0x0  }
0x322: {  	s7 =	rddreg [dreg:$0xe];
	[sflag:s23] =	ssyncadd.s32 $0xFFFFFE00  }
0x323: {  	[tilespmem:s0], [sflag:$0x3] =	stream.linear.gather [hbm4b:s7+s1], $0x200, $0x38;
	[tilespmem:$0x1A200] =	vst v63  }
0x324: {  	_ =	swait.ge [sflag:s23], $0x200  }
0x325: {  	[sflag:s23] =	ssyncset.done $0x0  }
0x326: {  	[sflag:s23] =	ssyncadd.s32 $0xFFFFFE00  }
0x327: {  	v1 =	vld [tilespmem:$0xE000]  }
0x328: {  	v2 =	vld [tilespmem:$0xE010]  }
0x329: {  	v3 =	vld [tilespmem:$0xE020]  }
0x32a: {  	v4 =	vld [tilespmem:$0x1A000]  }
0x32b: {  	v5 =	vld [tilespmem:$0xB000]  }
0x32c: {  	v6 =	vld [tilespmem:$0xE030]  }
0x32d: {  	v7 =	vld [tilespmem:$0x1A010]  }
0x32e: {  	v8 =	vld [tilespmem:$0xB010]  }
0x32f: {  	v9 =	vld [tilespmem:$0xE040]  }
0x330: {  	v10 =	vld [tilespmem:$0x1A020]  }
0x331: {  	v11 =	vld [tilespmem:$0xB020]  }
0x332: {  	v12 =	vld [tilespmem:$0xE050]  }
0x333: {  	v13 =	vld [tilespmem:$0x1A030]  }
0x334: {  	v14 =	vld [tilespmem:$0xB030]  }
0x335: {  	v15 =	vld [tilespmem:$0xE060]  }
0x336: {  	v16 =	vld [tilespmem:$0x1A040]  }
0x337: {  	v17 =	vld [tilespmem:$0xB040]  }
0x338: {  	v18 =	vld [tilespmem:$0xE070]  }
0x339: {  	v19 =	vld [tilespmem:$0x1A050]  }
0x33a: {  	v20 =	vld [tilespmem:$0xB050]  }
0x33b: {  	v21 =	vld [tilespmem:$0xE080]  }
0x33c: {  	v22 =	vld [tilespmem:$0x1A060]  }
0x33d: {  	v23 =	vld [tilespmem:$0xB060]  }
0x33e: {  	v24 =	vld [tilespmem:$0xE090]  }
0x33f: {  	v25 =	vld [tilespmem:$0x1A070]  }
0x340: {  	v26 =	vld [tilespmem:$0xB070]  }
0x341: {  	v27 =	vld [tilespmem:$0xE0A0]  }
0x342: {  	v28 =	vld [tilespmem:$0x1A080]  }
0x343: {  	v29 =	vld [tilespmem:$0xB080]  }
0x344: {  	v30 =	vld [tilespmem:$0xE0B0]  }
0x345: {  	v31 =	vld [tilespmem:$0x1A090]  }
0x346: {  	v32 =	vld [tilespmem:$0xB090]  }
0x347: {  	v33 =	vld [tilespmem:$0xE0C0]  }
0x348: {  	v34 =	vld [tilespmem:$0x1A0A0]  }
0x349: {  	v35 =	vld [tilespmem:$0xB0A0]  }
0x34a: {  	v36 =	vld [tilespmem:$0xE0D0]  }
0x34b: {  	v37 =	vld [tilespmem:$0x1A0B0]  }
0x34c: {  	v38 =	vld [tilespmem:$0xB0B0]  }
0x34d: {  	v39 =	vld [tilespmem:$0xE0E0]  }
0x34e: {  	v40 =	vld [tilespmem:$0x1A0C0]  }
0x34f: {  	v41 =	vld [tilespmem:$0xE0F0]  }
0x350: {  	v42 =	vld [tilespmem:$0xB0C0]  }
0x351: {  	v43 =	vld [tilespmem:$0x1A0D0]  }
0x352: {  	v44 =	vld [tilespmem:$0xB0D0]  }
0x353: {  	v45 =	vld [tilespmem:$0x1A0E0]  }
0x354: {  	v46 =	vld [tilespmem:$0xB0E0]  }
0x355: {  	v61 =	vld [tilespmem:$0x1A0F0]  }
0x356: {  	v62 =	vld [tilespmem:$0xB0F0]  }
0x357: {  	v1 =	vld.idx.msk [tilespmem:v1+s1+$0x0], $0xffff  }
0x358: {  	v2 =	vld.idx.msk [tilespmem:v2+s1+$0x0], $0xffff  }
0x359: {  	v3 =	vld.idx.msk [tilespmem:v3+s1+$0x0], $0xffff  }
0x35a: {  	v6 =	vld.idx.msk [tilespmem:v6+s1+$0x0], $0xffff  }
0x35b: {  	v9 =	vld.idx.msk [tilespmem:v9+s1+$0x0], $0xffff  }
0x35c: {  	v12 =	vld.idx.msk [tilespmem:v12+s1+$0x0], $0xffff  }
0x35d: {  	v15 =	vld.idx.msk [tilespmem:v15+s1+$0x0], $0xffff  }
0x35e: {  	v18 =	vld.idx.msk [tilespmem:v18+s1+$0x0], $0xffff  }
0x35f: {  	v21 =	vld.idx.msk [tilespmem:v21+s1+$0x0], $0xffff  }
0x360: {  	v24 =	vld.idx.msk [tilespmem:v24+s1+$0x0], $0xffff  }
0x361: {  	v27 =	vld.idx.msk [tilespmem:v27+s1+$0x0], $0xffff  }
0x362: {  	v30 =	vld.idx.msk [tilespmem:v30+s1+$0x0], $0xffff  }
0x363: {  	v33 =	vld.idx.msk [tilespmem:v33+s1+$0x0], $0xffff  }
0x364: {  	v36 =	vld.idx.msk [tilespmem:v36+s1+$0x0], $0xffff  }
0x365: {  	v39 =	vld.idx.msk [tilespmem:v39+s1+$0x0], $0xffff;
	v1 =	vmul.f32 v4, v1  }
0x366: {  	v41 =	vld.idx.msk [tilespmem:v41+s1+$0x0], $0xffff;
	v2 =	vmul.f32 v7, v2  }
0x367: {  	v3 =	vmul.f32 v10, v3;
	[tilespmem:v5+s3+$0x0] =	vst.idx.add.f32.msk $0xffff, v1  }
0x368: {  	v1 =	vmul.f32 v13, v6;
	[tilespmem:v8+s3+$0x0] =	vst.idx.add.f32.msk $0xffff, v2  }
0x369: {  	v2 =	vmul.f32 v16, v9;
	[tilespmem:v11+s3+$0x0] =	vst.idx.add.f32.msk $0xffff, v3  }
0x36a: {  	v3 =	vmul.f32 v19, v12;
	[tilespmem:v14+s3+$0x0] =	vst.idx.add.f32.msk $0xffff, v1  }
0x36b: {  	v1 =	vmul.f32 v22, v15;
	[tilespmem:v17+s3+$0x0] =	vst.idx.add.f32.msk $0xffff, v2  }
0x36c: {  	v2 =	vmul.f32 v25, v18;
	[tilespmem:v20+s3+$0x0] =	vst.idx.add.f32.msk $0xffff, v3  }
0x36d: {  	v3 =	vmul.f32 v28, v21;
	[tilespmem:v23+s3+$0x0] =	vst.idx.add.f32.msk $0xffff, v1  }
0x36e: {  	v1 =	vmul.f32 v31, v24;
	[tilespmem:v26+s3+$0x0] =	vst.idx.add.f32.msk $0xffff, v2  }
0x36f: {  	v2 =	vmul.f32 v34, v27;
	[tilespmem:v29+s3+$0x0] =	vst.idx.add.f32.msk $0xffff, v3  }
0x370: {  	v3 =	vmul.f32 v37, v30;
	[tilespmem:v32+s3+$0x0] =	vst.idx.add.f32.msk $0xffff, v1  }
0x371: {  	v1 =	vmul.f32 v40, v33;
	[tilespmem:v35+s3+$0x0] =	vst.idx.add.f32.msk $0xffff, v2  }
0x372: {  	v2 =	vmul.f32 v43, v36;
	[tilespmem:v38+s3+$0x0] =	vst.idx.add.f32.msk $0xffff, v3  }
0x373: {  	v3 =	vmul.f32 v45, v39;
	[tilespmem:v42+s3+$0x0] =	vst.idx.add.f32.msk $0xffff, v1  }
0x374: {  	v1 =	vmul.f32 v61, v41;
	[tilespmem:v44+s3+$0x0] =	vst.idx.add.f32.msk $0xffff, v2  }
0x375: {  	[tilespmem:v46+s3+$0x0] =	vst.idx.add.f32.msk $0xffff, v3  }
0x376: {  	[tilespmem:v62+s3+$0x0] =	vst.idx.add.f32.msk $0xffff, v1  }
0x377: {  	v1 =	vld [tilespmem:$0xE100]  }
0x378: {  	v2 =	vld [tilespmem:$0xE110]  }
0x379: {  	v3 =	vld [tilespmem:$0xE120]  }
0x37a: {  	v63 =	vld [tilespmem:$0x1A100]  }
0x37b: {  	v5 =	vld [tilespmem:$0xB100]  }
0x37c: {  	v41 =	vld [tilespmem:$0xE130]  }
0x37d: {  	v7 =	vld [tilespmem:$0x1A110]  }
0x37e: {  	v8 =	vld [tilespmem:$0xB110]  }
0x37f: {  	v42 =	vld [tilespmem:$0xE140]  }
0x380: {  	v10 =	vld [tilespmem:$0x1A120]  }
0x381: {  	v11 =	vld [tilespmem:$0xB120]  }
0x382: {  	v43 =	vld [tilespmem:$0xE150]  }
0x383: {  	v13 =	vld [tilespmem:$0x1A130]  }
0x384: {  	v14 =	vld [tilespmem:$0xB130]  }
0x385: {  	v44 =	vld [tilespmem:$0xE160]  }
0x386: {  	v16 =	vld [tilespmem:$0x1A140]  }
0x387: {  	v17 =	vld [tilespmem:$0xB140]  }
0x388: {  	v45 =	vld [tilespmem:$0xE170]  }
0x389: {  	v19 =	vld [tilespmem:$0x1A150]  }
0x38a: {  	v20 =	vld [tilespmem:$0xB150]  }
0x38b: {  	v46 =	vld [tilespmem:$0xE180]  }
0x38c: {  	v22 =	vld [tilespmem:$0x1A160]  }
0x38d: {  	v23 =	vld [tilespmem:$0xB160]  }
0x38e: {  	v47 =	vld [tilespmem:$0xE190]  }
0x38f: {  	v48 =	vld [tilespmem:$0x1A170]  }
0x390: {  	v26 =	vld [tilespmem:$0xB170]  }
0x391: {  	v49 =	vld [tilespmem:$0xE1A0]  }
0x392: {  	v50 =	vld [tilespmem:$0x1A180]  }
0x393: {  	v29 =	vld [tilespmem:$0xB180]  }
0x394: {  	v51 =	vld [tilespmem:$0xE1B0]  }
0x395: {  	v52 =	vld [tilespmem:$0x1A190]  }
0x396: {  	v32 =	vld [tilespmem:$0xB190]  }
0x397: {  	v53 =	vld [tilespmem:$0xE1C0]  }
0x398: {  	v54 =	vld [tilespmem:$0x1A1A0]  }
0x399: {  	v35 =	vld [tilespmem:$0xB1A0]  }
0x39a: {  	v55 =	vld [tilespmem:$0xE1D0]  }
0x39b: {  	v56 =	vld [tilespmem:$0x1A1B0]  }
0x39c: {  	v38 =	vld [tilespmem:$0xB1B0]  }
0x39d: {  	v57 =	vld [tilespmem:$0xE1E0]  }
0x39e: {  	v58 =	vld [tilespmem:$0x1A1C0]  }
0x39f: {  	v59 =	vld [tilespmem:$0xE1F0]  }
0x3a0: {  	v60 =	vld [tilespmem:$0x1A1D0]  }
0x3a1: {  	v61 =	vld [tilespmem:$0x1A1E0]  }
0x3a2: {  	v62 =	vld [tilespmem:$0x1A1F0]  }
0x3a3: {  	v1 =	vld.idx.msk [tilespmem:v1+s1+$0x0], $0xffff  }
0x3a4: {  	v2 =	vld.idx.msk [tilespmem:v2+s1+$0x0], $0xffff  }
0x3a5: {  	v3 =	vld.idx.msk [tilespmem:v3+s1+$0x0], $0xffff  }
0x3a6: {  	v6 =	vld.idx.msk [tilespmem:v41+s1+$0x0], $0xffff  }
0x3a7: {  	v9 =	vld.idx.msk [tilespmem:v42+s1+$0x0], $0xffff  }
0x3a8: {  	v12 =	vld.idx.msk [tilespmem:v43+s1+$0x0], $0xffff  }
0x3a9: {  	v15 =	vld.idx.msk [tilespmem:v44+s1+$0x0], $0xffff  }
0x3aa: {  	v18 =	vld.idx.msk [tilespmem:v45+s1+$0x0], $0xffff  }
0x3ab: {  	v21 =	vld.idx.msk [tilespmem:v46+s1+$0x0], $0xffff  }
0x3ac: {  	v24 =	vld.idx.msk [tilespmem:v47+s1+$0x0], $0xffff  }
0x3ad: {  	v27 =	vld.idx.msk [tilespmem:v49+s1+$0x0], $0xffff  }
0x3ae: {  	v30 =	vld.idx.msk [tilespmem:v51+s1+$0x0], $0xffff  }
0x3af: {  	v33 =	vld.idx.msk [tilespmem:v53+s1+$0x0], $0xffff  }
0x3b0: {  	v42 =	vld [tilespmem:$0xB1C0]  }
0x3b1: {  	v36 =	vld.idx.msk [tilespmem:v55+s1+$0x0], $0xffff  }
0x3b2: {  	v44 =	vld [tilespmem:$0xB1D0]  }
0x3b3: {  	v39 =	vld.idx.msk [tilespmem:v57+s1+$0x0], $0xffff  }
0x3b4: {  	v46 =	vld [tilespmem:$0xB1E0]  }
0x3b5: {  	v41 =	vld.idx.msk [tilespmem:v59+s1+$0x0], $0xffff;
	v1 =	vmul.f32 v63, v1  }
0x3b6: {  	v2 =	vmul.f32 v7, v2;
	v63 =	vld [tilespmem:$0xB1F0]  }
0x3b7: {  	[tilespmem:v5+s3+$0x0] =	vst.idx.add.f32.msk $0xffff, v1;
	v1 =	vmul.f32 v10, v3  }
0x3b8: {  	[tilespmem:v8+s3+$0x0] =	vst.idx.add.f32.msk $0xffff, v2;
	v2 =	vmul.f32 v13, v6  }
0x3b9: {  	[tilespmem:v11+s3+$0x0] =	vst.idx.add.f32.msk $0xffff, v1;
	v1 =	vmul.f32 v16, v9  }
0x3ba: {  	[tilespmem:v14+s3+$0x0] =	vst.idx.add.f32.msk $0xffff, v2;
	v2 =	vmul.f32 v19, v12  }
0x3bb: {  	v3 =	vmul.f32 v22, v15;
	[tilespmem:v17+s3+$0x0] =	vst.idx.add.f32.msk $0xffff, v1  }
0x3bc: {  	v1 =	vmul.f32 v48, v18;
	[tilespmem:v20+s3+$0x0] =	vst.idx.add.f32.msk $0xffff, v2  }
0x3bd: {  	v2 =	vmul.f32 v50, v21;
	[tilespmem:v23+s3+$0x0] =	vst.idx.add.f32.msk $0xffff, v3  }
0x3be: {  	v3 =	vmul.f32 v52, v24;
	[tilespmem:v26+s3+$0x0] =	vst.idx.add.f32.msk $0xffff, v1  }
0x3bf: {  	v1 =	vmul.f32 v54, v27;
	[tilespmem:v29+s3+$0x0] =	vst.idx.add.f32.msk $0xffff, v2  }
0x3c0: {  	v2 =	vmul.f32 v56, v30;
	[tilespmem:v32+s3+$0x0] =	vst.idx.add.f32.msk $0xffff, v3  }
0x3c1: {  	v3 =	vmul.f32 v58, v33;
	[tilespmem:v35+s3+$0x0] =	vst.idx.add.f32.msk $0xffff, v1  }
.Ltmp11:
0x3c2: {  	v1 =	vmul.f32 v60, v36;
	[tilespmem:v38+s3+$0x0] =	vst.idx.add.f32.msk $0xffff, v2;
	(pc) =	sbr.rel .LBB2_19-.Ltmp11, $4  }
0x3c3: {  	v2 =	vmul.f32 v61, v39;
	[tilespmem:v42+s3+$0x0] =	vst.idx.add.f32.msk $0xffff, v3  }
0x3c4: {  	v3 =	vmul.f32 v62, v41;
	[tilespmem:v44+s3+$0x0] =	vst.idx.add.f32.msk $0xffff, v1  }
0x3c5: {  	[tilespmem:v46+s3+$0x0] =	vst.idx.add.f32.msk $0xffff, v2  }
0x3c6: {  	[tilespmem:v63+s3+$0x0] =	vst.idx.add.f32.msk $0xffff, v3  }
.LBB2_20:
0x3c7: {  	_ =	sfence.sel $0x180000  }
0x3c8: {  	[bflag:$0x0] =	sbarrier.arrive $0xFFFF  }
0x3c9: {  	_ =	strace $0x90000047  }
0x3ca: {  	s0 =	stileid.u32;
	[bflag:$0x2] =	sbarrier.arrive $0xFFFF  }
0x3cb: {  	p0 =	sne.s32 s0, $0x0;
	s0 =	rddreg [dreg:$0x5]  }
0x3cc: {  	s0 =	sadd.s32 @!p0 $0x100000, s0  }
0x3cd: {  	[sflag:s0] =	ssyncadd.tile.s32 @!p0 $0x1;
	_ =	shalt  }
.Lfunc_end2:
_tile_overlayer_lowered:
.L_overlay_start_2:
0x3ce: {  	(tag) =	ssettag $0x2  }
0x3cf: {  	s0 =	rddreg [dreg:$0x0];
	s2 =	stileid.u32  }
0x3d0: {  	s1 =	rddreg [dreg:$0x1];
	p0 =	sne.s32 s2, $0x0  }
0x3d1: {  	s3 =	rddreg [dreg:$0x2];
	[bflag:$0x3] =	sbarrier.arrive $0xFFFF;
	s2 =	simm.s32 @!p0 $0x1C03  }
0x3d2: {  	[timem:s3], [sflag:s2] =	dma.local @!p0 [hbm:s0], s1  }
0x3d3: {  	s0 =	simm.s32 @!p0 $0x3  }
0x3d4: {  	_ =	swait.ge @!p0 [sflag:s0], s1  }
0x3d5: {  	s1 =	ssub.s32 @!p0 $0x0, s1;
	[sflag:s0] =	ssyncset.done @!p0 $0x0  }
0x3d6: {  	[sflag:s0] =	ssyncadd.s32 @!p0 s1  }
0x3d7: {  	[bflag:$0x3] =	sbarrier.arrive $0xFFFF  }
0x3d8: {  	_ =	shalt  }

</sc_bundles>
